<compile_context>
chip_gen: v7x
topology: tpu7x:2x2x1
jax: 0.10.2.dev20260603
libtpu: 0.0.44.dev20260713+nightly
codegen_flags: <defaults>
</compile_context>

<pallas_src>
import functools

import jax
import jax.numpy as jnp
from jax import lax
from jax.experimental import pallas as pl
from jax.experimental.pallas import tpu as pltpu
from jax.experimental.pallas import tpu_sc as plsc


def _sc_gather(table, idx_flat, batch, hist, dim):
    info = plsc.get_sparse_core_info()
    nc, ns = info.num_cores, info.num_subcores
    nw = nc * ns
    b_per_w = batch // nw
    bchunk = 32
    chunk = bchunk * hist
    n_chunks = b_per_w // bchunk
    mesh = plsc.VectorSubcoreMesh(core_axis_name="c", subcore_axis_name="s")

    @functools.partial(
        pl.kernel,
        mesh=mesh,
        compiler_params=pltpu.CompilerParams(use_tc_tiling_on_sc=False),
        out_type=jax.ShapeDtypeStruct((batch, hist, dim), jnp.float32),
        scratch_types=[
            pltpu.VMEM((2, chunk), jnp.int32),
            pltpu.VMEM((2, chunk, dim), jnp.float32),
            pltpu.SemaphoreType.DMA((2,)),
            pltpu.SemaphoreType.DMA((2,)),
            pltpu.SemaphoreType.DMA((2,)),
        ],
    )
    def k(table_hbm, idx_hbm, out_hbm, idx_v, rows_v, idx_sem, gat_sem, out_sem):
        wid = lax.axis_index("s") * nc + lax.axis_index("c")
        base = wid * b_per_w

        def start_idx_load(i, slot):
            return pltpu.async_copy(
                idx_hbm.at[pl.ds((base + i * bchunk) * hist, chunk)],
                idx_v.at[slot], idx_sem.at[slot])

        def start_gather(slot):
            pltpu.async_copy(table_hbm.at[idx_v.at[slot]], rows_v.at[slot],
                             gat_sem.at[slot])

        def start_store(i, slot):
            b0 = base + i * bchunk
            for j in range(bchunk):
                pltpu.async_copy(
                    rows_v.at[slot, pl.ds(j * hist, hist)],
                    out_hbm.at[b0 + j], out_sem.at[slot])

        def wait_gather(slot):
            pltpu.make_async_copy(
                table_hbm.at[pl.ds(0, chunk)], rows_v.at[slot],
                gat_sem.at[slot]).wait()

        def wait_store(slot):
            pltpu.make_async_copy(
                table_hbm.at[pl.ds(0, chunk)], rows_v.at[slot],
                out_sem.at[slot]).wait()

        start_idx_load(0, 0).wait()
        start_gather(0)
        start_idx_load(1, 1).wait()
        start_gather(1)

        def body(i, carry):
            slot = lax.rem(i, 2)
            wait_gather(slot)
            start_store(i, slot)
            start_idx_load(i + 2, slot).wait()
            wait_store(slot)
            start_gather(slot)
            return carry

        lax.fori_loop(0, n_chunks - 2, body, 0)

        def tail(i):
            slot = lax.rem(i, 2)
            wait_gather(slot)
            start_store(i, slot)
            wait_store(slot)

        tail(n_chunks - 2)
        tail(n_chunks - 1)

    return k(table, idx_flat)


def kernel(indices, weight):
    b, h = indices.shape
    dim = weight.shape[1]
    idx_flat = indices.reshape(-1).astype(jnp.int32)
    return _sc_gather(weight, idx_flat, b, h, dim)

# --- scband reference (transcript-rebuilt; emitter-appended) ---
"""Pipeline reference for scband-embedding-20658792694215 (READ-ONLY COPY).

The authoritative reference and input builder live on the scoring server;
editing this copy changes nothing except your own understanding.
"""

import jax, jax.numpy as jnp
import numpy as np

NUM_EMBEDDINGS = 1000000
EMBEDDING_DIM = 32
BATCH = 16384
HIST = 50


def setup_inputs(seed: int = 0) -> dict:
    key = jax.random.key(seed)
    k_idx, k_w = jax.random.split(key)
    indices = jax.random.randint(k_idx, (BATCH, HIST), 0, NUM_EMBEDDINGS, dtype=jnp.int64 if jax.config.read('jax_enable_x64') else jnp.int32)
    # embedding table initialized per init_weights: normal(mean=0.0, std=1.0)
    weight = jax.random.normal(k_w, (NUM_EMBEDDINGS, EMBEDDING_DIM), dtype=jnp.float32) * 1.0 + 0.0
    return {"indices": indices, "weight": weight}


def reference(indices, weight):
    # nn.Embedding forward: row gather from the embedding table
    return jnp.take(weight, indices, axis=0)

if __name__ == "__main__":
    import jax
    _d = setup_inputs()
    print(jax.jit(kernel)(*tuple(_d.values())))

</pallas_src>

<mosaic_0001>
#map = affine_map<(d0, d1) -> (0, 0)>
#map1 = affine_map<(d0, d1) -> (0)>
#map2 = affine_map<(d0, d1) -> (0, 0, 0)>
module attributes {stable_mosaic.version = 14 : i64} {
  func.func @k(%arg0: i32, %arg1: i32, %arg2: memref<1000000x32xf32, #tpu.memory_space<hbm>>, %arg3: memref<819200xi32, #tpu.memory_space<hbm>>, %arg4: memref<16384x50x32xf32, #tpu.memory_space<hbm>>, %arg5: memref<2x1600xi32, #tpu.memory_space<vmem>>, %arg6: memref<2x1600x32xf32, #tpu.memory_space<vmem>>, %arg7: memref<2x!tpu.dma_semaphore, #tpu.memory_space<semaphore_mem>>, %arg8: memref<2x!tpu.dma_semaphore, #tpu.memory_space<semaphore_mem>>, %arg9: memref<2x!tpu.dma_semaphore, #tpu.memory_space<semaphore_mem>>) attributes {dimension_semantics = [#tpu.dimension_semantics<core_parallel>, #tpu.dimension_semantics<subcore_parallel>], iteration_bounds = array<i64: 2, 16>, scalar_prefetch = 0 : i64, scratch_operands = 5 : i64, tpu.core_type = #tpu.core_type<sc_vector_subcore>, window_params = [{transform_indices = #map}, {transform_indices = #map1}, {transform_indices = #map2}]} {
    %mul3A = arith.constant 2 : i32
    %mul3A_0 = arith.muli %arg1, %mul3A : i32
    %add3A = arith.addi %mul3A_0, %arg0 : i32
    %mul3A_1 = arith.constant 512 : i32
    %mul3A_2 = arith.muli %add3A, %mul3A_1 : i32
    %add3A_3 = arith.constant 0 : i32
    %add3A_4 = arith.addi %mul3A_2, %add3A_3 : i32
    %mul3A_5 = arith.constant 50 : i32
    %mul3A_6 = arith.muli %add3A_4, %mul3A_5 : i32
    %dma_start3A = arith.constant 0 : i32
    %dma_start3A_7 = arith.constant 0 : i32
    %dma_start3A_8 = arith.constant 0 : i32
    %dma_start3A_9 = tpu.memref_slice %arg5[%dma_start3A, %dma_start3A_8] : memref<2x1600xi32, #tpu.memory_space<vmem>> -> memref<1x1600xi32, #tpu.memory_space<vmem>>
    %dma_start3A_10 = tpu.memref_squeeze %dma_start3A_9 : memref<1x1600xi32, #tpu.memory_space<vmem>> -> memref<1600xi32, #tpu.memory_space<vmem>>
    %dma_start3A_11 = tpu.memref_slice %arg3[%mul3A_6] : memref<819200xi32, #tpu.memory_space<hbm>> -> memref<1600xi32, #tpu.memory_space<hbm>>
    %dma_start3A_12 = tpu.memref_slice %arg7[%dma_start3A_7] : memref<2x!tpu.dma_semaphore, #tpu.memory_space<semaphore_mem>> -> memref<1x!tpu.dma_semaphore, #tpu.memory_space<semaphore_mem>>
    %dma_start3A_13 = tpu.memref_squeeze %dma_start3A_12 : memref<1x!tpu.dma_semaphore, #tpu.memory_space<semaphore_mem>> -> memref<!tpu.dma_semaphore, #tpu.memory_space<semaphore_mem>>
    %dma_start3A_14 = arith.constant 0 : i32
    %dma_start3A_15 = tpu.memref_slice %arg5[%dma_start3A, %dma_start3A_14] : memref<2x1600xi32, #tpu.memory_space<vmem>> -> memref<1x1600xi32, #tpu.memory_space<vmem>>
    %dma_start3A_16 = tpu.memref_squeeze %dma_start3A_15 : memref<1x1600xi32, #tpu.memory_space<vmem>> -> memref<1600xi32, #tpu.memory_space<vmem>>
    %dma_start3A_17 = tpu.memref_slice %arg3[%mul3A_6] : memref<819200xi32, #tpu.memory_space<hbm>> -> memref<1600xi32, #tpu.memory_space<hbm>>
    tpu.enqueue_dma source(%dma_start3A_17 : memref<1600xi32, #tpu.memory_space<hbm>>) target(%dma_start3A_16 : memref<1600xi32, #tpu.memory_space<vmem>>) target_semaphore(%dma_start3A_13 : memref<!tpu.dma_semaphore, #tpu.memory_space<semaphore_mem>>)
    %dma_wait3A = arith.constant 0 : i32
    %dma_wait3A_18 = arith.constant 0 : i32
    %dma_wait3A_19 = arith.constant 0 : i32
    %dma_wait3A_20 = tpu.memref_slice %arg5[%dma_wait3A, %dma_wait3A_19] : memref<2x1600xi32, #tpu.memory_space<vmem>> -> memref<1x1600xi32, #tpu.memory_space<vmem>>
    %dma_wait3A_21 = tpu.memref_squeeze %dma_wait3A_20 : memref<1x1600xi32, #tpu.memory_space<vmem>> -> memref<1600xi32, #tpu.memory_space<vmem>>
    %dma_wait3A_22 = tpu.memref_slice %arg3[%mul3A_6] : memref<819200xi32, #tpu.memory_space<hbm>> -> memref<1600xi32, #tpu.memory_space<hbm>>
    %dma_wait3A_23 = tpu.memref_slice %arg7[%dma_wait3A_18] : memref<2x!tpu.dma_semaphore, #tpu.memory_space<semaphore_mem>> -> memref<1x!tpu.dma_semaphore, #tpu.memory_space<semaphore_mem>>
    %dma_wait3A_24 = tpu.memref_squeeze %dma_wait3A_23 : memref<1x!tpu.dma_semaphore, #tpu.memory_space<semaphore_mem>> -> memref<!tpu.dma_semaphore, #tpu.memory_space<semaphore_mem>>
    %dma_wait3A_25 = arith.constant 0 : i32
    %dma_wait3A_26 = tpu.memref_slice %arg5[%dma_wait3A, %dma_wait3A_25] : memref<2x1600xi32, #tpu.memory_space<vmem>> -> memref<1x1600xi32, #tpu.memory_space<vmem>>
    %dma_wait3A_27 = tpu.memref_squeeze %dma_wait3A_26 : memref<1x1600xi32, #tpu.memory_space<vmem>> -> memref<1600xi32, #tpu.memory_space<vmem>>
    %dma_wait3A_28 = tpu.memref_slice %arg3[%mul3A_6] : memref<819200xi32, #tpu.memory_space<hbm>> -> memref<1600xi32, #tpu.memory_space<hbm>>
    tpu.wait_dma2 semaphore(%dma_wait3A_24 : memref<!tpu.dma_semaphore, #tpu.memory_space<semaphore_mem>>) src(%dma_wait3A_28 : memref<1600xi32, #tpu.memory_space<hbm>>) dst(%dma_wait3A_27 : memref<1600xi32, #tpu.memory_space<vmem>>)
    %dma_start3A_29 = arith.constant 0 : i32
    %dma_start3A_30 = arith.constant 0 : i32
    %dma_start3A_31 = arith.constant 0 : i32
    %dma_start3A_32 = arith.constant 0 : i32
    %dma_start3A_33 = arith.constant 0 : i32
    %dma_start3A_34 = tpu.memref_slice %arg6[%dma_start3A_30, %dma_start3A_32, %dma_start3A_33] : memref<2x1600x32xf32, #tpu.memory_space<vmem>> -> memref<1x1600x32xf32, #tpu.memory_space<vmem>>
    %dma_start3A_35 = tpu.memref_squeeze %dma_start3A_34 : memref<1x1600x32xf32, #tpu.memory_space<vmem>> -> memref<1600x32xf32, #tpu.memory_space<vmem>>
    %dma_start3A_36 = arith.constant 0 : i32
    %dma_start3A_37 = tpu.memref_slice %arg5[%dma_start3A_29, %dma_start3A_36] : memref<2x1600xi32, #tpu.memory_space<vmem>> -> memref<1x1600xi32, #tpu.memory_space<vmem>>
    %dma_start3A_38 = tpu.memref_squeeze %dma_start3A_37 : memref<1x1600xi32, #tpu.memory_space<vmem>> -> memref<1600xi32, #tpu.memory_space<vmem>>
    %dma_start3A_39 = arith.constant 0 : i32
    %dma_start3A_40 = arith.constant 0 : i32
    %dma_start3A_41 = tpu.memref_slice %arg2[%dma_start3A_39, %dma_start3A_40] : memref<1000000x32xf32, #tpu.memory_space<hbm>> -> memref<1000000x32xf32, #tpu.memory_space<hbm>>
    %dma_start3A_42 = tpu.memref_slice %arg8[%dma_start3A_31] : memref<2x!tpu.dma_semaphore, #tpu.memory_space<semaphore_mem>> -> memref<1x!tpu.dma_semaphore, #tpu.memory_space<semaphore_mem>>
    %dma_start3A_43 = tpu.memref_squeeze %dma_start3A_42 : memref<1x!tpu.dma_semaphore, #tpu.memory_space<semaphore_mem>> -> memref<!tpu.dma_semaphore, #tpu.memory_space<semaphore_mem>>
    tpu.enqueue_indirect_dma source(%dma_start3A_41 : memref<1000000x32xf32, #tpu.memory_space<hbm>>) target(%dma_start3A_35 : memref<1600x32xf32, #tpu.memory_space<vmem>>) offsets(%dma_start3A_38 : memref<1600xi32, #tpu.memory_space<vmem>>) semaphore(%dma_start3A_43 : memref<!tpu.dma_semaphore, #tpu.memory_space<semaphore_mem>>)
    %add3A_44 = arith.constant 32 : i32
    %add3A_45 = arith.addi %mul3A_2, %add3A_44 : i32
    %mul3A_46 = arith.constant 50 : i32
    %mul3A_47 = arith.muli %add3A_45, %mul3A_46 : i32
    %dma_start3A_48 = arith.constant 1 : i32
    %dma_start3A_49 = arith.constant 1 : i32
    %dma_start3A_50 = arith.constant 0 : i32
    %dma_start3A_51 = tpu.memref_slice %arg5[%dma_start3A_48, %dma_start3A_50] : memref<2x1600xi32, #tpu.memory_space<vmem>> -> memref<1x1600xi32, #tpu.memory_space<vmem>>
    %dma_start3A_52 = tpu.memref_squeeze %dma_start3A_51 : memref<1x1600xi32, #tpu.memory_space<vmem>> -> memref<1600xi32, #tpu.memory_space<vmem>>
    %dma_start3A_53 = tpu.memref_slice %arg3[%mul3A_47] : memref<819200xi32, #tpu.memory_space<hbm>> -> memref<1600xi32, #tpu.memory_space<hbm>>
    %dma_start3A_54 = tpu.memref_slice %arg7[%dma_start3A_49] : memref<2x!tpu.dma_semaphore, #tpu.memory_space<semaphore_mem>> -> memref<1x!tpu.dma_semaphore, #tpu.memory_space<semaphore_mem>>
    %dma_start3A_55 = tpu.memref_squeeze %dma_start3A_54 : memref<1x!tpu.dma_semaphore, #tpu.memory_space<semaphore_mem>> -> memref<!tpu.dma_semaphore, #tpu.memory_space<semaphore_mem>>
    %dma_start3A_56 = arith.constant 0 : i32
    %dma_start3A_57 = tpu.memref_slice %arg5[%dma_start3A_48, %dma_start3A_56] : memref<2x1600xi32, #tpu.memory_space<vmem>> -> memref<1x1600xi32, #tpu.memory_space<vmem>>
    %dma_start3A_58 = tpu.memref_squeeze %dma_start3A_57 : memref<1x1600xi32, #tpu.memory_space<vmem>> -> memref<1600xi32, #tpu.memory_space<vmem>>
    %dma_start3A_59 = tpu.memref_slice %arg3[%mul3A_47] : memref<819200xi32, #tpu.memory_space<hbm>> -> memref<1600xi32, #tpu.memory_space<hbm>>
    tpu.enqueue_dma source(%dma_start3A_59 : memref<1600xi32, #tpu.memory_space<hbm>>) target(%dma_start3A_58 : memref<1600xi32, #tpu.memory_space<vmem>>) target_semaphore(%dma_start3A_55 : memref<!tpu.dma_semaphore, #tpu.memory_space<semaphore_mem>>)
    %dma_wait3A_60 = arith.constant 1 : i32
    %dma_wait3A_61 = arith.constant 1 : i32
    %dma_wait3A_62 = arith.constant 0 : i32
    %dma_wait3A_63 = tpu.memref_slice %arg5[%dma_wait3A_60, %dma_wait3A_62] : memref<2x1600xi32, #tpu.memory_space<vmem>> -> memref<1x1600xi32, #tpu.memory_space<vmem>>
    %dma_wait3A_64 = tpu.memref_squeeze %dma_wait3A_63 : memref<1x1600xi32, #tpu.memory_space<vmem>> -> memref<1600xi32, #tpu.memory_space<vmem>>
    %dma_wait3A_65 = tpu.memref_slice %arg3[%mul3A_47] : memref<819200xi32, #tpu.memory_space<hbm>> -> memref<1600xi32, #tpu.memory_space<hbm>>
    %dma_wait3A_66 = tpu.memref_slice %arg7[%dma_wait3A_61] : memref<2x!tpu.dma_semaphore, #tpu.memory_space<semaphore_mem>> -> memref<1x!tpu.dma_semaphore, #tpu.memory_space<semaphore_mem>>
    %dma_wait3A_67 = tpu.memref_squeeze %dma_wait3A_66 : memref<1x!tpu.dma_semaphore, #tpu.memory_space<semaphore_mem>> -> memref<!tpu.dma_semaphore, #tpu.memory_space<semaphore_mem>>
    %dma_wait3A_68 = arith.constant 0 : i32
    %dma_wait3A_69 = tpu.memref_slice %arg5[%dma_wait3A_60, %dma_wait3A_68] : memref<2x1600xi32, #tpu.memory_space<vmem>> -> memref<1x1600xi32, #tpu.memory_space<vmem>>
    %dma_wait3A_70 = tpu.memref_squeeze %dma_wait3A_69 : memref<1x1600xi32, #tpu.memory_space<vmem>> -> memref<1600xi32, #tpu.memory_space<vmem>>
    %dma_wait3A_71 = tpu.memref_slice %arg3[%mul3A_47] : memref<819200xi32, #tpu.memory_space<hbm>> -> memref<1600xi32, #tpu.memory_space<hbm>>
    tpu.wait_dma2 semaphore(%dma_wait3A_67 : memref<!tpu.dma_semaphore, #tpu.memory_space<semaphore_mem>>) src(%dma_wait3A_71 : memref<1600xi32, #tpu.memory_space<hbm>>) dst(%dma_wait3A_70 : memref<1600xi32, #tpu.memory_space<vmem>>)
    %dma_start3A_72 = arith.constant 1 : i32
    %dma_start3A_73 = arith.constant 1 : i32
    %dma_start3A_74 = arith.constant 1 : i32
    %dma_start3A_75 = arith.constant 0 : i32
    %dma_start3A_76 = arith.constant 0 : i32
    %dma_start3A_77 = tpu.memref_slice %arg6[%dma_start3A_73, %dma_start3A_75, %dma_start3A_76] : memref<2x1600x32xf32, #tpu.memory_space<vmem>> -> memref<1x1600x32xf32, #tpu.memory_space<vmem>>
    %dma_start3A_78 = tpu.memref_squeeze %dma_start3A_77 : memref<1x1600x32xf32, #tpu.memory_space<vmem>> -> memref<1600x32xf32, #tpu.memory_space<vmem>>
    %dma_start3A_79 = arith.constant 0 : i32
    %dma_start3A_80 = tpu.memref_slice %arg5[%dma_start3A_72, %dma_start3A_79] : memref<2x1600xi32, #tpu.memory_space<vmem>> -> memref<1x1600xi32, #tpu.memory_space<vmem>>
    %dma_start3A_81 = tpu.memref_squeeze %dma_start3A_80 : memref<1x1600xi32, #tpu.memory_space<vmem>> -> memref<1600xi32, #tpu.memory_space<vmem>>
    %dma_start3A_82 = arith.constant 0 : i32
    %dma_start3A_83 = arith.constant 0 : i32
    %dma_start3A_84 = tpu.memref_slice %arg2[%dma_start3A_82, %dma_start3A_83] : memref<1000000x32xf32, #tpu.memory_space<hbm>> -> memref<1000000x32xf32, #tpu.memory_space<hbm>>
    %dma_start3A_85 = tpu.memref_slice %arg8[%dma_start3A_74] : memref<2x!tpu.dma_semaphore, #tpu.memory_space<semaphore_mem>> -> memref<1x!tpu.dma_semaphore, #tpu.memory_space<semaphore_mem>>
    %dma_start3A_86 = tpu.memref_squeeze %dma_start3A_85 : memref<1x!tpu.dma_semaphore, #tpu.memory_space<semaphore_mem>> -> memref<!tpu.dma_semaphore, #tpu.memory_space<semaphore_mem>>
    tpu.enqueue_indirect_dma source(%dma_start3A_84 : memref<1000000x32xf32, #tpu.memory_space<hbm>>) target(%dma_start3A_78 : memref<1600x32xf32, #tpu.memory_space<vmem>>) offsets(%dma_start3A_81 : memref<1600xi32, #tpu.memory_space<vmem>>) semaphore(%dma_start3A_86 : memref<!tpu.dma_semaphore, #tpu.memory_space<semaphore_mem>>)
    %scan3A = arith.constant 0 : i32
    %scan3A_87 = arith.constant 0 : i32
    %scan3A_88 = arith.constant 14 : i32
    %scan3A_89 = arith.addi %scan3A_87, %scan3A_88 : i32
    %scan3A_90 = arith.constant 1 : i32
    scf.for %scan3A_1445 = %scan3A_87 to %scan3A_89 step %scan3A_90  : i32 {
      %rem3A_1446 = arith.constant 2 : i32
      %rem3A_1447 = arith.remsi %scan3A_1445, %rem3A_1446 : i32
      %dma_wait3A_1448 = arith.constant 0 : i32
      %dma_wait3A_1449 = arith.constant 0 : i32
      %dma_wait3A_1450 = tpu.memref_slice %arg6[%rem3A_1447, %dma_wait3A_1448, %dma_wait3A_1449] : memref<2x1600x32xf32, #tpu.memory_space<vmem>> -> memref<1x1600x32xf32, #tpu.memory_space<vmem>>
      %dma_wait3A_1451 = tpu.memref_squeeze %dma_wait3A_1450 : memref<1x1600x32xf32, #tpu.memory_space<vmem>> -> memref<1600x32xf32, #tpu.memory_space<vmem>>
      %dma_wait3A_1452 = arith.constant 0 : i32
      %dma_wait3A_1453 = arith.constant 0 : i32
      %dma_wait3A_1454 = tpu.memref_slice %arg2[%dma_wait3A_1452, %dma_wait3A_1453] : memref<1000000x32xf32, #tpu.memory_space<hbm>> -> memref<1600x32xf32, #tpu.memory_space<hbm>>
      %dma_wait3A_1455 = tpu.memref_slice %arg8[%rem3A_1447] : memref<2x!tpu.dma_semaphore, #tpu.memory_space<semaphore_mem>> -> memref<1x!tpu.dma_semaphore, #tpu.memory_space<semaphore_mem>>
      %dma_wait3A_1456 = tpu.memref_squeeze %dma_wait3A_1455 : memref<1x!tpu.dma_semaphore, #tpu.memory_space<semaphore_mem>> -> memref<!tpu.dma_semaphore, #tpu.memory_space<semaphore_mem>>
      %dma_wait3A_1457 = arith.constant 0 : i32
      %dma_wait3A_1458 = arith.constant 0 : i32
      %dma_wait3A_1459 = tpu.memref_slice %arg6[%rem3A_1447, %dma_wait3A_1457, %dma_wait3A_1458] : memref<2x1600x32xf32, #tpu.memory_space<vmem>> -> memref<1x1600x32xf32, #tpu.memory_space<vmem>>
      %dma_wait3A_1460 = tpu.memref_squeeze %dma_wait3A_1459 : memref<1x1600x32xf32, #tpu.memory_space<vmem>> -> memref<1600x32xf32, #tpu.memory_space<vmem>>
      %dma_wait3A_1461 = arith.constant 0 : i32
      %dma_wait3A_1462 = arith.constant 0 : i32
      %dma_wait3A_1463 = tpu.memref_slice %arg2[%dma_wait3A_1461, %dma_wait3A_1462] : memref<1000000x32xf32, #tpu.memory_space<hbm>> -> memref<1600x32xf32, #tpu.memory_space<hbm>>
      tpu.wait_dma2 semaphore(%dma_wait3A_1456 : memref<!tpu.dma_semaphore, #tpu.memory_space<semaphore_mem>>) src(%dma_wait3A_1463 : memref<1600x32xf32, #tpu.memory_space<hbm>>) dst(%dma_wait3A_1460 : memref<1600x32xf32, #tpu.memory_space<vmem>>)
      %mul3A_1464 = arith.constant 32 : i32
      %mul3A_1465 = arith.muli %scan3A_1445, %mul3A_1464 : i32
      %add3A_1466 = arith.addi %mul3A_2, %mul3A_1465 : i32
      %add3A_1467 = arith.constant 0 : i32
      %add3A_1468 = arith.addi %add3A_1466, %add3A_1467 : i32
      %dma_start3A_1469 = arith.constant 0 : i32
      %dma_start3A_1470 = arith.constant 0 : i32
      %dma_start3A_1471 = tpu.memref_slice %arg6[%rem3A_1447, %dma_start3A_1469, %dma_start3A_1470] : memref<2x1600x32xf32, #tpu.memory_space<vmem>> -> memref<1x50x32xf32, #tpu.memory_space<vmem>>
      %dma_start3A_1472 = tpu.memref_squeeze %dma_start3A_1471 : memref<1x50x32xf32, #tpu.memory_space<vmem>> -> memref<50x32xf32, #tpu.memory_space<vmem>>
      %dma_start3A_1473 = arith.constant 0 : i32
      %dma_start3A_1474 = arith.constant 0 : i32
      %dma_start3A_1475 = tpu.memref_slice %arg4[%add3A_1468, %dma_start3A_1473, %dma_start3A_1474] : memref<16384x50x32xf32, #tpu.memory_space<hbm>> -> memref<1x50x32xf32, #tpu.memory_space<hbm>>
      %dma_start3A_1476 = tpu.memref_squeeze %dma_start3A_1475 : memref<1x50x32xf32, #tpu.memory_space<hbm>> -> memref<50x32xf32, #tpu.memory_space<hbm>>
      %dma_start3A_1477 = tpu.memref_slice %arg9[%rem3A_1447] : memref<2x!tpu.dma_semaphore, #tpu.memory_space<semaphore_mem>> -> memref<1x!tpu.dma_semaphore, #tpu.memory_space<semaphore_mem>>
      %dma_start3A_1478 = tpu.memref_squeeze %dma_start3A_1477 : memref<1x!tpu.dma_semaphore, #tpu.memory_space<semaphore_mem>> -> memref<!tpu.dma_semaphore, #tpu.memory_space<semaphore_mem>>
      %dma_start3A_1479 = arith.constant 0 : i32
      %dma_start3A_1480 = arith.constant 0 : i32
      %dma_start3A_1481 = tpu.memref_slice %arg4[%add3A_1468, %dma_start3A_1479, %dma_start3A_1480] : memref<16384x50x32xf32, #tpu.memory_space<hbm>> -> memref<1x50x32xf32, #tpu.memory_space<hbm>>
      %dma_start3A_1482 = tpu.memref_squeeze %dma_start3A_1481 : memref<1x50x32xf32, #tpu.memory_space<hbm>> -> memref<50x32xf32, #tpu.memory_space<hbm>>
      %dma_start3A_1483 = arith.constant 0 : i32
      %dma_start3A_1484 = arith.constant 0 : i32
      %dma_start3A_1485 = tpu.memref_slice %arg6[%rem3A_1447, %dma_start3A_1483, %dma_start3A_1484] : memref<2x1600x32xf32, #tpu.memory_space<vmem>> -> memref<1x50x32xf32, #tpu.memory_space<vmem>>
      %dma_start3A_1486 = tpu.memref_squeeze %dma_start3A_1485 : memref<1x50x32xf32, #tpu.memory_space<vmem>> -> memref<50x32xf32, #tpu.memory_space<vmem>>
      tpu.enqueue_dma source(%dma_start3A_1486 : memref<50x32xf32, #tpu.memory_space<vmem>>) target(%dma_start3A_1482 : memref<50x32xf32, #tpu.memory_space<hbm>>) target_semaphore(%dma_start3A_1478 : memref<!tpu.dma_semaphore, #tpu.memory_space<semaphore_mem>>)
      %add3A_1487 = arith.constant 1 : i32
      %add3A_1488 = arith.addi %add3A_1466, %add3A_1487 : i32
      %dma_start3A_1489 = arith.constant 50 : i32
      %dma_start3A_1490 = arith.constant 0 : i32
      %dma_start3A_1491 = tpu.memref_slice %arg6[%rem3A_1447, %dma_start3A_1489, %dma_start3A_1490] : memref<2x1600x32xf32, #tpu.memory_space<vmem>> -> memref<1x50x32xf32, #tpu.memory_space<vmem>>
      %dma_start3A_1492 = tpu.memref_squeeze %dma_start3A_1491 : memref<1x50x32xf32, #tpu.memory_space<vmem>> -> memref<50x32xf32, #tpu.memory_space<vmem>>
      %dma_start3A_1493 = arith.constant 0 : i32
      %dma_start3A_1494 = arith.constant 0 : i32
      %dma_start3A_1495 = tpu.memref_slice %arg4[%add3A_1488, %dma_start3A_1493, %dma_start3A_1494] : memref<16384x50x32xf32, #tpu.memory_space<hbm>> -> memref<1x50x32xf32, #tpu.memory_space<hbm>>
      %dma_start3A_1496 = tpu.memref_squeeze %dma_start3A_1495 : memref<1x50x32xf32, #tpu.memory_space<hbm>> -> memref<50x32xf32, #tpu.memory_space<hbm>>
      %dma_start3A_1497 = tpu.memref_slice %arg9[%rem3A_1447] : memref<2x!tpu.dma_semaphore, #tpu.memory_space<semaphore_mem>> -> memref<1x!tpu.dma_semaphore, #tpu.memory_space<semaphore_mem>>
      %dma_start3A_1498 = tpu.memref_squeeze %dma_start3A_1497 : memref<1x!tpu.dma_semaphore, #tpu.memory_space<semaphore_mem>> -> memref<!tpu.dma_semaphore, #tpu.memory_space<semaphore_mem>>
      %dma_start3A_1499 = arith.constant 0 : i32
      %dma_start3A_1500 = arith.constant 0 : i32
      %dma_start3A_1501 = tpu.memref_slice %arg4[%add3A_1488, %dma_start3A_1499, %dma_start3A_1500] : memref<16384x50x32xf32, #tpu.memory_space<hbm>> -> memref<1x50x32xf32, #tpu.memory_space<hbm>>
      %dma_start3A_1502 = tpu.memref_squeeze %dma_start3A_1501 : memref<1x50x32xf32, #tpu.memory_space<hbm>> -> memref<50x32xf32, #tpu.memory_space<hbm>>
      %dma_start3A_1503 = arith.constant 50 : i32
      %dma_start3A_1504 = arith.constant 0 : i32
      %dma_start3A_1505 = tpu.memref_slice %arg6[%rem3A_1447, %dma_start3A_1503, %dma_start3A_1504] : memref<2x1600x32xf32, #tpu.memory_space<vmem>> -> memref<1x50x32xf32, #tpu.memory_space<vmem>>
      %dma_start3A_1506 = tpu.memref_squeeze %dma_start3A_1505 : memref<1x50x32xf32, #tpu.memory_space<vmem>> -> memref<50x32xf32, #tpu.memory_space<vmem>>
      tpu.enqueue_dma source(%dma_start3A_1506 : memref<50x32xf32, #tpu.memory_space<vmem>>) target(%dma_start3A_1502 : memref<50x32xf32, #tpu.memory_space<hbm>>) target_semaphore(%dma_start3A_1498 : memref<!tpu.dma_semaphore, #tpu.memory_space<semaphore_mem>>)
      %add3A_1507 = arith.constant 2 : i32
      %add3A_1508 = arith.addi %add3A_1466, %add3A_1507 : i32
      %dma_start3A_1509 = arith.constant 100 : i32
      %dma_start3A_1510 = arith.constant 0 : i32
      %dma_start3A_1511 = tpu.memref_slice %arg6[%rem3A_1447, %dma_start3A_1509, %dma_start3A_1510] : memref<2x1600x32xf32, #tpu.memory_space<vmem>> -> memref<1x50x32xf32, #tpu.memory_space<vmem>>
      %dma_start3A_1512 = tpu.memref_squeeze %dma_start3A_1511 : memref<1x50x32xf32, #tpu.memory_space<vmem>> -> memref<50x32xf32, #tpu.memory_space<vmem>>
      %dma_start3A_1513 = arith.constant 0 : i32
      %dma_start3A_1514 = arith.constant 0 : i32
      %dma_start3A_1515 = tpu.memref_slice %arg4[%add3A_1508, %dma_start3A_1513, %dma_start3A_1514] : memref<16384x50x32xf32, #tpu.memory_space<hbm>> -> memref<1x50x32xf32, #tpu.memory_space<hbm>>
      %dma_start3A_1516 = tpu.memref_squeeze %dma_start3A_1515 : memref<1x50x32xf32, #tpu.memory_space<hbm>> -> memref<50x32xf32, #tpu.memory_space<hbm>>
      %dma_start3A_1517 = tpu.memref_slice %arg9[%rem3A_1447] : memref<2x!tpu.dma_semaphore, #tpu.memory_space<semaphore_mem>> -> memref<1x!tpu.dma_semaphore, #tpu.memory_space<semaphore_mem>>
      %dma_start3A_1518 = tpu.memref_squeeze %dma_start3A_1517 : memref<1x!tpu.dma_semaphore, #tpu.memory_space<semaphore_mem>> -> memref<!tpu.dma_semaphore, #tpu.memory_space<semaphore_mem>>
      %dma_start3A_1519 = arith.constant 0 : i32
      %dma_start3A_1520 = arith.constant 0 : i32
      %dma_start3A_1521 = tpu.memref_slice %arg4[%add3A_1508, %dma_start3A_1519, %dma_start3A_1520] : memref<16384x50x32xf32, #tpu.memory_space<hbm>> -> memref<1x50x32xf32, #tpu.memory_space<hbm>>
      %dma_start3A_1522 = tpu.memref_squeeze %dma_start3A_1521 : memref<1x50x32xf32, #tpu.memory_space<hbm>> -> memref<50x32xf32, #tpu.memory_space<hbm>>
      %dma_start3A_1523 = arith.constant 100 : i32
      %dma_start3A_1524 = arith.constant 0 : i32
      %dma_start3A_1525 = tpu.memref_slice %arg6[%rem3A_1447, %dma_start3A_1523, %dma_start3A_1524] : memref<2x1600x32xf32, #tpu.memory_space<vmem>> -> memref<1x50x32xf32, #tpu.memory_space<vmem>>
      %dma_start3A_1526 = tpu.memref_squeeze %dma_start3A_1525 : memref<1x50x32xf32, #tpu.memory_space<vmem>> -> memref<50x32xf32, #tpu.memory_space<vmem>>
      tpu.enqueue_dma source(%dma_start3A_1526 : memref<50x32xf32, #tpu.memory_space<vmem>>) target(%dma_start3A_1522 : memref<50x32xf32, #tpu.memory_space<hbm>>) target_semaphore(%dma_start3A_1518 : memref<!tpu.dma_semaphore, #tpu.memory_space<semaphore_mem>>)
      %add3A_1527 = arith.constant 3 : i32
      %add3A_1528 = arith.addi %add3A_1466, %add3A_1527 : i32
      %dma_start3A_1529 = arith.constant 150 : i32
      %dma_start3A_1530 = arith.constant 0 : i32
      %dma_start3A_1531 = tpu.memref_slice %arg6[%rem3A_1447, %dma_start3A_1529, %dma_start3A_1530] : memref<2x1600x32xf32, #tpu.memory_space<vmem>> -> memref<1x50x32xf32, #tpu.memory_space<vmem>>
      %dma_start3A_1532 = tpu.memref_squeeze %dma_start3A_1531 : memref<1x50x32xf32, #tpu.memory_space<vmem>> -> memref<50x32xf32, #tpu.memory_space<vmem>>
      %dma_start3A_1533 = arith.constant 0 : i32
      %dma_start3A_1534 = arith.constant 0 : i32
      %dma_start3A_1535 = tpu.memref_slice %arg4[%add3A_1528, %dma_start3A_1533, %dma_start3A_1534] : memref<16384x50x32xf32, #tpu.memory_space<hbm>> -> memref<1x50x32xf32, #tpu.memory_space<hbm>>
      %dma_start3A_1536 = tpu.memref_squeeze %dma_start3A_1535 : memref<1x50x32xf32, #tpu.memory_space<hbm>> -> memref<50x32xf32, #tpu.memory_space<hbm>>
      %dma_start3A_1537 = tpu.memref_slice %arg9[%rem3A_1447] : memref<2x!tpu.dma_semaphore, #tpu.memory_space<semaphore_mem>> -> memref<1x!tpu.dma_semaphore, #tpu.memory_space<semaphore_mem>>
      %dma_start3A_1538 = tpu.memref_squeeze %dma_start3A_1537 : memref<1x!tpu.dma_semaphore, #tpu.memory_space<semaphore_mem>> -> memref<!tpu.dma_semaphore, #tpu.memory_space<semaphore_mem>>
      %dma_start3A_1539 = arith.constant 0 : i32
      %dma_start3A_1540 = arith.constant 0 : i32
      %dma_start3A_1541 = tpu.memref_slice %arg4[%add3A_1528, %dma_start3A_1539, %dma_start3A_1540] : memref<16384x50x32xf32, #tpu.memory_space<hbm>> -> memref<1x50x32xf32, #tpu.memory_space<hbm>>
      %dma_start3A_1542 = tpu.memref_squeeze %dma_start3A_1541 : memref<1x50x32xf32, #tpu.memory_space<hbm>> -> memref<50x32xf32, #tpu.memory_space<hbm>>
      %dma_start3A_1543 = arith.constant 150 : i32
      %dma_start3A_1544 = arith.constant 0 : i32
      %dma_start3A_1545 = tpu.memref_slice %arg6[%rem3A_1447, %dma_start3A_1543, %dma_start3A_1544] : memref<2x1600x32xf32, #tpu.memory_space<vmem>> -> memref<1x50x32xf32, #tpu.memory_space<vmem>>
      %dma_start3A_1546 = tpu.memref_squeeze %dma_start3A_1545 : memref<1x50x32xf32, #tpu.memory_space<vmem>> -> memref<50x32xf32, #tpu.memory_space<vmem>>
      tpu.enqueue_dma source(%dma_start3A_1546 : memref<50x32xf32, #tpu.memory_space<vmem>>) target(%dma_start3A_1542 : memref<50x32xf32, #tpu.memory_space<hbm>>) target_semaphore(%dma_start3A_1538 : memref<!tpu.dma_semaphore, #tpu.memory_space<semaphore_mem>>)
      %add3A_1547 = arith.constant 4 : i32
      %add3A_1548 = arith.addi %add3A_1466, %add3A_1547 : i32
      %dma_start3A_1549 = arith.constant 200 : i32
      %dma_start3A_1550 = arith.constant 0 : i32
      %dma_start3A_1551 = tpu.memref_slice %arg6[%rem3A_1447, %dma_start3A_1549, %dma_start3A_1550] : memref<2x1600x32xf32, #tpu.memory_space<vmem>> -> memref<1x50x32xf32, #tpu.memory_space<vmem>>
      %dma_start3A_1552 = tpu.memref_squeeze %dma_start3A_1551 : memref<1x50x32xf32, #tpu.memory_space<vmem>> -> memref<50x32xf32, #tpu.memory_space<vmem>>
      %dma_start3A_1553 = arith.constant 0 : i32
      %dma_start3A_1554 = arith.constant 0 : i32
      %dma_start3A_1555 = tpu.memref_slice %arg4[%add3A_1548, %dma_start3A_1553, %dma_start3A_1554] : memref<16384x50x32xf32, #tpu.memory_space<hbm>> -> memref<1x50x32xf32, #tpu.memory_space<hbm>>
      %dma_start3A_1556 = tpu.memref_squeeze %dma_start3A_1555 : memref<1x50x32xf32, #tpu.memory_space<hbm>> -> memref<50x32xf32, #tpu.memory_space<hbm>>
      %dma_start3A_1557 = tpu.memref_slice %arg9[%rem3A_1447] : memref<2x!tpu.dma_semaphore, #tpu.memory_space<semaphore_mem>> -> memref<1x!tpu.dma_semaphore, #tpu.memory_space<semaphore_mem>>
      %dma_start3A_1558 = tpu.memref_squeeze %dma_start3A_1557 : memref<1x!tpu.dma_semaphore, #tpu.memory_space<semaphore_mem>> -> memref<!tpu.dma_semaphore, #tpu.memory_space<semaphore_mem>>
      %dma_start3A_1559 = arith.constant 0 : i32
      %dma_start3A_1560 = arith.constant 0 : i32
      %dma_start3A_1561 = tpu.memref_slice %arg4[%add3A_1548, %dma_start3A_1559, %dma_start3A_1560] : memref<16384x50x32xf32, #tpu.memory_space<hbm>> -> memref<1x50x32xf32, #tpu.memory_space<hbm>>
      %dma_start3A_1562 = tpu.memref_squeeze %dma_start3A_1561 : memref<1x50x32xf32, #tpu.memory_space<hbm>> -> memref<50x32xf32, #tpu.memory_space<hbm>>
      %dma_start3A_1563 = arith.constant 200 : i32
      %dma_start3A_1564 = arith.constant 0 : i32
      %dma_start3A_1565 = tpu.memref_slice %arg6[%rem3A_1447, %dma_start3A_1563, %dma_start3A_1564] : memref<2x1600x32xf32, #tpu.memory_space<vmem>> -> memref<1x50x32xf32, #tpu.memory_space<vmem>>
      %dma_start3A_1566 = tpu.memref_squeeze %dma_start3A_1565 : memref<1x50x32xf32, #tpu.memory_space<vmem>> -> memref<50x32xf32, #tpu.memory_space<vmem>>
      tpu.enqueue_dma source(%dma_start3A_1566 : memref<50x32xf32, #tpu.memory_space<vmem>>) target(%dma_start3A_1562 : memref<50x32xf32, #tpu.memory_space<hbm>>) target_semaphore(%dma_start3A_1558 : memref<!tpu.dma_semaphore, #tpu.memory_space<semaphore_mem>>)
      %add3A_1567 = arith.constant 5 : i32
      %add3A_1568 = arith.addi %add3A_1466, %add3A_1567 : i32
      %dma_start3A_1569 = arith.constant 250 : i32
      %dma_start3A_1570 = arith.constant 0 : i32
      %dma_start3A_1571 = tpu.memref_slice %arg6[%rem3A_1447, %dma_start3A_1569, %dma_start3A_1570] : memref<2x1600x32xf32, #tpu.memory_space<vmem>> -> memref<1x50x32xf32, #tpu.memory_space<vmem>>
      %dma_start3A_1572 = tpu.memref_squeeze %dma_start3A_1571 : memref<1x50x32xf32, #tpu.memory_space<vmem>> -> memref<50x32xf32, #tpu.memory_space<vmem>>
      %dma_start3A_1573 = arith.constant 0 : i32
      %dma_start3A_1574 = arith.constant 0 : i32
      %dma_start3A_1575 = tpu.memref_slice %arg4[%add3A_1568, %dma_start3A_1573, %dma_start3A_1574] : memref<16384x50x32xf32, #tpu.memory_space<hbm>> -> memref<1x50x32xf32, #tpu.memory_space<hbm>>
      %dma_start3A_1576 = tpu.memref_squeeze %dma_start3A_1575 : memref<1x50x32xf32, #tpu.memory_space<hbm>> -> memref<50x32xf32, #tpu.memory_space<hbm>>
      %dma_start3A_1577 = tpu.memref_slice %arg9[%rem3A_1447] : memref<2x!tpu.dma_semaphore, #tpu.memory_space<semaphore_mem>> -> memref<1x!tpu.dma_semaphore, #tpu.memory_space<semaphore_mem>>
      %dma_start3A_1578 = tpu.memref_squeeze %dma_start3A_1577 : memref<1x!tpu.dma_semaphore, #tpu.memory_space<semaphore_mem>> -> memref<!tpu.dma_semaphore, #tpu.memory_space<semaphore_mem>>
      %dma_start3A_1579 = arith.constant 0 : i32
      %dma_start3A_1580 = arith.constant 0 : i32
      %dma_start3A_1581 = tpu.memref_slice %arg4[%add3A_1568, %dma_start3A_1579, %dma_start3A_1580] : memref<16384x50x32xf32, #tpu.memory_space<hbm>> -> memref<1x50x32xf32, #tpu.memory_space<hbm>>
      %dma_start3A_1582 = tpu.memref_squeeze %dma_start3A_1581 : memref<1x50x32xf32, #tpu.memory_space<hbm>> -> memref<50x32xf32, #tpu.memory_space<hbm>>
      %dma_start3A_1583 = arith.constant 250 : i32
      %dma_start3A_1584 = arith.constant 0 : i32
      %dma_start3A_1585 = tpu.memref_slice %arg6[%rem3A_1447, %dma_start3A_1583, %dma_start3A_1584] : memref<2x1600x32xf32, #tpu.memory_space<vmem>> -> memref<1x50x32xf32, #tpu.memory_space<vmem>>
      %dma_start3A_1586 = tpu.memref_squeeze %dma_start3A_1585 : memref<1x50x32xf32, #tpu.memory_space<vmem>> -> memref<50x32xf32, #tpu.memory_space<vmem>>
      tpu.enqueue_dma source(%dma_start3A_1586 : memref<50x32xf32, #tpu.memory_space<vmem>>) target(%dma_start3A_1582 : memref<50x32xf32, #tpu.memory_space<hbm>>) target_semaphore(%dma_start3A_1578 : memref<!tpu.dma_semaphore, #tpu.memory_space<semaphore_mem>>)
      %add3A_1587 = arith.constant 6 : i32
      %add3A_1588 = arith.addi %add3A_1466, %add3A_1587 : i32
      %dma_start3A_1589 = arith.constant 300 : i32
      %dma_start3A_1590 = arith.constant 0 : i32
      %dma_start3A_1591 = tpu.memref_slice %arg6[%rem3A_1447, %dma_start3A_1589, %dma_start3A_1590] : memref<2x1600x32xf32, #tpu.memory_space<vmem>> -> memref<1x50x32xf32, #tpu.memory_space<vmem>>
      %dma_start3A_1592 = tpu.memref_squeeze %dma_start3A_1591 : memref<1x50x32xf32, #tpu.memory_space<vmem>> -> memref<50x32xf32, #tpu.memory_space<vmem>>
      %dma_start3A_1593 = arith.constant 0 : i32
      %dma_start3A_1594 = arith.constant 0 : i32
      %dma_start3A_1595 = tpu.memref_slice %arg4[%add3A_1588, %dma_start3A_1593, %dma_start3A_1594] : memref<16384x50x32xf32, #tpu.memory_space<hbm>> -> memref<1x50x32xf32, #tpu.memory_space<hbm>>
      %dma_start3A_1596 = tpu.memref_squeeze %dma_start3A_1595 : memref<1x50x32xf32, #tpu.memory_space<hbm>> -> memref<50x32xf32, #tpu.memory_space<hbm>>
      %dma_start3A_1597 = tpu.memref_slice %arg9[%rem3A_1447] : memref<2x!tpu.dma_semaphore, #tpu.memory_space<semaphore_mem>> -> memref<1x!tpu.dma_semaphore, #tpu.memory_space<semaphore_mem>>
      %dma_start3A_1598 = tpu.memref_squeeze %dma_start3A_1597 : memref<1x!tpu.dma_semaphore, #tpu.memory_space<semaphore_mem>> -> memref<!tpu.dma_semaphore, #tpu.memory_space<semaphore_mem>>
      %dma_start3A_1599 = arith.constant 0 : i32
      %dma_start3A_1600 = arith.constant 0 : i32
      %dma_start3A_1601 = tpu.memref_slice %arg4[%add3A_1588, %dma_start3A_1599, %dma_start3A_1600] : memref<16384x50x32xf32, #tpu.memory_space<hbm>> -> memref<1x50x32xf32, #tpu.memory_space<hbm>>
      %dma_start3A_1602 = tpu.memref_squeeze %dma_start3A_1601 : memref<1x50x32xf32, #tpu.memory_space<hbm>> -> memref<50x32xf32, #tpu.memory_space<hbm>>
      %dma_start3A_1603 = arith.constant 300 : i32
      %dma_start3A_1604 = arith.constant 0 : i32
      %dma_start3A_1605 = tpu.memref_slice %arg6[%rem3A_1447, %dma_start3A_1603, %dma_start3A_1604] : memref<2x1600x32xf32, #tpu.memory_space<vmem>> -> memref<1x50x32xf32, #tpu.memory_space<vmem>>
      %dma_start3A_1606 = tpu.memref_squeeze %dma_start3A_1605 : memref<1x50x32xf32, #tpu.memory_space<vmem>> -> memref<50x32xf32, #tpu.memory_space<vmem>>
      tpu.enqueue_dma source(%dma_start3A_1606 : memref<50x32xf32, #tpu.memory_space<vmem>>) target(%dma_start3A_1602 : memref<50x32xf32, #tpu.memory_space<hbm>>) target_semaphore(%dma_start3A_1598 : memref<!tpu.dma_semaphore, #tpu.memory_space<semaphore_mem>>)
      %add3A_1607 = arith.constant 7 : i32
      %add3A_1608 = arith.addi %add3A_1466, %add3A_1607 : i32
      %dma_start3A_1609 = arith.constant 350 : i32
      %dma_start3A_1610 = arith.constant 0 : i32
      %dma_start3A_1611 = tpu.memref_slice %arg6[%rem3A_1447, %dma_start3A_1609, %dma_start3A_1610] : memref<2x1600x32xf32, #tpu.memory_space<vmem>> -> memref<1x50x32xf32, #tpu.memory_space<vmem>>
      %dma_start3A_1612 = tpu.memref_squeeze %dma_start3A_1611 : memref<1x50x32xf32, #tpu.memory_space<vmem>> -> memref<50x32xf32, #tpu.memory_space<vmem>>
      %dma_start3A_1613 = arith.constant 0 : i32
      %dma_start3A_1614 = arith.constant 0 : i32
      %dma_start3A_1615 = tpu.memref_slice %arg4[%add3A_1608, %dma_start3A_1613, %dma_start3A_1614] : memref<16384x50x32xf32, #tpu.memory_space<hbm>> -> memref<1x50x32xf32, #tpu.memory_space<hbm>>
      %dma_start3A_1616 = tpu.memref_squeeze %dma_start3A_1615 : memref<1x50x32xf32, #tpu.memory_space<hbm>> -> memref<50x32xf32, #tpu.memory_space<hbm>>
      %dma_start3A_1617 = tpu.memref_slice %arg9[%rem3A_1447] : memref<2x!tpu.dma_semaphore, #tpu.memory_space<semaphore_mem>> -> memref<1x!tpu.dma_semaphore, #tpu.memory_space<semaphore_mem>>
      %dma_start3A_1618 = tpu.memref_squeeze %dma_start3A_1617 : memref<1x!tpu.dma_semaphore, #tpu.memory_space<semaphore_mem>> -> memref<!tpu.dma_semaphore, #tpu.memory_space<semaphore_mem>>
      %dma_start3A_1619 = arith.constant 0 : i32
      %dma_start3A_1620 = arith.constant 0 : i32
      %dma_start3A_1621 = tpu.memref_slice %arg4[%add3A_1608, %dma_start3A_1619, %dma_start3A_1620] : memref<16384x50x32xf32, #tpu.memory_space<hbm>> -> memref<1x50x32xf32, #tpu.memory_space<hbm>>
      %dma_start3A_1622 = tpu.memref_squeeze %dma_start3A_1621 : memref<1x50x32xf32, #tpu.memory_space<hbm>> -> memref<50x32xf32, #tpu.memory_space<hbm>>
      %dma_start3A_1623 = arith.constant 350 : i32
      %dma_start3A_1624 = arith.constant 0 : i32
      %dma_start3A_1625 = tpu.memref_slice %arg6[%rem3A_1447, %dma_start3A_1623, %dma_start3A_1624] : memref<2x1600x32xf32, #tpu.memory_space<vmem>> -> memref<1x50x32xf32, #tpu.memory_space<vmem>>
      %dma_start3A_1626 = tpu.memref_squeeze %dma_start3A_1625 : memref<1x50x32xf32, #tpu.memory_space<vmem>> -> memref<50x32xf32, #tpu.memory_space<vmem>>
      tpu.enqueue_dma source(%dma_start3A_1626 : memref<50x32xf32, #tpu.memory_space<vmem>>) target(%dma_start3A_1622 : memref<50x32xf32, #tpu.memory_space<hbm>>) target_semaphore(%dma_start3A_1618 : memref<!tpu.dma_semaphore, #tpu.memory_space<semaphore_mem>>)
      %add3A_1627 = arith.constant 8 : i32
      %add3A_1628 = arith.addi %add3A_1466, %add3A_1627 : i32
      %dma_start3A_1629 = arith.constant 400 : i32
      %dma_start3A_1630 = arith.constant 0 : i32
      %dma_start3A_1631 = tpu.memref_slice %arg6[%rem3A_1447, %dma_start3A_1629, %dma_start3A_1630] : memref<2x1600x32xf32, #tpu.memory_space<vmem>> -> memref<1x50x32xf32, #tpu.memory_space<vmem>>
      %dma_start3A_1632 = tpu.memref_squeeze %dma_start3A_1631 : memref<1x50x32xf32, #tpu.memory_space<vmem>> -> memref<50x32xf32, #tpu.memory_space<vmem>>
      %dma_start3A_1633 = arith.constant 0 : i32
      %dma_start3A_1634 = arith.constant 0 : i32
      %dma_start3A_1635 = tpu.memref_slice %arg4[%add3A_1628, %dma_start3A_1633, %dma_start3A_1634] : memref<16384x50x32xf32, #tpu.memory_space<hbm>> -> memref<1x50x32xf32, #tpu.memory_space<hbm>>
      %dma_start3A_1636 = tpu.memref_squeeze %dma_start3A_1635 : memref<1x50x32xf32, #tpu.memory_space<hbm>> -> memref<50x32xf32, #tpu.memory_space<hbm>>
      %dma_start3A_1637 = tpu.memref_slice %arg9[%rem3A_1447] : memref<2x!tpu.dma_semaphore, #tpu.memory_space<semaphore_mem>> -> memref<1x!tpu.dma_semaphore, #tpu.memory_space<semaphore_mem>>
      %dma_start3A_1638 = tpu.memref_squeeze %dma_start3A_1637 : memref<1x!tpu.dma_semaphore, #tpu.memory_space<semaphore_mem>> -> memref<!tpu.dma_semaphore, #tpu.memory_space<semaphore_mem>>
      %dma_start3A_1639 = arith.constant 0 : i32
      %dma_start3A_1640 = arith.constant 0 : i32
      %dma_start3A_1641 = tpu.memref_slice %arg4[%add3A_1628, %dma_start3A_1639, %dma_start3A_1640] : memref<16384x50x32xf32, #tpu.memory_space<hbm>> -> memref<1x50x32xf32, #tpu.memory_space<hbm>>
      %dma_start3A_1642 = tpu.memref_squeeze %dma_start3A_1641 : memref<1x50x32xf32, #tpu.memory_space<hbm>> -> memref<50x32xf32, #tpu.memory_space<hbm>>
      %dma_start3A_1643 = arith.constant 400 : i32
      %dma_start3A_1644 = arith.constant 0 : i32
      %dma_start3A_1645 = tpu.memref_slice %arg6[%rem3A_1447, %dma_start3A_1643, %dma_start3A_1644] : memref<2x1600x32xf32, #tpu.memory_space<vmem>> -> memref<1x50x32xf32, #tpu.memory_space<vmem>>
      %dma_start3A_1646 = tpu.memref_squeeze %dma_start3A_1645 : memref<1x50x32xf32, #tpu.memory_space<vmem>> -> memref<50x32xf32, #tpu.memory_space<vmem>>
      tpu.enqueue_dma source(%dma_start3A_1646 : memref<50x32xf32, #tpu.memory_space<vmem>>) target(%dma_start3A_1642 : memref<50x32xf32, #tpu.memory_space<hbm>>) target_semaphore(%dma_start3A_1638 : memref<!tpu.dma_semaphore, #tpu.memory_space<semaphore_mem>>)
      %add3A_1647 = arith.constant 9 : i32
      %add3A_1648 = arith.addi %add3A_1466, %add3A_1647 : i32
      %dma_start3A_1649 = arith.constant 450 : i32
      %dma_start3A_1650 = arith.constant 0 : i32
      %dma_start3A_1651 = tpu.memref_slice %arg6[%rem3A_1447, %dma_start3A_1649, %dma_start3A_1650] : memref<2x1600x32xf32, #tpu.memory_space<vmem>> -> memref<1x50x32xf32, #tpu.memory_space<vmem>>
      %dma_start3A_1652 = tpu.memref_squeeze %dma_start3A_1651 : memref<1x50x32xf32, #tpu.memory_space<vmem>> -> memref<50x32xf32, #tpu.memory_space<vmem>>
      %dma_start3A_1653 = arith.constant 0 : i32
      %dma_start3A_1654 = arith.constant 0 : i32
      %dma_start3A_1655 = tpu.memref_slice %arg4[%add3A_1648, %dma_start3A_1653, %dma_start3A_1654] : memref<16384x50x32xf32, #tpu.memory_space<hbm>> -> memref<1x50x32xf32, #tpu.memory_space<hbm>>
      %dma_start3A_1656 = tpu.memref_squeeze %dma_start3A_1655 : memref<1x50x32xf32, #tpu.memory_space<hbm>> -> memref<50x32xf32, #tpu.memory_space<hbm>>
      %dma_start3A_1657 = tpu.memref_slice %arg9[%rem3A_1447] : memref<2x!tpu.dma_semaphore, #tpu.memory_space<semaphore_mem>> -> memref<1x!tpu.dma_semaphore, #tpu.memory_space<semaphore_mem>>
      %dma_start3A_1658 = tpu.memref_squeeze %dma_start3A_1657 : memref<1x!tpu.dma_semaphore, #tpu.memory_space<semaphore_mem>> -> memref<!tpu.dma_semaphore, #tpu.memory_space<semaphore_mem>>
      %dma_start3A_1659 = arith.constant 0 : i32
      %dma_start3A_1660 = arith.constant 0 : i32
      %dma_start3A_1661 = tpu.memref_slice %arg4[%add3A_1648, %dma_start3A_1659, %dma_start3A_1660] : memref<16384x50x32xf32, #tpu.memory_space<hbm>> -> memref<1x50x32xf32, #tpu.memory_space<hbm>>
      %dma_start3A_1662 = tpu.memref_squeeze %dma_start3A_1661 : memref<1x50x32xf32, #tpu.memory_space<hbm>> -> memref<50x32xf32, #tpu.memory_space<hbm>>
      %dma_start3A_1663 = arith.constant 450 : i32
      %dma_start3A_1664 = arith.constant 0 : i32
      %dma_start3A_1665 = tpu.memref_slice %arg6[%rem3A_1447, %dma_start3A_1663, %dma_start3A_1664] : memref<2x1600x32xf32, #tpu.memory_space<vmem>> -> memref<1x50x32xf32, #tpu.memory_space<vmem>>
      %dma_start3A_1666 = tpu.memref_squeeze %dma_start3A_1665 : memref<1x50x32xf32, #tpu.memory_space<vmem>> -> memref<50x32xf32, #tpu.memory_space<vmem>>
      tpu.enqueue_dma source(%dma_start3A_1666 : memref<50x32xf32, #tpu.memory_space<vmem>>) target(%dma_start3A_1662 : memref<50x32xf32, #tpu.memory_space<hbm>>) target_semaphore(%dma_start3A_1658 : memref<!tpu.dma_semaphore, #tpu.memory_space<semaphore_mem>>)
      %add3A_1667 = arith.constant 10 : i32
      %add3A_1668 = arith.addi %add3A_1466, %add3A_1667 : i32
      %dma_start3A_1669 = arith.constant 500 : i32
      %dma_start3A_1670 = arith.constant 0 : i32
      %dma_start3A_1671 = tpu.memref_slice %arg6[%rem3A_1447, %dma_start3A_1669, %dma_start3A_1670] : memref<2x1600x32xf32, #tpu.memory_space<vmem>> -> memref<1x50x32xf32, #tpu.memory_space<vmem>>
      %dma_start3A_1672 = tpu.memref_squeeze %dma_start3A_1671 : memref<1x50x32xf32, #tpu.memory_space<vmem>> -> memref<50x32xf32, #tpu.memory_space<vmem>>
      %dma_start3A_1673 = arith.constant 0 : i32
      %dma_start3A_1674 = arith.constant 0 : i32
      %dma_start3A_1675 = tpu.memref_slice %arg4[%add3A_1668, %dma_start3A_1673, %dma_start3A_1674] : memref<16384x50x32xf32, #tpu.memory_space<hbm>> -> memref<1x50x32xf32, #tpu.memory_space<hbm>>
      %dma_start3A_1676 = tpu.memref_squeeze %dma_start3A_1675 : memref<1x50x32xf32, #tpu.memory_space<hbm>> -> memref<50x32xf32, #tpu.memory_space<hbm>>
      %dma_start3A_1677 = tpu.memref_slice %arg9[%rem3A_1447] : memref<2x!tpu.dma_semaphore, #tpu.memory_space<semaphore_mem>> -> memref<1x!tpu.dma_semaphore, #tpu.memory_space<semaphore_mem>>
      %dma_start3A_1678 = tpu.memref_squeeze %dma_start3A_1677 : memref<1x!tpu.dma_semaphore, #tpu.memory_space<semaphore_mem>> -> memref<!tpu.dma_semaphore, #tpu.memory_space<semaphore_mem>>
      %dma_start3A_1679 = arith.constant 0 : i32
      %dma_start3A_1680 = arith.constant 0 : i32
      %dma_start3A_1681 = tpu.memref_slice %arg4[%add3A_1668, %dma_start3A_1679, %dma_start3A_1680] : memref<16384x50x32xf32, #tpu.memory_space<hbm>> -> memref<1x50x32xf32, #tpu.memory_space<hbm>>
      %dma_start3A_1682 = tpu.memref_squeeze %dma_start3A_1681 : memref<1x50x32xf32, #tpu.memory_space<hbm>> -> memref<50x32xf32, #tpu.memory_space<hbm>>
      %dma_start3A_1683 = arith.constant 500 : i32
      %dma_start3A_1684 = arith.constant 0 : i32
      %dma_start3A_1685 = tpu.memref_slice %arg6[%rem3A_1447, %dma_start3A_1683, %dma_start3A_1684] : memref<2x1600x32xf32, #tpu.memory_space<vmem>> -> memref<1x50x32xf32, #tpu.memory_space<vmem>>
      %dma_start3A_1686 = tpu.memref_squeeze %dma_start3A_1685 : memref<1x50x32xf32, #tpu.memory_space<vmem>> -> memref<50x32xf32, #tpu.memory_space<vmem>>
      tpu.enqueue_dma source(%dma_start3A_1686 : memref<50x32xf32, #tpu.memory_space<vmem>>) target(%dma_start3A_1682 : memref<50x32xf32, #tpu.memory_space<hbm>>) target_semaphore(%dma_start3A_1678 : memref<!tpu.dma_semaphore, #tpu.memory_space<semaphore_mem>>)
      %add3A_1687 = arith.constant 11 : i32
      %add3A_1688 = arith.addi %add3A_1466, %add3A_1687 : i32
      %dma_start3A_1689 = arith.constant 550 : i32
      %dma_start3A_1690 = arith.constant 0 : i32
      %dma_start3A_1691 = tpu.memref_slice %arg6[%rem3A_1447, %dma_start3A_1689, %dma_start3A_1690] : memref<2x1600x32xf32, #tpu.memory_space<vmem>> -> memref<1x50x32xf32, #tpu.memory_space<vmem>>
      %dma_start3A_1692 = tpu.memref_squeeze %dma_start3A_1691 : memref<1x50x32xf32, #tpu.memory_space<vmem>> -> memref<50x32xf32, #tpu.memory_space<vmem>>
      %dma_start3A_1693 = arith.constant 0 : i32
      %dma_start3A_1694 = arith.constant 0 : i32
      %dma_start3A_1695 = tpu.memref_slice %arg4[%add3A_1688, %dma_start3A_1693, %dma_start3A_1694] : memref<16384x50x32xf32, #tpu.memory_space<hbm>> -> memref<1x50x32xf32, #tpu.memory_space<hbm>>
      %dma_start3A_1696 = tpu.memref_squeeze %dma_start3A_1695 : memref<1x50x32xf32, #tpu.memory_space<hbm>> -> memref<50x32xf32, #tpu.memory_space<hbm>>
      %dma_start3A_1697 = tpu.memref_slice %arg9[%rem3A_1447] : memref<2x!tpu.dma_semaphore, #tpu.memory_space<semaphore_mem>> -> memref<1x!tpu.dma_semaphore, #tpu.memory_space<semaphore_mem>>
      %dma_start3A_1698 = tpu.memref_squeeze %dma_start3A_1697 : memref<1x!tpu.dma_semaphore, #tpu.memory_space<semaphore_mem>> -> memref<!tpu.dma_semaphore, #tpu.memory_space<semaphore_mem>>
      %dma_start3A_1699 = arith.constant 0 : i32
      %dma_start3A_1700 = arith.constant 0 : i32
      %dma_start3A_1701 = tpu.memref_slice %arg4[%add3A_1688, %dma_start3A_1699, %dma_start3A_1700] : memref<16384x50x32xf32, #tpu.memory_space<hbm>> -> memref<1x50x32xf32, #tpu.memory_space<hbm>>
      %dma_start3A_1702 = tpu.memref_squeeze %dma_start3A_1701 : memref<1x50x32xf32, #tpu.memory_space<hbm>> -> memref<50x32xf32, #tpu.memory_space<hbm>>
      %dma_start3A_1703 = arith.constant 550 : i32
      %dma_start3A_1704 = arith.constant 0 : i32
      %dma_start3A_1705 = tpu.memref_slice %arg6[%rem3A_1447, %dma_start3A_1703, %dma_start3A_1704] : memref<2x1600x32xf32, #tpu.memory_space<vmem>> -> memref<1x50x32xf32, #tpu.memory_space<vmem>>
      %dma_start3A_1706 = tpu.memref_squeeze %dma_start3A_1705 : memref<1x50x32xf32, #tpu.memory_space<vmem>> -> memref<50x32xf32, #tpu.memory_space<vmem>>
      tpu.enqueue_dma source(%dma_start3A_1706 : memref<50x32xf32, #tpu.memory_space<vmem>>) target(%dma_start3A_1702 : memref<50x32xf32, #tpu.memory_space<hbm>>) target_semaphore(%dma_start3A_1698 : memref<!tpu.dma_semaphore, #tpu.memory_space<semaphore_mem>>)
      %add3A_1707 = arith.constant 12 : i32
      %add3A_1708 = arith.addi %add3A_1466, %add3A_1707 : i32
      %dma_start3A_1709 = arith.constant 600 : i32
      %dma_start3A_1710 = arith.constant 0 : i32
      %dma_start3A_1711 = tpu.memref_slice %arg6[%rem3A_1447, %dma_start3A_1709, %dma_start3A_1710] : memref<2x1600x32xf32, #tpu.memory_space<vmem>> -> memref<1x50x32xf32, #tpu.memory_space<vmem>>
      %dma_start3A_1712 = tpu.memref_squeeze %dma_start3A_1711 : memref<1x50x32xf32, #tpu.memory_space<vmem>> -> memref<50x32xf32, #tpu.memory_space<vmem>>
      %dma_start3A_1713 = arith.constant 0 : i32
      %dma_start3A_1714 = arith.constant 0 : i32
      %dma_start3A_1715 = tpu.memref_slice %arg4[%add3A_1708, %dma_start3A_1713, %dma_start3A_1714] : memref<16384x50x32xf32, #tpu.memory_space<hbm>> -> memref<1x50x32xf32, #tpu.memory_space<hbm>>
      %dma_start3A_1716 = tpu.memref_squeeze %dma_start3A_1715 : memref<1x50x32xf32, #tpu.memory_space<hbm>> -> memref<50x32xf32, #tpu.memory_space<hbm>>
      %dma_start3A_1717 = tpu.memref_slice %arg9[%rem3A_1447] : memref<2x!tpu.dma_semaphore, #tpu.memory_space<semaphore_mem>> -> memref<1x!tpu.dma_semaphore, #tpu.memory_space<semaphore_mem>>
      %dma_start3A_1718 = tpu.memref_squeeze %dma_start3A_1717 : memref<1x!tpu.dma_semaphore, #tpu.memory_space<semaphore_mem>> -> memref<!tpu.dma_semaphore, #tpu.memory_space<semaphore_mem>>
      %dma_start3A_1719 = arith.constant 0 : i32
      %dma_start3A_1720 = arith.constant 0 : i32
      %dma_start3A_1721 = tpu.memref_slice %arg4[%add3A_1708, %dma_start3A_1719, %dma_start3A_1720] : memref<16384x50x32xf32, #tpu.memory_space<hbm>> -> memref<1x50x32xf32, #tpu.memory_space<hbm>>
      %dma_start3A_1722 = tpu.memref_squeeze %dma_start3A_1721 : memref<1x50x32xf32, #tpu.memory_space<hbm>> -> memref<50x32xf32, #tpu.memory_space<hbm>>
      %dma_start3A_1723 = arith.constant 600 : i32
      %dma_start3A_1724 = arith.constant 0 : i32
      %dma_start3A_1725 = tpu.memref_slice %arg6[%rem3A_1447, %dma_start3A_1723, %dma_start3A_1724] : memref<2x1600x32xf32, #tpu.memory_space<vmem>> -> memref<1x50x32xf32, #tpu.memory_space<vmem>>
      %dma_start3A_1726 = tpu.memref_squeeze %dma_start3A_1725 : memref<1x50x32xf32, #tpu.memory_space<vmem>> -> memref<50x32xf32, #tpu.memory_space<vmem>>
      tpu.enqueue_dma source(%dma_start3A_1726 : memref<50x32xf32, #tpu.memory_space<vmem>>) target(%dma_start3A_1722 : memref<50x32xf32, #tpu.memory_space<hbm>>) target_semaphore(%dma_start3A_1718 : memref<!tpu.dma_semaphore, #tpu.memory_space<semaphore_mem>>)
      %add3A_1727 = arith.constant 13 : i32
      %add3A_1728 = arith.addi %add3A_1466, %add3A_1727 : i32
      %dma_start3A_1729 = arith.constant 650 : i32
      %dma_start3A_1730 = arith.constant 0 : i32
      %dma_start3A_1731 = tpu.memref_slice %arg6[%rem3A_1447, %dma_start3A_1729, %dma_start3A_1730] : memref<2x1600x32xf32, #tpu.memory_space<vmem>> -> memref<1x50x32xf32, #tpu.memory_space<vmem>>
      %dma_start3A_1732 = tpu.memref_squeeze %dma_start3A_1731 : memref<1x50x32xf32, #tpu.memory_space<vmem>> -> memref<50x32xf32, #tpu.memory_space<vmem>>
      %dma_start3A_1733 = arith.constant 0 : i32
      %dma_start3A_1734 = arith.constant 0 : i32
      %dma_start3A_1735 = tpu.memref_slice %arg4[%add3A_1728, %dma_start3A_1733, %dma_start3A_1734] : memref<16384x50x32xf32, #tpu.memory_space<hbm>> -> memref<1x50x32xf32, #tpu.memory_space<hbm>>
      %dma_start3A_1736 = tpu.memref_squeeze %dma_start3A_1735 : memref<1x50x32xf32, #tpu.memory_space<hbm>> -> memref<50x32xf32, #tpu.memory_space<hbm>>
      %dma_start3A_1737 = tpu.memref_slice %arg9[%rem3A_1447] : memref<2x!tpu.dma_semaphore, #tpu.memory_space<semaphore_mem>> -> memref<1x!tpu.dma_semaphore, #tpu.memory_space<semaphore_mem>>
      %dma_start3A_1738 = tpu.memref_squeeze %dma_start3A_1737 : memref<1x!tpu.dma_semaphore, #tpu.memory_space<semaphore_mem>> -> memref<!tpu.dma_semaphore, #tpu.memory_space<semaphore_mem>>
      %dma_start3A_1739 = arith.constant 0 : i32
      %dma_start3A_1740 = arith.constant 0 : i32
      %dma_start3A_1741 = tpu.memref_slice %arg4[%add3A_1728, %dma_start3A_1739, %dma_start3A_1740] : memref<16384x50x32xf32, #tpu.memory_space<hbm>> -> memref<1x50x32xf32, #tpu.memory_space<hbm>>
      %dma_start3A_1742 = tpu.memref_squeeze %dma_start3A_1741 : memref<1x50x32xf32, #tpu.memory_space<hbm>> -> memref<50x32xf32, #tpu.memory_space<hbm>>
      %dma_start3A_1743 = arith.constant 650 : i32
      %dma_start3A_1744 = arith.constant 0 : i32
      %dma_start3A_1745 = tpu.memref_slice %arg6[%rem3A_1447, %dma_start3A_1743, %dma_start3A_1744] : memref<2x1600x32xf32, #tpu.memory_space<vmem>> -> memref<1x50x32xf32, #tpu.memory_space<vmem>>
      %dma_start3A_1746 = tpu.memref_squeeze %dma_start3A_1745 : memref<1x50x32xf32, #tpu.memory_space<vmem>> -> memref<50x32xf32, #tpu.memory_space<vmem>>
      tpu.enqueue_dma source(%dma_start3A_1746 : memref<50x32xf32, #tpu.memory_space<vmem>>) target(%dma_start3A_1742 : memref<50x32xf32, #tpu.memory_space<hbm>>) target_semaphore(%dma_start3A_1738 : memref<!tpu.dma_semaphore, #tpu.memory_space<semaphore_mem>>)
      %add3A_1747 = arith.constant 14 : i32
      %add3A_1748 = arith.addi %add3A_1466, %add3A_1747 : i32
      %dma_start3A_1749 = arith.constant 700 : i32
      %dma_start3A_1750 = arith.constant 0 : i32
      %dma_start3A_1751 = tpu.memref_slice %arg6[%rem3A_1447, %dma_start3A_1749, %dma_start3A_1750] : memref<2x1600x32xf32, #tpu.memory_space<vmem>> -> memref<1x50x32xf32, #tpu.memory_space<vmem>>
      %dma_start3A_1752 = tpu.memref_squeeze %dma_start3A_1751 : memref<1x50x32xf32, #tpu.memory_space<vmem>> -> memref<50x32xf32, #tpu.memory_space<vmem>>
      %dma_start3A_1753 = arith.constant 0 : i32
      %dma_start3A_1754 = arith.constant 0 : i32
      %dma_start3A_1755 = tpu.memref_slice %arg4[%add3A_1748, %dma_start3A_1753, %dma_start3A_1754] : memref<16384x50x32xf32, #tpu.memory_space<hbm>> -> memref<1x50x32xf32, #tpu.memory_space<hbm>>
      %dma_start3A_1756 = tpu.memref_squeeze %dma_start3A_1755 : memref<1x50x32xf32, #tpu.memory_space<hbm>> -> memref<50x32xf32, #tpu.memory_space<hbm>>
      %dma_start3A_1757 = tpu.memref_slice %arg9[%rem3A_1447] : memref<2x!tpu.dma_semaphore, #tpu.memory_space<semaphore_mem>> -> memref<1x!tpu.dma_semaphore, #tpu.memory_space<semaphore_mem>>
      %dma_start3A_1758 = tpu.memref_squeeze %dma_start3A_1757 : memref<1x!tpu.dma_semaphore, #tpu.memory_space<semaphore_mem>> -> memref<!tpu.dma_semaphore, #tpu.memory_space<semaphore_mem>>
      %dma_start3A_1759 = arith.constant 0 : i32
      %dma_start3A_1760 = arith.constant 0 : i32
      %dma_start3A_1761 = tpu.memref_slice %arg4[%add3A_1748, %dma_start3A_1759, %dma_start3A_1760] : memref<16384x50x32xf32, #tpu.memory_space<hbm>> -> memref<1x50x32xf32, #tpu.memory_space<hbm>>
      %dma_start3A_1762 = tpu.memref_squeeze %dma_start3A_1761 : memref<1x50x32xf32, #tpu.memory_space<hbm>> -> memref<50x32xf32, #tpu.memory_space<hbm>>
      %dma_start3A_1763 = arith.constant 700 : i32
      %dma_start3A_1764 = arith.constant 0 : i32
      %dma_start3A_1765 = tpu.memref_slice %arg6[%rem3A_1447, %dma_start3A_1763, %dma_start3A_1764] : memref<2x1600x32xf32, #tpu.memory_space<vmem>> -> memref<1x50x32xf32, #tpu.memory_space<vmem>>
      %dma_start3A_1766 = tpu.memref_squeeze %dma_start3A_1765 : memref<1x50x32xf32, #tpu.memory_space<vmem>> -> memref<50x32xf32, #tpu.memory_space<vmem>>
      tpu.enqueue_dma source(%dma_start3A_1766 : memref<50x32xf32, #tpu.memory_space<vmem>>) target(%dma_start3A_1762 : memref<50x32xf32, #tpu.memory_space<hbm>>) target_semaphore(%dma_start3A_1758 : memref<!tpu.dma_semaphore, #tpu.memory_space<semaphore_mem>>)
      %add3A_1767 = arith.constant 15 : i32
      %add3A_1768 = arith.addi %add3A_1466, %add3A_1767 : i32
      %dma_start3A_1769 = arith.constant 750 : i32
      %dma_start3A_1770 = arith.constant 0 : i32
      %dma_start3A_1771 = tpu.memref_slice %arg6[%rem3A_1447, %dma_start3A_1769, %dma_start3A_1770] : memref<2x1600x32xf32, #tpu.memory_space<vmem>> -> memref<1x50x32xf32, #tpu.memory_space<vmem>>
      %dma_start3A_1772 = tpu.memref_squeeze %dma_start3A_1771 : memref<1x50x32xf32, #tpu.memory_space<vmem>> -> memref<50x32xf32, #tpu.memory_space<vmem>>
      %dma_start3A_1773 = arith.constant 0 : i32
      %dma_start3A_1774 = arith.constant 0 : i32
      %dma_start3A_1775 = tpu.memref_slice %arg4[%add3A_1768, %dma_start3A_1773, %dma_start3A_1774] : memref<16384x50x32xf32, #tpu.memory_space<hbm>> -> memref<1x50x32xf32, #tpu.memory_space<hbm>>
      %dma_start3A_1776 = tpu.memref_squeeze %dma_start3A_1775 : memref<1x50x32xf32, #tpu.memory_space<hbm>> -> memref<50x32xf32, #tpu.memory_space<hbm>>
      %dma_start3A_1777 = tpu.memref_slice %arg9[%rem3A_1447] : memref<2x!tpu.dma_semaphore, #tpu.memory_space<semaphore_mem>> -> memref<1x!tpu.dma_semaphore, #tpu.memory_space<semaphore_mem>>
      %dma_start3A_1778 = tpu.memref_squeeze %dma_start3A_1777 : memref<1x!tpu.dma_semaphore, #tpu.memory_space<semaphore_mem>> -> memref<!tpu.dma_semaphore, #tpu.memory_space<semaphore_mem>>
      %dma_start3A_1779 = arith.constant 0 : i32
      %dma_start3A_1780 = arith.constant 0 : i32
      %dma_start3A_1781 = tpu.memref_slice %arg4[%add3A_1768, %dma_start3A_1779, %dma_start3A_1780] : memref<16384x50x32xf32, #tpu.memory_space<hbm>> -> memref<1x50x32xf32, #tpu.memory_space<hbm>>
      %dma_start3A_1782 = tpu.memref_squeeze %dma_start3A_1781 : memref<1x50x32xf32, #tpu.memory_space<hbm>> -> memref<50x32xf32, #tpu.memory_space<hbm>>
      %dma_start3A_1783 = arith.constant 750 : i32
      %dma_start3A_1784 = arith.constant 0 : i32
      %dma_start3A_1785 = tpu.memref_slice %arg6[%rem3A_1447, %dma_start3A_1783, %dma_start3A_1784] : memref<2x1600x32xf32, #tpu.memory_space<vmem>> -> memref<1x50x32xf32, #tpu.memory_space<vmem>>
      %dma_start3A_1786 = tpu.memref_squeeze %dma_start3A_1785 : memref<1x50x32xf32, #tpu.memory_space<vmem>> -> memref<50x32xf32, #tpu.memory_space<vmem>>
      tpu.enqueue_dma source(%dma_start3A_1786 : memref<50x32xf32, #tpu.memory_space<vmem>>) target(%dma_start3A_1782 : memref<50x32xf32, #tpu.memory_space<hbm>>) target_semaphore(%dma_start3A_1778 : memref<!tpu.dma_semaphore, #tpu.memory_space<semaphore_mem>>)
      %add3A_1787 = arith.constant 16 : i32
      %add3A_1788 = arith.addi %add3A_1466, %add3A_1787 : i32
      %dma_start3A_1789 = arith.constant 800 : i32
      %dma_start3A_1790 = arith.constant 0 : i32
      %dma_start3A_1791 = tpu.memref_slice %arg6[%rem3A_1447, %dma_start3A_1789, %dma_start3A_1790] : memref<2x1600x32xf32, #tpu.memory_space<vmem>> -> memref<1x50x32xf32, #tpu.memory_space<vmem>>
      %dma_start3A_1792 = tpu.memref_squeeze %dma_start3A_1791 : memref<1x50x32xf32, #tpu.memory_space<vmem>> -> memref<50x32xf32, #tpu.memory_space<vmem>>
      %dma_start3A_1793 = arith.constant 0 : i32
      %dma_start3A_1794 = arith.constant 0 : i32
      %dma_start3A_1795 = tpu.memref_slice %arg4[%add3A_1788, %dma_start3A_1793, %dma_start3A_1794] : memref<16384x50x32xf32, #tpu.memory_space<hbm>> -> memref<1x50x32xf32, #tpu.memory_space<hbm>>
      %dma_start3A_1796 = tpu.memref_squeeze %dma_start3A_1795 : memref<1x50x32xf32, #tpu.memory_space<hbm>> -> memref<50x32xf32, #tpu.memory_space<hbm>>
      %dma_start3A_1797 = tpu.memref_slice %arg9[%rem3A_1447] : memref<2x!tpu.dma_semaphore, #tpu.memory_space<semaphore_mem>> -> memref<1x!tpu.dma_semaphore, #tpu.memory_space<semaphore_mem>>
      %dma_start3A_1798 = tpu.memref_squeeze %dma_start3A_1797 : memref<1x!tpu.dma_semaphore, #tpu.memory_space<semaphore_mem>> -> memref<!tpu.dma_semaphore, #tpu.memory_space<semaphore_mem>>
      %dma_start3A_1799 = arith.constant 0 : i32
      %dma_start3A_1800 = arith.constant 0 : i32
      %dma_start3A_1801 = tpu.memref_slice %arg4[%add3A_1788, %dma_start3A_1799, %dma_start3A_1800] : memref<16384x50x32xf32, #tpu.memory_space<hbm>> -> memref<1x50x32xf32, #tpu.memory_space<hbm>>
      %dma_start3A_1802 = tpu.memref_squeeze %dma_start3A_1801 : memref<1x50x32xf32, #tpu.memory_space<hbm>> -> memref<50x32xf32, #tpu.memory_space<hbm>>
      %dma_start3A_1803 = arith.constant 800 : i32
      %dma_start3A_1804 = arith.constant 0 : i32
      %dma_start3A_1805 = tpu.memref_slice %arg6[%rem3A_1447, %dma_start3A_1803, %dma_start3A_1804] : memref<2x1600x32xf32, #tpu.memory_space<vmem>> -> memref<1x50x32xf32, #tpu.memory_space<vmem>>
      %dma_start3A_1806 = tpu.memref_squeeze %dma_start3A_1805 : memref<1x50x32xf32, #tpu.memory_space<vmem>> -> memref<50x32xf32, #tpu.memory_space<vmem>>
      tpu.enqueue_dma source(%dma_start3A_1806 : memref<50x32xf32, #tpu.memory_space<vmem>>) target(%dma_start3A_1802 : memref<50x32xf32, #tpu.memory_space<hbm>>) target_semaphore(%dma_start3A_1798 : memref<!tpu.dma_semaphore, #tpu.memory_space<semaphore_mem>>)
      %add3A_1807 = arith.constant 17 : i32
      %add3A_1808 = arith.addi %add3A_1466, %add3A_1807 : i32
      %dma_start3A_1809 = arith.constant 850 : i32
      %dma_start3A_1810 = arith.constant 0 : i32
      %dma_start3A_1811 = tpu.memref_slice %arg6[%rem3A_1447, %dma_start3A_1809, %dma_start3A_1810] : memref<2x1600x32xf32, #tpu.memory_space<vmem>> -> memref<1x50x32xf32, #tpu.memory_space<vmem>>
      %dma_start3A_1812 = tpu.memref_squeeze %dma_start3A_1811 : memref<1x50x32xf32, #tpu.memory_space<vmem>> -> memref<50x32xf32, #tpu.memory_space<vmem>>
      %dma_start3A_1813 = arith.constant 0 : i32
      %dma_start3A_1814 = arith.constant 0 : i32
      %dma_start3A_1815 = tpu.memref_slice %arg4[%add3A_1808, %dma_start3A_1813, %dma_start3A_1814] : memref<16384x50x32xf32, #tpu.memory_space<hbm>> -> memref<1x50x32xf32, #tpu.memory_space<hbm>>
      %dma_start3A_1816 = tpu.memref_squeeze %dma_start3A_1815 : memref<1x50x32xf32, #tpu.memory_space<hbm>> -> memref<50x32xf32, #tpu.memory_space<hbm>>
      %dma_start3A_1817 = tpu.memref_slice %arg9[%rem3A_1447] : memref<2x!tpu.dma_semaphore, #tpu.memory_space<semaphore_mem>> -> memref<1x!tpu.dma_semaphore, #tpu.memory_space<semaphore_mem>>
      %dma_start3A_1818 = tpu.memref_squeeze %dma_start3A_1817 : memref<1x!tpu.dma_semaphore, #tpu.memory_space<semaphore_mem>> -> memref<!tpu.dma_semaphore, #tpu.memory_space<semaphore_mem>>
      %dma_start3A_1819 = arith.constant 0 : i32
      %dma_start3A_1820 = arith.constant 0 : i32
      %dma_start3A_1821 = tpu.memref_slice %arg4[%add3A_1808, %dma_start3A_1819, %dma_start3A_1820] : memref<16384x50x32xf32, #tpu.memory_space<hbm>> -> memref<1x50x32xf32, #tpu.memory_space<hbm>>
      %dma_start3A_1822 = tpu.memref_squeeze %dma_start3A_1821 : memref<1x50x32xf32, #tpu.memory_space<hbm>> -> memref<50x32xf32, #tpu.memory_space<hbm>>
      %dma_start3A_1823 = arith.constant 850 : i32
      %dma_start3A_1824 = arith.constant 0 : i32
      %dma_start3A_1825 = tpu.memref_slice %arg6[%rem3A_1447, %dma_start3A_1823, %dma_start3A_1824] : memref<2x1600x32xf32, #tpu.memory_space<vmem>> -> memref<1x50x32xf32, #tpu.memory_space<vmem>>
      %dma_start3A_1826 = tpu.memref_squeeze %dma_start3A_1825 : memref<1x50x32xf32, #tpu.memory_space<vmem>> -> memref<50x32xf32, #tpu.memory_space<vmem>>
      tpu.enqueue_dma source(%dma_start3A_1826 : memref<50x32xf32, #tpu.memory_space<vmem>>) target(%dma_start3A_1822 : memref<50x32xf32, #tpu.memory_space<hbm>>) target_semaphore(%dma_start3A_1818 : memref<!tpu.dma_semaphore, #tpu.memory_space<semaphore_mem>>)
      %add3A_1827 = arith.constant 18 : i32
      %add3A_1828 = arith.addi %add3A_1466, %add3A_1827 : i32
      %dma_start3A_1829 = arith.constant 900 : i32
      %dma_start3A_1830 = arith.constant 0 : i32
      %dma_start3A_1831 = tpu.memref_slice %arg6[%rem3A_1447, %dma_start3A_1829, %dma_start3A_1830] : memref<2x1600x32xf32, #tpu.memory_space<vmem>> -> memref<1x50x32xf32, #tpu.memory_space<vmem>>
      %dma_start3A_1832 = tpu.memref_squeeze %dma_start3A_1831 : memref<1x50x32xf32, #tpu.memory_space<vmem>> -> memref<50x32xf32, #tpu.memory_space<vmem>>
      %dma_start3A_1833 = arith.constant 0 : i32
      %dma_start3A_1834 = arith.constant 0 : i32
      %dma_start3A_1835 = tpu.memref_slice %arg4[%add3A_1828, %dma_start3A_1833, %dma_start3A_1834] : memref<16384x50x32xf32, #tpu.memory_space<hbm>> -> memref<1x50x32xf32, #tpu.memory_space<hbm>>
      %dma_start3A_1836 = tpu.memref_squeeze %dma_start3A_1835 : memref<1x50x32xf32, #tpu.memory_space<hbm>> -> memref<50x32xf32, #tpu.memory_space<hbm>>
      %dma_start3A_1837 = tpu.memref_slice %arg9[%rem3A_1447] : memref<2x!tpu.dma_semaphore, #tpu.memory_space<semaphore_mem>> -> memref<1x!tpu.dma_semaphore, #tpu.memory_space<semaphore_mem>>
      %dma_start3A_1838 = tpu.memref_squeeze %dma_start3A_1837 : memref<1x!tpu.dma_semaphore, #tpu.memory_space<semaphore_mem>> -> memref<!tpu.dma_semaphore, #tpu.memory_space<semaphore_mem>>
      %dma_start3A_1839 = arith.constant 0 : i32
      %dma_start3A_1840 = arith.constant 0 : i32
      %dma_start3A_1841 = tpu.memref_slice %arg4[%add3A_1828, %dma_start3A_1839, %dma_start3A_1840] : memref<16384x50x32xf32, #tpu.memory_space<hbm>> -> memref<1x50x32xf32, #tpu.memory_space<hbm>>
      %dma_start3A_1842 = tpu.memref_squeeze %dma_start3A_1841 : memref<1x50x32xf32, #tpu.memory_space<hbm>> -> memref<50x32xf32, #tpu.memory_space<hbm>>
      %dma_start3A_1843 = arith.constant 900 : i32
      %dma_start3A_1844 = arith.constant 0 : i32
      %dma_start3A_1845 = tpu.memref_slice %arg6[%rem3A_1447, %dma_start3A_1843, %dma_start3A_1844] : memref<2x1600x32xf32, #tpu.memory_space<vmem>> -> memref<1x50x32xf32, #tpu.memory_space<vmem>>
      %dma_start3A_1846 = tpu.memref_squeeze %dma_start3A_1845 : memref<1x50x32xf32, #tpu.memory_space<vmem>> -> memref<50x32xf32, #tpu.memory_space<vmem>>
      tpu.enqueue_dma source(%dma_start3A_1846 : memref<50x32xf32, #tpu.memory_space<vmem>>) target(%dma_start3A_1842 : memref<50x32xf32, #tpu.memory_space<hbm>>) target_semaphore(%dma_start3A_1838 : memref<!tpu.dma_semaphore, #tpu.memory_space<semaphore_mem>>)
      %add3A_1847 = arith.constant 19 : i32
      %add3A_1848 = arith.addi %add3A_1466, %add3A_1847 : i32
      %dma_start3A_1849 = arith.constant 950 : i32
      %dma_start3A_1850 = arith.constant 0 : i32
      %dma_start3A_1851 = tpu.memref_slice %arg6[%rem3A_1447, %dma_start3A_1849, %dma_start3A_1850] : memref<2x1600x32xf32, #tpu.memory_space<vmem>> -> memref<1x50x32xf32, #tpu.memory_space<vmem>>
      %dma_start3A_1852 = tpu.memref_squeeze %dma_start3A_1851 : memref<1x50x32xf32, #tpu.memory_space<vmem>> -> memref<50x32xf32, #tpu.memory_space<vmem>>
      %dma_start3A_1853 = arith.constant 0 : i32
      %dma_start3A_1854 = arith.constant 0 : i32
      %dma_start3A_1855 = tpu.memref_slice %arg4[%add3A_1848, %dma_start3A_1853, %dma_start3A_1854] : memref<16384x50x32xf32, #tpu.memory_space<hbm>> -> memref<1x50x32xf32, #tpu.memory_space<hbm>>
      %dma_start3A_1856 = tpu.memref_squeeze %dma_start3A_1855 : memref<1x50x32xf32, #tpu.memory_space<hbm>> -> memref<50x32xf32, #tpu.memory_space<hbm>>
      %dma_start3A_1857 = tpu.memref_slice %arg9[%rem3A_1447] : memref<2x!tpu.dma_semaphore, #tpu.memory_space<semaphore_mem>> -> memref<1x!tpu.dma_semaphore, #tpu.memory_space<semaphore_mem>>
      %dma_start3A_1858 = tpu.memref_squeeze %dma_start3A_1857 : memref<1x!tpu.dma_semaphore, #tpu.memory_space<semaphore_mem>> -> memref<!tpu.dma_semaphore, #tpu.memory_space<semaphore_mem>>
      %dma_start3A_1859 = arith.constant 0 : i32
      %dma_start3A_1860 = arith.constant 0 : i32
      %dma_start3A_1861 = tpu.memref_slice %arg4[%add3A_1848, %dma_start3A_1859, %dma_start3A_1860] : memref<16384x50x32xf32, #tpu.memory_space<hbm>> -> memref<1x50x32xf32, #tpu.memory_space<hbm>>
      %dma_start3A_1862 = tpu.memref_squeeze %dma_start3A_1861 : memref<1x50x32xf32, #tpu.memory_space<hbm>> -> memref<50x32xf32, #tpu.memory_space<hbm>>
      %dma_start3A_1863 = arith.constant 950 : i32
      %dma_start3A_1864 = arith.constant 0 : i32
      %dma_start3A_1865 = tpu.memref_slice %arg6[%rem3A_1447, %dma_start3A_1863, %dma_start3A_1864] : memref<2x1600x32xf32, #tpu.memory_space<vmem>> -> memref<1x50x32xf32, #tpu.memory_space<vmem>>
      %dma_start3A_1866 = tpu.memref_squeeze %dma_start3A_1865 : memref<1x50x32xf32, #tpu.memory_space<vmem>> -> memref<50x32xf32, #tpu.memory_space<vmem>>
      tpu.enqueue_dma source(%dma_start3A_1866 : memref<50x32xf32, #tpu.memory_space<vmem>>) target(%dma_start3A_1862 : memref<50x32xf32, #tpu.memory_space<hbm>>) target_semaphore(%dma_start3A_1858 : memref<!tpu.dma_semaphore, #tpu.memory_space<semaphore_mem>>)
      %add3A_1867 = arith.constant 20 : i32
      %add3A_1868 = arith.addi %add3A_1466, %add3A_1867 : i32
      %dma_start3A_1869 = arith.constant 1000 : i32
      %dma_start3A_1870 = arith.constant 0 : i32
      %dma_start3A_1871 = tpu.memref_slice %arg6[%rem3A_1447, %dma_start3A_1869, %dma_start3A_1870] : memref<2x1600x32xf32, #tpu.memory_space<vmem>> -> memref<1x50x32xf32, #tpu.memory_space<vmem>>
      %dma_start3A_1872 = tpu.memref_squeeze %dma_start3A_1871 : memref<1x50x32xf32, #tpu.memory_space<vmem>> -> memref<50x32xf32, #tpu.memory_space<vmem>>
      %dma_start3A_1873 = arith.constant 0 : i32
      %dma_start3A_1874 = arith.constant 0 : i32
      %dma_start3A_1875 = tpu.memref_slice %arg4[%add3A_1868, %dma_start3A_1873, %dma_start3A_1874] : memref<16384x50x32xf32, #tpu.memory_space<hbm>> -> memref<1x50x32xf32, #tpu.memory_space<hbm>>
      %dma_start3A_1876 = tpu.memref_squeeze %dma_start3A_1875 : memref<1x50x32xf32, #tpu.memory_space<hbm>> -> memref<50x32xf32, #tpu.memory_space<hbm>>
      %dma_start3A_1877 = tpu.memref_slice %arg9[%rem3A_1447] : memref<2x!tpu.dma_semaphore, #tpu.memory_space<semaphore_mem>> -> memref<1x!tpu.dma_semaphore, #tpu.memory_space<semaphore_mem>>
      %dma_start3A_1878 = tpu.memref_squeeze %dma_start3A_1877 : memref<1x!tpu.dma_semaphore, #tpu.memory_space<semaphore_mem>> -> memref<!tpu.dma_semaphore, #tpu.memory_space<semaphore_mem>>
      %dma_start3A_1879 = arith.constant 0 : i32
      %dma_start3A_1880 = arith.constant 0 : i32
      %dma_start3A_1881 = tpu.memref_slice %arg4[%add3A_1868, %dma_start3A_1879, %dma_start3A_1880] : memref<16384x50x32xf32, #tpu.memory_space<hbm>> -> memref<1x50x32xf32, #tpu.memory_space<hbm>>
      %dma_start3A_1882 = tpu.memref_squeeze %dma_start3A_1881 : memref<1x50x32xf32, #tpu.memory_space<hbm>> -> memref<50x32xf32, #tpu.memory_space<hbm>>
      %dma_start3A_1883 = arith.constant 1000 : i32
      %dma_start3A_1884 = arith.constant 0 : i32
      %dma_start3A_1885 = tpu.memref_slice %arg6[%rem3A_1447, %dma_start3A_1883, %dma_start3A_1884] : memref<2x1600x32xf32, #tpu.memory_space<vmem>> -> memref<1x50x32xf32, #tpu.memory_space<vmem>>
      %dma_start3A_1886 = tpu.memref_squeeze %dma_start3A_1885 : memref<1x50x32xf32, #tpu.memory_space<vmem>> -> memref<50x32xf32, #tpu.memory_space<vmem>>
      tpu.enqueue_dma source(%dma_start3A_1886 : memref<50x32xf32, #tpu.memory_space<vmem>>) target(%dma_start3A_1882 : memref<50x32xf32, #tpu.memory_space<hbm>>) target_semaphore(%dma_start3A_1878 : memref<!tpu.dma_semaphore, #tpu.memory_space<semaphore_mem>>)
      %add3A_1887 = arith.constant 21 : i32
      %add3A_1888 = arith.addi %add3A_1466, %add3A_1887 : i32
      %dma_start3A_1889 = arith.constant 1050 : i32
      %dma_start3A_1890 = arith.constant 0 : i32
      %dma_start3A_1891 = tpu.memref_slice %arg6[%rem3A_1447, %dma_start3A_1889, %dma_start3A_1890] : memref<2x1600x32xf32, #tpu.memory_space<vmem>> -> memref<1x50x32xf32, #tpu.memory_space<vmem>>
      %dma_start3A_1892 = tpu.memref_squeeze %dma_start3A_1891 : memref<1x50x32xf32, #tpu.memory_space<vmem>> -> memref<50x32xf32, #tpu.memory_space<vmem>>
      %dma_start3A_1893 = arith.constant 0 : i32
      %dma_start3A_1894 = arith.constant 0 : i32
      %dma_start3A_1895 = tpu.memref_slice %arg4[%add3A_1888, %dma_start3A_1893, %dma_start3A_1894] : memref<16384x50x32xf32, #tpu.memory_space<hbm>> -> memref<1x50x32xf32, #tpu.memory_space<hbm>>
      %dma_start3A_1896 = tpu.memref_squeeze %dma_start3A_1895 : memref<1x50x32xf32, #tpu.memory_space<hbm>> -> memref<50x32xf32, #tpu.memory_space<hbm>>
      %dma_start3A_1897 = tpu.memref_slice %arg9[%rem3A_1447] : memref<2x!tpu.dma_semaphore, #tpu.memory_space<semaphore_mem>> -> memref<1x!tpu.dma_semaphore, #tpu.memory_space<semaphore_mem>>
      %dma_start3A_1898 = tpu.memref_squeeze %dma_start3A_1897 : memref<1x!tpu.dma_semaphore, #tpu.memory_space<semaphore_mem>> -> memref<!tpu.dma_semaphore, #tpu.memory_space<semaphore_mem>>
      %dma_start3A_1899 = arith.constant 0 : i32
      %dma_start3A_1900 = arith.constant 0 : i32
      %dma_start3A_1901 = tpu.memref_slice %arg4[%add3A_1888, %dma_start3A_1899, %dma_start3A_1900] : memref<16384x50x32xf32, #tpu.memory_space<hbm>> -> memref<1x50x32xf32, #tpu.memory_space<hbm>>
      %dma_start3A_1902 = tpu.memref_squeeze %dma_start3A_1901 : memref<1x50x32xf32, #tpu.memory_space<hbm>> -> memref<50x32xf32, #tpu.memory_space<hbm>>
      %dma_start3A_1903 = arith.constant 1050 : i32
      %dma_start3A_1904 = arith.constant 0 : i32
      %dma_start3A_1905 = tpu.memref_slice %arg6[%rem3A_1447, %dma_start3A_1903, %dma_start3A_1904] : memref<2x1600x32xf32, #tpu.memory_space<vmem>> -> memref<1x50x32xf32, #tpu.memory_space<vmem>>
      %dma_start3A_1906 = tpu.memref_squeeze %dma_start3A_1905 : memref<1x50x32xf32, #tpu.memory_space<vmem>> -> memref<50x32xf32, #tpu.memory_space<vmem>>
      tpu.enqueue_dma source(%dma_start3A_1906 : memref<50x32xf32, #tpu.memory_space<vmem>>) target(%dma_start3A_1902 : memref<50x32xf32, #tpu.memory_space<hbm>>) target_semaphore(%dma_start3A_1898 : memref<!tpu.dma_semaphore, #tpu.memory_space<semaphore_mem>>)
      %add3A_1907 = arith.constant 22 : i32
      %add3A_1908 = arith.addi %add3A_1466, %add3A_1907 : i32
      %dma_start3A_1909 = arith.constant 1100 : i32
      %dma_start3A_1910 = arith.constant 0 : i32
      %dma_start3A_1911 = tpu.memref_slice %arg6[%rem3A_1447, %dma_start3A_1909, %dma_start3A_1910] : memref<2x1600x32xf32, #tpu.memory_space<vmem>> -> memref<1x50x32xf32, #tpu.memory_space<vmem>>
      %dma_start3A_1912 = tpu.memref_squeeze %dma_start3A_1911 : memref<1x50x32xf32, #tpu.memory_space<vmem>> -> memref<50x32xf32, #tpu.memory_space<vmem>>
      %dma_start3A_1913 = arith.constant 0 : i32
      %dma_start3A_1914 = arith.constant 0 : i32
      %dma_start3A_1915 = tpu.memref_slice %arg4[%add3A_1908, %dma_start3A_1913, %dma_start3A_1914] : memref<16384x50x32xf32, #tpu.memory_space<hbm>> -> memref<1x50x32xf32, #tpu.memory_space<hbm>>
      %dma_start3A_1916 = tpu.memref_squeeze %dma_start3A_1915 : memref<1x50x32xf32, #tpu.memory_space<hbm>> -> memref<50x32xf32, #tpu.memory_space<hbm>>
      %dma_start3A_1917 = tpu.memref_slice %arg9[%rem3A_1447] : memref<2x!tpu.dma_semaphore, #tpu.memory_space<semaphore_mem>> -> memref<1x!tpu.dma_semaphore, #tpu.memory_space<semaphore_mem>>
      %dma_start3A_1918 = tpu.memref_squeeze %dma_start3A_1917 : memref<1x!tpu.dma_semaphore, #tpu.memory_space<semaphore_mem>> -> memref<!tpu.dma_semaphore, #tpu.memory_space<semaphore_mem>>
      %dma_start3A_1919 = arith.constant 0 : i32
      %dma_start3A_1920 = arith.constant 0 : i32
      %dma_start3A_1921 = tpu.memref_slice %arg4[%add3A_1908, %dma_start3A_1919, %dma_start3A_1920] : memref<16384x50x32xf32, #tpu.memory_space<hbm>> -> memref<1x50x32xf32, #tpu.memory_space<hbm>>
      %dma_start3A_1922 = tpu.memref_squeeze %dma_start3A_1921 : memref<1x50x32xf32, #tpu.memory_space<hbm>> -> memref<50x32xf32, #tpu.memory_space<hbm>>
      %dma_start3A_1923 = arith.constant 1100 : i32
      %dma_start3A_1924 = arith.constant 0 : i32
      %dma_start3A_1925 = tpu.memref_slice %arg6[%rem3A_1447, %dma_start3A_1923, %dma_start3A_1924] : memref<2x1600x32xf32, #tpu.memory_space<vmem>> -> memref<1x50x32xf32, #tpu.memory_space<vmem>>
      %dma_start3A_1926 = tpu.memref_squeeze %dma_start3A_1925 : memref<1x50x32xf32, #tpu.memory_space<vmem>> -> memref<50x32xf32, #tpu.memory_space<vmem>>
      tpu.enqueue_dma source(%dma_start3A_1926 : memref<50x32xf32, #tpu.memory_space<vmem>>) target(%dma_start3A_1922 : memref<50x32xf32, #tpu.memory_space<hbm>>) target_semaphore(%dma_start3A_1918 : memref<!tpu.dma_semaphore, #tpu.memory_space<semaphore_mem>>)
      %add3A_1927 = arith.constant 23 : i32
      %add3A_1928 = arith.addi %add3A_1466, %add3A_1927 : i32
      %dma_start3A_1929 = arith.constant 1150 : i32
      %dma_start3A_1930 = arith.constant 0 : i32
      %dma_start3A_1931 = tpu.memref_slice %arg6[%rem3A_1447, %dma_start3A_1929, %dma_start3A_1930] : memref<2x1600x32xf32, #tpu.memory_space<vmem>> -> memref<1x50x32xf32, #tpu.memory_space<vmem>>
      %dma_start3A_1932 = tpu.memref_squeeze %dma_start3A_1931 : memref<1x50x32xf32, #tpu.memory_space<vmem>> -> memref<50x32xf32, #tpu.memory_space<vmem>>
      %dma_start3A_1933 = arith.constant 0 : i32
      %dma_start3A_1934 = arith.constant 0 : i32
      %dma_start3A_1935 = tpu.memref_slice %arg4[%add3A_1928, %dma_start3A_1933, %dma_start3A_1934] : memref<16384x50x32xf32, #tpu.memory_space<hbm>> -> memref<1x50x32xf32, #tpu.memory_space<hbm>>
      %dma_start3A_1936 = tpu.memref_squeeze %dma_start3A_1935 : memref<1x50x32xf32, #tpu.memory_space<hbm>> -> memref<50x32xf32, #tpu.memory_space<hbm>>
      %dma_start3A_1937 = tpu.memref_slice %arg9[%rem3A_1447] : memref<2x!tpu.dma_semaphore, #tpu.memory_space<semaphore_mem>> -> memref<1x!tpu.dma_semaphore, #tpu.memory_space<semaphore_mem>>
      %dma_start3A_1938 = tpu.memref_squeeze %dma_start3A_1937 : memref<1x!tpu.dma_semaphore, #tpu.memory_space<semaphore_mem>> -> memref<!tpu.dma_semaphore, #tpu.memory_space<semaphore_mem>>
      %dma_start3A_1939 = arith.constant 0 : i32
      %dma_start3A_1940 = arith.constant 0 : i32
      %dma_start3A_1941 = tpu.memref_slice %arg4[%add3A_1928, %dma_start3A_1939, %dma_start3A_1940] : memref<16384x50x32xf32, #tpu.memory_space<hbm>> -> memref<1x50x32xf32, #tpu.memory_space<hbm>>
      %dma_start3A_1942 = tpu.memref_squeeze %dma_start3A_1941 : memref<1x50x32xf32, #tpu.memory_space<hbm>> -> memref<50x32xf32, #tpu.memory_space<hbm>>
      %dma_start3A_1943 = arith.constant 1150 : i32
      %dma_start3A_1944 = arith.constant 0 : i32
      %dma_start3A_1945 = tpu.memref_slice %arg6[%rem3A_1447, %dma_start3A_1943, %dma_start3A_1944] : memref<2x1600x32xf32, #tpu.memory_space<vmem>> -> memref<1x50x32xf32, #tpu.memory_space<vmem>>
      %dma_start3A_1946 = tpu.memref_squeeze %dma_start3A_1945 : memref<1x50x32xf32, #tpu.memory_space<vmem>> -> memref<50x32xf32, #tpu.memory_space<vmem>>
      tpu.enqueue_dma source(%dma_start3A_1946 : memref<50x32xf32, #tpu.memory_space<vmem>>) target(%dma_start3A_1942 : memref<50x32xf32, #tpu.memory_space<hbm>>) target_semaphore(%dma_start3A_1938 : memref<!tpu.dma_semaphore, #tpu.memory_space<semaphore_mem>>)
      %add3A_1947 = arith.constant 24 : i32
      %add3A_1948 = arith.addi %add3A_1466, %add3A_1947 : i32
      %dma_start3A_1949 = arith.constant 1200 : i32
      %dma_start3A_1950 = arith.constant 0 : i32
      %dma_start3A_1951 = tpu.memref_slice %arg6[%rem3A_1447, %dma_start3A_1949, %dma_start3A_1950] : memref<2x1600x32xf32, #tpu.memory_space<vmem>> -> memref<1x50x32xf32, #tpu.memory_space<vmem>>
      %dma_start3A_1952 = tpu.memref_squeeze %dma_start3A_1951 : memref<1x50x32xf32, #tpu.memory_space<vmem>> -> memref<50x32xf32, #tpu.memory_space<vmem>>
      %dma_start3A_1953 = arith.constant 0 : i32
      %dma_start3A_1954 = arith.constant 0 : i32
      %dma_start3A_1955 = tpu.memref_slice %arg4[%add3A_1948, %dma_start3A_1953, %dma_start3A_1954] : memref<16384x50x32xf32, #tpu.memory_space<hbm>> -> memref<1x50x32xf32, #tpu.memory_space<hbm>>
      %dma_start3A_1956 = tpu.memref_squeeze %dma_start3A_1955 : memref<1x50x32xf32, #tpu.memory_space<hbm>> -> memref<50x32xf32, #tpu.memory_space<hbm>>
      %dma_start3A_1957 = tpu.memref_slice %arg9[%rem3A_1447] : memref<2x!tpu.dma_semaphore, #tpu.memory_space<semaphore_mem>> -> memref<1x!tpu.dma_semaphore, #tpu.memory_space<semaphore_mem>>
      %dma_start3A_1958 = tpu.memref_squeeze %dma_start3A_1957 : memref<1x!tpu.dma_semaphore, #tpu.memory_space<semaphore_mem>> -> memref<!tpu.dma_semaphore, #tpu.memory_space<semaphore_mem>>
      %dma_start3A_1959 = arith.constant 0 : i32
      %dma_start3A_1960 = arith.constant 0 : i32
      %dma_start3A_1961 = tpu.memref_slice %arg4[%add3A_1948, %dma_start3A_1959, %dma_start3A_1960] : memref<16384x50x32xf32, #tpu.memory_space<hbm>> -> memref<1x50x32xf32, #tpu.memory_space<hbm>>
      %dma_start3A_1962 = tpu.memref_squeeze %dma_start3A_1961 : memref<1x50x32xf32, #tpu.memory_space<hbm>> -> memref<50x32xf32, #tpu.memory_space<hbm>>
      %dma_start3A_1963 = arith.constant 1200 : i32
      %dma_start3A_1964 = arith.constant 0 : i32
      %dma_start3A_1965 = tpu.memref_slice %arg6[%rem3A_1447, %dma_start3A_1963, %dma_start3A_1964] : memref<2x1600x32xf32, #tpu.memory_space<vmem>> -> memref<1x50x32xf32, #tpu.memory_space<vmem>>
      %dma_start3A_1966 = tpu.memref_squeeze %dma_start3A_1965 : memref<1x50x32xf32, #tpu.memory_space<vmem>> -> memref<50x32xf32, #tpu.memory_space<vmem>>
      tpu.enqueue_dma source(%dma_start3A_1966 : memref<50x32xf32, #tpu.memory_space<vmem>>) target(%dma_start3A_1962 : memref<50x32xf32, #tpu.memory_space<hbm>>) target_semaphore(%dma_start3A_1958 : memref<!tpu.dma_semaphore, #tpu.memory_space<semaphore_mem>>)
      %add3A_1967 = arith.constant 25 : i32
      %add3A_1968 = arith.addi %add3A_1466, %add3A_1967 : i32
      %dma_start3A_1969 = arith.constant 1250 : i32
      %dma_start3A_1970 = arith.constant 0 : i32
      %dma_start3A_1971 = tpu.memref_slice %arg6[%rem3A_1447, %dma_start3A_1969, %dma_start3A_1970] : memref<2x1600x32xf32, #tpu.memory_space<vmem>> -> memref<1x50x32xf32, #tpu.memory_space<vmem>>
      %dma_start3A_1972 = tpu.memref_squeeze %dma_start3A_1971 : memref<1x50x32xf32, #tpu.memory_space<vmem>> -> memref<50x32xf32, #tpu.memory_space<vmem>>
      %dma_start3A_1973 = arith.constant 0 : i32
      %dma_start3A_1974 = arith.constant 0 : i32
      %dma_start3A_1975 = tpu.memref_slice %arg4[%add3A_1968, %dma_start3A_1973, %dma_start3A_1974] : memref<16384x50x32xf32, #tpu.memory_space<hbm>> -> memref<1x50x32xf32, #tpu.memory_space<hbm>>
      %dma_start3A_1976 = tpu.memref_squeeze %dma_start3A_1975 : memref<1x50x32xf32, #tpu.memory_space<hbm>> -> memref<50x32xf32, #tpu.memory_space<hbm>>
      %dma_start3A_1977 = tpu.memref_slice %arg9[%rem3A_1447] : memref<2x!tpu.dma_semaphore, #tpu.memory_space<semaphore_mem>> -> memref<1x!tpu.dma_semaphore, #tpu.memory_space<semaphore_mem>>
      %dma_start3A_1978 = tpu.memref_squeeze %dma_start3A_1977 : memref<1x!tpu.dma_semaphore, #tpu.memory_space<semaphore_mem>> -> memref<!tpu.dma_semaphore, #tpu.memory_space<semaphore_mem>>
      %dma_start3A_1979 = arith.constant 0 : i32
      %dma_start3A_1980 = arith.constant 0 : i32
      %dma_start3A_1981 = tpu.memref_slice %arg4[%add3A_1968, %dma_start3A_1979, %dma_start3A_1980] : memref<16384x50x32xf32, #tpu.memory_space<hbm>> -> memref<1x50x32xf32, #tpu.memory_space<hbm>>
      %dma_start3A_1982 = tpu.memref_squeeze %dma_start3A_1981 : memref<1x50x32xf32, #tpu.memory_space<hbm>> -> memref<50x32xf32, #tpu.memory_space<hbm>>
      %dma_start3A_1983 = arith.constant 1250 : i32
      %dma_start3A_1984 = arith.constant 0 : i32
      %dma_start3A_1985 = tpu.memref_slice %arg6[%rem3A_1447, %dma_start3A_1983, %dma_start3A_1984] : memref<2x1600x32xf32, #tpu.memory_space<vmem>> -> memref<1x50x32xf32, #tpu.memory_space<vmem>>
      %dma_start3A_1986 = tpu.memref_squeeze %dma_start3A_1985 : memref<1x50x32xf32, #tpu.memory_space<vmem>> -> memref<50x32xf32, #tpu.memory_space<vmem>>
      tpu.enqueue_dma source(%dma_start3A_1986 : memref<50x32xf32, #tpu.memory_space<vmem>>) target(%dma_start3A_1982 : memref<50x32xf32, #tpu.memory_space<hbm>>) target_semaphore(%dma_start3A_1978 : memref<!tpu.dma_semaphore, #tpu.memory_space<semaphore_mem>>)
      %add3A_1987 = arith.constant 26 : i32
      %add3A_1988 = arith.addi %add3A_1466, %add3A_1987 : i32
      %dma_start3A_1989 = arith.constant 1300 : i32
      %dma_start3A_1990 = arith.constant 0 : i32
      %dma_start3A_1991 = tpu.memref_slice %arg6[%rem3A_1447, %dma_start3A_1989, %dma_start3A_1990] : memref<2x1600x32xf32, #tpu.memory_space<vmem>> -> memref<1x50x32xf32, #tpu.memory_space<vmem>>
      %dma_start3A_1992 = tpu.memref_squeeze %dma_start3A_1991 : memref<1x50x32xf32, #tpu.memory_space<vmem>> -> memref<50x32xf32, #tpu.memory_space<vmem>>
      %dma_start3A_1993 = arith.constant 0 : i32
      %dma_start3A_1994 = arith.constant 0 : i32
      %dma_start3A_1995 = tpu.memref_slice %arg4[%add3A_1988, %dma_start3A_1993, %dma_start3A_1994] : memref<16384x50x32xf32, #tpu.memory_space<hbm>> -> memref<1x50x32xf32, #tpu.memory_space<hbm>>
      %dma_start3A_1996 = tpu.memref_squeeze %dma_start3A_1995 : memref<1x50x32xf32, #tpu.memory_space<hbm>> -> memref<50x32xf32, #tpu.memory_space<hbm>>
      %dma_start3A_1997 = tpu.memref_slice %arg9[%rem3A_1447] : memref<2x!tpu.dma_semaphore, #tpu.memory_space<semaphore_mem>> -> memref<1x!tpu.dma_semaphore, #tpu.memory_space<semaphore_mem>>
      %dma_start3A_1998 = tpu.memref_squeeze %dma_start3A_1997 : memref<1x!tpu.dma_semaphore, #tpu.memory_space<semaphore_mem>> -> memref<!tpu.dma_semaphore, #tpu.memory_space<semaphore_mem>>
      %dma_start3A_1999 = arith.constant 0 : i32
      %dma_start3A_2000 = arith.constant 0 : i32
      %dma_start3A_2001 = tpu.memref_slice %arg4[%add3A_1988, %dma_start3A_1999, %dma_start3A_2000] : memref<16384x50x32xf32, #tpu.memory_space<hbm>> -> memref<1x50x32xf32, #tpu.memory_space<hbm>>
      %dma_start3A_2002 = tpu.memref_squeeze %dma_start3A_2001 : memref<1x50x32xf32, #tpu.memory_space<hbm>> -> memref<50x32xf32, #tpu.memory_space<hbm>>
      %dma_start3A_2003 = arith.constant 1300 : i32
      %dma_start3A_2004 = arith.constant 0 : i32
      %dma_start3A_2005 = tpu.memref_slice %arg6[%rem3A_1447, %dma_start3A_2003, %dma_start3A_2004] : memref<2x1600x32xf32, #tpu.memory_space<vmem>> -> memref<1x50x32xf32, #tpu.memory_space<vmem>>
      %dma_start3A_2006 = tpu.memref_squeeze %dma_start3A_2005 : memref<1x50x32xf32, #tpu.memory_space<vmem>> -> memref<50x32xf32, #tpu.memory_space<vmem>>
      tpu.enqueue_dma source(%dma_start3A_2006 : memref<50x32xf32, #tpu.memory_space<vmem>>) target(%dma_start3A_2002 : memref<50x32xf32, #tpu.memory_space<hbm>>) target_semaphore(%dma_start3A_1998 : memref<!tpu.dma_semaphore, #tpu.memory_space<semaphore_mem>>)
      %add3A_2007 = arith.constant 27 : i32
      %add3A_2008 = arith.addi %add3A_1466, %add3A_2007 : i32
      %dma_start3A_2009 = arith.constant 1350 : i32
      %dma_start3A_2010 = arith.constant 0 : i32
      %dma_start3A_2011 = tpu.memref_slice %arg6[%rem3A_1447, %dma_start3A_2009, %dma_start3A_2010] : memref<2x1600x32xf32, #tpu.memory_space<vmem>> -> memref<1x50x32xf32, #tpu.memory_space<vmem>>
      %dma_start3A_2012 = tpu.memref_squeeze %dma_start3A_2011 : memref<1x50x32xf32, #tpu.memory_space<vmem>> -> memref<50x32xf32, #tpu.memory_space<vmem>>
      %dma_start3A_2013 = arith.constant 0 : i32
      %dma_start3A_2014 = arith.constant 0 : i32
      %dma_start3A_2015 = tpu.memref_slice %arg4[%add3A_2008, %dma_start3A_2013, %dma_start3A_2014] : memref<16384x50x32xf32, #tpu.memory_space<hbm>> -> memref<1x50x32xf32, #tpu.memory_space<hbm>>
      %dma_start3A_2016 = tpu.memref_squeeze %dma_start3A_2015 : memref<1x50x32xf32, #tpu.memory_space<hbm>> -> memref<50x32xf32, #tpu.memory_space<hbm>>
      %dma_start3A_2017 = tpu.memref_slice %arg9[%rem3A_1447] : memref<2x!tpu.dma_semaphore, #tpu.memory_space<semaphore_mem>> -> memref<1x!tpu.dma_semaphore, #tpu.memory_space<semaphore_mem>>
      %dma_start3A_2018 = tpu.memref_squeeze %dma_start3A_2017 : memref<1x!tpu.dma_semaphore, #tpu.memory_space<semaphore_mem>> -> memref<!tpu.dma_semaphore, #tpu.memory_space<semaphore_mem>>
      %dma_start3A_2019 = arith.constant 0 : i32
      %dma_start3A_2020 = arith.constant 0 : i32
      %dma_start3A_2021 = tpu.memref_slice %arg4[%add3A_2008, %dma_start3A_2019, %dma_start3A_2020] : memref<16384x50x32xf32, #tpu.memory_space<hbm>> -> memref<1x50x32xf32, #tpu.memory_space<hbm>>
      %dma_start3A_2022 = tpu.memref_squeeze %dma_start3A_2021 : memref<1x50x32xf32, #tpu.memory_space<hbm>> -> memref<50x32xf32, #tpu.memory_space<hbm>>
      %dma_start3A_2023 = arith.constant 1350 : i32
      %dma_start3A_2024 = arith.constant 0 : i32
      %dma_start3A_2025 = tpu.memref_slice %arg6[%rem3A_1447, %dma_start3A_2023, %dma_start3A_2024] : memref<2x1600x32xf32, #tpu.memory_space<vmem>> -> memref<1x50x32xf32, #tpu.memory_space<vmem>>
      %dma_start3A_2026 = tpu.memref_squeeze %dma_start3A_2025 : memref<1x50x32xf32, #tpu.memory_space<vmem>> -> memref<50x32xf32, #tpu.memory_space<vmem>>
      tpu.enqueue_dma source(%dma_start3A_2026 : memref<50x32xf32, #tpu.memory_space<vmem>>) target(%dma_start3A_2022 : memref<50x32xf32, #tpu.memory_space<hbm>>) target_semaphore(%dma_start3A_2018 : memref<!tpu.dma_semaphore, #tpu.memory_space<semaphore_mem>>)
      %add3A_2027 = arith.constant 28 : i32
      %add3A_2028 = arith.addi %add3A_1466, %add3A_2027 : i32
      %dma_start3A_2029 = arith.constant 1400 : i32
      %dma_start3A_2030 = arith.constant 0 : i32
      %dma_start3A_2031 = tpu.memref_slice %arg6[%rem3A_1447, %dma_start3A_2029, %dma_start3A_2030] : memref<2x1600x32xf32, #tpu.memory_space<vmem>> -> memref<1x50x32xf32, #tpu.memory_space<vmem>>
      %dma_start3A_2032 = tpu.memref_squeeze %dma_start3A_2031 : memref<1x50x32xf32, #tpu.memory_space<vmem>> -> memref<50x32xf32, #tpu.memory_space<vmem>>
      %dma_start3A_2033 = arith.constant 0 : i32
      %dma_start3A_2034 = arith.constant 0 : i32
      %dma_start3A_2035 = tpu.memref_slice %arg4[%add3A_2028, %dma_start3A_2033, %dma_start3A_2034] : memref<16384x50x32xf32, #tpu.memory_space<hbm>> -> memref<1x50x32xf32, #tpu.memory_space<hbm>>
      %dma_start3A_2036 = tpu.memref_squeeze %dma_start3A_2035 : memref<1x50x32xf32, #tpu.memory_space<hbm>> -> memref<50x32xf32, #tpu.memory_space<hbm>>
      %dma_start3A_2037 = tpu.memref_slice %arg9[%rem3A_1447] : memref<2x!tpu.dma_semaphore, #tpu.memory_space<semaphore_mem>> -> memref<1x!tpu.dma_semaphore, #tpu.memory_space<semaphore_mem>>
      %dma_start3A_2038 = tpu.memref_squeeze %dma_start3A_2037 : memref<1x!tpu.dma_semaphore, #tpu.memory_space<semaphore_mem>> -> memref<!tpu.dma_semaphore, #tpu.memory_space<semaphore_mem>>
      %dma_start3A_2039 = arith.constant 0 : i32
      %dma_start3A_2040 = arith.constant 0 : i32
      %dma_start3A_2041 = tpu.memref_slice %arg4[%add3A_2028, %dma_start3A_2039, %dma_start3A_2040] : memref<16384x50x32xf32, #tpu.memory_space<hbm>> -> memref<1x50x32xf32, #tpu.memory_space<hbm>>
      %dma_start3A_2042 = tpu.memref_squeeze %dma_start3A_2041 : memref<1x50x32xf32, #tpu.memory_space<hbm>> -> memref<50x32xf32, #tpu.memory_space<hbm>>
      %dma_start3A_2043 = arith.constant 1400 : i32
      %dma_start3A_2044 = arith.constant 0 : i32
      %dma_start3A_2045 = tpu.memref_slice %arg6[%rem3A_1447, %dma_start3A_2043, %dma_start3A_2044] : memref<2x1600x32xf32, #tpu.memory_space<vmem>> -> memref<1x50x32xf32, #tpu.memory_space<vmem>>
      %dma_start3A_2046 = tpu.memref_squeeze %dma_start3A_2045 : memref<1x50x32xf32, #tpu.memory_space<vmem>> -> memref<50x32xf32, #tpu.memory_space<vmem>>
      tpu.enqueue_dma source(%dma_start3A_2046 : memref<50x32xf32, #tpu.memory_space<vmem>>) target(%dma_start3A_2042 : memref<50x32xf32, #tpu.memory_space<hbm>>) target_semaphore(%dma_start3A_2038 : memref<!tpu.dma_semaphore, #tpu.memory_space<semaphore_mem>>)
      %add3A_2047 = arith.constant 29 : i32
      %add3A_2048 = arith.addi %add3A_1466, %add3A_2047 : i32
      %dma_start3A_2049 = arith.constant 1450 : i32
      %dma_start3A_2050 = arith.constant 0 : i32
      %dma_start3A_2051 = tpu.memref_slice %arg6[%rem3A_1447, %dma_start3A_2049, %dma_start3A_2050] : memref<2x1600x32xf32, #tpu.memory_space<vmem>> -> memref<1x50x32xf32, #tpu.memory_space<vmem>>
      %dma_start3A_2052 = tpu.memref_squeeze %dma_start3A_2051 : memref<1x50x32xf32, #tpu.memory_space<vmem>> -> memref<50x32xf32, #tpu.memory_space<vmem>>
      %dma_start3A_2053 = arith.constant 0 : i32
      %dma_start3A_2054 = arith.constant 0 : i32
      %dma_start3A_2055 = tpu.memref_slice %arg4[%add3A_2048, %dma_start3A_2053, %dma_start3A_2054] : memref<16384x50x32xf32, #tpu.memory_space<hbm>> -> memref<1x50x32xf32, #tpu.memory_space<hbm>>
      %dma_start3A_2056 = tpu.memref_squeeze %dma_start3A_2055 : memref<1x50x32xf32, #tpu.memory_space<hbm>> -> memref<50x32xf32, #tpu.memory_space<hbm>>
      %dma_start3A_2057 = tpu.memref_slice %arg9[%rem3A_1447] : memref<2x!tpu.dma_semaphore, #tpu.memory_space<semaphore_mem>> -> memref<1x!tpu.dma_semaphore, #tpu.memory_space<semaphore_mem>>
      %dma_start3A_2058 = tpu.memref_squeeze %dma_start3A_2057 : memref<1x!tpu.dma_semaphore, #tpu.memory_space<semaphore_mem>> -> memref<!tpu.dma_semaphore, #tpu.memory_space<semaphore_mem>>
      %dma_start3A_2059 = arith.constant 0 : i32
      %dma_start3A_2060 = arith.constant 0 : i32
      %dma_start3A_2061 = tpu.memref_slice %arg4[%add3A_2048, %dma_start3A_2059, %dma_start3A_2060] : memref<16384x50x32xf32, #tpu.memory_space<hbm>> -> memref<1x50x32xf32, #tpu.memory_space<hbm>>
      %dma_start3A_2062 = tpu.memref_squeeze %dma_start3A_2061 : memref<1x50x32xf32, #tpu.memory_space<hbm>> -> memref<50x32xf32, #tpu.memory_space<hbm>>
      %dma_start3A_2063 = arith.constant 1450 : i32
      %dma_start3A_2064 = arith.constant 0 : i32
      %dma_start3A_2065 = tpu.memref_slice %arg6[%rem3A_1447, %dma_start3A_2063, %dma_start3A_2064] : memref<2x1600x32xf32, #tpu.memory_space<vmem>> -> memref<1x50x32xf32, #tpu.memory_space<vmem>>
      %dma_start3A_2066 = tpu.memref_squeeze %dma_start3A_2065 : memref<1x50x32xf32, #tpu.memory_space<vmem>> -> memref<50x32xf32, #tpu.memory_space<vmem>>
      tpu.enqueue_dma source(%dma_start3A_2066 : memref<50x32xf32, #tpu.memory_space<vmem>>) target(%dma_start3A_2062 : memref<50x32xf32, #tpu.memory_space<hbm>>) target_semaphore(%dma_start3A_2058 : memref<!tpu.dma_semaphore, #tpu.memory_space<semaphore_mem>>)
      %add3A_2067 = arith.constant 30 : i32
      %add3A_2068 = arith.addi %add3A_1466, %add3A_2067 : i32
      %dma_start3A_2069 = arith.constant 1500 : i32
      %dma_start3A_2070 = arith.constant 0 : i32
      %dma_start3A_2071 = tpu.memref_slice %arg6[%rem3A_1447, %dma_start3A_2069, %dma_start3A_2070] : memref<2x1600x32xf32, #tpu.memory_space<vmem>> -> memref<1x50x32xf32, #tpu.memory_space<vmem>>
      %dma_start3A_2072 = tpu.memref_squeeze %dma_start3A_2071 : memref<1x50x32xf32, #tpu.memory_space<vmem>> -> memref<50x32xf32, #tpu.memory_space<vmem>>
      %dma_start3A_2073 = arith.constant 0 : i32
      %dma_start3A_2074 = arith.constant 0 : i32
      %dma_start3A_2075 = tpu.memref_slice %arg4[%add3A_2068, %dma_start3A_2073, %dma_start3A_2074] : memref<16384x50x32xf32, #tpu.memory_space<hbm>> -> memref<1x50x32xf32, #tpu.memory_space<hbm>>
      %dma_start3A_2076 = tpu.memref_squeeze %dma_start3A_2075 : memref<1x50x32xf32, #tpu.memory_space<hbm>> -> memref<50x32xf32, #tpu.memory_space<hbm>>
      %dma_start3A_2077 = tpu.memref_slice %arg9[%rem3A_1447] : memref<2x!tpu.dma_semaphore, #tpu.memory_space<semaphore_mem>> -> memref<1x!tpu.dma_semaphore, #tpu.memory_space<semaphore_mem>>
      %dma_start3A_2078 = tpu.memref_squeeze %dma_start3A_2077 : memref<1x!tpu.dma_semaphore, #tpu.memory_space<semaphore_mem>> -> memref<!tpu.dma_semaphore, #tpu.memory_space<semaphore_mem>>
      %dma_start3A_2079 = arith.constant 0 : i32
      %dma_start3A_2080 = arith.constant 0 : i32
      %dma_start3A_2081 = tpu.memref_slice %arg4[%add3A_2068, %dma_start3A_2079, %dma_start3A_2080] : memref<16384x50x32xf32, #tpu.memory_space<hbm>> -> memref<1x50x32xf32, #tpu.memory_space<hbm>>
      %dma_start3A_2082 = tpu.memref_squeeze %dma_start3A_2081 : memref<1x50x32xf32, #tpu.memory_space<hbm>> -> memref<50x32xf32, #tpu.memory_space<hbm>>
      %dma_start3A_2083 = arith.constant 1500 : i32
      %dma_start3A_2084 = arith.constant 0 : i32
      %dma_start3A_2085 = tpu.memref_slice %arg6[%rem3A_1447, %dma_start3A_2083, %dma_start3A_2084] : memref<2x1600x32xf32, #tpu.memory_space<vmem>> -> memref<1x50x32xf32, #tpu.memory_space<vmem>>
      %dma_start3A_2086 = tpu.memref_squeeze %dma_start3A_2085 : memref<1x50x32xf32, #tpu.memory_space<vmem>> -> memref<50x32xf32, #tpu.memory_space<vmem>>
      tpu.enqueue_dma source(%dma_start3A_2086 : memref<50x32xf32, #tpu.memory_space<vmem>>) target(%dma_start3A_2082 : memref<50x32xf32, #tpu.memory_space<hbm>>) target_semaphore(%dma_start3A_2078 : memref<!tpu.dma_semaphore, #tpu.memory_space<semaphore_mem>>)
      %add3A_2087 = arith.constant 31 : i32
      %add3A_2088 = arith.addi %add3A_1466, %add3A_2087 : i32
      %dma_start3A_2089 = arith.constant 1550 : i32
      %dma_start3A_2090 = arith.constant 0 : i32
      %dma_start3A_2091 = tpu.memref_slice %arg6[%rem3A_1447, %dma_start3A_2089, %dma_start3A_2090] : memref<2x1600x32xf32, #tpu.memory_space<vmem>> -> memref<1x50x32xf32, #tpu.memory_space<vmem>>
      %dma_start3A_2092 = tpu.memref_squeeze %dma_start3A_2091 : memref<1x50x32xf32, #tpu.memory_space<vmem>> -> memref<50x32xf32, #tpu.memory_space<vmem>>
      %dma_start3A_2093 = arith.constant 0 : i32
      %dma_start3A_2094 = arith.constant 0 : i32
      %dma_start3A_2095 = tpu.memref_slice %arg4[%add3A_2088, %dma_start3A_2093, %dma_start3A_2094] : memref<16384x50x32xf32, #tpu.memory_space<hbm>> -> memref<1x50x32xf32, #tpu.memory_space<hbm>>
      %dma_start3A_2096 = tpu.memref_squeeze %dma_start3A_2095 : memref<1x50x32xf32, #tpu.memory_space<hbm>> -> memref<50x32xf32, #tpu.memory_space<hbm>>
      %dma_start3A_2097 = tpu.memref_slice %arg9[%rem3A_1447] : memref<2x!tpu.dma_semaphore, #tpu.memory_space<semaphore_mem>> -> memref<1x!tpu.dma_semaphore, #tpu.memory_space<semaphore_mem>>
      %dma_start3A_2098 = tpu.memref_squeeze %dma_start3A_2097 : memref<1x!tpu.dma_semaphore, #tpu.memory_space<semaphore_mem>> -> memref<!tpu.dma_semaphore, #tpu.memory_space<semaphore_mem>>
      %dma_start3A_2099 = arith.constant 0 : i32
      %dma_start3A_2100 = arith.constant 0 : i32
      %dma_start3A_2101 = tpu.memref_slice %arg4[%add3A_2088, %dma_start3A_2099, %dma_start3A_2100] : memref<16384x50x32xf32, #tpu.memory_space<hbm>> -> memref<1x50x32xf32, #tpu.memory_space<hbm>>
      %dma_start3A_2102 = tpu.memref_squeeze %dma_start3A_2101 : memref<1x50x32xf32, #tpu.memory_space<hbm>> -> memref<50x32xf32, #tpu.memory_space<hbm>>
      %dma_start3A_2103 = arith.constant 1550 : i32
      %dma_start3A_2104 = arith.constant 0 : i32
      %dma_start3A_2105 = tpu.memref_slice %arg6[%rem3A_1447, %dma_start3A_2103, %dma_start3A_2104] : memref<2x1600x32xf32, #tpu.memory_space<vmem>> -> memref<1x50x32xf32, #tpu.memory_space<vmem>>
      %dma_start3A_2106 = tpu.memref_squeeze %dma_start3A_2105 : memref<1x50x32xf32, #tpu.memory_space<vmem>> -> memref<50x32xf32, #tpu.memory_space<vmem>>
      tpu.enqueue_dma source(%dma_start3A_2106 : memref<50x32xf32, #tpu.memory_space<vmem>>) target(%dma_start3A_2102 : memref<50x32xf32, #tpu.memory_space<hbm>>) target_semaphore(%dma_start3A_2098 : memref<!tpu.dma_semaphore, #tpu.memory_space<semaphore_mem>>)
      %add3A_2107 = arith.constant 2 : i32
      %add3A_2108 = arith.addi %scan3A_1445, %add3A_2107 : i32
      %mul3A_2109 = arith.constant 32 : i32
      %mul3A_2110 = arith.muli %add3A_2108, %mul3A_2109 : i32
      %add3A_2111 = arith.addi %mul3A_2, %mul3A_2110 : i32
      %mul3A_2112 = arith.constant 50 : i32
      %mul3A_2113 = arith.muli %add3A_2111, %mul3A_2112 : i32
      %dma_start3A_2114 = arith.constant 0 : i32
      %dma_start3A_2115 = tpu.memref_slice %arg5[%rem3A_1447, %dma_start3A_2114] : memref<2x1600xi32, #tpu.memory_space<vmem>> -> memref<1x1600xi32, #tpu.memory_space<vmem>>
      %dma_start3A_2116 = tpu.memref_squeeze %dma_start3A_2115 : memref<1x1600xi32, #tpu.memory_space<vmem>> -> memref<1600xi32, #tpu.memory_space<vmem>>
      %dma_start3A_2117 = tpu.memref_slice %arg3[%mul3A_2113] : memref<819200xi32, #tpu.memory_space<hbm>> -> memref<1600xi32, #tpu.memory_space<hbm>>
      %dma_start3A_2118 = tpu.memref_slice %arg7[%rem3A_1447] : memref<2x!tpu.dma_semaphore, #tpu.memory_space<semaphore_mem>> -> memref<1x!tpu.dma_semaphore, #tpu.memory_space<semaphore_mem>>
      %dma_start3A_2119 = tpu.memref_squeeze %dma_start3A_2118 : memref<1x!tpu.dma_semaphore, #tpu.memory_space<semaphore_mem>> -> memref<!tpu.dma_semaphore, #tpu.memory_space<semaphore_mem>>
      %dma_start3A_2120 = arith.constant 0 : i32
      %dma_start3A_2121 = tpu.memref_slice %arg5[%rem3A_1447, %dma_start3A_2120] : memref<2x1600xi32, #tpu.memory_space<vmem>> -> memref<1x1600xi32, #tpu.memory_space<vmem>>
      %dma_start3A_2122 = tpu.memref_squeeze %dma_start3A_2121 : memref<1x1600xi32, #tpu.memory_space<vmem>> -> memref<1600xi32, #tpu.memory_space<vmem>>
      %dma_start3A_2123 = tpu.memref_slice %arg3[%mul3A_2113] : memref<819200xi32, #tpu.memory_space<hbm>> -> memref<1600xi32, #tpu.memory_space<hbm>>
      tpu.enqueue_dma source(%dma_start3A_2123 : memref<1600xi32, #tpu.memory_space<hbm>>) target(%dma_start3A_2122 : memref<1600xi32, #tpu.memory_space<vmem>>) target_semaphore(%dma_start3A_2119 : memref<!tpu.dma_semaphore, #tpu.memory_space<semaphore_mem>>)
      %dma_wait3A_2124 = arith.constant 0 : i32
      %dma_wait3A_2125 = tpu.memref_slice %arg5[%rem3A_1447, %dma_wait3A_2124] : memref<2x1600xi32, #tpu.memory_space<vmem>> -> memref<1x1600xi32, #tpu.memory_space<vmem>>
      %dma_wait3A_2126 = tpu.memref_squeeze %dma_wait3A_2125 : memref<1x1600xi32, #tpu.memory_space<vmem>> -> memref<1600xi32, #tpu.memory_space<vmem>>
      %dma_wait3A_2127 = tpu.memref_slice %arg3[%mul3A_2113] : memref<819200xi32, #tpu.memory_space<hbm>> -> memref<1600xi32, #tpu.memory_space<hbm>>
      %dma_wait3A_2128 = tpu.memref_slice %arg7[%rem3A_1447] : memref<2x!tpu.dma_semaphore, #tpu.memory_space<semaphore_mem>> -> memref<1x!tpu.dma_semaphore, #tpu.memory_space<semaphore_mem>>
      %dma_wait3A_2129 = tpu.memref_squeeze %dma_wait3A_2128 : memref<1x!tpu.dma_semaphore, #tpu.memory_space<semaphore_mem>> -> memref<!tpu.dma_semaphore, #tpu.memory_space<semaphore_mem>>
      %dma_wait3A_2130 = arith.constant 0 : i32
      %dma_wait3A_2131 = tpu.memref_slice %arg5[%rem3A_1447, %dma_wait3A_2130] : memref<2x1600xi32, #tpu.memory_space<vmem>> -> memref<1x1600xi32, #tpu.memory_space<vmem>>
      %dma_wait3A_2132 = tpu.memref_squeeze %dma_wait3A_2131 : memref<1x1600xi32, #tpu.memory_space<vmem>> -> memref<1600xi32, #tpu.memory_space<vmem>>
      %dma_wait3A_2133 = tpu.memref_slice %arg3[%mul3A_2113] : memref<819200xi32, #tpu.memory_space<hbm>> -> memref<1600xi32, #tpu.memory_space<hbm>>
      tpu.wait_dma2 semaphore(%dma_wait3A_2129 : memref<!tpu.dma_semaphore, #tpu.memory_space<semaphore_mem>>) src(%dma_wait3A_2133 : memref<1600xi32, #tpu.memory_space<hbm>>) dst(%dma_wait3A_2132 : memref<1600xi32, #tpu.memory_space<vmem>>)
      %dma_wait3A_2134 = arith.constant 0 : i32
      %dma_wait3A_2135 = arith.constant 0 : i32
      %dma_wait3A_2136 = tpu.memref_slice %arg6[%rem3A_1447, %dma_wait3A_2134, %dma_wait3A_2135] : memref<2x1600x32xf32, #tpu.memory_space<vmem>> -> memref<1x1600x32xf32, #tpu.memory_space<vmem>>
      %dma_wait3A_2137 = tpu.memref_squeeze %dma_wait3A_2136 : memref<1x1600x32xf32, #tpu.memory_space<vmem>> -> memref<1600x32xf32, #tpu.memory_space<vmem>>
      %dma_wait3A_2138 = arith.constant 0 : i32
      %dma_wait3A_2139 = arith.constant 0 : i32
      %dma_wait3A_2140 = tpu.memref_slice %arg2[%dma_wait3A_2138, %dma_wait3A_2139] : memref<1000000x32xf32, #tpu.memory_space<hbm>> -> memref<1600x32xf32, #tpu.memory_space<hbm>>
      %dma_wait3A_2141 = tpu.memref_slice %arg9[%rem3A_1447] : memref<2x!tpu.dma_semaphore, #tpu.memory_space<semaphore_mem>> -> memref<1x!tpu.dma_semaphore, #tpu.memory_space<semaphore_mem>>
      %dma_wait3A_2142 = tpu.memref_squeeze %dma_wait3A_2141 : memref<1x!tpu.dma_semaphore, #tpu.memory_space<semaphore_mem>> -> memref<!tpu.dma_semaphore, #tpu.memory_space<semaphore_mem>>
      %dma_wait3A_2143 = arith.constant 0 : i32
      %dma_wait3A_2144 = arith.constant 0 : i32
      %dma_wait3A_2145 = tpu.memref_slice %arg6[%rem3A_1447, %dma_wait3A_2143, %dma_wait3A_2144] : memref<2x1600x32xf32, #tpu.memory_space<vmem>> -> memref<1x1600x32xf32, #tpu.memory_space<vmem>>
      %dma_wait3A_2146 = tpu.memref_squeeze %dma_wait3A_2145 : memref<1x1600x32xf32, #tpu.memory_space<vmem>> -> memref<1600x32xf32, #tpu.memory_space<vmem>>
      %dma_wait3A_2147 = arith.constant 0 : i32
      %dma_wait3A_2148 = arith.constant 0 : i32
      %dma_wait3A_2149 = tpu.memref_slice %arg2[%dma_wait3A_2147, %dma_wait3A_2148] : memref<1000000x32xf32, #tpu.memory_space<hbm>> -> memref<1600x32xf32, #tpu.memory_space<hbm>>
      tpu.wait_dma2 semaphore(%dma_wait3A_2142 : memref<!tpu.dma_semaphore, #tpu.memory_space<semaphore_mem>>) src(%dma_wait3A_2149 : memref<1600x32xf32, #tpu.memory_space<hbm>>) dst(%dma_wait3A_2146 : memref<1600x32xf32, #tpu.memory_space<vmem>>)
      %dma_start3A_2150 = arith.constant 0 : i32
      %dma_start3A_2151 = arith.constant 0 : i32
      %dma_start3A_2152 = tpu.memref_slice %arg6[%rem3A_1447, %dma_start3A_2150, %dma_start3A_2151] : memref<2x1600x32xf32, #tpu.memory_space<vmem>> -> memref<1x1600x32xf32, #tpu.memory_space<vmem>>
      %dma_start3A_2153 = tpu.memref_squeeze %dma_start3A_2152 : memref<1x1600x32xf32, #tpu.memory_space<vmem>> -> memref<1600x32xf32, #tpu.memory_space<vmem>>
      %dma_start3A_2154 = arith.constant 0 : i32
      %dma_start3A_2155 = tpu.memref_slice %arg5[%rem3A_1447, %dma_start3A_2154] : memref<2x1600xi32, #tpu.memory_space<vmem>> -> memref<1x1600xi32, #tpu.memory_space<vmem>>
      %dma_start3A_2156 = tpu.memref_squeeze %dma_start3A_2155 : memref<1x1600xi32, #tpu.memory_space<vmem>> -> memref<1600xi32, #tpu.memory_space<vmem>>
      %dma_start3A_2157 = arith.constant 0 : i32
      %dma_start3A_2158 = arith.constant 0 : i32
      %dma_start3A_2159 = tpu.memref_slice %arg2[%dma_start3A_2157, %dma_start3A_2158] : memref<1000000x32xf32, #tpu.memory_space<hbm>> -> memref<1000000x32xf32, #tpu.memory_space<hbm>>
      %dma_start3A_2160 = tpu.memref_slice %arg8[%rem3A_1447] : memref<2x!tpu.dma_semaphore, #tpu.memory_space<semaphore_mem>> -> memref<1x!tpu.dma_semaphore, #tpu.memory_space<semaphore_mem>>
      %dma_start3A_2161 = tpu.memref_squeeze %dma_start3A_2160 : memref<1x!tpu.dma_semaphore, #tpu.memory_space<semaphore_mem>> -> memref<!tpu.dma_semaphore, #tpu.memory_space<semaphore_mem>>
      tpu.enqueue_indirect_dma source(%dma_start3A_2159 : memref<1000000x32xf32, #tpu.memory_space<hbm>>) target(%dma_start3A_2153 : memref<1600x32xf32, #tpu.memory_space<vmem>>) offsets(%dma_start3A_2156 : memref<1600xi32, #tpu.memory_space<vmem>>) semaphore(%dma_start3A_2161 : memref<!tpu.dma_semaphore, #tpu.memory_space<semaphore_mem>>)
    }
    %scan3A_91 = arith.constant 14 : i32
    %rem3A = arith.constant 14 : i32
    %rem3A_92 = arith.constant 2 : i32
    %rem3A_93 = arith.remsi %rem3A, %rem3A_92 : i32
    %dma_wait3A_94 = arith.constant 0 : i32
    %dma_wait3A_95 = arith.constant 0 : i32
    %dma_wait3A_96 = tpu.memref_slice %arg6[%rem3A_93, %dma_wait3A_94, %dma_wait3A_95] : memref<2x1600x32xf32, #tpu.memory_space<vmem>> -> memref<1x1600x32xf32, #tpu.memory_space<vmem>>
    %dma_wait3A_97 = tpu.memref_squeeze %dma_wait3A_96 : memref<1x1600x32xf32, #tpu.memory_space<vmem>> -> memref<1600x32xf32, #tpu.memory_space<vmem>>
    %dma_wait3A_98 = arith.constant 0 : i32
    %dma_wait3A_99 = arith.constant 0 : i32
    %dma_wait3A_100 = tpu.memref_slice %arg2[%dma_wait3A_98, %dma_wait3A_99] : memref<1000000x32xf32, #tpu.memory_space<hbm>> -> memref<1600x32xf32, #tpu.memory_space<hbm>>
    %dma_wait3A_101 = tpu.memref_slice %arg8[%rem3A_93] : memref<2x!tpu.dma_semaphore, #tpu.memory_space<semaphore_mem>> -> memref<1x!tpu.dma_semaphore, #tpu.memory_space<semaphore_mem>>
    %dma_wait3A_102 = tpu.memref_squeeze %dma_wait3A_101 : memref<1x!tpu.dma_semaphore, #tpu.memory_space<semaphore_mem>> -> memref<!tpu.dma_semaphore, #tpu.memory_space<semaphore_mem>>
    %dma_wait3A_103 = arith.constant 0 : i32
    %dma_wait3A_104 = arith.constant 0 : i32
    %dma_wait3A_105 = tpu.memref_slice %arg6[%rem3A_93, %dma_wait3A_103, %dma_wait3A_104] : memref<2x1600x32xf32, #tpu.memory_space<vmem>> -> memref<1x1600x32xf32, #tpu.memory_space<vmem>>
    %dma_wait3A_106 = tpu.memref_squeeze %dma_wait3A_105 : memref<1x1600x32xf32, #tpu.memory_space<vmem>> -> memref<1600x32xf32, #tpu.memory_space<vmem>>
    %dma_wait3A_107 = arith.constant 0 : i32
    %dma_wait3A_108 = arith.constant 0 : i32
    %dma_wait3A_109 = tpu.memref_slice %arg2[%dma_wait3A_107, %dma_wait3A_108] : memref<1000000x32xf32, #tpu.memory_space<hbm>> -> memref<1600x32xf32, #tpu.memory_space<hbm>>
    tpu.wait_dma2 semaphore(%dma_wait3A_102 : memref<!tpu.dma_semaphore, #tpu.memory_space<semaphore_mem>>) src(%dma_wait3A_109 : memref<1600x32xf32, #tpu.memory_space<hbm>>) dst(%dma_wait3A_106 : memref<1600x32xf32, #tpu.memory_space<vmem>>)
    %add3A_110 = arith.constant 448 : i32
    %add3A_111 = arith.addi %mul3A_2, %add3A_110 : i32
    %add3A_112 = arith.constant 0 : i32
    %add3A_113 = arith.addi %add3A_111, %add3A_112 : i32
    %dma_start3A_114 = arith.constant 0 : i32
    %dma_start3A_115 = arith.constant 0 : i32
    %dma_start3A_116 = tpu.memref_slice %arg6[%rem3A_93, %dma_start3A_114, %dma_start3A_115] : memref<2x1600x32xf32, #tpu.memory_space<vmem>> -> memref<1x50x32xf32, #tpu.memory_space<vmem>>
    %dma_start3A_117 = tpu.memref_squeeze %dma_start3A_116 : memref<1x50x32xf32, #tpu.memory_space<vmem>> -> memref<50x32xf32, #tpu.memory_space<vmem>>
    %dma_start3A_118 = arith.constant 0 : i32
    %dma_start3A_119 = arith.constant 0 : i32
    %dma_start3A_120 = tpu.memref_slice %arg4[%add3A_113, %dma_start3A_118, %dma_start3A_119] : memref<16384x50x32xf32, #tpu.memory_space<hbm>> -> memref<1x50x32xf32, #tpu.memory_space<hbm>>
    %dma_start3A_121 = tpu.memref_squeeze %dma_start3A_120 : memref<1x50x32xf32, #tpu.memory_space<hbm>> -> memref<50x32xf32, #tpu.memory_space<hbm>>
    %dma_start3A_122 = tpu.memref_slice %arg9[%rem3A_93] : memref<2x!tpu.dma_semaphore, #tpu.memory_space<semaphore_mem>> -> memref<1x!tpu.dma_semaphore, #tpu.memory_space<semaphore_mem>>
    %dma_start3A_123 = tpu.memref_squeeze %dma_start3A_122 : memref<1x!tpu.dma_semaphore, #tpu.memory_space<semaphore_mem>> -> memref<!tpu.dma_semaphore, #tpu.memory_space<semaphore_mem>>
    %dma_start3A_124 = arith.constant 0 : i32
    %dma_start3A_125 = arith.constant 0 : i32
    %dma_start3A_126 = tpu.memref_slice %arg4[%add3A_113, %dma_start3A_124, %dma_start3A_125] : memref<16384x50x32xf32, #tpu.memory_space<hbm>> -> memref<1x50x32xf32, #tpu.memory_space<hbm>>
    %dma_start3A_127 = tpu.memref_squeeze %dma_start3A_126 : memref<1x50x32xf32, #tpu.memory_space<hbm>> -> memref<50x32xf32, #tpu.memory_space<hbm>>
    %dma_start3A_128 = arith.constant 0 : i32
    %dma_start3A_129 = arith.constant 0 : i32
    %dma_start3A_130 = tpu.memref_slice %arg6[%rem3A_93, %dma_start3A_128, %dma_start3A_129] : memref<2x1600x32xf32, #tpu.memory_space<vmem>> -> memref<1x50x32xf32, #tpu.memory_space<vmem>>
    %dma_start3A_131 = tpu.memref_squeeze %dma_start3A_130 : memref<1x50x32xf32, #tpu.memory_space<vmem>> -> memref<50x32xf32, #tpu.memory_space<vmem>>
    tpu.enqueue_dma source(%dma_start3A_131 : memref<50x32xf32, #tpu.memory_space<vmem>>) target(%dma_start3A_127 : memref<50x32xf32, #tpu.memory_space<hbm>>) target_semaphore(%dma_start3A_123 : memref<!tpu.dma_semaphore, #tpu.memory_space<semaphore_mem>>)
    %add3A_132 = arith.constant 1 : i32
    %add3A_133 = arith.addi %add3A_111, %add3A_132 : i32
    %dma_start3A_134 = arith.constant 50 : i32
    %dma_start3A_135 = arith.constant 0 : i32
    %dma_start3A_136 = tpu.memref_slice %arg6[%rem3A_93, %dma_start3A_134, %dma_start3A_135] : memref<2x1600x32xf32, #tpu.memory_space<vmem>> -> memref<1x50x32xf32, #tpu.memory_space<vmem>>
    %dma_start3A_137 = tpu.memref_squeeze %dma_start3A_136 : memref<1x50x32xf32, #tpu.memory_space<vmem>> -> memref<50x32xf32, #tpu.memory_space<vmem>>
    %dma_start3A_138 = arith.constant 0 : i32
    %dma_start3A_139 = arith.constant 0 : i32
    %dma_start3A_140 = tpu.memref_slice %arg4[%add3A_133, %dma_start3A_138, %dma_start3A_139] : memref<16384x50x32xf32, #tpu.memory_space<hbm>> -> memref<1x50x32xf32, #tpu.memory_space<hbm>>
    %dma_start3A_141 = tpu.memref_squeeze %dma_start3A_140 : memref<1x50x32xf32, #tpu.memory_space<hbm>> -> memref<50x32xf32, #tpu.memory_space<hbm>>
    %dma_start3A_142 = tpu.memref_slice %arg9[%rem3A_93] : memref<2x!tpu.dma_semaphore, #tpu.memory_space<semaphore_mem>> -> memref<1x!tpu.dma_semaphore, #tpu.memory_space<semaphore_mem>>
    %dma_start3A_143 = tpu.memref_squeeze %dma_start3A_142 : memref<1x!tpu.dma_semaphore, #tpu.memory_space<semaphore_mem>> -> memref<!tpu.dma_semaphore, #tpu.memory_space<semaphore_mem>>
    %dma_start3A_144 = arith.constant 0 : i32
    %dma_start3A_145 = arith.constant 0 : i32
    %dma_start3A_146 = tpu.memref_slice %arg4[%add3A_133, %dma_start3A_144, %dma_start3A_145] : memref<16384x50x32xf32, #tpu.memory_space<hbm>> -> memref<1x50x32xf32, #tpu.memory_space<hbm>>
    %dma_start3A_147 = tpu.memref_squeeze %dma_start3A_146 : memref<1x50x32xf32, #tpu.memory_space<hbm>> -> memref<50x32xf32, #tpu.memory_space<hbm>>
    %dma_start3A_148 = arith.constant 50 : i32
    %dma_start3A_149 = arith.constant 0 : i32
    %dma_start3A_150 = tpu.memref_slice %arg6[%rem3A_93, %dma_start3A_148, %dma_start3A_149] : memref<2x1600x32xf32, #tpu.memory_space<vmem>> -> memref<1x50x32xf32, #tpu.memory_space<vmem>>
    %dma_start3A_151 = tpu.memref_squeeze %dma_start3A_150 : memref<1x50x32xf32, #tpu.memory_space<vmem>> -> memref<50x32xf32, #tpu.memory_space<vmem>>
    tpu.enqueue_dma source(%dma_start3A_151 : memref<50x32xf32, #tpu.memory_space<vmem>>) target(%dma_start3A_147 : memref<50x32xf32, #tpu.memory_space<hbm>>) target_semaphore(%dma_start3A_143 : memref<!tpu.dma_semaphore, #tpu.memory_space<semaphore_mem>>)
    %add3A_152 = arith.constant 2 : i32
    %add3A_153 = arith.addi %add3A_111, %add3A_152 : i32
    %dma_start3A_154 = arith.constant 100 : i32
    %dma_start3A_155 = arith.constant 0 : i32
    %dma_start3A_156 = tpu.memref_slice %arg6[%rem3A_93, %dma_start3A_154, %dma_start3A_155] : memref<2x1600x32xf32, #tpu.memory_space<vmem>> -> memref<1x50x32xf32, #tpu.memory_space<vmem>>
    %dma_start3A_157 = tpu.memref_squeeze %dma_start3A_156 : memref<1x50x32xf32, #tpu.memory_space<vmem>> -> memref<50x32xf32, #tpu.memory_space<vmem>>
    %dma_start3A_158 = arith.constant 0 : i32
    %dma_start3A_159 = arith.constant 0 : i32
    %dma_start3A_160 = tpu.memref_slice %arg4[%add3A_153, %dma_start3A_158, %dma_start3A_159] : memref<16384x50x32xf32, #tpu.memory_space<hbm>> -> memref<1x50x32xf32, #tpu.memory_space<hbm>>
    %dma_start3A_161 = tpu.memref_squeeze %dma_start3A_160 : memref<1x50x32xf32, #tpu.memory_space<hbm>> -> memref<50x32xf32, #tpu.memory_space<hbm>>
    %dma_start3A_162 = tpu.memref_slice %arg9[%rem3A_93] : memref<2x!tpu.dma_semaphore, #tpu.memory_space<semaphore_mem>> -> memref<1x!tpu.dma_semaphore, #tpu.memory_space<semaphore_mem>>
    %dma_start3A_163 = tpu.memref_squeeze %dma_start3A_162 : memref<1x!tpu.dma_semaphore, #tpu.memory_space<semaphore_mem>> -> memref<!tpu.dma_semaphore, #tpu.memory_space<semaphore_mem>>
    %dma_start3A_164 = arith.constant 0 : i32
    %dma_start3A_165 = arith.constant 0 : i32
    %dma_start3A_166 = tpu.memref_slice %arg4[%add3A_153, %dma_start3A_164, %dma_start3A_165] : memref<16384x50x32xf32, #tpu.memory_space<hbm>> -> memref<1x50x32xf32, #tpu.memory_space<hbm>>
    %dma_start3A_167 = tpu.memref_squeeze %dma_start3A_166 : memref<1x50x32xf32, #tpu.memory_space<hbm>> -> memref<50x32xf32, #tpu.memory_space<hbm>>
    %dma_start3A_168 = arith.constant 100 : i32
    %dma_start3A_169 = arith.constant 0 : i32
    %dma_start3A_170 = tpu.memref_slice %arg6[%rem3A_93, %dma_start3A_168, %dma_start3A_169] : memref<2x1600x32xf32, #tpu.memory_space<vmem>> -> memref<1x50x32xf32, #tpu.memory_space<vmem>>
    %dma_start3A_171 = tpu.memref_squeeze %dma_start3A_170 : memref<1x50x32xf32, #tpu.memory_space<vmem>> -> memref<50x32xf32, #tpu.memory_space<vmem>>
    tpu.enqueue_dma source(%dma_start3A_171 : memref<50x32xf32, #tpu.memory_space<vmem>>) target(%dma_start3A_167 : memref<50x32xf32, #tpu.memory_space<hbm>>) target_semaphore(%dma_start3A_163 : memref<!tpu.dma_semaphore, #tpu.memory_space<semaphore_mem>>)
    %add3A_172 = arith.constant 3 : i32
    %add3A_173 = arith.addi %add3A_111, %add3A_172 : i32
    %dma_start3A_174 = arith.constant 150 : i32
    %dma_start3A_175 = arith.constant 0 : i32
    %dma_start3A_176 = tpu.memref_slice %arg6[%rem3A_93, %dma_start3A_174, %dma_start3A_175] : memref<2x1600x32xf32, #tpu.memory_space<vmem>> -> memref<1x50x32xf32, #tpu.memory_space<vmem>>
    %dma_start3A_177 = tpu.memref_squeeze %dma_start3A_176 : memref<1x50x32xf32, #tpu.memory_space<vmem>> -> memref<50x32xf32, #tpu.memory_space<vmem>>
    %dma_start3A_178 = arith.constant 0 : i32
    %dma_start3A_179 = arith.constant 0 : i32
    %dma_start3A_180 = tpu.memref_slice %arg4[%add3A_173, %dma_start3A_178, %dma_start3A_179] : memref<16384x50x32xf32, #tpu.memory_space<hbm>> -> memref<1x50x32xf32, #tpu.memory_space<hbm>>
    %dma_start3A_181 = tpu.memref_squeeze %dma_start3A_180 : memref<1x50x32xf32, #tpu.memory_space<hbm>> -> memref<50x32xf32, #tpu.memory_space<hbm>>
    %dma_start3A_182 = tpu.memref_slice %arg9[%rem3A_93] : memref<2x!tpu.dma_semaphore, #tpu.memory_space<semaphore_mem>> -> memref<1x!tpu.dma_semaphore, #tpu.memory_space<semaphore_mem>>
    %dma_start3A_183 = tpu.memref_squeeze %dma_start3A_182 : memref<1x!tpu.dma_semaphore, #tpu.memory_space<semaphore_mem>> -> memref<!tpu.dma_semaphore, #tpu.memory_space<semaphore_mem>>
    %dma_start3A_184 = arith.constant 0 : i32
    %dma_start3A_185 = arith.constant 0 : i32
    %dma_start3A_186 = tpu.memref_slice %arg4[%add3A_173, %dma_start3A_184, %dma_start3A_185] : memref<16384x50x32xf32, #tpu.memory_space<hbm>> -> memref<1x50x32xf32, #tpu.memory_space<hbm>>
    %dma_start3A_187 = tpu.memref_squeeze %dma_start3A_186 : memref<1x50x32xf32, #tpu.memory_space<hbm>> -> memref<50x32xf32, #tpu.memory_space<hbm>>
    %dma_start3A_188 = arith.constant 150 : i32
    %dma_start3A_189 = arith.constant 0 : i32
    %dma_start3A_190 = tpu.memref_slice %arg6[%rem3A_93, %dma_start3A_188, %dma_start3A_189] : memref<2x1600x32xf32, #tpu.memory_space<vmem>> -> memref<1x50x32xf32, #tpu.memory_space<vmem>>
    %dma_start3A_191 = tpu.memref_squeeze %dma_start3A_190 : memref<1x50x32xf32, #tpu.memory_space<vmem>> -> memref<50x32xf32, #tpu.memory_space<vmem>>
    tpu.enqueue_dma source(%dma_start3A_191 : memref<50x32xf32, #tpu.memory_space<vmem>>) target(%dma_start3A_187 : memref<50x32xf32, #tpu.memory_space<hbm>>) target_semaphore(%dma_start3A_183 : memref<!tpu.dma_semaphore, #tpu.memory_space<semaphore_mem>>)
    %add3A_192 = arith.constant 4 : i32
    %add3A_193 = arith.addi %add3A_111, %add3A_192 : i32
    %dma_start3A_194 = arith.constant 200 : i32
    %dma_start3A_195 = arith.constant 0 : i32
    %dma_start3A_196 = tpu.memref_slice %arg6[%rem3A_93, %dma_start3A_194, %dma_start3A_195] : memref<2x1600x32xf32, #tpu.memory_space<vmem>> -> memref<1x50x32xf32, #tpu.memory_space<vmem>>
    %dma_start3A_197 = tpu.memref_squeeze %dma_start3A_196 : memref<1x50x32xf32, #tpu.memory_space<vmem>> -> memref<50x32xf32, #tpu.memory_space<vmem>>
    %dma_start3A_198 = arith.constant 0 : i32
    %dma_start3A_199 = arith.constant 0 : i32
    %dma_start3A_200 = tpu.memref_slice %arg4[%add3A_193, %dma_start3A_198, %dma_start3A_199] : memref<16384x50x32xf32, #tpu.memory_space<hbm>> -> memref<1x50x32xf32, #tpu.memory_space<hbm>>
    %dma_start3A_201 = tpu.memref_squeeze %dma_start3A_200 : memref<1x50x32xf32, #tpu.memory_space<hbm>> -> memref<50x32xf32, #tpu.memory_space<hbm>>
    %dma_start3A_202 = tpu.memref_slice %arg9[%rem3A_93] : memref<2x!tpu.dma_semaphore, #tpu.memory_space<semaphore_mem>> -> memref<1x!tpu.dma_semaphore, #tpu.memory_space<semaphore_mem>>
    %dma_start3A_203 = tpu.memref_squeeze %dma_start3A_202 : memref<1x!tpu.dma_semaphore, #tpu.memory_space<semaphore_mem>> -> memref<!tpu.dma_semaphore, #tpu.memory_space<semaphore_mem>>
    %dma_start3A_204 = arith.constant 0 : i32
    %dma_start3A_205 = arith.constant 0 : i32
    %dma_start3A_206 = tpu.memref_slice %arg4[%add3A_193, %dma_start3A_204, %dma_start3A_205] : memref<16384x50x32xf32, #tpu.memory_space<hbm>> -> memref<1x50x32xf32, #tpu.memory_space<hbm>>
    %dma_start3A_207 = tpu.memref_squeeze %dma_start3A_206 : memref<1x50x32xf32, #tpu.memory_space<hbm>> -> memref<50x32xf32, #tpu.memory_space<hbm>>
    %dma_start3A_208 = arith.constant 200 : i32
    %dma_start3A_209 = arith.constant 0 : i32
    %dma_start3A_210 = tpu.memref_slice %arg6[%rem3A_93, %dma_start3A_208, %dma_start3A_209] : memref<2x1600x32xf32, #tpu.memory_space<vmem>> -> memref<1x50x32xf32, #tpu.memory_space<vmem>>
    %dma_start3A_211 = tpu.memref_squeeze %dma_start3A_210 : memref<1x50x32xf32, #tpu.memory_space<vmem>> -> memref<50x32xf32, #tpu.memory_space<vmem>>
    tpu.enqueue_dma source(%dma_start3A_211 : memref<50x32xf32, #tpu.memory_space<vmem>>) target(%dma_start3A_207 : memref<50x32xf32, #tpu.memory_space<hbm>>) target_semaphore(%dma_start3A_203 : memref<!tpu.dma_semaphore, #tpu.memory_space<semaphore_mem>>)
    %add3A_212 = arith.constant 5 : i32
    %add3A_213 = arith.addi %add3A_111, %add3A_212 : i32
    %dma_start3A_214 = arith.constant 250 : i32
    %dma_start3A_215 = arith.constant 0 : i32
    %dma_start3A_216 = tpu.memref_slice %arg6[%rem3A_93, %dma_start3A_214, %dma_start3A_215] : memref<2x1600x32xf32, #tpu.memory_space<vmem>> -> memref<1x50x32xf32, #tpu.memory_space<vmem>>
    %dma_start3A_217 = tpu.memref_squeeze %dma_start3A_216 : memref<1x50x32xf32, #tpu.memory_space<vmem>> -> memref<50x32xf32, #tpu.memory_space<vmem>>
    %dma_start3A_218 = arith.constant 0 : i32
    %dma_start3A_219 = arith.constant 0 : i32
    %dma_start3A_220 = tpu.memref_slice %arg4[%add3A_213, %dma_start3A_218, %dma_start3A_219] : memref<16384x50x32xf32, #tpu.memory_space<hbm>> -> memref<1x50x32xf32, #tpu.memory_space<hbm>>
    %dma_start3A_221 = tpu.memref_squeeze %dma_start3A_220 : memref<1x50x32xf32, #tpu.memory_space<hbm>> -> memref<50x32xf32, #tpu.memory_space<hbm>>
    %dma_start3A_222 = tpu.memref_slice %arg9[%rem3A_93] : memref<2x!tpu.dma_semaphore, #tpu.memory_space<semaphore_mem>> -> memref<1x!tpu.dma_semaphore, #tpu.memory_space<semaphore_mem>>
    %dma_start3A_223 = tpu.memref_squeeze %dma_start3A_222 : memref<1x!tpu.dma_semaphore, #tpu.memory_space<semaphore_mem>> -> memref<!tpu.dma_semaphore, #tpu.memory_space<semaphore_mem>>
    %dma_start3A_224 = arith.constant 0 : i32
    %dma_start3A_225 = arith.constant 0 : i32
    %dma_start3A_226 = tpu.memref_slice %arg4[%add3A_213, %dma_start3A_224, %dma_start3A_225] : memref<16384x50x32xf32, #tpu.memory_space<hbm>> -> memref<1x50x32xf32, #tpu.memory_space<hbm>>
    %dma_start3A_227 = tpu.memref_squeeze %dma_start3A_226 : memref<1x50x32xf32, #tpu.memory_space<hbm>> -> memref<50x32xf32, #tpu.memory_space<hbm>>
    %dma_start3A_228 = arith.constant 250 : i32
    %dma_start3A_229 = arith.constant 0 : i32
    %dma_start3A_230 = tpu.memref_slice %arg6[%rem3A_93, %dma_start3A_228, %dma_start3A_229] : memref<2x1600x32xf32, #tpu.memory_space<vmem>> -> memref<1x50x32xf32, #tpu.memory_space<vmem>>
    %dma_start3A_231 = tpu.memref_squeeze %dma_start3A_230 : memref<1x50x32xf32, #tpu.memory_space<vmem>> -> memref<50x32xf32, #tpu.memory_space<vmem>>
    tpu.enqueue_dma source(%dma_start3A_231 : memref<50x32xf32, #tpu.memory_space<vmem>>) target(%dma_start3A_227 : memref<50x32xf32, #tpu.memory_space<hbm>>) target_semaphore(%dma_start3A_223 : memref<!tpu.dma_semaphore, #tpu.memory_space<semaphore_mem>>)
    %add3A_232 = arith.constant 6 : i32
    %add3A_233 = arith.addi %add3A_111, %add3A_232 : i32
    %dma_start3A_234 = arith.constant 300 : i32
    %dma_start3A_235 = arith.constant 0 : i32
    %dma_start3A_236 = tpu.memref_slice %arg6[%rem3A_93, %dma_start3A_234, %dma_start3A_235] : memref<2x1600x32xf32, #tpu.memory_space<vmem>> -> memref<1x50x32xf32, #tpu.memory_space<vmem>>
    %dma_start3A_237 = tpu.memref_squeeze %dma_start3A_236 : memref<1x50x32xf32, #tpu.memory_space<vmem>> -> memref<50x32xf32, #tpu.memory_space<vmem>>
    %dma_start3A_238 = arith.constant 0 : i32
    %dma_start3A_239 = arith.constant 0 : i32
    %dma_start3A_240 = tpu.memref_slice %arg4[%add3A_233, %dma_start3A_238, %dma_start3A_239] : memref<16384x50x32xf32, #tpu.memory_space<hbm>> -> memref<1x50x32xf32, #tpu.memory_space<hbm>>
    %dma_start3A_241 = tpu.memref_squeeze %dma_start3A_240 : memref<1x50x32xf32, #tpu.memory_space<hbm>> -> memref<50x32xf32, #tpu.memory_space<hbm>>
    %dma_start3A_242 = tpu.memref_slice %arg9[%rem3A_93] : memref<2x!tpu.dma_semaphore, #tpu.memory_space<semaphore_mem>> -> memref<1x!tpu.dma_semaphore, #tpu.memory_space<semaphore_mem>>
    %dma_start3A_243 = tpu.memref_squeeze %dma_start3A_242 : memref<1x!tpu.dma_semaphore, #tpu.memory_space<semaphore_mem>> -> memref<!tpu.dma_semaphore, #tpu.memory_space<semaphore_mem>>
    %dma_start3A_244 = arith.constant 0 : i32
    %dma_start3A_245 = arith.constant 0 : i32
    %dma_start3A_246 = tpu.memref_slice %arg4[%add3A_233, %dma_start3A_244, %dma_start3A_245] : memref<16384x50x32xf32, #tpu.memory_space<hbm>> -> memref<1x50x32xf32, #tpu.memory_space<hbm>>
    %dma_start3A_247 = tpu.memref_squeeze %dma_start3A_246 : memref<1x50x32xf32, #tpu.memory_space<hbm>> -> memref<50x32xf32, #tpu.memory_space<hbm>>
    %dma_start3A_248 = arith.constant 300 : i32
    %dma_start3A_249 = arith.constant 0 : i32
    %dma_start3A_250 = tpu.memref_slice %arg6[%rem3A_93, %dma_start3A_248, %dma_start3A_249] : memref<2x1600x32xf32, #tpu.memory_space<vmem>> -> memref<1x50x32xf32, #tpu.memory_space<vmem>>
    %dma_start3A_251 = tpu.memref_squeeze %dma_start3A_250 : memref<1x50x32xf32, #tpu.memory_space<vmem>> -> memref<50x32xf32, #tpu.memory_space<vmem>>
    tpu.enqueue_dma source(%dma_start3A_251 : memref<50x32xf32, #tpu.memory_space<vmem>>) target(%dma_start3A_247 : memref<50x32xf32, #tpu.memory_space<hbm>>) target_semaphore(%dma_start3A_243 : memref<!tpu.dma_semaphore, #tpu.memory_space<semaphore_mem>>)
    %add3A_252 = arith.constant 7 : i32
    %add3A_253 = arith.addi %add3A_111, %add3A_252 : i32
    %dma_start3A_254 = arith.constant 350 : i32
    %dma_start3A_255 = arith.constant 0 : i32
    %dma_start3A_256 = tpu.memref_slice %arg6[%rem3A_93, %dma_start3A_254, %dma_start3A_255] : memref<2x1600x32xf32, #tpu.memory_space<vmem>> -> memref<1x50x32xf32, #tpu.memory_space<vmem>>
    %dma_start3A_257 = tpu.memref_squeeze %dma_start3A_256 : memref<1x50x32xf32, #tpu.memory_space<vmem>> -> memref<50x32xf32, #tpu.memory_space<vmem>>
    %dma_start3A_258 = arith.constant 0 : i32
    %dma_start3A_259 = arith.constant 0 : i32
    %dma_start3A_260 = tpu.memref_slice %arg4[%add3A_253, %dma_start3A_258, %dma_start3A_259] : memref<16384x50x32xf32, #tpu.memory_space<hbm>> -> memref<1x50x32xf32, #tpu.memory_space<hbm>>
    %dma_start3A_261 = tpu.memref_squeeze %dma_start3A_260 : memref<1x50x32xf32, #tpu.memory_space<hbm>> -> memref<50x32xf32, #tpu.memory_space<hbm>>
    %dma_start3A_262 = tpu.memref_slice %arg9[%rem3A_93] : memref<2x!tpu.dma_semaphore, #tpu.memory_space<semaphore_mem>> -> memref<1x!tpu.dma_semaphore, #tpu.memory_space<semaphore_mem>>
    %dma_start3A_263 = tpu.memref_squeeze %dma_start3A_262 : memref<1x!tpu.dma_semaphore, #tpu.memory_space<semaphore_mem>> -> memref<!tpu.dma_semaphore, #tpu.memory_space<semaphore_mem>>
    %dma_start3A_264 = arith.constant 0 : i32
    %dma_start3A_265 = arith.constant 0 : i32
    %dma_start3A_266 = tpu.memref_slice %arg4[%add3A_253, %dma_start3A_264, %dma_start3A_265] : memref<16384x50x32xf32, #tpu.memory_space<hbm>> -> memref<1x50x32xf32, #tpu.memory_space<hbm>>
    %dma_start3A_267 = tpu.memref_squeeze %dma_start3A_266 : memref<1x50x32xf32, #tpu.memory_space<hbm>> -> memref<50x32xf32, #tpu.memory_space<hbm>>
    %dma_start3A_268 = arith.constant 350 : i32
    %dma_start3A_269 = arith.constant 0 : i32
    %dma_start3A_270 = tpu.memref_slice %arg6[%rem3A_93, %dma_start3A_268, %dma_start3A_269] : memref<2x1600x32xf32, #tpu.memory_space<vmem>> -> memref<1x50x32xf32, #tpu.memory_space<vmem>>
    %dma_start3A_271 = tpu.memref_squeeze %dma_start3A_270 : memref<1x50x32xf32, #tpu.memory_space<vmem>> -> memref<50x32xf32, #tpu.memory_space<vmem>>
    tpu.enqueue_dma source(%dma_start3A_271 : memref<50x32xf32, #tpu.memory_space<vmem>>) target(%dma_start3A_267 : memref<50x32xf32, #tpu.memory_space<hbm>>) target_semaphore(%dma_start3A_263 : memref<!tpu.dma_semaphore, #tpu.memory_space<semaphore_mem>>)
    %add3A_272 = arith.constant 8 : i32
    %add3A_273 = arith.addi %add3A_111, %add3A_272 : i32
    %dma_start3A_274 = arith.constant 400 : i32
    %dma_start3A_275 = arith.constant 0 : i32
    %dma_start3A_276 = tpu.memref_slice %arg6[%rem3A_93, %dma_start3A_274, %dma_start3A_275] : memref<2x1600x32xf32, #tpu.memory_space<vmem>> -> memref<1x50x32xf32, #tpu.memory_space<vmem>>
    %dma_start3A_277 = tpu.memref_squeeze %dma_start3A_276 : memref<1x50x32xf32, #tpu.memory_space<vmem>> -> memref<50x32xf32, #tpu.memory_space<vmem>>
    %dma_start3A_278 = arith.constant 0 : i32
    %dma_start3A_279 = arith.constant 0 : i32
    %dma_start3A_280 = tpu.memref_slice %arg4[%add3A_273, %dma_start3A_278, %dma_start3A_279] : memref<16384x50x32xf32, #tpu.memory_space<hbm>> -> memref<1x50x32xf32, #tpu.memory_space<hbm>>
    %dma_start3A_281 = tpu.memref_squeeze %dma_start3A_280 : memref<1x50x32xf32, #tpu.memory_space<hbm>> -> memref<50x32xf32, #tpu.memory_space<hbm>>
    %dma_start3A_282 = tpu.memref_slice %arg9[%rem3A_93] : memref<2x!tpu.dma_semaphore, #tpu.memory_space<semaphore_mem>> -> memref<1x!tpu.dma_semaphore, #tpu.memory_space<semaphore_mem>>
    %dma_start3A_283 = tpu.memref_squeeze %dma_start3A_282 : memref<1x!tpu.dma_semaphore, #tpu.memory_space<semaphore_mem>> -> memref<!tpu.dma_semaphore, #tpu.memory_space<semaphore_mem>>
    %dma_start3A_284 = arith.constant 0 : i32
    %dma_start3A_285 = arith.constant 0 : i32
    %dma_start3A_286 = tpu.memref_slice %arg4[%add3A_273, %dma_start3A_284, %dma_start3A_285] : memref<16384x50x32xf32, #tpu.memory_space<hbm>> -> memref<1x50x32xf32, #tpu.memory_space<hbm>>
    %dma_start3A_287 = tpu.memref_squeeze %dma_start3A_286 : memref<1x50x32xf32, #tpu.memory_space<hbm>> -> memref<50x32xf32, #tpu.memory_space<hbm>>
    %dma_start3A_288 = arith.constant 400 : i32
    %dma_start3A_289 = arith.constant 0 : i32
    %dma_start3A_290 = tpu.memref_slice %arg6[%rem3A_93, %dma_start3A_288, %dma_start3A_289] : memref<2x1600x32xf32, #tpu.memory_space<vmem>> -> memref<1x50x32xf32, #tpu.memory_space<vmem>>
    %dma_start3A_291 = tpu.memref_squeeze %dma_start3A_290 : memref<1x50x32xf32, #tpu.memory_space<vmem>> -> memref<50x32xf32, #tpu.memory_space<vmem>>
    tpu.enqueue_dma source(%dma_start3A_291 : memref<50x32xf32, #tpu.memory_space<vmem>>) target(%dma_start3A_287 : memref<50x32xf32, #tpu.memory_space<hbm>>) target_semaphore(%dma_start3A_283 : memref<!tpu.dma_semaphore, #tpu.memory_space<semaphore_mem>>)
    %add3A_292 = arith.constant 9 : i32
    %add3A_293 = arith.addi %add3A_111, %add3A_292 : i32
    %dma_start3A_294 = arith.constant 450 : i32
    %dma_start3A_295 = arith.constant 0 : i32
    %dma_start3A_296 = tpu.memref_slice %arg6[%rem3A_93, %dma_start3A_294, %dma_start3A_295] : memref<2x1600x32xf32, #tpu.memory_space<vmem>> -> memref<1x50x32xf32, #tpu.memory_space<vmem>>
    %dma_start3A_297 = tpu.memref_squeeze %dma_start3A_296 : memref<1x50x32xf32, #tpu.memory_space<vmem>> -> memref<50x32xf32, #tpu.memory_space<vmem>>
    %dma_start3A_298 = arith.constant 0 : i32
    %dma_start3A_299 = arith.constant 0 : i32
    %dma_start3A_300 = tpu.memref_slice %arg4[%add3A_293, %dma_start3A_298, %dma_start3A_299] : memref<16384x50x32xf32, #tpu.memory_space<hbm>> -> memref<1x50x32xf32, #tpu.memory_space<hbm>>
    %dma_start3A_301 = tpu.memref_squeeze %dma_start3A_300 : memref<1x50x32xf32, #tpu.memory_space<hbm>> -> memref<50x32xf32, #tpu.memory_space<hbm>>
    %dma_start3A_302 = tpu.memref_slice %arg9[%rem3A_93] : memref<2x!tpu.dma_semaphore, #tpu.memory_space<semaphore_mem>> -> memref<1x!tpu.dma_semaphore, #tpu.memory_space<semaphore_mem>>
    %dma_start3A_303 = tpu.memref_squeeze %dma_start3A_302 : memref<1x!tpu.dma_semaphore, #tpu.memory_space<semaphore_mem>> -> memref<!tpu.dma_semaphore, #tpu.memory_space<semaphore_mem>>
    %dma_start3A_304 = arith.constant 0 : i32
    %dma_start3A_305 = arith.constant 0 : i32
    %dma_start3A_306 = tpu.memref_slice %arg4[%add3A_293, %dma_start3A_304, %dma_start3A_305] : memref<16384x50x32xf32, #tpu.memory_space<hbm>> -> memref<1x50x32xf32, #tpu.memory_space<hbm>>
    %dma_start3A_307 = tpu.memref_squeeze %dma_start3A_306 : memref<1x50x32xf32, #tpu.memory_space<hbm>> -> memref<50x32xf32, #tpu.memory_space<hbm>>
    %dma_start3A_308 = arith.constant 450 : i32
    %dma_start3A_309 = arith.constant 0 : i32
    %dma_start3A_310 = tpu.memref_slice %arg6[%rem3A_93, %dma_start3A_308, %dma_start3A_309] : memref<2x1600x32xf32, #tpu.memory_space<vmem>> -> memref<1x50x32xf32, #tpu.memory_space<vmem>>
    %dma_start3A_311 = tpu.memref_squeeze %dma_start3A_310 : memref<1x50x32xf32, #tpu.memory_space<vmem>> -> memref<50x32xf32, #tpu.memory_space<vmem>>
    tpu.enqueue_dma source(%dma_start3A_311 : memref<50x32xf32, #tpu.memory_space<vmem>>) target(%dma_start3A_307 : memref<50x32xf32, #tpu.memory_space<hbm>>) target_semaphore(%dma_start3A_303 : memref<!tpu.dma_semaphore, #tpu.memory_space<semaphore_mem>>)
    %add3A_312 = arith.constant 10 : i32
    %add3A_313 = arith.addi %add3A_111, %add3A_312 : i32
    %dma_start3A_314 = arith.constant 500 : i32
    %dma_start3A_315 = arith.constant 0 : i32
    %dma_start3A_316 = tpu.memref_slice %arg6[%rem3A_93, %dma_start3A_314, %dma_start3A_315] : memref<2x1600x32xf32, #tpu.memory_space<vmem>> -> memref<1x50x32xf32, #tpu.memory_space<vmem>>
    %dma_start3A_317 = tpu.memref_squeeze %dma_start3A_316 : memref<1x50x32xf32, #tpu.memory_space<vmem>> -> memref<50x32xf32, #tpu.memory_space<vmem>>
    %dma_start3A_318 = arith.constant 0 : i32
    %dma_start3A_319 = arith.constant 0 : i32
    %dma_start3A_320 = tpu.memref_slice %arg4[%add3A_313, %dma_start3A_318, %dma_start3A_319] : memref<16384x50x32xf32, #tpu.memory_space<hbm>> -> memref<1x50x32xf32, #tpu.memory_space<hbm>>
    %dma_start3A_321 = tpu.memref_squeeze %dma_start3A_320 : memref<1x50x32xf32, #tpu.memory_space<hbm>> -> memref<50x32xf32, #tpu.memory_space<hbm>>
    %dma_start3A_322 = tpu.memref_slice %arg9[%rem3A_93] : memref<2x!tpu.dma_semaphore, #tpu.memory_space<semaphore_mem>> -> memref<1x!tpu.dma_semaphore, #tpu.memory_space<semaphore_mem>>
    %dma_start3A_323 = tpu.memref_squeeze %dma_start3A_322 : memref<1x!tpu.dma_semaphore, #tpu.memory_space<semaphore_mem>> -> memref<!tpu.dma_semaphore, #tpu.memory_space<semaphore_mem>>
    %dma_start3A_324 = arith.constant 0 : i32
    %dma_start3A_325 = arith.constant 0 : i32
    %dma_start3A_326 = tpu.memref_slice %arg4[%add3A_313, %dma_start3A_324, %dma_start3A_325] : memref<16384x50x32xf32, #tpu.memory_space<hbm>> -> memref<1x50x32xf32, #tpu.memory_space<hbm>>
    %dma_start3A_327 = tpu.memref_squeeze %dma_start3A_326 : memref<1x50x32xf32, #tpu.memory_space<hbm>> -> memref<50x32xf32, #tpu.memory_space<hbm>>
    %dma_start3A_328 = arith.constant 500 : i32
    %dma_start3A_329 = arith.constant 0 : i32
    %dma_start3A_330 = tpu.memref_slice %arg6[%rem3A_93, %dma_start3A_328, %dma_start3A_329] : memref<2x1600x32xf32, #tpu.memory_space<vmem>> -> memref<1x50x32xf32, #tpu.memory_space<vmem>>
    %dma_start3A_331 = tpu.memref_squeeze %dma_start3A_330 : memref<1x50x32xf32, #tpu.memory_space<vmem>> -> memref<50x32xf32, #tpu.memory_space<vmem>>
    tpu.enqueue_dma source(%dma_start3A_331 : memref<50x32xf32, #tpu.memory_space<vmem>>) target(%dma_start3A_327 : memref<50x32xf32, #tpu.memory_space<hbm>>) target_semaphore(%dma_start3A_323 : memref<!tpu.dma_semaphore, #tpu.memory_space<semaphore_mem>>)
    %add3A_332 = arith.constant 11 : i32
    %add3A_333 = arith.addi %add3A_111, %add3A_332 : i32
    %dma_start3A_334 = arith.constant 550 : i32
    %dma_start3A_335 = arith.constant 0 : i32
    %dma_start3A_336 = tpu.memref_slice %arg6[%rem3A_93, %dma_start3A_334, %dma_start3A_335] : memref<2x1600x32xf32, #tpu.memory_space<vmem>> -> memref<1x50x32xf32, #tpu.memory_space<vmem>>
    %dma_start3A_337 = tpu.memref_squeeze %dma_start3A_336 : memref<1x50x32xf32, #tpu.memory_space<vmem>> -> memref<50x32xf32, #tpu.memory_space<vmem>>
    %dma_start3A_338 = arith.constant 0 : i32
    %dma_start3A_339 = arith.constant 0 : i32
    %dma_start3A_340 = tpu.memref_slice %arg4[%add3A_333, %dma_start3A_338, %dma_start3A_339] : memref<16384x50x32xf32, #tpu.memory_space<hbm>> -> memref<1x50x32xf32, #tpu.memory_space<hbm>>
    %dma_start3A_341 = tpu.memref_squeeze %dma_start3A_340 : memref<1x50x32xf32, #tpu.memory_space<hbm>> -> memref<50x32xf32, #tpu.memory_space<hbm>>
    %dma_start3A_342 = tpu.memref_slice %arg9[%rem3A_93] : memref<2x!tpu.dma_semaphore, #tpu.memory_space<semaphore_mem>> -> memref<1x!tpu.dma_semaphore, #tpu.memory_space<semaphore_mem>>
    %dma_start3A_343 = tpu.memref_squeeze %dma_start3A_342 : memref<1x!tpu.dma_semaphore, #tpu.memory_space<semaphore_mem>> -> memref<!tpu.dma_semaphore, #tpu.memory_space<semaphore_mem>>
    %dma_start3A_344 = arith.constant 0 : i32
    %dma_start3A_345 = arith.constant 0 : i32
    %dma_start3A_346 = tpu.memref_slice %arg4[%add3A_333, %dma_start3A_344, %dma_start3A_345] : memref<16384x50x32xf32, #tpu.memory_space<hbm>> -> memref<1x50x32xf32, #tpu.memory_space<hbm>>
    %dma_start3A_347 = tpu.memref_squeeze %dma_start3A_346 : memref<1x50x32xf32, #tpu.memory_space<hbm>> -> memref<50x32xf32, #tpu.memory_space<hbm>>
    %dma_start3A_348 = arith.constant 550 : i32
    %dma_start3A_349 = arith.constant 0 : i32
    %dma_start3A_350 = tpu.memref_slice %arg6[%rem3A_93, %dma_start3A_348, %dma_start3A_349] : memref<2x1600x32xf32, #tpu.memory_space<vmem>> -> memref<1x50x32xf32, #tpu.memory_space<vmem>>
    %dma_start3A_351 = tpu.memref_squeeze %dma_start3A_350 : memref<1x50x32xf32, #tpu.memory_space<vmem>> -> memref<50x32xf32, #tpu.memory_space<vmem>>
    tpu.enqueue_dma source(%dma_start3A_351 : memref<50x32xf32, #tpu.memory_space<vmem>>) target(%dma_start3A_347 : memref<50x32xf32, #tpu.memory_space<hbm>>) target_semaphore(%dma_start3A_343 : memref<!tpu.dma_semaphore, #tpu.memory_space<semaphore_mem>>)
    %add3A_352 = arith.constant 12 : i32
    %add3A_353 = arith.addi %add3A_111, %add3A_352 : i32
    %dma_start3A_354 = arith.constant 600 : i32
    %dma_start3A_355 = arith.constant 0 : i32
    %dma_start3A_356 = tpu.memref_slice %arg6[%rem3A_93, %dma_start3A_354, %dma_start3A_355] : memref<2x1600x32xf32, #tpu.memory_space<vmem>> -> memref<1x50x32xf32, #tpu.memory_space<vmem>>
    %dma_start3A_357 = tpu.memref_squeeze %dma_start3A_356 : memref<1x50x32xf32, #tpu.memory_space<vmem>> -> memref<50x32xf32, #tpu.memory_space<vmem>>
    %dma_start3A_358 = arith.constant 0 : i32
    %dma_start3A_359 = arith.constant 0 : i32
    %dma_start3A_360 = tpu.memref_slice %arg4[%add3A_353, %dma_start3A_358, %dma_start3A_359] : memref<16384x50x32xf32, #tpu.memory_space<hbm>> -> memref<1x50x32xf32, #tpu.memory_space<hbm>>
    %dma_start3A_361 = tpu.memref_squeeze %dma_start3A_360 : memref<1x50x32xf32, #tpu.memory_space<hbm>> -> memref<50x32xf32, #tpu.memory_space<hbm>>
    %dma_start3A_362 = tpu.memref_slice %arg9[%rem3A_93] : memref<2x!tpu.dma_semaphore, #tpu.memory_space<semaphore_mem>> -> memref<1x!tpu.dma_semaphore, #tpu.memory_space<semaphore_mem>>
    %dma_start3A_363 = tpu.memref_squeeze %dma_start3A_362 : memref<1x!tpu.dma_semaphore, #tpu.memory_space<semaphore_mem>> -> memref<!tpu.dma_semaphore, #tpu.memory_space<semaphore_mem>>
    %dma_start3A_364 = arith.constant 0 : i32
    %dma_start3A_365 = arith.constant 0 : i32
    %dma_start3A_366 = tpu.memref_slice %arg4[%add3A_353, %dma_start3A_364, %dma_start3A_365] : memref<16384x50x32xf32, #tpu.memory_space<hbm>> -> memref<1x50x32xf32, #tpu.memory_space<hbm>>
    %dma_start3A_367 = tpu.memref_squeeze %dma_start3A_366 : memref<1x50x32xf32, #tpu.memory_space<hbm>> -> memref<50x32xf32, #tpu.memory_space<hbm>>
    %dma_start3A_368 = arith.constant 600 : i32
    %dma_start3A_369 = arith.constant 0 : i32
    %dma_start3A_370 = tpu.memref_slice %arg6[%rem3A_93, %dma_start3A_368, %dma_start3A_369] : memref<2x1600x32xf32, #tpu.memory_space<vmem>> -> memref<1x50x32xf32, #tpu.memory_space<vmem>>
    %dma_start3A_371 = tpu.memref_squeeze %dma_start3A_370 : memref<1x50x32xf32, #tpu.memory_space<vmem>> -> memref<50x32xf32, #tpu.memory_space<vmem>>
    tpu.enqueue_dma source(%dma_start3A_371 : memref<50x32xf32, #tpu.memory_space<vmem>>) target(%dma_start3A_367 : memref<50x32xf32, #tpu.memory_space<hbm>>) target_semaphore(%dma_start3A_363 : memref<!tpu.dma_semaphore, #tpu.memory_space<semaphore_mem>>)
    %add3A_372 = arith.constant 13 : i32
    %add3A_373 = arith.addi %add3A_111, %add3A_372 : i32
    %dma_start3A_374 = arith.constant 650 : i32
    %dma_start3A_375 = arith.constant 0 : i32
    %dma_start3A_376 = tpu.memref_slice %arg6[%rem3A_93, %dma_start3A_374, %dma_start3A_375] : memref<2x1600x32xf32, #tpu.memory_space<vmem>> -> memref<1x50x32xf32, #tpu.memory_space<vmem>>
    %dma_start3A_377 = tpu.memref_squeeze %dma_start3A_376 : memref<1x50x32xf32, #tpu.memory_space<vmem>> -> memref<50x32xf32, #tpu.memory_space<vmem>>
    %dma_start3A_378 = arith.constant 0 : i32
    %dma_start3A_379 = arith.constant 0 : i32
    %dma_start3A_380 = tpu.memref_slice %arg4[%add3A_373, %dma_start3A_378, %dma_start3A_379] : memref<16384x50x32xf32, #tpu.memory_space<hbm>> -> memref<1x50x32xf32, #tpu.memory_space<hbm>>
    %dma_start3A_381 = tpu.memref_squeeze %dma_start3A_380 : memref<1x50x32xf32, #tpu.memory_space<hbm>> -> memref<50x32xf32, #tpu.memory_space<hbm>>
    %dma_start3A_382 = tpu.memref_slice %arg9[%rem3A_93] : memref<2x!tpu.dma_semaphore, #tpu.memory_space<semaphore_mem>> -> memref<1x!tpu.dma_semaphore, #tpu.memory_space<semaphore_mem>>
    %dma_start3A_383 = tpu.memref_squeeze %dma_start3A_382 : memref<1x!tpu.dma_semaphore, #tpu.memory_space<semaphore_mem>> -> memref<!tpu.dma_semaphore, #tpu.memory_space<semaphore_mem>>
    %dma_start3A_384 = arith.constant 0 : i32
    %dma_start3A_385 = arith.constant 0 : i32
    %dma_start3A_386 = tpu.memref_slice %arg4[%add3A_373, %dma_start3A_384, %dma_start3A_385] : memref<16384x50x32xf32, #tpu.memory_space<hbm>> -> memref<1x50x32xf32, #tpu.memory_space<hbm>>
    %dma_start3A_387 = tpu.memref_squeeze %dma_start3A_386 : memref<1x50x32xf32, #tpu.memory_space<hbm>> -> memref<50x32xf32, #tpu.memory_space<hbm>>
    %dma_start3A_388 = arith.constant 650 : i32
    %dma_start3A_389 = arith.constant 0 : i32
    %dma_start3A_390 = tpu.memref_slice %arg6[%rem3A_93, %dma_start3A_388, %dma_start3A_389] : memref<2x1600x32xf32, #tpu.memory_space<vmem>> -> memref<1x50x32xf32, #tpu.memory_space<vmem>>
    %dma_start3A_391 = tpu.memref_squeeze %dma_start3A_390 : memref<1x50x32xf32, #tpu.memory_space<vmem>> -> memref<50x32xf32, #tpu.memory_space<vmem>>
    tpu.enqueue_dma source(%dma_start3A_391 : memref<50x32xf32, #tpu.memory_space<vmem>>) target(%dma_start3A_387 : memref<50x32xf32, #tpu.memory_space<hbm>>) target_semaphore(%dma_start3A_383 : memref<!tpu.dma_semaphore, #tpu.memory_space<semaphore_mem>>)
    %add3A_392 = arith.constant 14 : i32
    %add3A_393 = arith.addi %add3A_111, %add3A_392 : i32
    %dma_start3A_394 = arith.constant 700 : i32
    %dma_start3A_395 = arith.constant 0 : i32
    %dma_start3A_396 = tpu.memref_slice %arg6[%rem3A_93, %dma_start3A_394, %dma_start3A_395] : memref<2x1600x32xf32, #tpu.memory_space<vmem>> -> memref<1x50x32xf32, #tpu.memory_space<vmem>>
    %dma_start3A_397 = tpu.memref_squeeze %dma_start3A_396 : memref<1x50x32xf32, #tpu.memory_space<vmem>> -> memref<50x32xf32, #tpu.memory_space<vmem>>
    %dma_start3A_398 = arith.constant 0 : i32
    %dma_start3A_399 = arith.constant 0 : i32
    %dma_start3A_400 = tpu.memref_slice %arg4[%add3A_393, %dma_start3A_398, %dma_start3A_399] : memref<16384x50x32xf32, #tpu.memory_space<hbm>> -> memref<1x50x32xf32, #tpu.memory_space<hbm>>
    %dma_start3A_401 = tpu.memref_squeeze %dma_start3A_400 : memref<1x50x32xf32, #tpu.memory_space<hbm>> -> memref<50x32xf32, #tpu.memory_space<hbm>>
    %dma_start3A_402 = tpu.memref_slice %arg9[%rem3A_93] : memref<2x!tpu.dma_semaphore, #tpu.memory_space<semaphore_mem>> -> memref<1x!tpu.dma_semaphore, #tpu.memory_space<semaphore_mem>>
    %dma_start3A_403 = tpu.memref_squeeze %dma_start3A_402 : memref<1x!tpu.dma_semaphore, #tpu.memory_space<semaphore_mem>> -> memref<!tpu.dma_semaphore, #tpu.memory_space<semaphore_mem>>
    %dma_start3A_404 = arith.constant 0 : i32
    %dma_start3A_405 = arith.constant 0 : i32
    %dma_start3A_406 = tpu.memref_slice %arg4[%add3A_393, %dma_start3A_404, %dma_start3A_405] : memref<16384x50x32xf32, #tpu.memory_space<hbm>> -> memref<1x50x32xf32, #tpu.memory_space<hbm>>
    %dma_start3A_407 = tpu.memref_squeeze %dma_start3A_406 : memref<1x50x32xf32, #tpu.memory_space<hbm>> -> memref<50x32xf32, #tpu.memory_space<hbm>>
    %dma_start3A_408 = arith.constant 700 : i32
    %dma_start3A_409 = arith.constant 0 : i32
    %dma_start3A_410 = tpu.memref_slice %arg6[%rem3A_93, %dma_start3A_408, %dma_start3A_409] : memref<2x1600x32xf32, #tpu.memory_space<vmem>> -> memref<1x50x32xf32, #tpu.memory_space<vmem>>
    %dma_start3A_411 = tpu.memref_squeeze %dma_start3A_410 : memref<1x50x32xf32, #tpu.memory_space<vmem>> -> memref<50x32xf32, #tpu.memory_space<vmem>>
    tpu.enqueue_dma source(%dma_start3A_411 : memref<50x32xf32, #tpu.memory_space<vmem>>) target(%dma_start3A_407 : memref<50x32xf32, #tpu.memory_space<hbm>>) target_semaphore(%dma_start3A_403 : memref<!tpu.dma_semaphore, #tpu.memory_space<semaphore_mem>>)
    %add3A_412 = arith.constant 15 : i32
    %add3A_413 = arith.addi %add3A_111, %add3A_412 : i32
    %dma_start3A_414 = arith.constant 750 : i32
    %dma_start3A_415 = arith.constant 0 : i32
    %dma_start3A_416 = tpu.memref_slice %arg6[%rem3A_93, %dma_start3A_414, %dma_start3A_415] : memref<2x1600x32xf32, #tpu.memory_space<vmem>> -> memref<1x50x32xf32, #tpu.memory_space<vmem>>
    %dma_start3A_417 = tpu.memref_squeeze %dma_start3A_416 : memref<1x50x32xf32, #tpu.memory_space<vmem>> -> memref<50x32xf32, #tpu.memory_space<vmem>>
    %dma_start3A_418 = arith.constant 0 : i32
    %dma_start3A_419 = arith.constant 0 : i32
    %dma_start3A_420 = tpu.memref_slice %arg4[%add3A_413, %dma_start3A_418, %dma_start3A_419] : memref<16384x50x32xf32, #tpu.memory_space<hbm>> -> memref<1x50x32xf32, #tpu.memory_space<hbm>>
    %dma_start3A_421 = tpu.memref_squeeze %dma_start3A_420 : memref<1x50x32xf32, #tpu.memory_space<hbm>> -> memref<50x32xf32, #tpu.memory_space<hbm>>
    %dma_start3A_422 = tpu.memref_slice %arg9[%rem3A_93] : memref<2x!tpu.dma_semaphore, #tpu.memory_space<semaphore_mem>> -> memref<1x!tpu.dma_semaphore, #tpu.memory_space<semaphore_mem>>
    %dma_start3A_423 = tpu.memref_squeeze %dma_start3A_422 : memref<1x!tpu.dma_semaphore, #tpu.memory_space<semaphore_mem>> -> memref<!tpu.dma_semaphore, #tpu.memory_space<semaphore_mem>>
    %dma_start3A_424 = arith.constant 0 : i32
    %dma_start3A_425 = arith.constant 0 : i32
    %dma_start3A_426 = tpu.memref_slice %arg4[%add3A_413, %dma_start3A_424, %dma_start3A_425] : memref<16384x50x32xf32, #tpu.memory_space<hbm>> -> memref<1x50x32xf32, #tpu.memory_space<hbm>>
    %dma_start3A_427 = tpu.memref_squeeze %dma_start3A_426 : memref<1x50x32xf32, #tpu.memory_space<hbm>> -> memref<50x32xf32, #tpu.memory_space<hbm>>
    %dma_start3A_428 = arith.constant 750 : i32
    %dma_start3A_429 = arith.constant 0 : i32
    %dma_start3A_430 = tpu.memref_slice %arg6[%rem3A_93, %dma_start3A_428, %dma_start3A_429] : memref<2x1600x32xf32, #tpu.memory_space<vmem>> -> memref<1x50x32xf32, #tpu.memory_space<vmem>>
    %dma_start3A_431 = tpu.memref_squeeze %dma_start3A_430 : memref<1x50x32xf32, #tpu.memory_space<vmem>> -> memref<50x32xf32, #tpu.memory_space<vmem>>
    tpu.enqueue_dma source(%dma_start3A_431 : memref<50x32xf32, #tpu.memory_space<vmem>>) target(%dma_start3A_427 : memref<50x32xf32, #tpu.memory_space<hbm>>) target_semaphore(%dma_start3A_423 : memref<!tpu.dma_semaphore, #tpu.memory_space<semaphore_mem>>)
    %add3A_432 = arith.constant 16 : i32
    %add3A_433 = arith.addi %add3A_111, %add3A_432 : i32
    %dma_start3A_434 = arith.constant 800 : i32
    %dma_start3A_435 = arith.constant 0 : i32
    %dma_start3A_436 = tpu.memref_slice %arg6[%rem3A_93, %dma_start3A_434, %dma_start3A_435] : memref<2x1600x32xf32, #tpu.memory_space<vmem>> -> memref<1x50x32xf32, #tpu.memory_space<vmem>>
    %dma_start3A_437 = tpu.memref_squeeze %dma_start3A_436 : memref<1x50x32xf32, #tpu.memory_space<vmem>> -> memref<50x32xf32, #tpu.memory_space<vmem>>
    %dma_start3A_438 = arith.constant 0 : i32
    %dma_start3A_439 = arith.constant 0 : i32
    %dma_start3A_440 = tpu.memref_slice %arg4[%add3A_433, %dma_start3A_438, %dma_start3A_439] : memref<16384x50x32xf32, #tpu.memory_space<hbm>> -> memref<1x50x32xf32, #tpu.memory_space<hbm>>
    %dma_start3A_441 = tpu.memref_squeeze %dma_start3A_440 : memref<1x50x32xf32, #tpu.memory_space<hbm>> -> memref<50x32xf32, #tpu.memory_space<hbm>>
    %dma_start3A_442 = tpu.memref_slice %arg9[%rem3A_93] : memref<2x!tpu.dma_semaphore, #tpu.memory_space<semaphore_mem>> -> memref<1x!tpu.dma_semaphore, #tpu.memory_space<semaphore_mem>>
    %dma_start3A_443 = tpu.memref_squeeze %dma_start3A_442 : memref<1x!tpu.dma_semaphore, #tpu.memory_space<semaphore_mem>> -> memref<!tpu.dma_semaphore, #tpu.memory_space<semaphore_mem>>
    %dma_start3A_444 = arith.constant 0 : i32
    %dma_start3A_445 = arith.constant 0 : i32
    %dma_start3A_446 = tpu.memref_slice %arg4[%add3A_433, %dma_start3A_444, %dma_start3A_445] : memref<16384x50x32xf32, #tpu.memory_space<hbm>> -> memref<1x50x32xf32, #tpu.memory_space<hbm>>
    %dma_start3A_447 = tpu.memref_squeeze %dma_start3A_446 : memref<1x50x32xf32, #tpu.memory_space<hbm>> -> memref<50x32xf32, #tpu.memory_space<hbm>>
    %dma_start3A_448 = arith.constant 800 : i32
    %dma_start3A_449 = arith.constant 0 : i32
    %dma_start3A_450 = tpu.memref_slice %arg6[%rem3A_93, %dma_start3A_448, %dma_start3A_449] : memref<2x1600x32xf32, #tpu.memory_space<vmem>> -> memref<1x50x32xf32, #tpu.memory_space<vmem>>
    %dma_start3A_451 = tpu.memref_squeeze %dma_start3A_450 : memref<1x50x32xf32, #tpu.memory_space<vmem>> -> memref<50x32xf32, #tpu.memory_space<vmem>>
    tpu.enqueue_dma source(%dma_start3A_451 : memref<50x32xf32, #tpu.memory_space<vmem>>) target(%dma_start3A_447 : memref<50x32xf32, #tpu.memory_space<hbm>>) target_semaphore(%dma_start3A_443 : memref<!tpu.dma_semaphore, #tpu.memory_space<semaphore_mem>>)
    %add3A_452 = arith.constant 17 : i32
    %add3A_453 = arith.addi %add3A_111, %add3A_452 : i32
    %dma_start3A_454 = arith.constant 850 : i32
    %dma_start3A_455 = arith.constant 0 : i32
    %dma_start3A_456 = tpu.memref_slice %arg6[%rem3A_93, %dma_start3A_454, %dma_start3A_455] : memref<2x1600x32xf32, #tpu.memory_space<vmem>> -> memref<1x50x32xf32, #tpu.memory_space<vmem>>
    %dma_start3A_457 = tpu.memref_squeeze %dma_start3A_456 : memref<1x50x32xf32, #tpu.memory_space<vmem>> -> memref<50x32xf32, #tpu.memory_space<vmem>>
    %dma_start3A_458 = arith.constant 0 : i32
    %dma_start3A_459 = arith.constant 0 : i32
    %dma_start3A_460 = tpu.memref_slice %arg4[%add3A_453, %dma_start3A_458, %dma_start3A_459] : memref<16384x50x32xf32, #tpu.memory_space<hbm>> -> memref<1x50x32xf32, #tpu.memory_space<hbm>>
    %dma_start3A_461 = tpu.memref_squeeze %dma_start3A_460 : memref<1x50x32xf32, #tpu.memory_space<hbm>> -> memref<50x32xf32, #tpu.memory_space<hbm>>
    %dma_start3A_462 = tpu.memref_slice %arg9[%rem3A_93] : memref<2x!tpu.dma_semaphore, #tpu.memory_space<semaphore_mem>> -> memref<1x!tpu.dma_semaphore, #tpu.memory_space<semaphore_mem>>
    %dma_start3A_463 = tpu.memref_squeeze %dma_start3A_462 : memref<1x!tpu.dma_semaphore, #tpu.memory_space<semaphore_mem>> -> memref<!tpu.dma_semaphore, #tpu.memory_space<semaphore_mem>>
    %dma_start3A_464 = arith.constant 0 : i32
    %dma_start3A_465 = arith.constant 0 : i32
    %dma_start3A_466 = tpu.memref_slice %arg4[%add3A_453, %dma_start3A_464, %dma_start3A_465] : memref<16384x50x32xf32, #tpu.memory_space<hbm>> -> memref<1x50x32xf32, #tpu.memory_space<hbm>>
    %dma_start3A_467 = tpu.memref_squeeze %dma_start3A_466 : memref<1x50x32xf32, #tpu.memory_space<hbm>> -> memref<50x32xf32, #tpu.memory_space<hbm>>
    %dma_start3A_468 = arith.constant 850 : i32
    %dma_start3A_469 = arith.constant 0 : i32
    %dma_start3A_470 = tpu.memref_slice %arg6[%rem3A_93, %dma_start3A_468, %dma_start3A_469] : memref<2x1600x32xf32, #tpu.memory_space<vmem>> -> memref<1x50x32xf32, #tpu.memory_space<vmem>>
    %dma_start3A_471 = tpu.memref_squeeze %dma_start3A_470 : memref<1x50x32xf32, #tpu.memory_space<vmem>> -> memref<50x32xf32, #tpu.memory_space<vmem>>
    tpu.enqueue_dma source(%dma_start3A_471 : memref<50x32xf32, #tpu.memory_space<vmem>>) target(%dma_start3A_467 : memref<50x32xf32, #tpu.memory_space<hbm>>) target_semaphore(%dma_start3A_463 : memref<!tpu.dma_semaphore, #tpu.memory_space<semaphore_mem>>)
    %add3A_472 = arith.constant 18 : i32
    %add3A_473 = arith.addi %add3A_111, %add3A_472 : i32
    %dma_start3A_474 = arith.constant 900 : i32
    %dma_start3A_475 = arith.constant 0 : i32
    %dma_start3A_476 = tpu.memref_slice %arg6[%rem3A_93, %dma_start3A_474, %dma_start3A_475] : memref<2x1600x32xf32, #tpu.memory_space<vmem>> -> memref<1x50x32xf32, #tpu.memory_space<vmem>>
    %dma_start3A_477 = tpu.memref_squeeze %dma_start3A_476 : memref<1x50x32xf32, #tpu.memory_space<vmem>> -> memref<50x32xf32, #tpu.memory_space<vmem>>
    %dma_start3A_478 = arith.constant 0 : i32
    %dma_start3A_479 = arith.constant 0 : i32
    %dma_start3A_480 = tpu.memref_slice %arg4[%add3A_473, %dma_start3A_478, %dma_start3A_479] : memref<16384x50x32xf32, #tpu.memory_space<hbm>> -> memref<1x50x32xf32, #tpu.memory_space<hbm>>
    %dma_start3A_481 = tpu.memref_squeeze %dma_start3A_480 : memref<1x50x32xf32, #tpu.memory_space<hbm>> -> memref<50x32xf32, #tpu.memory_space<hbm>>
    %dma_start3A_482 = tpu.memref_slice %arg9[%rem3A_93] : memref<2x!tpu.dma_semaphore, #tpu.memory_space<semaphore_mem>> -> memref<1x!tpu.dma_semaphore, #tpu.memory_space<semaphore_mem>>
    %dma_start3A_483 = tpu.memref_squeeze %dma_start3A_482 : memref<1x!tpu.dma_semaphore, #tpu.memory_space<semaphore_mem>> -> memref<!tpu.dma_semaphore, #tpu.memory_space<semaphore_mem>>
    %dma_start3A_484 = arith.constant 0 : i32
    %dma_start3A_485 = arith.constant 0 : i32
    %dma_start3A_486 = tpu.memref_slice %arg4[%add3A_473, %dma_start3A_484, %dma_start3A_485] : memref<16384x50x32xf32, #tpu.memory_space<hbm>> -> memref<1x50x32xf32, #tpu.memory_space<hbm>>
    %dma_start3A_487 = tpu.memref_squeeze %dma_start3A_486 : memref<1x50x32xf32, #tpu.memory_space<hbm>> -> memref<50x32xf32, #tpu.memory_space<hbm>>
    %dma_start3A_488 = arith.constant 900 : i32
    %dma_start3A_489 = arith.constant 0 : i32
    %dma_start3A_490 = tpu.memref_slice %arg6[%rem3A_93, %dma_start3A_488, %dma_start3A_489] : memref<2x1600x32xf32, #tpu.memory_space<vmem>> -> memref<1x50x32xf32, #tpu.memory_space<vmem>>
    %dma_start3A_491 = tpu.memref_squeeze %dma_start3A_490 : memref<1x50x32xf32, #tpu.memory_space<vmem>> -> memref<50x32xf32, #tpu.memory_space<vmem>>
    tpu.enqueue_dma source(%dma_start3A_491 : memref<50x32xf32, #tpu.memory_space<vmem>>) target(%dma_start3A_487 : memref<50x32xf32, #tpu.memory_space<hbm>>) target_semaphore(%dma_start3A_483 : memref<!tpu.dma_semaphore, #tpu.memory_space<semaphore_mem>>)
    %add3A_492 = arith.constant 19 : i32
    %add3A_493 = arith.addi %add3A_111, %add3A_492 : i32
    %dma_start3A_494 = arith.constant 950 : i32
    %dma_start3A_495 = arith.constant 0 : i32
    %dma_start3A_496 = tpu.memref_slice %arg6[%rem3A_93, %dma_start3A_494, %dma_start3A_495] : memref<2x1600x32xf32, #tpu.memory_space<vmem>> -> memref<1x50x32xf32, #tpu.memory_space<vmem>>
    %dma_start3A_497 = tpu.memref_squeeze %dma_start3A_496 : memref<1x50x32xf32, #tpu.memory_space<vmem>> -> memref<50x32xf32, #tpu.memory_space<vmem>>
    %dma_start3A_498 = arith.constant 0 : i32
    %dma_start3A_499 = arith.constant 0 : i32
    %dma_start3A_500 = tpu.memref_slice %arg4[%add3A_493, %dma_start3A_498, %dma_start3A_499] : memref<16384x50x32xf32, #tpu.memory_space<hbm>> -> memref<1x50x32xf32, #tpu.memory_space<hbm>>
    %dma_start3A_501 = tpu.memref_squeeze %dma_start3A_500 : memref<1x50x32xf32, #tpu.memory_space<hbm>> -> memref<50x32xf32, #tpu.memory_space<hbm>>
    %dma_start3A_502 = tpu.memref_slice %arg9[%rem3A_93] : memref<2x!tpu.dma_semaphore, #tpu.memory_space<semaphore_mem>> -> memref<1x!tpu.dma_semaphore, #tpu.memory_space<semaphore_mem>>
    %dma_start3A_503 = tpu.memref_squeeze %dma_start3A_502 : memref<1x!tpu.dma_semaphore, #tpu.memory_space<semaphore_mem>> -> memref<!tpu.dma_semaphore, #tpu.memory_space<semaphore_mem>>
    %dma_start3A_504 = arith.constant 0 : i32
    %dma_start3A_505 = arith.constant 0 : i32
    %dma_start3A_506 = tpu.memref_slice %arg4[%add3A_493, %dma_start3A_504, %dma_start3A_505] : memref<16384x50x32xf32, #tpu.memory_space<hbm>> -> memref<1x50x32xf32, #tpu.memory_space<hbm>>
    %dma_start3A_507 = tpu.memref_squeeze %dma_start3A_506 : memref<1x50x32xf32, #tpu.memory_space<hbm>> -> memref<50x32xf32, #tpu.memory_space<hbm>>
    %dma_start3A_508 = arith.constant 950 : i32
    %dma_start3A_509 = arith.constant 0 : i32
    %dma_start3A_510 = tpu.memref_slice %arg6[%rem3A_93, %dma_start3A_508, %dma_start3A_509] : memref<2x1600x32xf32, #tpu.memory_space<vmem>> -> memref<1x50x32xf32, #tpu.memory_space<vmem>>
    %dma_start3A_511 = tpu.memref_squeeze %dma_start3A_510 : memref<1x50x32xf32, #tpu.memory_space<vmem>> -> memref<50x32xf32, #tpu.memory_space<vmem>>
    tpu.enqueue_dma source(%dma_start3A_511 : memref<50x32xf32, #tpu.memory_space<vmem>>) target(%dma_start3A_507 : memref<50x32xf32, #tpu.memory_space<hbm>>) target_semaphore(%dma_start3A_503 : memref<!tpu.dma_semaphore, #tpu.memory_space<semaphore_mem>>)
    %add3A_512 = arith.constant 20 : i32
    %add3A_513 = arith.addi %add3A_111, %add3A_512 : i32
    %dma_start3A_514 = arith.constant 1000 : i32
    %dma_start3A_515 = arith.constant 0 : i32
    %dma_start3A_516 = tpu.memref_slice %arg6[%rem3A_93, %dma_start3A_514, %dma_start3A_515] : memref<2x1600x32xf32, #tpu.memory_space<vmem>> -> memref<1x50x32xf32, #tpu.memory_space<vmem>>
    %dma_start3A_517 = tpu.memref_squeeze %dma_start3A_516 : memref<1x50x32xf32, #tpu.memory_space<vmem>> -> memref<50x32xf32, #tpu.memory_space<vmem>>
    %dma_start3A_518 = arith.constant 0 : i32
    %dma_start3A_519 = arith.constant 0 : i32
    %dma_start3A_520 = tpu.memref_slice %arg4[%add3A_513, %dma_start3A_518, %dma_start3A_519] : memref<16384x50x32xf32, #tpu.memory_space<hbm>> -> memref<1x50x32xf32, #tpu.memory_space<hbm>>
    %dma_start3A_521 = tpu.memref_squeeze %dma_start3A_520 : memref<1x50x32xf32, #tpu.memory_space<hbm>> -> memref<50x32xf32, #tpu.memory_space<hbm>>
    %dma_start3A_522 = tpu.memref_slice %arg9[%rem3A_93] : memref<2x!tpu.dma_semaphore, #tpu.memory_space<semaphore_mem>> -> memref<1x!tpu.dma_semaphore, #tpu.memory_space<semaphore_mem>>
    %dma_start3A_523 = tpu.memref_squeeze %dma_start3A_522 : memref<1x!tpu.dma_semaphore, #tpu.memory_space<semaphore_mem>> -> memref<!tpu.dma_semaphore, #tpu.memory_space<semaphore_mem>>
    %dma_start3A_524 = arith.constant 0 : i32
    %dma_start3A_525 = arith.constant 0 : i32
    %dma_start3A_526 = tpu.memref_slice %arg4[%add3A_513, %dma_start3A_524, %dma_start3A_525] : memref<16384x50x32xf32, #tpu.memory_space<hbm>> -> memref<1x50x32xf32, #tpu.memory_space<hbm>>
    %dma_start3A_527 = tpu.memref_squeeze %dma_start3A_526 : memref<1x50x32xf32, #tpu.memory_space<hbm>> -> memref<50x32xf32, #tpu.memory_space<hbm>>
    %dma_start3A_528 = arith.constant 1000 : i32
    %dma_start3A_529 = arith.constant 0 : i32
    %dma_start3A_530 = tpu.memref_slice %arg6[%rem3A_93, %dma_start3A_528, %dma_start3A_529] : memref<2x1600x32xf32, #tpu.memory_space<vmem>> -> memref<1x50x32xf32, #tpu.memory_space<vmem>>
    %dma_start3A_531 = tpu.memref_squeeze %dma_start3A_530 : memref<1x50x32xf32, #tpu.memory_space<vmem>> -> memref<50x32xf32, #tpu.memory_space<vmem>>
    tpu.enqueue_dma source(%dma_start3A_531 : memref<50x32xf32, #tpu.memory_space<vmem>>) target(%dma_start3A_527 : memref<50x32xf32, #tpu.memory_space<hbm>>) target_semaphore(%dma_start3A_523 : memref<!tpu.dma_semaphore, #tpu.memory_space<semaphore_mem>>)
    %add3A_532 = arith.constant 21 : i32
    %add3A_533 = arith.addi %add3A_111, %add3A_532 : i32
    %dma_start3A_534 = arith.constant 1050 : i32
    %dma_start3A_535 = arith.constant 0 : i32
    %dma_start3A_536 = tpu.memref_slice %arg6[%rem3A_93, %dma_start3A_534, %dma_start3A_535] : memref<2x1600x32xf32, #tpu.memory_space<vmem>> -> memref<1x50x32xf32, #tpu.memory_space<vmem>>
    %dma_start3A_537 = tpu.memref_squeeze %dma_start3A_536 : memref<1x50x32xf32, #tpu.memory_space<vmem>> -> memref<50x32xf32, #tpu.memory_space<vmem>>
    %dma_start3A_538 = arith.constant 0 : i32
    %dma_start3A_539 = arith.constant 0 : i32
    %dma_start3A_540 = tpu.memref_slice %arg4[%add3A_533, %dma_start3A_538, %dma_start3A_539] : memref<16384x50x32xf32, #tpu.memory_space<hbm>> -> memref<1x50x32xf32, #tpu.memory_space<hbm>>
    %dma_start3A_541 = tpu.memref_squeeze %dma_start3A_540 : memref<1x50x32xf32, #tpu.memory_space<hbm>> -> memref<50x32xf32, #tpu.memory_space<hbm>>
    %dma_start3A_542 = tpu.memref_slice %arg9[%rem3A_93] : memref<2x!tpu.dma_semaphore, #tpu.memory_space<semaphore_mem>> -> memref<1x!tpu.dma_semaphore, #tpu.memory_space<semaphore_mem>>
    %dma_start3A_543 = tpu.memref_squeeze %dma_start3A_542 : memref<1x!tpu.dma_semaphore, #tpu.memory_space<semaphore_mem>> -> memref<!tpu.dma_semaphore, #tpu.memory_space<semaphore_mem>>
    %dma_start3A_544 = arith.constant 0 : i32
    %dma_start3A_545 = arith.constant 0 : i32
    %dma_start3A_546 = tpu.memref_slice %arg4[%add3A_533, %dma_start3A_544, %dma_start3A_545] : memref<16384x50x32xf32, #tpu.memory_space<hbm>> -> memref<1x50x32xf32, #tpu.memory_space<hbm>>
    %dma_start3A_547 = tpu.memref_squeeze %dma_start3A_546 : memref<1x50x32xf32, #tpu.memory_space<hbm>> -> memref<50x32xf32, #tpu.memory_space<hbm>>
    %dma_start3A_548 = arith.constant 1050 : i32
    %dma_start3A_549 = arith.constant 0 : i32
    %dma_start3A_550 = tpu.memref_slice %arg6[%rem3A_93, %dma_start3A_548, %dma_start3A_549] : memref<2x1600x32xf32, #tpu.memory_space<vmem>> -> memref<1x50x32xf32, #tpu.memory_space<vmem>>
    %dma_start3A_551 = tpu.memref_squeeze %dma_start3A_550 : memref<1x50x32xf32, #tpu.memory_space<vmem>> -> memref<50x32xf32, #tpu.memory_space<vmem>>
    tpu.enqueue_dma source(%dma_start3A_551 : memref<50x32xf32, #tpu.memory_space<vmem>>) target(%dma_start3A_547 : memref<50x32xf32, #tpu.memory_space<hbm>>) target_semaphore(%dma_start3A_543 : memref<!tpu.dma_semaphore, #tpu.memory_space<semaphore_mem>>)
    %add3A_552 = arith.constant 22 : i32
    %add3A_553 = arith.addi %add3A_111, %add3A_552 : i32
    %dma_start3A_554 = arith.constant 1100 : i32
    %dma_start3A_555 = arith.constant 0 : i32
    %dma_start3A_556 = tpu.memref_slice %arg6[%rem3A_93, %dma_start3A_554, %dma_start3A_555] : memref<2x1600x32xf32, #tpu.memory_space<vmem>> -> memref<1x50x32xf32, #tpu.memory_space<vmem>>
    %dma_start3A_557 = tpu.memref_squeeze %dma_start3A_556 : memref<1x50x32xf32, #tpu.memory_space<vmem>> -> memref<50x32xf32, #tpu.memory_space<vmem>>
    %dma_start3A_558 = arith.constant 0 : i32
    %dma_start3A_559 = arith.constant 0 : i32
    %dma_start3A_560 = tpu.memref_slice %arg4[%add3A_553, %dma_start3A_558, %dma_start3A_559] : memref<16384x50x32xf32, #tpu.memory_space<hbm>> -> memref<1x50x32xf32, #tpu.memory_space<hbm>>
    %dma_start3A_561 = tpu.memref_squeeze %dma_start3A_560 : memref<1x50x32xf32, #tpu.memory_space<hbm>> -> memref<50x32xf32, #tpu.memory_space<hbm>>
    %dma_start3A_562 = tpu.memref_slice %arg9[%rem3A_93] : memref<2x!tpu.dma_semaphore, #tpu.memory_space<semaphore_mem>> -> memref<1x!tpu.dma_semaphore, #tpu.memory_space<semaphore_mem>>
    %dma_start3A_563 = tpu.memref_squeeze %dma_start3A_562 : memref<1x!tpu.dma_semaphore, #tpu.memory_space<semaphore_mem>> -> memref<!tpu.dma_semaphore, #tpu.memory_space<semaphore_mem>>
    %dma_start3A_564 = arith.constant 0 : i32
    %dma_start3A_565 = arith.constant 0 : i32
    %dma_start3A_566 = tpu.memref_slice %arg4[%add3A_553, %dma_start3A_564, %dma_start3A_565] : memref<16384x50x32xf32, #tpu.memory_space<hbm>> -> memref<1x50x32xf32, #tpu.memory_space<hbm>>
    %dma_start3A_567 = tpu.memref_squeeze %dma_start3A_566 : memref<1x50x32xf32, #tpu.memory_space<hbm>> -> memref<50x32xf32, #tpu.memory_space<hbm>>
    %dma_start3A_568 = arith.constant 1100 : i32
    %dma_start3A_569 = arith.constant 0 : i32
    %dma_start3A_570 = tpu.memref_slice %arg6[%rem3A_93, %dma_start3A_568, %dma_start3A_569] : memref<2x1600x32xf32, #tpu.memory_space<vmem>> -> memref<1x50x32xf32, #tpu.memory_space<vmem>>
    %dma_start3A_571 = tpu.memref_squeeze %dma_start3A_570 : memref<1x50x32xf32, #tpu.memory_space<vmem>> -> memref<50x32xf32, #tpu.memory_space<vmem>>
    tpu.enqueue_dma source(%dma_start3A_571 : memref<50x32xf32, #tpu.memory_space<vmem>>) target(%dma_start3A_567 : memref<50x32xf32, #tpu.memory_space<hbm>>) target_semaphore(%dma_start3A_563 : memref<!tpu.dma_semaphore, #tpu.memory_space<semaphore_mem>>)
    %add3A_572 = arith.constant 23 : i32
    %add3A_573 = arith.addi %add3A_111, %add3A_572 : i32
    %dma_start3A_574 = arith.constant 1150 : i32
    %dma_start3A_575 = arith.constant 0 : i32
    %dma_start3A_576 = tpu.memref_slice %arg6[%rem3A_93, %dma_start3A_574, %dma_start3A_575] : memref<2x1600x32xf32, #tpu.memory_space<vmem>> -> memref<1x50x32xf32, #tpu.memory_space<vmem>>
    %dma_start3A_577 = tpu.memref_squeeze %dma_start3A_576 : memref<1x50x32xf32, #tpu.memory_space<vmem>> -> memref<50x32xf32, #tpu.memory_space<vmem>>
    %dma_start3A_578 = arith.constant 0 : i32
    %dma_start3A_579 = arith.constant 0 : i32
    %dma_start3A_580 = tpu.memref_slice %arg4[%add3A_573, %dma_start3A_578, %dma_start3A_579] : memref<16384x50x32xf32, #tpu.memory_space<hbm>> -> memref<1x50x32xf32, #tpu.memory_space<hbm>>
    %dma_start3A_581 = tpu.memref_squeeze %dma_start3A_580 : memref<1x50x32xf32, #tpu.memory_space<hbm>> -> memref<50x32xf32, #tpu.memory_space<hbm>>
    %dma_start3A_582 = tpu.memref_slice %arg9[%rem3A_93] : memref<2x!tpu.dma_semaphore, #tpu.memory_space<semaphore_mem>> -> memref<1x!tpu.dma_semaphore, #tpu.memory_space<semaphore_mem>>
    %dma_start3A_583 = tpu.memref_squeeze %dma_start3A_582 : memref<1x!tpu.dma_semaphore, #tpu.memory_space<semaphore_mem>> -> memref<!tpu.dma_semaphore, #tpu.memory_space<semaphore_mem>>
    %dma_start3A_584 = arith.constant 0 : i32
    %dma_start3A_585 = arith.constant 0 : i32
    %dma_start3A_586 = tpu.memref_slice %arg4[%add3A_573, %dma_start3A_584, %dma_start3A_585] : memref<16384x50x32xf32, #tpu.memory_space<hbm>> -> memref<1x50x32xf32, #tpu.memory_space<hbm>>
    %dma_start3A_587 = tpu.memref_squeeze %dma_start3A_586 : memref<1x50x32xf32, #tpu.memory_space<hbm>> -> memref<50x32xf32, #tpu.memory_space<hbm>>
    %dma_start3A_588 = arith.constant 1150 : i32
    %dma_start3A_589 = arith.constant 0 : i32
    %dma_start3A_590 = tpu.memref_slice %arg6[%rem3A_93, %dma_start3A_588, %dma_start3A_589] : memref<2x1600x32xf32, #tpu.memory_space<vmem>> -> memref<1x50x32xf32, #tpu.memory_space<vmem>>
    %dma_start3A_591 = tpu.memref_squeeze %dma_start3A_590 : memref<1x50x32xf32, #tpu.memory_space<vmem>> -> memref<50x32xf32, #tpu.memory_space<vmem>>
    tpu.enqueue_dma source(%dma_start3A_591 : memref<50x32xf32, #tpu.memory_space<vmem>>) target(%dma_start3A_587 : memref<50x32xf32, #tpu.memory_space<hbm>>) target_semaphore(%dma_start3A_583 : memref<!tpu.dma_semaphore, #tpu.memory_space<semaphore_mem>>)
    %add3A_592 = arith.constant 24 : i32
    %add3A_593 = arith.addi %add3A_111, %add3A_592 : i32
    %dma_start3A_594 = arith.constant 1200 : i32
    %dma_start3A_595 = arith.constant 0 : i32
    %dma_start3A_596 = tpu.memref_slice %arg6[%rem3A_93, %dma_start3A_594, %dma_start3A_595] : memref<2x1600x32xf32, #tpu.memory_space<vmem>> -> memref<1x50x32xf32, #tpu.memory_space<vmem>>
    %dma_start3A_597 = tpu.memref_squeeze %dma_start3A_596 : memref<1x50x32xf32, #tpu.memory_space<vmem>> -> memref<50x32xf32, #tpu.memory_space<vmem>>
    %dma_start3A_598 = arith.constant 0 : i32
    %dma_start3A_599 = arith.constant 0 : i32
    %dma_start3A_600 = tpu.memref_slice %arg4[%add3A_593, %dma_start3A_598, %dma_start3A_599] : memref<16384x50x32xf32, #tpu.memory_space<hbm>> -> memref<1x50x32xf32, #tpu.memory_space<hbm>>
    %dma_start3A_601 = tpu.memref_squeeze %dma_start3A_600 : memref<1x50x32xf32, #tpu.memory_space<hbm>> -> memref<50x32xf32, #tpu.memory_space<hbm>>
    %dma_start3A_602 = tpu.memref_slice %arg9[%rem3A_93] : memref<2x!tpu.dma_semaphore, #tpu.memory_space<semaphore_mem>> -> memref<1x!tpu.dma_semaphore, #tpu.memory_space<semaphore_mem>>
    %dma_start3A_603 = tpu.memref_squeeze %dma_start3A_602 : memref<1x!tpu.dma_semaphore, #tpu.memory_space<semaphore_mem>> -> memref<!tpu.dma_semaphore, #tpu.memory_space<semaphore_mem>>
    %dma_start3A_604 = arith.constant 0 : i32
    %dma_start3A_605 = arith.constant 0 : i32
    %dma_start3A_606 = tpu.memref_slice %arg4[%add3A_593, %dma_start3A_604, %dma_start3A_605] : memref<16384x50x32xf32, #tpu.memory_space<hbm>> -> memref<1x50x32xf32, #tpu.memory_space<hbm>>
    %dma_start3A_607 = tpu.memref_squeeze %dma_start3A_606 : memref<1x50x32xf32, #tpu.memory_space<hbm>> -> memref<50x32xf32, #tpu.memory_space<hbm>>
    %dma_start3A_608 = arith.constant 1200 : i32
    %dma_start3A_609 = arith.constant 0 : i32
    %dma_start3A_610 = tpu.memref_slice %arg6[%rem3A_93, %dma_start3A_608, %dma_start3A_609] : memref<2x1600x32xf32, #tpu.memory_space<vmem>> -> memref<1x50x32xf32, #tpu.memory_space<vmem>>
    %dma_start3A_611 = tpu.memref_squeeze %dma_start3A_610 : memref<1x50x32xf32, #tpu.memory_space<vmem>> -> memref<50x32xf32, #tpu.memory_space<vmem>>
    tpu.enqueue_dma source(%dma_start3A_611 : memref<50x32xf32, #tpu.memory_space<vmem>>) target(%dma_start3A_607 : memref<50x32xf32, #tpu.memory_space<hbm>>) target_semaphore(%dma_start3A_603 : memref<!tpu.dma_semaphore, #tpu.memory_space<semaphore_mem>>)
    %add3A_612 = arith.constant 25 : i32
    %add3A_613 = arith.addi %add3A_111, %add3A_612 : i32
    %dma_start3A_614 = arith.constant 1250 : i32
    %dma_start3A_615 = arith.constant 0 : i32
    %dma_start3A_616 = tpu.memref_slice %arg6[%rem3A_93, %dma_start3A_614, %dma_start3A_615] : memref<2x1600x32xf32, #tpu.memory_space<vmem>> -> memref<1x50x32xf32, #tpu.memory_space<vmem>>
    %dma_start3A_617 = tpu.memref_squeeze %dma_start3A_616 : memref<1x50x32xf32, #tpu.memory_space<vmem>> -> memref<50x32xf32, #tpu.memory_space<vmem>>
    %dma_start3A_618 = arith.constant 0 : i32
    %dma_start3A_619 = arith.constant 0 : i32
    %dma_start3A_620 = tpu.memref_slice %arg4[%add3A_613, %dma_start3A_618, %dma_start3A_619] : memref<16384x50x32xf32, #tpu.memory_space<hbm>> -> memref<1x50x32xf32, #tpu.memory_space<hbm>>
    %dma_start3A_621 = tpu.memref_squeeze %dma_start3A_620 : memref<1x50x32xf32, #tpu.memory_space<hbm>> -> memref<50x32xf32, #tpu.memory_space<hbm>>
    %dma_start3A_622 = tpu.memref_slice %arg9[%rem3A_93] : memref<2x!tpu.dma_semaphore, #tpu.memory_space<semaphore_mem>> -> memref<1x!tpu.dma_semaphore, #tpu.memory_space<semaphore_mem>>
    %dma_start3A_623 = tpu.memref_squeeze %dma_start3A_622 : memref<1x!tpu.dma_semaphore, #tpu.memory_space<semaphore_mem>> -> memref<!tpu.dma_semaphore, #tpu.memory_space<semaphore_mem>>
    %dma_start3A_624 = arith.constant 0 : i32
    %dma_start3A_625 = arith.constant 0 : i32
    %dma_start3A_626 = tpu.memref_slice %arg4[%add3A_613, %dma_start3A_624, %dma_start3A_625] : memref<16384x50x32xf32, #tpu.memory_space<hbm>> -> memref<1x50x32xf32, #tpu.memory_space<hbm>>
    %dma_start3A_627 = tpu.memref_squeeze %dma_start3A_626 : memref<1x50x32xf32, #tpu.memory_space<hbm>> -> memref<50x32xf32, #tpu.memory_space<hbm>>
    %dma_start3A_628 = arith.constant 1250 : i32
    %dma_start3A_629 = arith.constant 0 : i32
    %dma_start3A_630 = tpu.memref_slice %arg6[%rem3A_93, %dma_start3A_628, %dma_start3A_629] : memref<2x1600x32xf32, #tpu.memory_space<vmem>> -> memref<1x50x32xf32, #tpu.memory_space<vmem>>
    %dma_start3A_631 = tpu.memref_squeeze %dma_start3A_630 : memref<1x50x32xf32, #tpu.memory_space<vmem>> -> memref<50x32xf32, #tpu.memory_space<vmem>>
    tpu.enqueue_dma source(%dma_start3A_631 : memref<50x32xf32, #tpu.memory_space<vmem>>) target(%dma_start3A_627 : memref<50x32xf32, #tpu.memory_space<hbm>>) target_semaphore(%dma_start3A_623 : memref<!tpu.dma_semaphore, #tpu.memory_space<semaphore_mem>>)
    %add3A_632 = arith.constant 26 : i32
    %add3A_633 = arith.addi %add3A_111, %add3A_632 : i32
    %dma_start3A_634 = arith.constant 1300 : i32
    %dma_start3A_635 = arith.constant 0 : i32
    %dma_start3A_636 = tpu.memref_slice %arg6[%rem3A_93, %dma_start3A_634, %dma_start3A_635] : memref<2x1600x32xf32, #tpu.memory_space<vmem>> -> memref<1x50x32xf32, #tpu.memory_space<vmem>>
    %dma_start3A_637 = tpu.memref_squeeze %dma_start3A_636 : memref<1x50x32xf32, #tpu.memory_space<vmem>> -> memref<50x32xf32, #tpu.memory_space<vmem>>
    %dma_start3A_638 = arith.constant 0 : i32
    %dma_start3A_639 = arith.constant 0 : i32
    %dma_start3A_640 = tpu.memref_slice %arg4[%add3A_633, %dma_start3A_638, %dma_start3A_639] : memref<16384x50x32xf32, #tpu.memory_space<hbm>> -> memref<1x50x32xf32, #tpu.memory_space<hbm>>
    %dma_start3A_641 = tpu.memref_squeeze %dma_start3A_640 : memref<1x50x32xf32, #tpu.memory_space<hbm>> -> memref<50x32xf32, #tpu.memory_space<hbm>>
    %dma_start3A_642 = tpu.memref_slice %arg9[%rem3A_93] : memref<2x!tpu.dma_semaphore, #tpu.memory_space<semaphore_mem>> -> memref<1x!tpu.dma_semaphore, #tpu.memory_space<semaphore_mem>>
    %dma_start3A_643 = tpu.memref_squeeze %dma_start3A_642 : memref<1x!tpu.dma_semaphore, #tpu.memory_space<semaphore_mem>> -> memref<!tpu.dma_semaphore, #tpu.memory_space<semaphore_mem>>
    %dma_start3A_644 = arith.constant 0 : i32
    %dma_start3A_645 = arith.constant 0 : i32
    %dma_start3A_646 = tpu.memref_slice %arg4[%add3A_633, %dma_start3A_644, %dma_start3A_645] : memref<16384x50x32xf32, #tpu.memory_space<hbm>> -> memref<1x50x32xf32, #tpu.memory_space<hbm>>
    %dma_start3A_647 = tpu.memref_squeeze %dma_start3A_646 : memref<1x50x32xf32, #tpu.memory_space<hbm>> -> memref<50x32xf32, #tpu.memory_space<hbm>>
    %dma_start3A_648 = arith.constant 1300 : i32
    %dma_start3A_649 = arith.constant 0 : i32
    %dma_start3A_650 = tpu.memref_slice %arg6[%rem3A_93, %dma_start3A_648, %dma_start3A_649] : memref<2x1600x32xf32, #tpu.memory_space<vmem>> -> memref<1x50x32xf32, #tpu.memory_space<vmem>>
    %dma_start3A_651 = tpu.memref_squeeze %dma_start3A_650 : memref<1x50x32xf32, #tpu.memory_space<vmem>> -> memref<50x32xf32, #tpu.memory_space<vmem>>
    tpu.enqueue_dma source(%dma_start3A_651 : memref<50x32xf32, #tpu.memory_space<vmem>>) target(%dma_start3A_647 : memref<50x32xf32, #tpu.memory_space<hbm>>) target_semaphore(%dma_start3A_643 : memref<!tpu.dma_semaphore, #tpu.memory_space<semaphore_mem>>)
    %add3A_652 = arith.constant 27 : i32
    %add3A_653 = arith.addi %add3A_111, %add3A_652 : i32
    %dma_start3A_654 = arith.constant 1350 : i32
    %dma_start3A_655 = arith.constant 0 : i32
    %dma_start3A_656 = tpu.memref_slice %arg6[%rem3A_93, %dma_start3A_654, %dma_start3A_655] : memref<2x1600x32xf32, #tpu.memory_space<vmem>> -> memref<1x50x32xf32, #tpu.memory_space<vmem>>
    %dma_start3A_657 = tpu.memref_squeeze %dma_start3A_656 : memref<1x50x32xf32, #tpu.memory_space<vmem>> -> memref<50x32xf32, #tpu.memory_space<vmem>>
    %dma_start3A_658 = arith.constant 0 : i32
    %dma_start3A_659 = arith.constant 0 : i32
    %dma_start3A_660 = tpu.memref_slice %arg4[%add3A_653, %dma_start3A_658, %dma_start3A_659] : memref<16384x50x32xf32, #tpu.memory_space<hbm>> -> memref<1x50x32xf32, #tpu.memory_space<hbm>>
    %dma_start3A_661 = tpu.memref_squeeze %dma_start3A_660 : memref<1x50x32xf32, #tpu.memory_space<hbm>> -> memref<50x32xf32, #tpu.memory_space<hbm>>
    %dma_start3A_662 = tpu.memref_slice %arg9[%rem3A_93] : memref<2x!tpu.dma_semaphore, #tpu.memory_space<semaphore_mem>> -> memref<1x!tpu.dma_semaphore, #tpu.memory_space<semaphore_mem>>
    %dma_start3A_663 = tpu.memref_squeeze %dma_start3A_662 : memref<1x!tpu.dma_semaphore, #tpu.memory_space<semaphore_mem>> -> memref<!tpu.dma_semaphore, #tpu.memory_space<semaphore_mem>>
    %dma_start3A_664 = arith.constant 0 : i32
    %dma_start3A_665 = arith.constant 0 : i32
    %dma_start3A_666 = tpu.memref_slice %arg4[%add3A_653, %dma_start3A_664, %dma_start3A_665] : memref<16384x50x32xf32, #tpu.memory_space<hbm>> -> memref<1x50x32xf32, #tpu.memory_space<hbm>>
    %dma_start3A_667 = tpu.memref_squeeze %dma_start3A_666 : memref<1x50x32xf32, #tpu.memory_space<hbm>> -> memref<50x32xf32, #tpu.memory_space<hbm>>
    %dma_start3A_668 = arith.constant 1350 : i32
    %dma_start3A_669 = arith.constant 0 : i32
    %dma_start3A_670 = tpu.memref_slice %arg6[%rem3A_93, %dma_start3A_668, %dma_start3A_669] : memref<2x1600x32xf32, #tpu.memory_space<vmem>> -> memref<1x50x32xf32, #tpu.memory_space<vmem>>
    %dma_start3A_671 = tpu.memref_squeeze %dma_start3A_670 : memref<1x50x32xf32, #tpu.memory_space<vmem>> -> memref<50x32xf32, #tpu.memory_space<vmem>>
    tpu.enqueue_dma source(%dma_start3A_671 : memref<50x32xf32, #tpu.memory_space<vmem>>) target(%dma_start3A_667 : memref<50x32xf32, #tpu.memory_space<hbm>>) target_semaphore(%dma_start3A_663 : memref<!tpu.dma_semaphore, #tpu.memory_space<semaphore_mem>>)
    %add3A_672 = arith.constant 28 : i32
    %add3A_673 = arith.addi %add3A_111, %add3A_672 : i32
    %dma_start3A_674 = arith.constant 1400 : i32
    %dma_start3A_675 = arith.constant 0 : i32
    %dma_start3A_676 = tpu.memref_slice %arg6[%rem3A_93, %dma_start3A_674, %dma_start3A_675] : memref<2x1600x32xf32, #tpu.memory_space<vmem>> -> memref<1x50x32xf32, #tpu.memory_space<vmem>>
    %dma_start3A_677 = tpu.memref_squeeze %dma_start3A_676 : memref<1x50x32xf32, #tpu.memory_space<vmem>> -> memref<50x32xf32, #tpu.memory_space<vmem>>
    %dma_start3A_678 = arith.constant 0 : i32
    %dma_start3A_679 = arith.constant 0 : i32
    %dma_start3A_680 = tpu.memref_slice %arg4[%add3A_673, %dma_start3A_678, %dma_start3A_679] : memref<16384x50x32xf32, #tpu.memory_space<hbm>> -> memref<1x50x32xf32, #tpu.memory_space<hbm>>
    %dma_start3A_681 = tpu.memref_squeeze %dma_start3A_680 : memref<1x50x32xf32, #tpu.memory_space<hbm>> -> memref<50x32xf32, #tpu.memory_space<hbm>>
    %dma_start3A_682 = tpu.memref_slice %arg9[%rem3A_93] : memref<2x!tpu.dma_semaphore, #tpu.memory_space<semaphore_mem>> -> memref<1x!tpu.dma_semaphore, #tpu.memory_space<semaphore_mem>>
    %dma_start3A_683 = tpu.memref_squeeze %dma_start3A_682 : memref<1x!tpu.dma_semaphore, #tpu.memory_space<semaphore_mem>> -> memref<!tpu.dma_semaphore, #tpu.memory_space<semaphore_mem>>
    %dma_start3A_684 = arith.constant 0 : i32
    %dma_start3A_685 = arith.constant 0 : i32
    %dma_start3A_686 = tpu.memref_slice %arg4[%add3A_673, %dma_start3A_684, %dma_start3A_685] : memref<16384x50x32xf32, #tpu.memory_space<hbm>> -> memref<1x50x32xf32, #tpu.memory_space<hbm>>
    %dma_start3A_687 = tpu.memref_squeeze %dma_start3A_686 : memref<1x50x32xf32, #tpu.memory_space<hbm>> -> memref<50x32xf32, #tpu.memory_space<hbm>>
    %dma_start3A_688 = arith.constant 1400 : i32
    %dma_start3A_689 = arith.constant 0 : i32
    %dma_start3A_690 = tpu.memref_slice %arg6[%rem3A_93, %dma_start3A_688, %dma_start3A_689] : memref<2x1600x32xf32, #tpu.memory_space<vmem>> -> memref<1x50x32xf32, #tpu.memory_space<vmem>>
    %dma_start3A_691 = tpu.memref_squeeze %dma_start3A_690 : memref<1x50x32xf32, #tpu.memory_space<vmem>> -> memref<50x32xf32, #tpu.memory_space<vmem>>
    tpu.enqueue_dma source(%dma_start3A_691 : memref<50x32xf32, #tpu.memory_space<vmem>>) target(%dma_start3A_687 : memref<50x32xf32, #tpu.memory_space<hbm>>) target_semaphore(%dma_start3A_683 : memref<!tpu.dma_semaphore, #tpu.memory_space<semaphore_mem>>)
    %add3A_692 = arith.constant 29 : i32
    %add3A_693 = arith.addi %add3A_111, %add3A_692 : i32
    %dma_start3A_694 = arith.constant 1450 : i32
    %dma_start3A_695 = arith.constant 0 : i32
    %dma_start3A_696 = tpu.memref_slice %arg6[%rem3A_93, %dma_start3A_694, %dma_start3A_695] : memref<2x1600x32xf32, #tpu.memory_space<vmem>> -> memref<1x50x32xf32, #tpu.memory_space<vmem>>
    %dma_start3A_697 = tpu.memref_squeeze %dma_start3A_696 : memref<1x50x32xf32, #tpu.memory_space<vmem>> -> memref<50x32xf32, #tpu.memory_space<vmem>>
    %dma_start3A_698 = arith.constant 0 : i32
    %dma_start3A_699 = arith.constant 0 : i32
    %dma_start3A_700 = tpu.memref_slice %arg4[%add3A_693, %dma_start3A_698, %dma_start3A_699] : memref<16384x50x32xf32, #tpu.memory_space<hbm>> -> memref<1x50x32xf32, #tpu.memory_space<hbm>>
    %dma_start3A_701 = tpu.memref_squeeze %dma_start3A_700 : memref<1x50x32xf32, #tpu.memory_space<hbm>> -> memref<50x32xf32, #tpu.memory_space<hbm>>
    %dma_start3A_702 = tpu.memref_slice %arg9[%rem3A_93] : memref<2x!tpu.dma_semaphore, #tpu.memory_space<semaphore_mem>> -> memref<1x!tpu.dma_semaphore, #tpu.memory_space<semaphore_mem>>
    %dma_start3A_703 = tpu.memref_squeeze %dma_start3A_702 : memref<1x!tpu.dma_semaphore, #tpu.memory_space<semaphore_mem>> -> memref<!tpu.dma_semaphore, #tpu.memory_space<semaphore_mem>>
    %dma_start3A_704 = arith.constant 0 : i32
    %dma_start3A_705 = arith.constant 0 : i32
    %dma_start3A_706 = tpu.memref_slice %arg4[%add3A_693, %dma_start3A_704, %dma_start3A_705] : memref<16384x50x32xf32, #tpu.memory_space<hbm>> -> memref<1x50x32xf32, #tpu.memory_space<hbm>>
    %dma_start3A_707 = tpu.memref_squeeze %dma_start3A_706 : memref<1x50x32xf32, #tpu.memory_space<hbm>> -> memref<50x32xf32, #tpu.memory_space<hbm>>
    %dma_start3A_708 = arith.constant 1450 : i32
    %dma_start3A_709 = arith.constant 0 : i32
    %dma_start3A_710 = tpu.memref_slice %arg6[%rem3A_93, %dma_start3A_708, %dma_start3A_709] : memref<2x1600x32xf32, #tpu.memory_space<vmem>> -> memref<1x50x32xf32, #tpu.memory_space<vmem>>
    %dma_start3A_711 = tpu.memref_squeeze %dma_start3A_710 : memref<1x50x32xf32, #tpu.memory_space<vmem>> -> memref<50x32xf32, #tpu.memory_space<vmem>>
    tpu.enqueue_dma source(%dma_start3A_711 : memref<50x32xf32, #tpu.memory_space<vmem>>) target(%dma_start3A_707 : memref<50x32xf32, #tpu.memory_space<hbm>>) target_semaphore(%dma_start3A_703 : memref<!tpu.dma_semaphore, #tpu.memory_space<semaphore_mem>>)
    %add3A_712 = arith.constant 30 : i32
    %add3A_713 = arith.addi %add3A_111, %add3A_712 : i32
    %dma_start3A_714 = arith.constant 1500 : i32
    %dma_start3A_715 = arith.constant 0 : i32
    %dma_start3A_716 = tpu.memref_slice %arg6[%rem3A_93, %dma_start3A_714, %dma_start3A_715] : memref<2x1600x32xf32, #tpu.memory_space<vmem>> -> memref<1x50x32xf32, #tpu.memory_space<vmem>>
    %dma_start3A_717 = tpu.memref_squeeze %dma_start3A_716 : memref<1x50x32xf32, #tpu.memory_space<vmem>> -> memref<50x32xf32, #tpu.memory_space<vmem>>
    %dma_start3A_718 = arith.constant 0 : i32
    %dma_start3A_719 = arith.constant 0 : i32
    %dma_start3A_720 = tpu.memref_slice %arg4[%add3A_713, %dma_start3A_718, %dma_start3A_719] : memref<16384x50x32xf32, #tpu.memory_space<hbm>> -> memref<1x50x32xf32, #tpu.memory_space<hbm>>
    %dma_start3A_721 = tpu.memref_squeeze %dma_start3A_720 : memref<1x50x32xf32, #tpu.memory_space<hbm>> -> memref<50x32xf32, #tpu.memory_space<hbm>>
    %dma_start3A_722 = tpu.memref_slice %arg9[%rem3A_93] : memref<2x!tpu.dma_semaphore, #tpu.memory_space<semaphore_mem>> -> memref<1x!tpu.dma_semaphore, #tpu.memory_space<semaphore_mem>>
    %dma_start3A_723 = tpu.memref_squeeze %dma_start3A_722 : memref<1x!tpu.dma_semaphore, #tpu.memory_space<semaphore_mem>> -> memref<!tpu.dma_semaphore, #tpu.memory_space<semaphore_mem>>
    %dma_start3A_724 = arith.constant 0 : i32
    %dma_start3A_725 = arith.constant 0 : i32
    %dma_start3A_726 = tpu.memref_slice %arg4[%add3A_713, %dma_start3A_724, %dma_start3A_725] : memref<16384x50x32xf32, #tpu.memory_space<hbm>> -> memref<1x50x32xf32, #tpu.memory_space<hbm>>
    %dma_start3A_727 = tpu.memref_squeeze %dma_start3A_726 : memref<1x50x32xf32, #tpu.memory_space<hbm>> -> memref<50x32xf32, #tpu.memory_space<hbm>>
    %dma_start3A_728 = arith.constant 1500 : i32
    %dma_start3A_729 = arith.constant 0 : i32
    %dma_start3A_730 = tpu.memref_slice %arg6[%rem3A_93, %dma_start3A_728, %dma_start3A_729] : memref<2x1600x32xf32, #tpu.memory_space<vmem>> -> memref<1x50x32xf32, #tpu.memory_space<vmem>>
    %dma_start3A_731 = tpu.memref_squeeze %dma_start3A_730 : memref<1x50x32xf32, #tpu.memory_space<vmem>> -> memref<50x32xf32, #tpu.memory_space<vmem>>
    tpu.enqueue_dma source(%dma_start3A_731 : memref<50x32xf32, #tpu.memory_space<vmem>>) target(%dma_start3A_727 : memref<50x32xf32, #tpu.memory_space<hbm>>) target_semaphore(%dma_start3A_723 : memref<!tpu.dma_semaphore, #tpu.memory_space<semaphore_mem>>)
    %add3A_732 = arith.constant 31 : i32
    %add3A_733 = arith.addi %add3A_111, %add3A_732 : i32
    %dma_start3A_734 = arith.constant 1550 : i32
    %dma_start3A_735 = arith.constant 0 : i32
    %dma_start3A_736 = tpu.memref_slice %arg6[%rem3A_93, %dma_start3A_734, %dma_start3A_735] : memref<2x1600x32xf32, #tpu.memory_space<vmem>> -> memref<1x50x32xf32, #tpu.memory_space<vmem>>
    %dma_start3A_737 = tpu.memref_squeeze %dma_start3A_736 : memref<1x50x32xf32, #tpu.memory_space<vmem>> -> memref<50x32xf32, #tpu.memory_space<vmem>>
    %dma_start3A_738 = arith.constant 0 : i32
    %dma_start3A_739 = arith.constant 0 : i32
    %dma_start3A_740 = tpu.memref_slice %arg4[%add3A_733, %dma_start3A_738, %dma_start3A_739] : memref<16384x50x32xf32, #tpu.memory_space<hbm>> -> memref<1x50x32xf32, #tpu.memory_space<hbm>>
    %dma_start3A_741 = tpu.memref_squeeze %dma_start3A_740 : memref<1x50x32xf32, #tpu.memory_space<hbm>> -> memref<50x32xf32, #tpu.memory_space<hbm>>
    %dma_start3A_742 = tpu.memref_slice %arg9[%rem3A_93] : memref<2x!tpu.dma_semaphore, #tpu.memory_space<semaphore_mem>> -> memref<1x!tpu.dma_semaphore, #tpu.memory_space<semaphore_mem>>
    %dma_start3A_743 = tpu.memref_squeeze %dma_start3A_742 : memref<1x!tpu.dma_semaphore, #tpu.memory_space<semaphore_mem>> -> memref<!tpu.dma_semaphore, #tpu.memory_space<semaphore_mem>>
    %dma_start3A_744 = arith.constant 0 : i32
    %dma_start3A_745 = arith.constant 0 : i32
    %dma_start3A_746 = tpu.memref_slice %arg4[%add3A_733, %dma_start3A_744, %dma_start3A_745] : memref<16384x50x32xf32, #tpu.memory_space<hbm>> -> memref<1x50x32xf32, #tpu.memory_space<hbm>>
    %dma_start3A_747 = tpu.memref_squeeze %dma_start3A_746 : memref<1x50x32xf32, #tpu.memory_space<hbm>> -> memref<50x32xf32, #tpu.memory_space<hbm>>
    %dma_start3A_748 = arith.constant 1550 : i32
    %dma_start3A_749 = arith.constant 0 : i32
    %dma_start3A_750 = tpu.memref_slice %arg6[%rem3A_93, %dma_start3A_748, %dma_start3A_749] : memref<2x1600x32xf32, #tpu.memory_space<vmem>> -> memref<1x50x32xf32, #tpu.memory_space<vmem>>
    %dma_start3A_751 = tpu.memref_squeeze %dma_start3A_750 : memref<1x50x32xf32, #tpu.memory_space<vmem>> -> memref<50x32xf32, #tpu.memory_space<vmem>>
    tpu.enqueue_dma source(%dma_start3A_751 : memref<50x32xf32, #tpu.memory_space<vmem>>) target(%dma_start3A_747 : memref<50x32xf32, #tpu.memory_space<hbm>>) target_semaphore(%dma_start3A_743 : memref<!tpu.dma_semaphore, #tpu.memory_space<semaphore_mem>>)
    %dma_wait3A_752 = arith.constant 0 : i32
    %dma_wait3A_753 = arith.constant 0 : i32
    %dma_wait3A_754 = tpu.memref_slice %arg6[%rem3A_93, %dma_wait3A_752, %dma_wait3A_753] : memref<2x1600x32xf32, #tpu.memory_space<vmem>> -> memref<1x1600x32xf32, #tpu.memory_space<vmem>>
    %dma_wait3A_755 = tpu.memref_squeeze %dma_wait3A_754 : memref<1x1600x32xf32, #tpu.memory_space<vmem>> -> memref<1600x32xf32, #tpu.memory_space<vmem>>
    %dma_wait3A_756 = arith.constant 0 : i32
    %dma_wait3A_757 = arith.constant 0 : i32
    %dma_wait3A_758 = tpu.memref_slice %arg2[%dma_wait3A_756, %dma_wait3A_757] : memref<1000000x32xf32, #tpu.memory_space<hbm>> -> memref<1600x32xf32, #tpu.memory_space<hbm>>
    %dma_wait3A_759 = tpu.memref_slice %arg9[%rem3A_93] : memref<2x!tpu.dma_semaphore, #tpu.memory_space<semaphore_mem>> -> memref<1x!tpu.dma_semaphore, #tpu.memory_space<semaphore_mem>>
    %dma_wait3A_760 = tpu.memref_squeeze %dma_wait3A_759 : memref<1x!tpu.dma_semaphore, #tpu.memory_space<semaphore_mem>> -> memref<!tpu.dma_semaphore, #tpu.memory_space<semaphore_mem>>
    %dma_wait3A_761 = arith.constant 0 : i32
    %dma_wait3A_762 = arith.constant 0 : i32
    %dma_wait3A_763 = tpu.memref_slice %arg6[%rem3A_93, %dma_wait3A_761, %dma_wait3A_762] : memref<2x1600x32xf32, #tpu.memory_space<vmem>> -> memref<1x1600x32xf32, #tpu.memory_space<vmem>>
    %dma_wait3A_764 = tpu.memref_squeeze %dma_wait3A_763 : memref<1x1600x32xf32, #tpu.memory_space<vmem>> -> memref<1600x32xf32, #tpu.memory_space<vmem>>
    %dma_wait3A_765 = arith.constant 0 : i32
    %dma_wait3A_766 = arith.constant 0 : i32
    %dma_wait3A_767 = tpu.memref_slice %arg2[%dma_wait3A_765, %dma_wait3A_766] : memref<1000000x32xf32, #tpu.memory_space<hbm>> -> memref<1600x32xf32, #tpu.memory_space<hbm>>
    tpu.wait_dma2 semaphore(%dma_wait3A_760 : memref<!tpu.dma_semaphore, #tpu.memory_space<semaphore_mem>>) src(%dma_wait3A_767 : memref<1600x32xf32, #tpu.memory_space<hbm>>) dst(%dma_wait3A_764 : memref<1600x32xf32, #tpu.memory_space<vmem>>)
    %rem3A_768 = arith.constant 15 : i32
    %rem3A_769 = arith.constant 2 : i32
    %rem3A_770 = arith.remsi %rem3A_768, %rem3A_769 : i32
    %dma_wait3A_771 = arith.constant 0 : i32
    %dma_wait3A_772 = arith.constant 0 : i32
    %dma_wait3A_773 = tpu.memref_slice %arg6[%rem3A_770, %dma_wait3A_771, %dma_wait3A_772] : memref<2x1600x32xf32, #tpu.memory_space<vmem>> -> memref<1x1600x32xf32, #tpu.memory_space<vmem>>
    %dma_wait3A_774 = tpu.memref_squeeze %dma_wait3A_773 : memref<1x1600x32xf32, #tpu.memory_space<vmem>> -> memref<1600x32xf32, #tpu.memory_space<vmem>>
    %dma_wait3A_775 = arith.constant 0 : i32
    %dma_wait3A_776 = arith.constant 0 : i32
    %dma_wait3A_777 = tpu.memref_slice %arg2[%dma_wait3A_775, %dma_wait3A_776] : memref<1000000x32xf32, #tpu.memory_space<hbm>> -> memref<1600x32xf32, #tpu.memory_space<hbm>>
    %dma_wait3A_778 = tpu.memref_slice %arg8[%rem3A_770] : memref<2x!tpu.dma_semaphore, #tpu.memory_space<semaphore_mem>> -> memref<1x!tpu.dma_semaphore, #tpu.memory_space<semaphore_mem>>
    %dma_wait3A_779 = tpu.memref_squeeze %dma_wait3A_778 : memref<1x!tpu.dma_semaphore, #tpu.memory_space<semaphore_mem>> -> memref<!tpu.dma_semaphore, #tpu.memory_space<semaphore_mem>>
    %dma_wait3A_780 = arith.constant 0 : i32
    %dma_wait3A_781 = arith.constant 0 : i32
    %dma_wait3A_782 = tpu.memref_slice %arg6[%rem3A_770, %dma_wait3A_780, %dma_wait3A_781] : memref<2x1600x32xf32, #tpu.memory_space<vmem>> -> memref<1x1600x32xf32, #tpu.memory_space<vmem>>
    %dma_wait3A_783 = tpu.memref_squeeze %dma_wait3A_782 : memref<1x1600x32xf32, #tpu.memory_space<vmem>> -> memref<1600x32xf32, #tpu.memory_space<vmem>>
    %dma_wait3A_784 = arith.constant 0 : i32
    %dma_wait3A_785 = arith.constant 0 : i32
    %dma_wait3A_786 = tpu.memref_slice %arg2[%dma_wait3A_784, %dma_wait3A_785] : memref<1000000x32xf32, #tpu.memory_space<hbm>> -> memref<1600x32xf32, #tpu.memory_space<hbm>>
    tpu.wait_dma2 semaphore(%dma_wait3A_779 : memref<!tpu.dma_semaphore, #tpu.memory_space<semaphore_mem>>) src(%dma_wait3A_786 : memref<1600x32xf32, #tpu.memory_space<hbm>>) dst(%dma_wait3A_783 : memref<1600x32xf32, #tpu.memory_space<vmem>>)
    %add3A_787 = arith.constant 480 : i32
    %add3A_788 = arith.addi %mul3A_2, %add3A_787 : i32
    %add3A_789 = arith.constant 0 : i32
    %add3A_790 = arith.addi %add3A_788, %add3A_789 : i32
    %dma_start3A_791 = arith.constant 0 : i32
    %dma_start3A_792 = arith.constant 0 : i32
    %dma_start3A_793 = tpu.memref_slice %arg6[%rem3A_770, %dma_start3A_791, %dma_start3A_792] : memref<2x1600x32xf32, #tpu.memory_space<vmem>> -> memref<1x50x32xf32, #tpu.memory_space<vmem>>
    %dma_start3A_794 = tpu.memref_squeeze %dma_start3A_793 : memref<1x50x32xf32, #tpu.memory_space<vmem>> -> memref<50x32xf32, #tpu.memory_space<vmem>>
    %dma_start3A_795 = arith.constant 0 : i32
    %dma_start3A_796 = arith.constant 0 : i32
    %dma_start3A_797 = tpu.memref_slice %arg4[%add3A_790, %dma_start3A_795, %dma_start3A_796] : memref<16384x50x32xf32, #tpu.memory_space<hbm>> -> memref<1x50x32xf32, #tpu.memory_space<hbm>>
    %dma_start3A_798 = tpu.memref_squeeze %dma_start3A_797 : memref<1x50x32xf32, #tpu.memory_space<hbm>> -> memref<50x32xf32, #tpu.memory_space<hbm>>
    %dma_start3A_799 = tpu.memref_slice %arg9[%rem3A_770] : memref<2x!tpu.dma_semaphore, #tpu.memory_space<semaphore_mem>> -> memref<1x!tpu.dma_semaphore, #tpu.memory_space<semaphore_mem>>
    %dma_start3A_800 = tpu.memref_squeeze %dma_start3A_799 : memref<1x!tpu.dma_semaphore, #tpu.memory_space<semaphore_mem>> -> memref<!tpu.dma_semaphore, #tpu.memory_space<semaphore_mem>>
    %dma_start3A_801 = arith.constant 0 : i32
    %dma_start3A_802 = arith.constant 0 : i32
    %dma_start3A_803 = tpu.memref_slice %arg4[%add3A_790, %dma_start3A_801, %dma_start3A_802] : memref<16384x50x32xf32, #tpu.memory_space<hbm>> -> memref<1x50x32xf32, #tpu.memory_space<hbm>>
    %dma_start3A_804 = tpu.memref_squeeze %dma_start3A_803 : memref<1x50x32xf32, #tpu.memory_space<hbm>> -> memref<50x32xf32, #tpu.memory_space<hbm>>
    %dma_start3A_805 = arith.constant 0 : i32
    %dma_start3A_806 = arith.constant 0 : i32
    %dma_start3A_807 = tpu.memref_slice %arg6[%rem3A_770, %dma_start3A_805, %dma_start3A_806] : memref<2x1600x32xf32, #tpu.memory_space<vmem>> -> memref<1x50x32xf32, #tpu.memory_space<vmem>>
    %dma_start3A_808 = tpu.memref_squeeze %dma_start3A_807 : memref<1x50x32xf32, #tpu.memory_space<vmem>> -> memref<50x32xf32, #tpu.memory_space<vmem>>
    tpu.enqueue_dma source(%dma_start3A_808 : memref<50x32xf32, #tpu.memory_space<vmem>>) target(%dma_start3A_804 : memref<50x32xf32, #tpu.memory_space<hbm>>) target_semaphore(%dma_start3A_800 : memref<!tpu.dma_semaphore, #tpu.memory_space<semaphore_mem>>)
    %add3A_809 = arith.constant 1 : i32
    %add3A_810 = arith.addi %add3A_788, %add3A_809 : i32
    %dma_start3A_811 = arith.constant 50 : i32
    %dma_start3A_812 = arith.constant 0 : i32
    %dma_start3A_813 = tpu.memref_slice %arg6[%rem3A_770, %dma_start3A_811, %dma_start3A_812] : memref<2x1600x32xf32, #tpu.memory_space<vmem>> -> memref<1x50x32xf32, #tpu.memory_space<vmem>>
    %dma_start3A_814 = tpu.memref_squeeze %dma_start3A_813 : memref<1x50x32xf32, #tpu.memory_space<vmem>> -> memref<50x32xf32, #tpu.memory_space<vmem>>
    %dma_start3A_815 = arith.constant 0 : i32
    %dma_start3A_816 = arith.constant 0 : i32
    %dma_start3A_817 = tpu.memref_slice %arg4[%add3A_810, %dma_start3A_815, %dma_start3A_816] : memref<16384x50x32xf32, #tpu.memory_space<hbm>> -> memref<1x50x32xf32, #tpu.memory_space<hbm>>
    %dma_start3A_818 = tpu.memref_squeeze %dma_start3A_817 : memref<1x50x32xf32, #tpu.memory_space<hbm>> -> memref<50x32xf32, #tpu.memory_space<hbm>>
    %dma_start3A_819 = tpu.memref_slice %arg9[%rem3A_770] : memref<2x!tpu.dma_semaphore, #tpu.memory_space<semaphore_mem>> -> memref<1x!tpu.dma_semaphore, #tpu.memory_space<semaphore_mem>>
    %dma_start3A_820 = tpu.memref_squeeze %dma_start3A_819 : memref<1x!tpu.dma_semaphore, #tpu.memory_space<semaphore_mem>> -> memref<!tpu.dma_semaphore, #tpu.memory_space<semaphore_mem>>
    %dma_start3A_821 = arith.constant 0 : i32
    %dma_start3A_822 = arith.constant 0 : i32
    %dma_start3A_823 = tpu.memref_slice %arg4[%add3A_810, %dma_start3A_821, %dma_start3A_822] : memref<16384x50x32xf32, #tpu.memory_space<hbm>> -> memref<1x50x32xf32, #tpu.memory_space<hbm>>
    %dma_start3A_824 = tpu.memref_squeeze %dma_start3A_823 : memref<1x50x32xf32, #tpu.memory_space<hbm>> -> memref<50x32xf32, #tpu.memory_space<hbm>>
    %dma_start3A_825 = arith.constant 50 : i32
    %dma_start3A_826 = arith.constant 0 : i32
    %dma_start3A_827 = tpu.memref_slice %arg6[%rem3A_770, %dma_start3A_825, %dma_start3A_826] : memref<2x1600x32xf32, #tpu.memory_space<vmem>> -> memref<1x50x32xf32, #tpu.memory_space<vmem>>
    %dma_start3A_828 = tpu.memref_squeeze %dma_start3A_827 : memref<1x50x32xf32, #tpu.memory_space<vmem>> -> memref<50x32xf32, #tpu.memory_space<vmem>>
    tpu.enqueue_dma source(%dma_start3A_828 : memref<50x32xf32, #tpu.memory_space<vmem>>) target(%dma_start3A_824 : memref<50x32xf32, #tpu.memory_space<hbm>>) target_semaphore(%dma_start3A_820 : memref<!tpu.dma_semaphore, #tpu.memory_space<semaphore_mem>>)
    %add3A_829 = arith.constant 2 : i32
    %add3A_830 = arith.addi %add3A_788, %add3A_829 : i32
    %dma_start3A_831 = arith.constant 100 : i32
    %dma_start3A_832 = arith.constant 0 : i32
    %dma_start3A_833 = tpu.memref_slice %arg6[%rem3A_770, %dma_start3A_831, %dma_start3A_832] : memref<2x1600x32xf32, #tpu.memory_space<vmem>> -> memref<1x50x32xf32, #tpu.memory_space<vmem>>
    %dma_start3A_834 = tpu.memref_squeeze %dma_start3A_833 : memref<1x50x32xf32, #tpu.memory_space<vmem>> -> memref<50x32xf32, #tpu.memory_space<vmem>>
    %dma_start3A_835 = arith.constant 0 : i32
    %dma_start3A_836 = arith.constant 0 : i32
    %dma_start3A_837 = tpu.memref_slice %arg4[%add3A_830, %dma_start3A_835, %dma_start3A_836] : memref<16384x50x32xf32, #tpu.memory_space<hbm>> -> memref<1x50x32xf32, #tpu.memory_space<hbm>>
    %dma_start3A_838 = tpu.memref_squeeze %dma_start3A_837 : memref<1x50x32xf32, #tpu.memory_space<hbm>> -> memref<50x32xf32, #tpu.memory_space<hbm>>
    %dma_start3A_839 = tpu.memref_slice %arg9[%rem3A_770] : memref<2x!tpu.dma_semaphore, #tpu.memory_space<semaphore_mem>> -> memref<1x!tpu.dma_semaphore, #tpu.memory_space<semaphore_mem>>
    %dma_start3A_840 = tpu.memref_squeeze %dma_start3A_839 : memref<1x!tpu.dma_semaphore, #tpu.memory_space<semaphore_mem>> -> memref<!tpu.dma_semaphore, #tpu.memory_space<semaphore_mem>>
    %dma_start3A_841 = arith.constant 0 : i32
    %dma_start3A_842 = arith.constant 0 : i32
    %dma_start3A_843 = tpu.memref_slice %arg4[%add3A_830, %dma_start3A_841, %dma_start3A_842] : memref<16384x50x32xf32, #tpu.memory_space<hbm>> -> memref<1x50x32xf32, #tpu.memory_space<hbm>>
    %dma_start3A_844 = tpu.memref_squeeze %dma_start3A_843 : memref<1x50x32xf32, #tpu.memory_space<hbm>> -> memref<50x32xf32, #tpu.memory_space<hbm>>
    %dma_start3A_845 = arith.constant 100 : i32
    %dma_start3A_846 = arith.constant 0 : i32
    %dma_start3A_847 = tpu.memref_slice %arg6[%rem3A_770, %dma_start3A_845, %dma_start3A_846] : memref<2x1600x32xf32, #tpu.memory_space<vmem>> -> memref<1x50x32xf32, #tpu.memory_space<vmem>>
    %dma_start3A_848 = tpu.memref_squeeze %dma_start3A_847 : memref<1x50x32xf32, #tpu.memory_space<vmem>> -> memref<50x32xf32, #tpu.memory_space<vmem>>
    tpu.enqueue_dma source(%dma_start3A_848 : memref<50x32xf32, #tpu.memory_space<vmem>>) target(%dma_start3A_844 : memref<50x32xf32, #tpu.memory_space<hbm>>) target_semaphore(%dma_start3A_840 : memref<!tpu.dma_semaphore, #tpu.memory_space<semaphore_mem>>)
    %add3A_849 = arith.constant 3 : i32
    %add3A_850 = arith.addi %add3A_788, %add3A_849 : i32
    %dma_start3A_851 = arith.constant 150 : i32
    %dma_start3A_852 = arith.constant 0 : i32
    %dma_start3A_853 = tpu.memref_slice %arg6[%rem3A_770, %dma_start3A_851, %dma_start3A_852] : memref<2x1600x32xf32, #tpu.memory_space<vmem>> -> memref<1x50x32xf32, #tpu.memory_space<vmem>>
    %dma_start3A_854 = tpu.memref_squeeze %dma_start3A_853 : memref<1x50x32xf32, #tpu.memory_space<vmem>> -> memref<50x32xf32, #tpu.memory_space<vmem>>
    %dma_start3A_855 = arith.constant 0 : i32
    %dma_start3A_856 = arith.constant 0 : i32
    %dma_start3A_857 = tpu.memref_slice %arg4[%add3A_850, %dma_start3A_855, %dma_start3A_856] : memref<16384x50x32xf32, #tpu.memory_space<hbm>> -> memref<1x50x32xf32, #tpu.memory_space<hbm>>
    %dma_start3A_858 = tpu.memref_squeeze %dma_start3A_857 : memref<1x50x32xf32, #tpu.memory_space<hbm>> -> memref<50x32xf32, #tpu.memory_space<hbm>>
    %dma_start3A_859 = tpu.memref_slice %arg9[%rem3A_770] : memref<2x!tpu.dma_semaphore, #tpu.memory_space<semaphore_mem>> -> memref<1x!tpu.dma_semaphore, #tpu.memory_space<semaphore_mem>>
    %dma_start3A_860 = tpu.memref_squeeze %dma_start3A_859 : memref<1x!tpu.dma_semaphore, #tpu.memory_space<semaphore_mem>> -> memref<!tpu.dma_semaphore, #tpu.memory_space<semaphore_mem>>
    %dma_start3A_861 = arith.constant 0 : i32
    %dma_start3A_862 = arith.constant 0 : i32
    %dma_start3A_863 = tpu.memref_slice %arg4[%add3A_850, %dma_start3A_861, %dma_start3A_862] : memref<16384x50x32xf32, #tpu.memory_space<hbm>> -> memref<1x50x32xf32, #tpu.memory_space<hbm>>
    %dma_start3A_864 = tpu.memref_squeeze %dma_start3A_863 : memref<1x50x32xf32, #tpu.memory_space<hbm>> -> memref<50x32xf32, #tpu.memory_space<hbm>>
    %dma_start3A_865 = arith.constant 150 : i32
    %dma_start3A_866 = arith.constant 0 : i32
    %dma_start3A_867 = tpu.memref_slice %arg6[%rem3A_770, %dma_start3A_865, %dma_start3A_866] : memref<2x1600x32xf32, #tpu.memory_space<vmem>> -> memref<1x50x32xf32, #tpu.memory_space<vmem>>
    %dma_start3A_868 = tpu.memref_squeeze %dma_start3A_867 : memref<1x50x32xf32, #tpu.memory_space<vmem>> -> memref<50x32xf32, #tpu.memory_space<vmem>>
    tpu.enqueue_dma source(%dma_start3A_868 : memref<50x32xf32, #tpu.memory_space<vmem>>) target(%dma_start3A_864 : memref<50x32xf32, #tpu.memory_space<hbm>>) target_semaphore(%dma_start3A_860 : memref<!tpu.dma_semaphore, #tpu.memory_space<semaphore_mem>>)
    %add3A_869 = arith.constant 4 : i32
    %add3A_870 = arith.addi %add3A_788, %add3A_869 : i32
    %dma_start3A_871 = arith.constant 200 : i32
    %dma_start3A_872 = arith.constant 0 : i32
    %dma_start3A_873 = tpu.memref_slice %arg6[%rem3A_770, %dma_start3A_871, %dma_start3A_872] : memref<2x1600x32xf32, #tpu.memory_space<vmem>> -> memref<1x50x32xf32, #tpu.memory_space<vmem>>
    %dma_start3A_874 = tpu.memref_squeeze %dma_start3A_873 : memref<1x50x32xf32, #tpu.memory_space<vmem>> -> memref<50x32xf32, #tpu.memory_space<vmem>>
    %dma_start3A_875 = arith.constant 0 : i32
    %dma_start3A_876 = arith.constant 0 : i32
    %dma_start3A_877 = tpu.memref_slice %arg4[%add3A_870, %dma_start3A_875, %dma_start3A_876] : memref<16384x50x32xf32, #tpu.memory_space<hbm>> -> memref<1x50x32xf32, #tpu.memory_space<hbm>>
    %dma_start3A_878 = tpu.memref_squeeze %dma_start3A_877 : memref<1x50x32xf32, #tpu.memory_space<hbm>> -> memref<50x32xf32, #tpu.memory_space<hbm>>
    %dma_start3A_879 = tpu.memref_slice %arg9[%rem3A_770] : memref<2x!tpu.dma_semaphore, #tpu.memory_space<semaphore_mem>> -> memref<1x!tpu.dma_semaphore, #tpu.memory_space<semaphore_mem>>
    %dma_start3A_880 = tpu.memref_squeeze %dma_start3A_879 : memref<1x!tpu.dma_semaphore, #tpu.memory_space<semaphore_mem>> -> memref<!tpu.dma_semaphore, #tpu.memory_space<semaphore_mem>>
    %dma_start3A_881 = arith.constant 0 : i32
    %dma_start3A_882 = arith.constant 0 : i32
    %dma_start3A_883 = tpu.memref_slice %arg4[%add3A_870, %dma_start3A_881, %dma_start3A_882] : memref<16384x50x32xf32, #tpu.memory_space<hbm>> -> memref<1x50x32xf32, #tpu.memory_space<hbm>>
    %dma_start3A_884 = tpu.memref_squeeze %dma_start3A_883 : memref<1x50x32xf32, #tpu.memory_space<hbm>> -> memref<50x32xf32, #tpu.memory_space<hbm>>
    %dma_start3A_885 = arith.constant 200 : i32
    %dma_start3A_886 = arith.constant 0 : i32
    %dma_start3A_887 = tpu.memref_slice %arg6[%rem3A_770, %dma_start3A_885, %dma_start3A_886] : memref<2x1600x32xf32, #tpu.memory_space<vmem>> -> memref<1x50x32xf32, #tpu.memory_space<vmem>>
    %dma_start3A_888 = tpu.memref_squeeze %dma_start3A_887 : memref<1x50x32xf32, #tpu.memory_space<vmem>> -> memref<50x32xf32, #tpu.memory_space<vmem>>
    tpu.enqueue_dma source(%dma_start3A_888 : memref<50x32xf32, #tpu.memory_space<vmem>>) target(%dma_start3A_884 : memref<50x32xf32, #tpu.memory_space<hbm>>) target_semaphore(%dma_start3A_880 : memref<!tpu.dma_semaphore, #tpu.memory_space<semaphore_mem>>)
    %add3A_889 = arith.constant 5 : i32
    %add3A_890 = arith.addi %add3A_788, %add3A_889 : i32
    %dma_start3A_891 = arith.constant 250 : i32
    %dma_start3A_892 = arith.constant 0 : i32
    %dma_start3A_893 = tpu.memref_slice %arg6[%rem3A_770, %dma_start3A_891, %dma_start3A_892] : memref<2x1600x32xf32, #tpu.memory_space<vmem>> -> memref<1x50x32xf32, #tpu.memory_space<vmem>>
    %dma_start3A_894 = tpu.memref_squeeze %dma_start3A_893 : memref<1x50x32xf32, #tpu.memory_space<vmem>> -> memref<50x32xf32, #tpu.memory_space<vmem>>
    %dma_start3A_895 = arith.constant 0 : i32
    %dma_start3A_896 = arith.constant 0 : i32
    %dma_start3A_897 = tpu.memref_slice %arg4[%add3A_890, %dma_start3A_895, %dma_start3A_896] : memref<16384x50x32xf32, #tpu.memory_space<hbm>> -> memref<1x50x32xf32, #tpu.memory_space<hbm>>
    %dma_start3A_898 = tpu.memref_squeeze %dma_start3A_897 : memref<1x50x32xf32, #tpu.memory_space<hbm>> -> memref<50x32xf32, #tpu.memory_space<hbm>>
    %dma_start3A_899 = tpu.memref_slice %arg9[%rem3A_770] : memref<2x!tpu.dma_semaphore, #tpu.memory_space<semaphore_mem>> -> memref<1x!tpu.dma_semaphore, #tpu.memory_space<semaphore_mem>>
    %dma_start3A_900 = tpu.memref_squeeze %dma_start3A_899 : memref<1x!tpu.dma_semaphore, #tpu.memory_space<semaphore_mem>> -> memref<!tpu.dma_semaphore, #tpu.memory_space<semaphore_mem>>
    %dma_start3A_901 = arith.constant 0 : i32
    %dma_start3A_902 = arith.constant 0 : i32
    %dma_start3A_903 = tpu.memref_slice %arg4[%add3A_890, %dma_start3A_901, %dma_start3A_902] : memref<16384x50x32xf32, #tpu.memory_space<hbm>> -> memref<1x50x32xf32, #tpu.memory_space<hbm>>
    %dma_start3A_904 = tpu.memref_squeeze %dma_start3A_903 : memref<1x50x32xf32, #tpu.memory_space<hbm>> -> memref<50x32xf32, #tpu.memory_space<hbm>>
    %dma_start3A_905 = arith.constant 250 : i32
    %dma_start3A_906 = arith.constant 0 : i32
    %dma_start3A_907 = tpu.memref_slice %arg6[%rem3A_770, %dma_start3A_905, %dma_start3A_906] : memref<2x1600x32xf32, #tpu.memory_space<vmem>> -> memref<1x50x32xf32, #tpu.memory_space<vmem>>
    %dma_start3A_908 = tpu.memref_squeeze %dma_start3A_907 : memref<1x50x32xf32, #tpu.memory_space<vmem>> -> memref<50x32xf32, #tpu.memory_space<vmem>>
    tpu.enqueue_dma source(%dma_start3A_908 : memref<50x32xf32, #tpu.memory_space<vmem>>) target(%dma_start3A_904 : memref<50x32xf32, #tpu.memory_space<hbm>>) target_semaphore(%dma_start3A_900 : memref<!tpu.dma_semaphore, #tpu.memory_space<semaphore_mem>>)
    %add3A_909 = arith.constant 6 : i32
    %add3A_910 = arith.addi %add3A_788, %add3A_909 : i32
    %dma_start3A_911 = arith.constant 300 : i32
    %dma_start3A_912 = arith.constant 0 : i32
    %dma_start3A_913 = tpu.memref_slice %arg6[%rem3A_770, %dma_start3A_911, %dma_start3A_912] : memref<2x1600x32xf32, #tpu.memory_space<vmem>> -> memref<1x50x32xf32, #tpu.memory_space<vmem>>
    %dma_start3A_914 = tpu.memref_squeeze %dma_start3A_913 : memref<1x50x32xf32, #tpu.memory_space<vmem>> -> memref<50x32xf32, #tpu.memory_space<vmem>>
    %dma_start3A_915 = arith.constant 0 : i32
    %dma_start3A_916 = arith.constant 0 : i32
    %dma_start3A_917 = tpu.memref_slice %arg4[%add3A_910, %dma_start3A_915, %dma_start3A_916] : memref<16384x50x32xf32, #tpu.memory_space<hbm>> -> memref<1x50x32xf32, #tpu.memory_space<hbm>>
    %dma_start3A_918 = tpu.memref_squeeze %dma_start3A_917 : memref<1x50x32xf32, #tpu.memory_space<hbm>> -> memref<50x32xf32, #tpu.memory_space<hbm>>
    %dma_start3A_919 = tpu.memref_slice %arg9[%rem3A_770] : memref<2x!tpu.dma_semaphore, #tpu.memory_space<semaphore_mem>> -> memref<1x!tpu.dma_semaphore, #tpu.memory_space<semaphore_mem>>
    %dma_start3A_920 = tpu.memref_squeeze %dma_start3A_919 : memref<1x!tpu.dma_semaphore, #tpu.memory_space<semaphore_mem>> -> memref<!tpu.dma_semaphore, #tpu.memory_space<semaphore_mem>>
    %dma_start3A_921 = arith.constant 0 : i32
    %dma_start3A_922 = arith.constant 0 : i32
    %dma_start3A_923 = tpu.memref_slice %arg4[%add3A_910, %dma_start3A_921, %dma_start3A_922] : memref<16384x50x32xf32, #tpu.memory_space<hbm>> -> memref<1x50x32xf32, #tpu.memory_space<hbm>>
    %dma_start3A_924 = tpu.memref_squeeze %dma_start3A_923 : memref<1x50x32xf32, #tpu.memory_space<hbm>> -> memref<50x32xf32, #tpu.memory_space<hbm>>
    %dma_start3A_925 = arith.constant 300 : i32
    %dma_start3A_926 = arith.constant 0 : i32
    %dma_start3A_927 = tpu.memref_slice %arg6[%rem3A_770, %dma_start3A_925, %dma_start3A_926] : memref<2x1600x32xf32, #tpu.memory_space<vmem>> -> memref<1x50x32xf32, #tpu.memory_space<vmem>>
    %dma_start3A_928 = tpu.memref_squeeze %dma_start3A_927 : memref<1x50x32xf32, #tpu.memory_space<vmem>> -> memref<50x32xf32, #tpu.memory_space<vmem>>
    tpu.enqueue_dma source(%dma_start3A_928 : memref<50x32xf32, #tpu.memory_space<vmem>>) target(%dma_start3A_924 : memref<50x32xf32, #tpu.memory_space<hbm>>) target_semaphore(%dma_start3A_920 : memref<!tpu.dma_semaphore, #tpu.memory_space<semaphore_mem>>)
    %add3A_929 = arith.constant 7 : i32
    %add3A_930 = arith.addi %add3A_788, %add3A_929 : i32
    %dma_start3A_931 = arith.constant 350 : i32
    %dma_start3A_932 = arith.constant 0 : i32
    %dma_start3A_933 = tpu.memref_slice %arg6[%rem3A_770, %dma_start3A_931, %dma_start3A_932] : memref<2x1600x32xf32, #tpu.memory_space<vmem>> -> memref<1x50x32xf32, #tpu.memory_space<vmem>>
    %dma_start3A_934 = tpu.memref_squeeze %dma_start3A_933 : memref<1x50x32xf32, #tpu.memory_space<vmem>> -> memref<50x32xf32, #tpu.memory_space<vmem>>
    %dma_start3A_935 = arith.constant 0 : i32
    %dma_start3A_936 = arith.constant 0 : i32
    %dma_start3A_937 = tpu.memref_slice %arg4[%add3A_930, %dma_start3A_935, %dma_start3A_936] : memref<16384x50x32xf32, #tpu.memory_space<hbm>> -> memref<1x50x32xf32, #tpu.memory_space<hbm>>
    %dma_start3A_938 = tpu.memref_squeeze %dma_start3A_937 : memref<1x50x32xf32, #tpu.memory_space<hbm>> -> memref<50x32xf32, #tpu.memory_space<hbm>>
    %dma_start3A_939 = tpu.memref_slice %arg9[%rem3A_770] : memref<2x!tpu.dma_semaphore, #tpu.memory_space<semaphore_mem>> -> memref<1x!tpu.dma_semaphore, #tpu.memory_space<semaphore_mem>>
    %dma_start3A_940 = tpu.memref_squeeze %dma_start3A_939 : memref<1x!tpu.dma_semaphore, #tpu.memory_space<semaphore_mem>> -> memref<!tpu.dma_semaphore, #tpu.memory_space<semaphore_mem>>
    %dma_start3A_941 = arith.constant 0 : i32
    %dma_start3A_942 = arith.constant 0 : i32
    %dma_start3A_943 = tpu.memref_slice %arg4[%add3A_930, %dma_start3A_941, %dma_start3A_942] : memref<16384x50x32xf32, #tpu.memory_space<hbm>> -> memref<1x50x32xf32, #tpu.memory_space<hbm>>
    %dma_start3A_944 = tpu.memref_squeeze %dma_start3A_943 : memref<1x50x32xf32, #tpu.memory_space<hbm>> -> memref<50x32xf32, #tpu.memory_space<hbm>>
    %dma_start3A_945 = arith.constant 350 : i32
    %dma_start3A_946 = arith.constant 0 : i32
    %dma_start3A_947 = tpu.memref_slice %arg6[%rem3A_770, %dma_start3A_945, %dma_start3A_946] : memref<2x1600x32xf32, #tpu.memory_space<vmem>> -> memref<1x50x32xf32, #tpu.memory_space<vmem>>
    %dma_start3A_948 = tpu.memref_squeeze %dma_start3A_947 : memref<1x50x32xf32, #tpu.memory_space<vmem>> -> memref<50x32xf32, #tpu.memory_space<vmem>>
    tpu.enqueue_dma source(%dma_start3A_948 : memref<50x32xf32, #tpu.memory_space<vmem>>) target(%dma_start3A_944 : memref<50x32xf32, #tpu.memory_space<hbm>>) target_semaphore(%dma_start3A_940 : memref<!tpu.dma_semaphore, #tpu.memory_space<semaphore_mem>>)
    %add3A_949 = arith.constant 8 : i32
    %add3A_950 = arith.addi %add3A_788, %add3A_949 : i32
    %dma_start3A_951 = arith.constant 400 : i32
    %dma_start3A_952 = arith.constant 0 : i32
    %dma_start3A_953 = tpu.memref_slice %arg6[%rem3A_770, %dma_start3A_951, %dma_start3A_952] : memref<2x1600x32xf32, #tpu.memory_space<vmem>> -> memref<1x50x32xf32, #tpu.memory_space<vmem>>
    %dma_start3A_954 = tpu.memref_squeeze %dma_start3A_953 : memref<1x50x32xf32, #tpu.memory_space<vmem>> -> memref<50x32xf32, #tpu.memory_space<vmem>>
    %dma_start3A_955 = arith.constant 0 : i32
    %dma_start3A_956 = arith.constant 0 : i32
    %dma_start3A_957 = tpu.memref_slice %arg4[%add3A_950, %dma_start3A_955, %dma_start3A_956] : memref<16384x50x32xf32, #tpu.memory_space<hbm>> -> memref<1x50x32xf32, #tpu.memory_space<hbm>>
    %dma_start3A_958 = tpu.memref_squeeze %dma_start3A_957 : memref<1x50x32xf32, #tpu.memory_space<hbm>> -> memref<50x32xf32, #tpu.memory_space<hbm>>
    %dma_start3A_959 = tpu.memref_slice %arg9[%rem3A_770] : memref<2x!tpu.dma_semaphore, #tpu.memory_space<semaphore_mem>> -> memref<1x!tpu.dma_semaphore, #tpu.memory_space<semaphore_mem>>
    %dma_start3A_960 = tpu.memref_squeeze %dma_start3A_959 : memref<1x!tpu.dma_semaphore, #tpu.memory_space<semaphore_mem>> -> memref<!tpu.dma_semaphore, #tpu.memory_space<semaphore_mem>>
    %dma_start3A_961 = arith.constant 0 : i32
    %dma_start3A_962 = arith.constant 0 : i32
    %dma_start3A_963 = tpu.memref_slice %arg4[%add3A_950, %dma_start3A_961, %dma_start3A_962] : memref<16384x50x32xf32, #tpu.memory_space<hbm>> -> memref<1x50x32xf32, #tpu.memory_space<hbm>>
    %dma_start3A_964 = tpu.memref_squeeze %dma_start3A_963 : memref<1x50x32xf32, #tpu.memory_space<hbm>> -> memref<50x32xf32, #tpu.memory_space<hbm>>
    %dma_start3A_965 = arith.constant 400 : i32
    %dma_start3A_966 = arith.constant 0 : i32
    %dma_start3A_967 = tpu.memref_slice %arg6[%rem3A_770, %dma_start3A_965, %dma_start3A_966] : memref<2x1600x32xf32, #tpu.memory_space<vmem>> -> memref<1x50x32xf32, #tpu.memory_space<vmem>>
    %dma_start3A_968 = tpu.memref_squeeze %dma_start3A_967 : memref<1x50x32xf32, #tpu.memory_space<vmem>> -> memref<50x32xf32, #tpu.memory_space<vmem>>
    tpu.enqueue_dma source(%dma_start3A_968 : memref<50x32xf32, #tpu.memory_space<vmem>>) target(%dma_start3A_964 : memref<50x32xf32, #tpu.memory_space<hbm>>) target_semaphore(%dma_start3A_960 : memref<!tpu.dma_semaphore, #tpu.memory_space<semaphore_mem>>)
    %add3A_969 = arith.constant 9 : i32
    %add3A_970 = arith.addi %add3A_788, %add3A_969 : i32
    %dma_start3A_971 = arith.constant 450 : i32
    %dma_start3A_972 = arith.constant 0 : i32
    %dma_start3A_973 = tpu.memref_slice %arg6[%rem3A_770, %dma_start3A_971, %dma_start3A_972] : memref<2x1600x32xf32, #tpu.memory_space<vmem>> -> memref<1x50x32xf32, #tpu.memory_space<vmem>>
    %dma_start3A_974 = tpu.memref_squeeze %dma_start3A_973 : memref<1x50x32xf32, #tpu.memory_space<vmem>> -> memref<50x32xf32, #tpu.memory_space<vmem>>
    %dma_start3A_975 = arith.constant 0 : i32
    %dma_start3A_976 = arith.constant 0 : i32
    %dma_start3A_977 = tpu.memref_slice %arg4[%add3A_970, %dma_start3A_975, %dma_start3A_976] : memref<16384x50x32xf32, #tpu.memory_space<hbm>> -> memref<1x50x32xf32, #tpu.memory_space<hbm>>
    %dma_start3A_978 = tpu.memref_squeeze %dma_start3A_977 : memref<1x50x32xf32, #tpu.memory_space<hbm>> -> memref<50x32xf32, #tpu.memory_space<hbm>>
    %dma_start3A_979 = tpu.memref_slice %arg9[%rem3A_770] : memref<2x!tpu.dma_semaphore, #tpu.memory_space<semaphore_mem>> -> memref<1x!tpu.dma_semaphore, #tpu.memory_space<semaphore_mem>>
    %dma_start3A_980 = tpu.memref_squeeze %dma_start3A_979 : memref<1x!tpu.dma_semaphore, #tpu.memory_space<semaphore_mem>> -> memref<!tpu.dma_semaphore, #tpu.memory_space<semaphore_mem>>
    %dma_start3A_981 = arith.constant 0 : i32
    %dma_start3A_982 = arith.constant 0 : i32
    %dma_start3A_983 = tpu.memref_slice %arg4[%add3A_970, %dma_start3A_981, %dma_start3A_982] : memref<16384x50x32xf32, #tpu.memory_space<hbm>> -> memref<1x50x32xf32, #tpu.memory_space<hbm>>
    %dma_start3A_984 = tpu.memref_squeeze %dma_start3A_983 : memref<1x50x32xf32, #tpu.memory_space<hbm>> -> memref<50x32xf32, #tpu.memory_space<hbm>>
    %dma_start3A_985 = arith.constant 450 : i32
    %dma_start3A_986 = arith.constant 0 : i32
    %dma_start3A_987 = tpu.memref_slice %arg6[%rem3A_770, %dma_start3A_985, %dma_start3A_986] : memref<2x1600x32xf32, #tpu.memory_space<vmem>> -> memref<1x50x32xf32, #tpu.memory_space<vmem>>
    %dma_start3A_988 = tpu.memref_squeeze %dma_start3A_987 : memref<1x50x32xf32, #tpu.memory_space<vmem>> -> memref<50x32xf32, #tpu.memory_space<vmem>>
    tpu.enqueue_dma source(%dma_start3A_988 : memref<50x32xf32, #tpu.memory_space<vmem>>) target(%dma_start3A_984 : memref<50x32xf32, #tpu.memory_space<hbm>>) target_semaphore(%dma_start3A_980 : memref<!tpu.dma_semaphore, #tpu.memory_space<semaphore_mem>>)
    %add3A_989 = arith.constant 10 : i32
    %add3A_990 = arith.addi %add3A_788, %add3A_989 : i32
    %dma_start3A_991 = arith.constant 500 : i32
    %dma_start3A_992 = arith.constant 0 : i32
    %dma_start3A_993 = tpu.memref_slice %arg6[%rem3A_770, %dma_start3A_991, %dma_start3A_992] : memref<2x1600x32xf32, #tpu.memory_space<vmem>> -> memref<1x50x32xf32, #tpu.memory_space<vmem>>
    %dma_start3A_994 = tpu.memref_squeeze %dma_start3A_993 : memref<1x50x32xf32, #tpu.memory_space<vmem>> -> memref<50x32xf32, #tpu.memory_space<vmem>>
    %dma_start3A_995 = arith.constant 0 : i32
    %dma_start3A_996 = arith.constant 0 : i32
    %dma_start3A_997 = tpu.memref_slice %arg4[%add3A_990, %dma_start3A_995, %dma_start3A_996] : memref<16384x50x32xf32, #tpu.memory_space<hbm>> -> memref<1x50x32xf32, #tpu.memory_space<hbm>>
    %dma_start3A_998 = tpu.memref_squeeze %dma_start3A_997 : memref<1x50x32xf32, #tpu.memory_space<hbm>> -> memref<50x32xf32, #tpu.memory_space<hbm>>
    %dma_start3A_999 = tpu.memref_slice %arg9[%rem3A_770] : memref<2x!tpu.dma_semaphore, #tpu.memory_space<semaphore_mem>> -> memref<1x!tpu.dma_semaphore, #tpu.memory_space<semaphore_mem>>
    %dma_start3A_1000 = tpu.memref_squeeze %dma_start3A_999 : memref<1x!tpu.dma_semaphore, #tpu.memory_space<semaphore_mem>> -> memref<!tpu.dma_semaphore, #tpu.memory_space<semaphore_mem>>
    %dma_start3A_1001 = arith.constant 0 : i32
    %dma_start3A_1002 = arith.constant 0 : i32
    %dma_start3A_1003 = tpu.memref_slice %arg4[%add3A_990, %dma_start3A_1001, %dma_start3A_1002] : memref<16384x50x32xf32, #tpu.memory_space<hbm>> -> memref<1x50x32xf32, #tpu.memory_space<hbm>>
    %dma_start3A_1004 = tpu.memref_squeeze %dma_start3A_1003 : memref<1x50x32xf32, #tpu.memory_space<hbm>> -> memref<50x32xf32, #tpu.memory_space<hbm>>
    %dma_start3A_1005 = arith.constant 500 : i32
    %dma_start3A_1006 = arith.constant 0 : i32
    %dma_start3A_1007 = tpu.memref_slice %arg6[%rem3A_770, %dma_start3A_1005, %dma_start3A_1006] : memref<2x1600x32xf32, #tpu.memory_space<vmem>> -> memref<1x50x32xf32, #tpu.memory_space<vmem>>
    %dma_start3A_1008 = tpu.memref_squeeze %dma_start3A_1007 : memref<1x50x32xf32, #tpu.memory_space<vmem>> -> memref<50x32xf32, #tpu.memory_space<vmem>>
    tpu.enqueue_dma source(%dma_start3A_1008 : memref<50x32xf32, #tpu.memory_space<vmem>>) target(%dma_start3A_1004 : memref<50x32xf32, #tpu.memory_space<hbm>>) target_semaphore(%dma_start3A_1000 : memref<!tpu.dma_semaphore, #tpu.memory_space<semaphore_mem>>)
    %add3A_1009 = arith.constant 11 : i32
    %add3A_1010 = arith.addi %add3A_788, %add3A_1009 : i32
    %dma_start3A_1011 = arith.constant 550 : i32
    %dma_start3A_1012 = arith.constant 0 : i32
    %dma_start3A_1013 = tpu.memref_slice %arg6[%rem3A_770, %dma_start3A_1011, %dma_start3A_1012] : memref<2x1600x32xf32, #tpu.memory_space<vmem>> -> memref<1x50x32xf32, #tpu.memory_space<vmem>>
    %dma_start3A_1014 = tpu.memref_squeeze %dma_start3A_1013 : memref<1x50x32xf32, #tpu.memory_space<vmem>> -> memref<50x32xf32, #tpu.memory_space<vmem>>
    %dma_start3A_1015 = arith.constant 0 : i32
    %dma_start3A_1016 = arith.constant 0 : i32
    %dma_start3A_1017 = tpu.memref_slice %arg4[%add3A_1010, %dma_start3A_1015, %dma_start3A_1016] : memref<16384x50x32xf32, #tpu.memory_space<hbm>> -> memref<1x50x32xf32, #tpu.memory_space<hbm>>
    %dma_start3A_1018 = tpu.memref_squeeze %dma_start3A_1017 : memref<1x50x32xf32, #tpu.memory_space<hbm>> -> memref<50x32xf32, #tpu.memory_space<hbm>>
    %dma_start3A_1019 = tpu.memref_slice %arg9[%rem3A_770] : memref<2x!tpu.dma_semaphore, #tpu.memory_space<semaphore_mem>> -> memref<1x!tpu.dma_semaphore, #tpu.memory_space<semaphore_mem>>
    %dma_start3A_1020 = tpu.memref_squeeze %dma_start3A_1019 : memref<1x!tpu.dma_semaphore, #tpu.memory_space<semaphore_mem>> -> memref<!tpu.dma_semaphore, #tpu.memory_space<semaphore_mem>>
    %dma_start3A_1021 = arith.constant 0 : i32
    %dma_start3A_1022 = arith.constant 0 : i32
    %dma_start3A_1023 = tpu.memref_slice %arg4[%add3A_1010, %dma_start3A_1021, %dma_start3A_1022] : memref<16384x50x32xf32, #tpu.memory_space<hbm>> -> memref<1x50x32xf32, #tpu.memory_space<hbm>>
    %dma_start3A_1024 = tpu.memref_squeeze %dma_start3A_1023 : memref<1x50x32xf32, #tpu.memory_space<hbm>> -> memref<50x32xf32, #tpu.memory_space<hbm>>
    %dma_start3A_1025 = arith.constant 550 : i32
    %dma_start3A_1026 = arith.constant 0 : i32
    %dma_start3A_1027 = tpu.memref_slice %arg6[%rem3A_770, %dma_start3A_1025, %dma_start3A_1026] : memref<2x1600x32xf32, #tpu.memory_space<vmem>> -> memref<1x50x32xf32, #tpu.memory_space<vmem>>
    %dma_start3A_1028 = tpu.memref_squeeze %dma_start3A_1027 : memref<1x50x32xf32, #tpu.memory_space<vmem>> -> memref<50x32xf32, #tpu.memory_space<vmem>>
    tpu.enqueue_dma source(%dma_start3A_1028 : memref<50x32xf32, #tpu.memory_space<vmem>>) target(%dma_start3A_1024 : memref<50x32xf32, #tpu.memory_space<hbm>>) target_semaphore(%dma_start3A_1020 : memref<!tpu.dma_semaphore, #tpu.memory_space<semaphore_mem>>)
    %add3A_1029 = arith.constant 12 : i32
    %add3A_1030 = arith.addi %add3A_788, %add3A_1029 : i32
    %dma_start3A_1031 = arith.constant 600 : i32
    %dma_start3A_1032 = arith.constant 0 : i32
    %dma_start3A_1033 = tpu.memref_slice %arg6[%rem3A_770, %dma_start3A_1031, %dma_start3A_1032] : memref<2x1600x32xf32, #tpu.memory_space<vmem>> -> memref<1x50x32xf32, #tpu.memory_space<vmem>>
    %dma_start3A_1034 = tpu.memref_squeeze %dma_start3A_1033 : memref<1x50x32xf32, #tpu.memory_space<vmem>> -> memref<50x32xf32, #tpu.memory_space<vmem>>
    %dma_start3A_1035 = arith.constant 0 : i32
    %dma_start3A_1036 = arith.constant 0 : i32
    %dma_start3A_1037 = tpu.memref_slice %arg4[%add3A_1030, %dma_start3A_1035, %dma_start3A_1036] : memref<16384x50x32xf32, #tpu.memory_space<hbm>> -> memref<1x50x32xf32, #tpu.memory_space<hbm>>
    %dma_start3A_1038 = tpu.memref_squeeze %dma_start3A_1037 : memref<1x50x32xf32, #tpu.memory_space<hbm>> -> memref<50x32xf32, #tpu.memory_space<hbm>>
    %dma_start3A_1039 = tpu.memref_slice %arg9[%rem3A_770] : memref<2x!tpu.dma_semaphore, #tpu.memory_space<semaphore_mem>> -> memref<1x!tpu.dma_semaphore, #tpu.memory_space<semaphore_mem>>
    %dma_start3A_1040 = tpu.memref_squeeze %dma_start3A_1039 : memref<1x!tpu.dma_semaphore, #tpu.memory_space<semaphore_mem>> -> memref<!tpu.dma_semaphore, #tpu.memory_space<semaphore_mem>>
    %dma_start3A_1041 = arith.constant 0 : i32
    %dma_start3A_1042 = arith.constant 0 : i32
    %dma_start3A_1043 = tpu.memref_slice %arg4[%add3A_1030, %dma_start3A_1041, %dma_start3A_1042] : memref<16384x50x32xf32, #tpu.memory_space<hbm>> -> memref<1x50x32xf32, #tpu.memory_space<hbm>>
    %dma_start3A_1044 = tpu.memref_squeeze %dma_start3A_1043 : memref<1x50x32xf32, #tpu.memory_space<hbm>> -> memref<50x32xf32, #tpu.memory_space<hbm>>
    %dma_start3A_1045 = arith.constant 600 : i32
    %dma_start3A_1046 = arith.constant 0 : i32
    %dma_start3A_1047 = tpu.memref_slice %arg6[%rem3A_770, %dma_start3A_1045, %dma_start3A_1046] : memref<2x1600x32xf32, #tpu.memory_space<vmem>> -> memref<1x50x32xf32, #tpu.memory_space<vmem>>
    %dma_start3A_1048 = tpu.memref_squeeze %dma_start3A_1047 : memref<1x50x32xf32, #tpu.memory_space<vmem>> -> memref<50x32xf32, #tpu.memory_space<vmem>>
    tpu.enqueue_dma source(%dma_start3A_1048 : memref<50x32xf32, #tpu.memory_space<vmem>>) target(%dma_start3A_1044 : memref<50x32xf32, #tpu.memory_space<hbm>>) target_semaphore(%dma_start3A_1040 : memref<!tpu.dma_semaphore, #tpu.memory_space<semaphore_mem>>)
    %add3A_1049 = arith.constant 13 : i32
    %add3A_1050 = arith.addi %add3A_788, %add3A_1049 : i32
    %dma_start3A_1051 = arith.constant 650 : i32
    %dma_start3A_1052 = arith.constant 0 : i32
    %dma_start3A_1053 = tpu.memref_slice %arg6[%rem3A_770, %dma_start3A_1051, %dma_start3A_1052] : memref<2x1600x32xf32, #tpu.memory_space<vmem>> -> memref<1x50x32xf32, #tpu.memory_space<vmem>>
    %dma_start3A_1054 = tpu.memref_squeeze %dma_start3A_1053 : memref<1x50x32xf32, #tpu.memory_space<vmem>> -> memref<50x32xf32, #tpu.memory_space<vmem>>
    %dma_start3A_1055 = arith.constant 0 : i32
    %dma_start3A_1056 = arith.constant 0 : i32
    %dma_start3A_1057 = tpu.memref_slice %arg4[%add3A_1050, %dma_start3A_1055, %dma_start3A_1056] : memref<16384x50x32xf32, #tpu.memory_space<hbm>> -> memref<1x50x32xf32, #tpu.memory_space<hbm>>
    %dma_start3A_1058 = tpu.memref_squeeze %dma_start3A_1057 : memref<1x50x32xf32, #tpu.memory_space<hbm>> -> memref<50x32xf32, #tpu.memory_space<hbm>>
    %dma_start3A_1059 = tpu.memref_slice %arg9[%rem3A_770] : memref<2x!tpu.dma_semaphore, #tpu.memory_space<semaphore_mem>> -> memref<1x!tpu.dma_semaphore, #tpu.memory_space<semaphore_mem>>
    %dma_start3A_1060 = tpu.memref_squeeze %dma_start3A_1059 : memref<1x!tpu.dma_semaphore, #tpu.memory_space<semaphore_mem>> -> memref<!tpu.dma_semaphore, #tpu.memory_space<semaphore_mem>>
    %dma_start3A_1061 = arith.constant 0 : i32
    %dma_start3A_1062 = arith.constant 0 : i32
    %dma_start3A_1063 = tpu.memref_slice %arg4[%add3A_1050, %dma_start3A_1061, %dma_start3A_1062] : memref<16384x50x32xf32, #tpu.memory_space<hbm>> -> memref<1x50x32xf32, #tpu.memory_space<hbm>>
    %dma_start3A_1064 = tpu.memref_squeeze %dma_start3A_1063 : memref<1x50x32xf32, #tpu.memory_space<hbm>> -> memref<50x32xf32, #tpu.memory_space<hbm>>
    %dma_start3A_1065 = arith.constant 650 : i32
    %dma_start3A_1066 = arith.constant 0 : i32
    %dma_start3A_1067 = tpu.memref_slice %arg6[%rem3A_770, %dma_start3A_1065, %dma_start3A_1066] : memref<2x1600x32xf32, #tpu.memory_space<vmem>> -> memref<1x50x32xf32, #tpu.memory_space<vmem>>
    %dma_start3A_1068 = tpu.memref_squeeze %dma_start3A_1067 : memref<1x50x32xf32, #tpu.memory_space<vmem>> -> memref<50x32xf32, #tpu.memory_space<vmem>>
    tpu.enqueue_dma source(%dma_start3A_1068 : memref<50x32xf32, #tpu.memory_space<vmem>>) target(%dma_start3A_1064 : memref<50x32xf32, #tpu.memory_space<hbm>>) target_semaphore(%dma_start3A_1060 : memref<!tpu.dma_semaphore, #tpu.memory_space<semaphore_mem>>)
    %add3A_1069 = arith.constant 14 : i32
    %add3A_1070 = arith.addi %add3A_788, %add3A_1069 : i32
    %dma_start3A_1071 = arith.constant 700 : i32
    %dma_start3A_1072 = arith.constant 0 : i32
    %dma_start3A_1073 = tpu.memref_slice %arg6[%rem3A_770, %dma_start3A_1071, %dma_start3A_1072] : memref<2x1600x32xf32, #tpu.memory_space<vmem>> -> memref<1x50x32xf32, #tpu.memory_space<vmem>>
    %dma_start3A_1074 = tpu.memref_squeeze %dma_start3A_1073 : memref<1x50x32xf32, #tpu.memory_space<vmem>> -> memref<50x32xf32, #tpu.memory_space<vmem>>
    %dma_start3A_1075 = arith.constant 0 : i32
    %dma_start3A_1076 = arith.constant 0 : i32
    %dma_start3A_1077 = tpu.memref_slice %arg4[%add3A_1070, %dma_start3A_1075, %dma_start3A_1076] : memref<16384x50x32xf32, #tpu.memory_space<hbm>> -> memref<1x50x32xf32, #tpu.memory_space<hbm>>
    %dma_start3A_1078 = tpu.memref_squeeze %dma_start3A_1077 : memref<1x50x32xf32, #tpu.memory_space<hbm>> -> memref<50x32xf32, #tpu.memory_space<hbm>>
    %dma_start3A_1079 = tpu.memref_slice %arg9[%rem3A_770] : memref<2x!tpu.dma_semaphore, #tpu.memory_space<semaphore_mem>> -> memref<1x!tpu.dma_semaphore, #tpu.memory_space<semaphore_mem>>
    %dma_start3A_1080 = tpu.memref_squeeze %dma_start3A_1079 : memref<1x!tpu.dma_semaphore, #tpu.memory_space<semaphore_mem>> -> memref<!tpu.dma_semaphore, #tpu.memory_space<semaphore_mem>>
    %dma_start3A_1081 = arith.constant 0 : i32
    %dma_start3A_1082 = arith.constant 0 : i32
    %dma_start3A_1083 = tpu.memref_slice %arg4[%add3A_1070, %dma_start3A_1081, %dma_start3A_1082] : memref<16384x50x32xf32, #tpu.memory_space<hbm>> -> memref<1x50x32xf32, #tpu.memory_space<hbm>>
    %dma_start3A_1084 = tpu.memref_squeeze %dma_start3A_1083 : memref<1x50x32xf32, #tpu.memory_space<hbm>> -> memref<50x32xf32, #tpu.memory_space<hbm>>
    %dma_start3A_1085 = arith.constant 700 : i32
    %dma_start3A_1086 = arith.constant 0 : i32
    %dma_start3A_1087 = tpu.memref_slice %arg6[%rem3A_770, %dma_start3A_1085, %dma_start3A_1086] : memref<2x1600x32xf32, #tpu.memory_space<vmem>> -> memref<1x50x32xf32, #tpu.memory_space<vmem>>
    %dma_start3A_1088 = tpu.memref_squeeze %dma_start3A_1087 : memref<1x50x32xf32, #tpu.memory_space<vmem>> -> memref<50x32xf32, #tpu.memory_space<vmem>>
    tpu.enqueue_dma source(%dma_start3A_1088 : memref<50x32xf32, #tpu.memory_space<vmem>>) target(%dma_start3A_1084 : memref<50x32xf32, #tpu.memory_space<hbm>>) target_semaphore(%dma_start3A_1080 : memref<!tpu.dma_semaphore, #tpu.memory_space<semaphore_mem>>)
    %add3A_1089 = arith.constant 15 : i32
    %add3A_1090 = arith.addi %add3A_788, %add3A_1089 : i32
    %dma_start3A_1091 = arith.constant 750 : i32
    %dma_start3A_1092 = arith.constant 0 : i32
    %dma_start3A_1093 = tpu.memref_slice %arg6[%rem3A_770, %dma_start3A_1091, %dma_start3A_1092] : memref<2x1600x32xf32, #tpu.memory_space<vmem>> -> memref<1x50x32xf32, #tpu.memory_space<vmem>>
    %dma_start3A_1094 = tpu.memref_squeeze %dma_start3A_1093 : memref<1x50x32xf32, #tpu.memory_space<vmem>> -> memref<50x32xf32, #tpu.memory_space<vmem>>
    %dma_start3A_1095 = arith.constant 0 : i32
    %dma_start3A_1096 = arith.constant 0 : i32
    %dma_start3A_1097 = tpu.memref_slice %arg4[%add3A_1090, %dma_start3A_1095, %dma_start3A_1096] : memref<16384x50x32xf32, #tpu.memory_space<hbm>> -> memref<1x50x32xf32, #tpu.memory_space<hbm>>
    %dma_start3A_1098 = tpu.memref_squeeze %dma_start3A_1097 : memref<1x50x32xf32, #tpu.memory_space<hbm>> -> memref<50x32xf32, #tpu.memory_space<hbm>>
    %dma_start3A_1099 = tpu.memref_slice %arg9[%rem3A_770] : memref<2x!tpu.dma_semaphore, #tpu.memory_space<semaphore_mem>> -> memref<1x!tpu.dma_semaphore, #tpu.memory_space<semaphore_mem>>
    %dma_start3A_1100 = tpu.memref_squeeze %dma_start3A_1099 : memref<1x!tpu.dma_semaphore, #tpu.memory_space<semaphore_mem>> -> memref<!tpu.dma_semaphore, #tpu.memory_space<semaphore_mem>>
    %dma_start3A_1101 = arith.constant 0 : i32
    %dma_start3A_1102 = arith.constant 0 : i32
    %dma_start3A_1103 = tpu.memref_slice %arg4[%add3A_1090, %dma_start3A_1101, %dma_start3A_1102] : memref<16384x50x32xf32, #tpu.memory_space<hbm>> -> memref<1x50x32xf32, #tpu.memory_space<hbm>>
    %dma_start3A_1104 = tpu.memref_squeeze %dma_start3A_1103 : memref<1x50x32xf32, #tpu.memory_space<hbm>> -> memref<50x32xf32, #tpu.memory_space<hbm>>
    %dma_start3A_1105 = arith.constant 750 : i32
    %dma_start3A_1106 = arith.constant 0 : i32
    %dma_start3A_1107 = tpu.memref_slice %arg6[%rem3A_770, %dma_start3A_1105, %dma_start3A_1106] : memref<2x1600x32xf32, #tpu.memory_space<vmem>> -> memref<1x50x32xf32, #tpu.memory_space<vmem>>
    %dma_start3A_1108 = tpu.memref_squeeze %dma_start3A_1107 : memref<1x50x32xf32, #tpu.memory_space<vmem>> -> memref<50x32xf32, #tpu.memory_space<vmem>>
    tpu.enqueue_dma source(%dma_start3A_1108 : memref<50x32xf32, #tpu.memory_space<vmem>>) target(%dma_start3A_1104 : memref<50x32xf32, #tpu.memory_space<hbm>>) target_semaphore(%dma_start3A_1100 : memref<!tpu.dma_semaphore, #tpu.memory_space<semaphore_mem>>)
    %add3A_1109 = arith.constant 16 : i32
    %add3A_1110 = arith.addi %add3A_788, %add3A_1109 : i32
    %dma_start3A_1111 = arith.constant 800 : i32
    %dma_start3A_1112 = arith.constant 0 : i32
    %dma_start3A_1113 = tpu.memref_slice %arg6[%rem3A_770, %dma_start3A_1111, %dma_start3A_1112] : memref<2x1600x32xf32, #tpu.memory_space<vmem>> -> memref<1x50x32xf32, #tpu.memory_space<vmem>>
    %dma_start3A_1114 = tpu.memref_squeeze %dma_start3A_1113 : memref<1x50x32xf32, #tpu.memory_space<vmem>> -> memref<50x32xf32, #tpu.memory_space<vmem>>
    %dma_start3A_1115 = arith.constant 0 : i32
    %dma_start3A_1116 = arith.constant 0 : i32
    %dma_start3A_1117 = tpu.memref_slice %arg4[%add3A_1110, %dma_start3A_1115, %dma_start3A_1116] : memref<16384x50x32xf32, #tpu.memory_space<hbm>> -> memref<1x50x32xf32, #tpu.memory_space<hbm>>
    %dma_start3A_1118 = tpu.memref_squeeze %dma_start3A_1117 : memref<1x50x32xf32, #tpu.memory_space<hbm>> -> memref<50x32xf32, #tpu.memory_space<hbm>>
    %dma_start3A_1119 = tpu.memref_slice %arg9[%rem3A_770] : memref<2x!tpu.dma_semaphore, #tpu.memory_space<semaphore_mem>> -> memref<1x!tpu.dma_semaphore, #tpu.memory_space<semaphore_mem>>
    %dma_start3A_1120 = tpu.memref_squeeze %dma_start3A_1119 : memref<1x!tpu.dma_semaphore, #tpu.memory_space<semaphore_mem>> -> memref<!tpu.dma_semaphore, #tpu.memory_space<semaphore_mem>>
    %dma_start3A_1121 = arith.constant 0 : i32
    %dma_start3A_1122 = arith.constant 0 : i32
    %dma_start3A_1123 = tpu.memref_slice %arg4[%add3A_1110, %dma_start3A_1121, %dma_start3A_1122] : memref<16384x50x32xf32, #tpu.memory_space<hbm>> -> memref<1x50x32xf32, #tpu.memory_space<hbm>>
    %dma_start3A_1124 = tpu.memref_squeeze %dma_start3A_1123 : memref<1x50x32xf32, #tpu.memory_space<hbm>> -> memref<50x32xf32, #tpu.memory_space<hbm>>
    %dma_start3A_1125 = arith.constant 800 : i32
    %dma_start3A_1126 = arith.constant 0 : i32
    %dma_start3A_1127 = tpu.memref_slice %arg6[%rem3A_770, %dma_start3A_1125, %dma_start3A_1126] : memref<2x1600x32xf32, #tpu.memory_space<vmem>> -> memref<1x50x32xf32, #tpu.memory_space<vmem>>
    %dma_start3A_1128 = tpu.memref_squeeze %dma_start3A_1127 : memref<1x50x32xf32, #tpu.memory_space<vmem>> -> memref<50x32xf32, #tpu.memory_space<vmem>>
    tpu.enqueue_dma source(%dma_start3A_1128 : memref<50x32xf32, #tpu.memory_space<vmem>>) target(%dma_start3A_1124 : memref<50x32xf32, #tpu.memory_space<hbm>>) target_semaphore(%dma_start3A_1120 : memref<!tpu.dma_semaphore, #tpu.memory_space<semaphore_mem>>)
    %add3A_1129 = arith.constant 17 : i32
    %add3A_1130 = arith.addi %add3A_788, %add3A_1129 : i32
    %dma_start3A_1131 = arith.constant 850 : i32
    %dma_start3A_1132 = arith.constant 0 : i32
    %dma_start3A_1133 = tpu.memref_slice %arg6[%rem3A_770, %dma_start3A_1131, %dma_start3A_1132] : memref<2x1600x32xf32, #tpu.memory_space<vmem>> -> memref<1x50x32xf32, #tpu.memory_space<vmem>>
    %dma_start3A_1134 = tpu.memref_squeeze %dma_start3A_1133 : memref<1x50x32xf32, #tpu.memory_space<vmem>> -> memref<50x32xf32, #tpu.memory_space<vmem>>
    %dma_start3A_1135 = arith.constant 0 : i32
    %dma_start3A_1136 = arith.constant 0 : i32
    %dma_start3A_1137 = tpu.memref_slice %arg4[%add3A_1130, %dma_start3A_1135, %dma_start3A_1136] : memref<16384x50x32xf32, #tpu.memory_space<hbm>> -> memref<1x50x32xf32, #tpu.memory_space<hbm>>
    %dma_start3A_1138 = tpu.memref_squeeze %dma_start3A_1137 : memref<1x50x32xf32, #tpu.memory_space<hbm>> -> memref<50x32xf32, #tpu.memory_space<hbm>>
    %dma_start3A_1139 = tpu.memref_slice %arg9[%rem3A_770] : memref<2x!tpu.dma_semaphore, #tpu.memory_space<semaphore_mem>> -> memref<1x!tpu.dma_semaphore, #tpu.memory_space<semaphore_mem>>
    %dma_start3A_1140 = tpu.memref_squeeze %dma_start3A_1139 : memref<1x!tpu.dma_semaphore, #tpu.memory_space<semaphore_mem>> -> memref<!tpu.dma_semaphore, #tpu.memory_space<semaphore_mem>>
    %dma_start3A_1141 = arith.constant 0 : i32
    %dma_start3A_1142 = arith.constant 0 : i32
    %dma_start3A_1143 = tpu.memref_slice %arg4[%add3A_1130, %dma_start3A_1141, %dma_start3A_1142] : memref<16384x50x32xf32, #tpu.memory_space<hbm>> -> memref<1x50x32xf32, #tpu.memory_space<hbm>>
    %dma_start3A_1144 = tpu.memref_squeeze %dma_start3A_1143 : memref<1x50x32xf32, #tpu.memory_space<hbm>> -> memref<50x32xf32, #tpu.memory_space<hbm>>
    %dma_start3A_1145 = arith.constant 850 : i32
    %dma_start3A_1146 = arith.constant 0 : i32
    %dma_start3A_1147 = tpu.memref_slice %arg6[%rem3A_770, %dma_start3A_1145, %dma_start3A_1146] : memref<2x1600x32xf32, #tpu.memory_space<vmem>> -> memref<1x50x32xf32, #tpu.memory_space<vmem>>
    %dma_start3A_1148 = tpu.memref_squeeze %dma_start3A_1147 : memref<1x50x32xf32, #tpu.memory_space<vmem>> -> memref<50x32xf32, #tpu.memory_space<vmem>>
    tpu.enqueue_dma source(%dma_start3A_1148 : memref<50x32xf32, #tpu.memory_space<vmem>>) target(%dma_start3A_1144 : memref<50x32xf32, #tpu.memory_space<hbm>>) target_semaphore(%dma_start3A_1140 : memref<!tpu.dma_semaphore, #tpu.memory_space<semaphore_mem>>)
    %add3A_1149 = arith.constant 18 : i32
    %add3A_1150 = arith.addi %add3A_788, %add3A_1149 : i32
    %dma_start3A_1151 = arith.constant 900 : i32
    %dma_start3A_1152 = arith.constant 0 : i32
    %dma_start3A_1153 = tpu.memref_slice %arg6[%rem3A_770, %dma_start3A_1151, %dma_start3A_1152] : memref<2x1600x32xf32, #tpu.memory_space<vmem>> -> memref<1x50x32xf32, #tpu.memory_space<vmem>>
    %dma_start3A_1154 = tpu.memref_squeeze %dma_start3A_1153 : memref<1x50x32xf32, #tpu.memory_space<vmem>> -> memref<50x32xf32, #tpu.memory_space<vmem>>
    %dma_start3A_1155 = arith.constant 0 : i32
    %dma_start3A_1156 = arith.constant 0 : i32
    %dma_start3A_1157 = tpu.memref_slice %arg4[%add3A_1150, %dma_start3A_1155, %dma_start3A_1156] : memref<16384x50x32xf32, #tpu.memory_space<hbm>> -> memref<1x50x32xf32, #tpu.memory_space<hbm>>
    %dma_start3A_1158 = tpu.memref_squeeze %dma_start3A_1157 : memref<1x50x32xf32, #tpu.memory_space<hbm>> -> memref<50x32xf32, #tpu.memory_space<hbm>>
    %dma_start3A_1159 = tpu.memref_slice %arg9[%rem3A_770] : memref<2x!tpu.dma_semaphore, #tpu.memory_space<semaphore_mem>> -> memref<1x!tpu.dma_semaphore, #tpu.memory_space<semaphore_mem>>
    %dma_start3A_1160 = tpu.memref_squeeze %dma_start3A_1159 : memref<1x!tpu.dma_semaphore, #tpu.memory_space<semaphore_mem>> -> memref<!tpu.dma_semaphore, #tpu.memory_space<semaphore_mem>>
    %dma_start3A_1161 = arith.constant 0 : i32
    %dma_start3A_1162 = arith.constant 0 : i32
    %dma_start3A_1163 = tpu.memref_slice %arg4[%add3A_1150, %dma_start3A_1161, %dma_start3A_1162] : memref<16384x50x32xf32, #tpu.memory_space<hbm>> -> memref<1x50x32xf32, #tpu.memory_space<hbm>>
    %dma_start3A_1164 = tpu.memref_squeeze %dma_start3A_1163 : memref<1x50x32xf32, #tpu.memory_space<hbm>> -> memref<50x32xf32, #tpu.memory_space<hbm>>
    %dma_start3A_1165 = arith.constant 900 : i32
    %dma_start3A_1166 = arith.constant 0 : i32
    %dma_start3A_1167 = tpu.memref_slice %arg6[%rem3A_770, %dma_start3A_1165, %dma_start3A_1166] : memref<2x1600x32xf32, #tpu.memory_space<vmem>> -> memref<1x50x32xf32, #tpu.memory_space<vmem>>
    %dma_start3A_1168 = tpu.memref_squeeze %dma_start3A_1167 : memref<1x50x32xf32, #tpu.memory_space<vmem>> -> memref<50x32xf32, #tpu.memory_space<vmem>>
    tpu.enqueue_dma source(%dma_start3A_1168 : memref<50x32xf32, #tpu.memory_space<vmem>>) target(%dma_start3A_1164 : memref<50x32xf32, #tpu.memory_space<hbm>>) target_semaphore(%dma_start3A_1160 : memref<!tpu.dma_semaphore, #tpu.memory_space<semaphore_mem>>)
    %add3A_1169 = arith.constant 19 : i32
    %add3A_1170 = arith.addi %add3A_788, %add3A_1169 : i32
    %dma_start3A_1171 = arith.constant 950 : i32
    %dma_start3A_1172 = arith.constant 0 : i32
    %dma_start3A_1173 = tpu.memref_slice %arg6[%rem3A_770, %dma_start3A_1171, %dma_start3A_1172] : memref<2x1600x32xf32, #tpu.memory_space<vmem>> -> memref<1x50x32xf32, #tpu.memory_space<vmem>>
    %dma_start3A_1174 = tpu.memref_squeeze %dma_start3A_1173 : memref<1x50x32xf32, #tpu.memory_space<vmem>> -> memref<50x32xf32, #tpu.memory_space<vmem>>
    %dma_start3A_1175 = arith.constant 0 : i32
    %dma_start3A_1176 = arith.constant 0 : i32
    %dma_start3A_1177 = tpu.memref_slice %arg4[%add3A_1170, %dma_start3A_1175, %dma_start3A_1176] : memref<16384x50x32xf32, #tpu.memory_space<hbm>> -> memref<1x50x32xf32, #tpu.memory_space<hbm>>
    %dma_start3A_1178 = tpu.memref_squeeze %dma_start3A_1177 : memref<1x50x32xf32, #tpu.memory_space<hbm>> -> memref<50x32xf32, #tpu.memory_space<hbm>>
    %dma_start3A_1179 = tpu.memref_slice %arg9[%rem3A_770] : memref<2x!tpu.dma_semaphore, #tpu.memory_space<semaphore_mem>> -> memref<1x!tpu.dma_semaphore, #tpu.memory_space<semaphore_mem>>
    %dma_start3A_1180 = tpu.memref_squeeze %dma_start3A_1179 : memref<1x!tpu.dma_semaphore, #tpu.memory_space<semaphore_mem>> -> memref<!tpu.dma_semaphore, #tpu.memory_space<semaphore_mem>>
    %dma_start3A_1181 = arith.constant 0 : i32
    %dma_start3A_1182 = arith.constant 0 : i32
    %dma_start3A_1183 = tpu.memref_slice %arg4[%add3A_1170, %dma_start3A_1181, %dma_start3A_1182] : memref<16384x50x32xf32, #tpu.memory_space<hbm>> -> memref<1x50x32xf32, #tpu.memory_space<hbm>>
    %dma_start3A_1184 = tpu.memref_squeeze %dma_start3A_1183 : memref<1x50x32xf32, #tpu.memory_space<hbm>> -> memref<50x32xf32, #tpu.memory_space<hbm>>
    %dma_start3A_1185 = arith.constant 950 : i32
    %dma_start3A_1186 = arith.constant 0 : i32
    %dma_start3A_1187 = tpu.memref_slice %arg6[%rem3A_770, %dma_start3A_1185, %dma_start3A_1186] : memref<2x1600x32xf32, #tpu.memory_space<vmem>> -> memref<1x50x32xf32, #tpu.memory_space<vmem>>
    %dma_start3A_1188 = tpu.memref_squeeze %dma_start3A_1187 : memref<1x50x32xf32, #tpu.memory_space<vmem>> -> memref<50x32xf32, #tpu.memory_space<vmem>>
    tpu.enqueue_dma source(%dma_start3A_1188 : memref<50x32xf32, #tpu.memory_space<vmem>>) target(%dma_start3A_1184 : memref<50x32xf32, #tpu.memory_space<hbm>>) target_semaphore(%dma_start3A_1180 : memref<!tpu.dma_semaphore, #tpu.memory_space<semaphore_mem>>)
    %add3A_1189 = arith.constant 20 : i32
    %add3A_1190 = arith.addi %add3A_788, %add3A_1189 : i32
    %dma_start3A_1191 = arith.constant 1000 : i32
    %dma_start3A_1192 = arith.constant 0 : i32
    %dma_start3A_1193 = tpu.memref_slice %arg6[%rem3A_770, %dma_start3A_1191, %dma_start3A_1192] : memref<2x1600x32xf32, #tpu.memory_space<vmem>> -> memref<1x50x32xf32, #tpu.memory_space<vmem>>
    %dma_start3A_1194 = tpu.memref_squeeze %dma_start3A_1193 : memref<1x50x32xf32, #tpu.memory_space<vmem>> -> memref<50x32xf32, #tpu.memory_space<vmem>>
    %dma_start3A_1195 = arith.constant 0 : i32
    %dma_start3A_1196 = arith.constant 0 : i32
    %dma_start3A_1197 = tpu.memref_slice %arg4[%add3A_1190, %dma_start3A_1195, %dma_start3A_1196] : memref<16384x50x32xf32, #tpu.memory_space<hbm>> -> memref<1x50x32xf32, #tpu.memory_space<hbm>>
    %dma_start3A_1198 = tpu.memref_squeeze %dma_start3A_1197 : memref<1x50x32xf32, #tpu.memory_space<hbm>> -> memref<50x32xf32, #tpu.memory_space<hbm>>
    %dma_start3A_1199 = tpu.memref_slice %arg9[%rem3A_770] : memref<2x!tpu.dma_semaphore, #tpu.memory_space<semaphore_mem>> -> memref<1x!tpu.dma_semaphore, #tpu.memory_space<semaphore_mem>>
    %dma_start3A_1200 = tpu.memref_squeeze %dma_start3A_1199 : memref<1x!tpu.dma_semaphore, #tpu.memory_space<semaphore_mem>> -> memref<!tpu.dma_semaphore, #tpu.memory_space<semaphore_mem>>
    %dma_start3A_1201 = arith.constant 0 : i32
    %dma_start3A_1202 = arith.constant 0 : i32
    %dma_start3A_1203 = tpu.memref_slice %arg4[%add3A_1190, %dma_start3A_1201, %dma_start3A_1202] : memref<16384x50x32xf32, #tpu.memory_space<hbm>> -> memref<1x50x32xf32, #tpu.memory_space<hbm>>
    %dma_start3A_1204 = tpu.memref_squeeze %dma_start3A_1203 : memref<1x50x32xf32, #tpu.memory_space<hbm>> -> memref<50x32xf32, #tpu.memory_space<hbm>>
    %dma_start3A_1205 = arith.constant 1000 : i32
    %dma_start3A_1206 = arith.constant 0 : i32
    %dma_start3A_1207 = tpu.memref_slice %arg6[%rem3A_770, %dma_start3A_1205, %dma_start3A_1206] : memref<2x1600x32xf32, #tpu.memory_space<vmem>> -> memref<1x50x32xf32, #tpu.memory_space<vmem>>
    %dma_start3A_1208 = tpu.memref_squeeze %dma_start3A_1207 : memref<1x50x32xf32, #tpu.memory_space<vmem>> -> memref<50x32xf32, #tpu.memory_space<vmem>>
    tpu.enqueue_dma source(%dma_start3A_1208 : memref<50x32xf32, #tpu.memory_space<vmem>>) target(%dma_start3A_1204 : memref<50x32xf32, #tpu.memory_space<hbm>>) target_semaphore(%dma_start3A_1200 : memref<!tpu.dma_semaphore, #tpu.memory_space<semaphore_mem>>)
    %add3A_1209 = arith.constant 21 : i32
    %add3A_1210 = arith.addi %add3A_788, %add3A_1209 : i32
    %dma_start3A_1211 = arith.constant 1050 : i32
    %dma_start3A_1212 = arith.constant 0 : i32
    %dma_start3A_1213 = tpu.memref_slice %arg6[%rem3A_770, %dma_start3A_1211, %dma_start3A_1212] : memref<2x1600x32xf32, #tpu.memory_space<vmem>> -> memref<1x50x32xf32, #tpu.memory_space<vmem>>
    %dma_start3A_1214 = tpu.memref_squeeze %dma_start3A_1213 : memref<1x50x32xf32, #tpu.memory_space<vmem>> -> memref<50x32xf32, #tpu.memory_space<vmem>>
    %dma_start3A_1215 = arith.constant 0 : i32
    %dma_start3A_1216 = arith.constant 0 : i32
    %dma_start3A_1217 = tpu.memref_slice %arg4[%add3A_1210, %dma_start3A_1215, %dma_start3A_1216] : memref<16384x50x32xf32, #tpu.memory_space<hbm>> -> memref<1x50x32xf32, #tpu.memory_space<hbm>>
    %dma_start3A_1218 = tpu.memref_squeeze %dma_start3A_1217 : memref<1x50x32xf32, #tpu.memory_space<hbm>> -> memref<50x32xf32, #tpu.memory_space<hbm>>
    %dma_start3A_1219 = tpu.memref_slice %arg9[%rem3A_770] : memref<2x!tpu.dma_semaphore, #tpu.memory_space<semaphore_mem>> -> memref<1x!tpu.dma_semaphore, #tpu.memory_space<semaphore_mem>>
    %dma_start3A_1220 = tpu.memref_squeeze %dma_start3A_1219 : memref<1x!tpu.dma_semaphore, #tpu.memory_space<semaphore_mem>> -> memref<!tpu.dma_semaphore, #tpu.memory_space<semaphore_mem>>
    %dma_start3A_1221 = arith.constant 0 : i32
    %dma_start3A_1222 = arith.constant 0 : i32
    %dma_start3A_1223 = tpu.memref_slice %arg4[%add3A_1210, %dma_start3A_1221, %dma_start3A_1222] : memref<16384x50x32xf32, #tpu.memory_space<hbm>> -> memref<1x50x32xf32, #tpu.memory_space<hbm>>
    %dma_start3A_1224 = tpu.memref_squeeze %dma_start3A_1223 : memref<1x50x32xf32, #tpu.memory_space<hbm>> -> memref<50x32xf32, #tpu.memory_space<hbm>>
    %dma_start3A_1225 = arith.constant 1050 : i32
    %dma_start3A_1226 = arith.constant 0 : i32
    %dma_start3A_1227 = tpu.memref_slice %arg6[%rem3A_770, %dma_start3A_1225, %dma_start3A_1226] : memref<2x1600x32xf32, #tpu.memory_space<vmem>> -> memref<1x50x32xf32, #tpu.memory_space<vmem>>
    %dma_start3A_1228 = tpu.memref_squeeze %dma_start3A_1227 : memref<1x50x32xf32, #tpu.memory_space<vmem>> -> memref<50x32xf32, #tpu.memory_space<vmem>>
    tpu.enqueue_dma source(%dma_start3A_1228 : memref<50x32xf32, #tpu.memory_space<vmem>>) target(%dma_start3A_1224 : memref<50x32xf32, #tpu.memory_space<hbm>>) target_semaphore(%dma_start3A_1220 : memref<!tpu.dma_semaphore, #tpu.memory_space<semaphore_mem>>)
    %add3A_1229 = arith.constant 22 : i32
    %add3A_1230 = arith.addi %add3A_788, %add3A_1229 : i32
    %dma_start3A_1231 = arith.constant 1100 : i32
    %dma_start3A_1232 = arith.constant 0 : i32
    %dma_start3A_1233 = tpu.memref_slice %arg6[%rem3A_770, %dma_start3A_1231, %dma_start3A_1232] : memref<2x1600x32xf32, #tpu.memory_space<vmem>> -> memref<1x50x32xf32, #tpu.memory_space<vmem>>
    %dma_start3A_1234 = tpu.memref_squeeze %dma_start3A_1233 : memref<1x50x32xf32, #tpu.memory_space<vmem>> -> memref<50x32xf32, #tpu.memory_space<vmem>>
    %dma_start3A_1235 = arith.constant 0 : i32
    %dma_start3A_1236 = arith.constant 0 : i32
    %dma_start3A_1237 = tpu.memref_slice %arg4[%add3A_1230, %dma_start3A_1235, %dma_start3A_1236] : memref<16384x50x32xf32, #tpu.memory_space<hbm>> -> memref<1x50x32xf32, #tpu.memory_space<hbm>>
    %dma_start3A_1238 = tpu.memref_squeeze %dma_start3A_1237 : memref<1x50x32xf32, #tpu.memory_space<hbm>> -> memref<50x32xf32, #tpu.memory_space<hbm>>
    %dma_start3A_1239 = tpu.memref_slice %arg9[%rem3A_770] : memref<2x!tpu.dma_semaphore, #tpu.memory_space<semaphore_mem>> -> memref<1x!tpu.dma_semaphore, #tpu.memory_space<semaphore_mem>>
    %dma_start3A_1240 = tpu.memref_squeeze %dma_start3A_1239 : memref<1x!tpu.dma_semaphore, #tpu.memory_space<semaphore_mem>> -> memref<!tpu.dma_semaphore, #tpu.memory_space<semaphore_mem>>
    %dma_start3A_1241 = arith.constant 0 : i32
    %dma_start3A_1242 = arith.constant 0 : i32
    %dma_start3A_1243 = tpu.memref_slice %arg4[%add3A_1230, %dma_start3A_1241, %dma_start3A_1242] : memref<16384x50x32xf32, #tpu.memory_space<hbm>> -> memref<1x50x32xf32, #tpu.memory_space<hbm>>
    %dma_start3A_1244 = tpu.memref_squeeze %dma_start3A_1243 : memref<1x50x32xf32, #tpu.memory_space<hbm>> -> memref<50x32xf32, #tpu.memory_space<hbm>>
    %dma_start3A_1245 = arith.constant 1100 : i32
    %dma_start3A_1246 = arith.constant 0 : i32
    %dma_start3A_1247 = tpu.memref_slice %arg6[%rem3A_770, %dma_start3A_1245, %dma_start3A_1246] : memref<2x1600x32xf32, #tpu.memory_space<vmem>> -> memref<1x50x32xf32, #tpu.memory_space<vmem>>
    %dma_start3A_1248 = tpu.memref_squeeze %dma_start3A_1247 : memref<1x50x32xf32, #tpu.memory_space<vmem>> -> memref<50x32xf32, #tpu.memory_space<vmem>>
    tpu.enqueue_dma source(%dma_start3A_1248 : memref<50x32xf32, #tpu.memory_space<vmem>>) target(%dma_start3A_1244 : memref<50x32xf32, #tpu.memory_space<hbm>>) target_semaphore(%dma_start3A_1240 : memref<!tpu.dma_semaphore, #tpu.memory_space<semaphore_mem>>)
    %add3A_1249 = arith.constant 23 : i32
    %add3A_1250 = arith.addi %add3A_788, %add3A_1249 : i32
    %dma_start3A_1251 = arith.constant 1150 : i32
    %dma_start3A_1252 = arith.constant 0 : i32
    %dma_start3A_1253 = tpu.memref_slice %arg6[%rem3A_770, %dma_start3A_1251, %dma_start3A_1252] : memref<2x1600x32xf32, #tpu.memory_space<vmem>> -> memref<1x50x32xf32, #tpu.memory_space<vmem>>
    %dma_start3A_1254 = tpu.memref_squeeze %dma_start3A_1253 : memref<1x50x32xf32, #tpu.memory_space<vmem>> -> memref<50x32xf32, #tpu.memory_space<vmem>>
    %dma_start3A_1255 = arith.constant 0 : i32
    %dma_start3A_1256 = arith.constant 0 : i32
    %dma_start3A_1257 = tpu.memref_slice %arg4[%add3A_1250, %dma_start3A_1255, %dma_start3A_1256] : memref<16384x50x32xf32, #tpu.memory_space<hbm>> -> memref<1x50x32xf32, #tpu.memory_space<hbm>>
    %dma_start3A_1258 = tpu.memref_squeeze %dma_start3A_1257 : memref<1x50x32xf32, #tpu.memory_space<hbm>> -> memref<50x32xf32, #tpu.memory_space<hbm>>
    %dma_start3A_1259 = tpu.memref_slice %arg9[%rem3A_770] : memref<2x!tpu.dma_semaphore, #tpu.memory_space<semaphore_mem>> -> memref<1x!tpu.dma_semaphore, #tpu.memory_space<semaphore_mem>>
    %dma_start3A_1260 = tpu.memref_squeeze %dma_start3A_1259 : memref<1x!tpu.dma_semaphore, #tpu.memory_space<semaphore_mem>> -> memref<!tpu.dma_semaphore, #tpu.memory_space<semaphore_mem>>
    %dma_start3A_1261 = arith.constant 0 : i32
    %dma_start3A_1262 = arith.constant 0 : i32
    %dma_start3A_1263 = tpu.memref_slice %arg4[%add3A_1250, %dma_start3A_1261, %dma_start3A_1262] : memref<16384x50x32xf32, #tpu.memory_space<hbm>> -> memref<1x50x32xf32, #tpu.memory_space<hbm>>
    %dma_start3A_1264 = tpu.memref_squeeze %dma_start3A_1263 : memref<1x50x32xf32, #tpu.memory_space<hbm>> -> memref<50x32xf32, #tpu.memory_space<hbm>>
    %dma_start3A_1265 = arith.constant 1150 : i32
    %dma_start3A_1266 = arith.constant 0 : i32
    %dma_start3A_1267 = tpu.memref_slice %arg6[%rem3A_770, %dma_start3A_1265, %dma_start3A_1266] : memref<2x1600x32xf32, #tpu.memory_space<vmem>> -> memref<1x50x32xf32, #tpu.memory_space<vmem>>
    %dma_start3A_1268 = tpu.memref_squeeze %dma_start3A_1267 : memref<1x50x32xf32, #tpu.memory_space<vmem>> -> memref<50x32xf32, #tpu.memory_space<vmem>>
    tpu.enqueue_dma source(%dma_start3A_1268 : memref<50x32xf32, #tpu.memory_space<vmem>>) target(%dma_start3A_1264 : memref<50x32xf32, #tpu.memory_space<hbm>>) target_semaphore(%dma_start3A_1260 : memref<!tpu.dma_semaphore, #tpu.memory_space<semaphore_mem>>)
    %add3A_1269 = arith.constant 24 : i32
    %add3A_1270 = arith.addi %add3A_788, %add3A_1269 : i32
    %dma_start3A_1271 = arith.constant 1200 : i32
    %dma_start3A_1272 = arith.constant 0 : i32
    %dma_start3A_1273 = tpu.memref_slice %arg6[%rem3A_770, %dma_start3A_1271, %dma_start3A_1272] : memref<2x1600x32xf32, #tpu.memory_space<vmem>> -> memref<1x50x32xf32, #tpu.memory_space<vmem>>
    %dma_start3A_1274 = tpu.memref_squeeze %dma_start3A_1273 : memref<1x50x32xf32, #tpu.memory_space<vmem>> -> memref<50x32xf32, #tpu.memory_space<vmem>>
    %dma_start3A_1275 = arith.constant 0 : i32
    %dma_start3A_1276 = arith.constant 0 : i32
    %dma_start3A_1277 = tpu.memref_slice %arg4[%add3A_1270, %dma_start3A_1275, %dma_start3A_1276] : memref<16384x50x32xf32, #tpu.memory_space<hbm>> -> memref<1x50x32xf32, #tpu.memory_space<hbm>>
    %dma_start3A_1278 = tpu.memref_squeeze %dma_start3A_1277 : memref<1x50x32xf32, #tpu.memory_space<hbm>> -> memref<50x32xf32, #tpu.memory_space<hbm>>
    %dma_start3A_1279 = tpu.memref_slice %arg9[%rem3A_770] : memref<2x!tpu.dma_semaphore, #tpu.memory_space<semaphore_mem>> -> memref<1x!tpu.dma_semaphore, #tpu.memory_space<semaphore_mem>>
    %dma_start3A_1280 = tpu.memref_squeeze %dma_start3A_1279 : memref<1x!tpu.dma_semaphore, #tpu.memory_space<semaphore_mem>> -> memref<!tpu.dma_semaphore, #tpu.memory_space<semaphore_mem>>
    %dma_start3A_1281 = arith.constant 0 : i32
    %dma_start3A_1282 = arith.constant 0 : i32
    %dma_start3A_1283 = tpu.memref_slice %arg4[%add3A_1270, %dma_start3A_1281, %dma_start3A_1282] : memref<16384x50x32xf32, #tpu.memory_space<hbm>> -> memref<1x50x32xf32, #tpu.memory_space<hbm>>
    %dma_start3A_1284 = tpu.memref_squeeze %dma_start3A_1283 : memref<1x50x32xf32, #tpu.memory_space<hbm>> -> memref<50x32xf32, #tpu.memory_space<hbm>>
    %dma_start3A_1285 = arith.constant 1200 : i32
    %dma_start3A_1286 = arith.constant 0 : i32
    %dma_start3A_1287 = tpu.memref_slice %arg6[%rem3A_770, %dma_start3A_1285, %dma_start3A_1286] : memref<2x1600x32xf32, #tpu.memory_space<vmem>> -> memref<1x50x32xf32, #tpu.memory_space<vmem>>
    %dma_start3A_1288 = tpu.memref_squeeze %dma_start3A_1287 : memref<1x50x32xf32, #tpu.memory_space<vmem>> -> memref<50x32xf32, #tpu.memory_space<vmem>>
    tpu.enqueue_dma source(%dma_start3A_1288 : memref<50x32xf32, #tpu.memory_space<vmem>>) target(%dma_start3A_1284 : memref<50x32xf32, #tpu.memory_space<hbm>>) target_semaphore(%dma_start3A_1280 : memref<!tpu.dma_semaphore, #tpu.memory_space<semaphore_mem>>)
    %add3A_1289 = arith.constant 25 : i32
    %add3A_1290 = arith.addi %add3A_788, %add3A_1289 : i32
    %dma_start3A_1291 = arith.constant 1250 : i32
    %dma_start3A_1292 = arith.constant 0 : i32
    %dma_start3A_1293 = tpu.memref_slice %arg6[%rem3A_770, %dma_start3A_1291, %dma_start3A_1292] : memref<2x1600x32xf32, #tpu.memory_space<vmem>> -> memref<1x50x32xf32, #tpu.memory_space<vmem>>
    %dma_start3A_1294 = tpu.memref_squeeze %dma_start3A_1293 : memref<1x50x32xf32, #tpu.memory_space<vmem>> -> memref<50x32xf32, #tpu.memory_space<vmem>>
    %dma_start3A_1295 = arith.constant 0 : i32
    %dma_start3A_1296 = arith.constant 0 : i32
    %dma_start3A_1297 = tpu.memref_slice %arg4[%add3A_1290, %dma_start3A_1295, %dma_start3A_1296] : memref<16384x50x32xf32, #tpu.memory_space<hbm>> -> memref<1x50x32xf32, #tpu.memory_space<hbm>>
    %dma_start3A_1298 = tpu.memref_squeeze %dma_start3A_1297 : memref<1x50x32xf32, #tpu.memory_space<hbm>> -> memref<50x32xf32, #tpu.memory_space<hbm>>
    %dma_start3A_1299 = tpu.memref_slice %arg9[%rem3A_770] : memref<2x!tpu.dma_semaphore, #tpu.memory_space<semaphore_mem>> -> memref<1x!tpu.dma_semaphore, #tpu.memory_space<semaphore_mem>>
    %dma_start3A_1300 = tpu.memref_squeeze %dma_start3A_1299 : memref<1x!tpu.dma_semaphore, #tpu.memory_space<semaphore_mem>> -> memref<!tpu.dma_semaphore, #tpu.memory_space<semaphore_mem>>
    %dma_start3A_1301 = arith.constant 0 : i32
    %dma_start3A_1302 = arith.constant 0 : i32
    %dma_start3A_1303 = tpu.memref_slice %arg4[%add3A_1290, %dma_start3A_1301, %dma_start3A_1302] : memref<16384x50x32xf32, #tpu.memory_space<hbm>> -> memref<1x50x32xf32, #tpu.memory_space<hbm>>
    %dma_start3A_1304 = tpu.memref_squeeze %dma_start3A_1303 : memref<1x50x32xf32, #tpu.memory_space<hbm>> -> memref<50x32xf32, #tpu.memory_space<hbm>>
    %dma_start3A_1305 = arith.constant 1250 : i32
    %dma_start3A_1306 = arith.constant 0 : i32
    %dma_start3A_1307 = tpu.memref_slice %arg6[%rem3A_770, %dma_start3A_1305, %dma_start3A_1306] : memref<2x1600x32xf32, #tpu.memory_space<vmem>> -> memref<1x50x32xf32, #tpu.memory_space<vmem>>
    %dma_start3A_1308 = tpu.memref_squeeze %dma_start3A_1307 : memref<1x50x32xf32, #tpu.memory_space<vmem>> -> memref<50x32xf32, #tpu.memory_space<vmem>>
    tpu.enqueue_dma source(%dma_start3A_1308 : memref<50x32xf32, #tpu.memory_space<vmem>>) target(%dma_start3A_1304 : memref<50x32xf32, #tpu.memory_space<hbm>>) target_semaphore(%dma_start3A_1300 : memref<!tpu.dma_semaphore, #tpu.memory_space<semaphore_mem>>)
    %add3A_1309 = arith.constant 26 : i32
    %add3A_1310 = arith.addi %add3A_788, %add3A_1309 : i32
    %dma_start3A_1311 = arith.constant 1300 : i32
    %dma_start3A_1312 = arith.constant 0 : i32
    %dma_start3A_1313 = tpu.memref_slice %arg6[%rem3A_770, %dma_start3A_1311, %dma_start3A_1312] : memref<2x1600x32xf32, #tpu.memory_space<vmem>> -> memref<1x50x32xf32, #tpu.memory_space<vmem>>
    %dma_start3A_1314 = tpu.memref_squeeze %dma_start3A_1313 : memref<1x50x32xf32, #tpu.memory_space<vmem>> -> memref<50x32xf32, #tpu.memory_space<vmem>>
    %dma_start3A_1315 = arith.constant 0 : i32
    %dma_start3A_1316 = arith.constant 0 : i32
    %dma_start3A_1317 = tpu.memref_slice %arg4[%add3A_1310, %dma_start3A_1315, %dma_start3A_1316] : memref<16384x50x32xf32, #tpu.memory_space<hbm>> -> memref<1x50x32xf32, #tpu.memory_space<hbm>>
    %dma_start3A_1318 = tpu.memref_squeeze %dma_start3A_1317 : memref<1x50x32xf32, #tpu.memory_space<hbm>> -> memref<50x32xf32, #tpu.memory_space<hbm>>
    %dma_start3A_1319 = tpu.memref_slice %arg9[%rem3A_770] : memref<2x!tpu.dma_semaphore, #tpu.memory_space<semaphore_mem>> -> memref<1x!tpu.dma_semaphore, #tpu.memory_space<semaphore_mem>>
    %dma_start3A_1320 = tpu.memref_squeeze %dma_start3A_1319 : memref<1x!tpu.dma_semaphore, #tpu.memory_space<semaphore_mem>> -> memref<!tpu.dma_semaphore, #tpu.memory_space<semaphore_mem>>
    %dma_start3A_1321 = arith.constant 0 : i32
    %dma_start3A_1322 = arith.constant 0 : i32
    %dma_start3A_1323 = tpu.memref_slice %arg4[%add3A_1310, %dma_start3A_1321, %dma_start3A_1322] : memref<16384x50x32xf32, #tpu.memory_space<hbm>> -> memref<1x50x32xf32, #tpu.memory_space<hbm>>
    %dma_start3A_1324 = tpu.memref_squeeze %dma_start3A_1323 : memref<1x50x32xf32, #tpu.memory_space<hbm>> -> memref<50x32xf32, #tpu.memory_space<hbm>>
    %dma_start3A_1325 = arith.constant 1300 : i32
    %dma_start3A_1326 = arith.constant 0 : i32
    %dma_start3A_1327 = tpu.memref_slice %arg6[%rem3A_770, %dma_start3A_1325, %dma_start3A_1326] : memref<2x1600x32xf32, #tpu.memory_space<vmem>> -> memref<1x50x32xf32, #tpu.memory_space<vmem>>
    %dma_start3A_1328 = tpu.memref_squeeze %dma_start3A_1327 : memref<1x50x32xf32, #tpu.memory_space<vmem>> -> memref<50x32xf32, #tpu.memory_space<vmem>>
    tpu.enqueue_dma source(%dma_start3A_1328 : memref<50x32xf32, #tpu.memory_space<vmem>>) target(%dma_start3A_1324 : memref<50x32xf32, #tpu.memory_space<hbm>>) target_semaphore(%dma_start3A_1320 : memref<!tpu.dma_semaphore, #tpu.memory_space<semaphore_mem>>)
    %add3A_1329 = arith.constant 27 : i32
    %add3A_1330 = arith.addi %add3A_788, %add3A_1329 : i32
    %dma_start3A_1331 = arith.constant 1350 : i32
    %dma_start3A_1332 = arith.constant 0 : i32
    %dma_start3A_1333 = tpu.memref_slice %arg6[%rem3A_770, %dma_start3A_1331, %dma_start3A_1332] : memref<2x1600x32xf32, #tpu.memory_space<vmem>> -> memref<1x50x32xf32, #tpu.memory_space<vmem>>
    %dma_start3A_1334 = tpu.memref_squeeze %dma_start3A_1333 : memref<1x50x32xf32, #tpu.memory_space<vmem>> -> memref<50x32xf32, #tpu.memory_space<vmem>>
    %dma_start3A_1335 = arith.constant 0 : i32
    %dma_start3A_1336 = arith.constant 0 : i32
    %dma_start3A_1337 = tpu.memref_slice %arg4[%add3A_1330, %dma_start3A_1335, %dma_start3A_1336] : memref<16384x50x32xf32, #tpu.memory_space<hbm>> -> memref<1x50x32xf32, #tpu.memory_space<hbm>>
    %dma_start3A_1338 = tpu.memref_squeeze %dma_start3A_1337 : memref<1x50x32xf32, #tpu.memory_space<hbm>> -> memref<50x32xf32, #tpu.memory_space<hbm>>
    %dma_start3A_1339 = tpu.memref_slice %arg9[%rem3A_770] : memref<2x!tpu.dma_semaphore, #tpu.memory_space<semaphore_mem>> -> memref<1x!tpu.dma_semaphore, #tpu.memory_space<semaphore_mem>>
    %dma_start3A_1340 = tpu.memref_squeeze %dma_start3A_1339 : memref<1x!tpu.dma_semaphore, #tpu.memory_space<semaphore_mem>> -> memref<!tpu.dma_semaphore, #tpu.memory_space<semaphore_mem>>
    %dma_start3A_1341 = arith.constant 0 : i32
    %dma_start3A_1342 = arith.constant 0 : i32
    %dma_start3A_1343 = tpu.memref_slice %arg4[%add3A_1330, %dma_start3A_1341, %dma_start3A_1342] : memref<16384x50x32xf32, #tpu.memory_space<hbm>> -> memref<1x50x32xf32, #tpu.memory_space<hbm>>
    %dma_start3A_1344 = tpu.memref_squeeze %dma_start3A_1343 : memref<1x50x32xf32, #tpu.memory_space<hbm>> -> memref<50x32xf32, #tpu.memory_space<hbm>>
    %dma_start3A_1345 = arith.constant 1350 : i32
    %dma_start3A_1346 = arith.constant 0 : i32
    %dma_start3A_1347 = tpu.memref_slice %arg6[%rem3A_770, %dma_start3A_1345, %dma_start3A_1346] : memref<2x1600x32xf32, #tpu.memory_space<vmem>> -> memref<1x50x32xf32, #tpu.memory_space<vmem>>
    %dma_start3A_1348 = tpu.memref_squeeze %dma_start3A_1347 : memref<1x50x32xf32, #tpu.memory_space<vmem>> -> memref<50x32xf32, #tpu.memory_space<vmem>>
    tpu.enqueue_dma source(%dma_start3A_1348 : memref<50x32xf32, #tpu.memory_space<vmem>>) target(%dma_start3A_1344 : memref<50x32xf32, #tpu.memory_space<hbm>>) target_semaphore(%dma_start3A_1340 : memref<!tpu.dma_semaphore, #tpu.memory_space<semaphore_mem>>)
    %add3A_1349 = arith.constant 28 : i32
    %add3A_1350 = arith.addi %add3A_788, %add3A_1349 : i32
    %dma_start3A_1351 = arith.constant 1400 : i32
    %dma_start3A_1352 = arith.constant 0 : i32
    %dma_start3A_1353 = tpu.memref_slice %arg6[%rem3A_770, %dma_start3A_1351, %dma_start3A_1352] : memref<2x1600x32xf32, #tpu.memory_space<vmem>> -> memref<1x50x32xf32, #tpu.memory_space<vmem>>
    %dma_start3A_1354 = tpu.memref_squeeze %dma_start3A_1353 : memref<1x50x32xf32, #tpu.memory_space<vmem>> -> memref<50x32xf32, #tpu.memory_space<vmem>>
    %dma_start3A_1355 = arith.constant 0 : i32
    %dma_start3A_1356 = arith.constant 0 : i32
    %dma_start3A_1357 = tpu.memref_slice %arg4[%add3A_1350, %dma_start3A_1355, %dma_start3A_1356] : memref<16384x50x32xf32, #tpu.memory_space<hbm>> -> memref<1x50x32xf32, #tpu.memory_space<hbm>>
    %dma_start3A_1358 = tpu.memref_squeeze %dma_start3A_1357 : memref<1x50x32xf32, #tpu.memory_space<hbm>> -> memref<50x32xf32, #tpu.memory_space<hbm>>
    %dma_start3A_1359 = tpu.memref_slice %arg9[%rem3A_770] : memref<2x!tpu.dma_semaphore, #tpu.memory_space<semaphore_mem>> -> memref<1x!tpu.dma_semaphore, #tpu.memory_space<semaphore_mem>>
    %dma_start3A_1360 = tpu.memref_squeeze %dma_start3A_1359 : memref<1x!tpu.dma_semaphore, #tpu.memory_space<semaphore_mem>> -> memref<!tpu.dma_semaphore, #tpu.memory_space<semaphore_mem>>
    %dma_start3A_1361 = arith.constant 0 : i32
    %dma_start3A_1362 = arith.constant 0 : i32
    %dma_start3A_1363 = tpu.memref_slice %arg4[%add3A_1350, %dma_start3A_1361, %dma_start3A_1362] : memref<16384x50x32xf32, #tpu.memory_space<hbm>> -> memref<1x50x32xf32, #tpu.memory_space<hbm>>
    %dma_start3A_1364 = tpu.memref_squeeze %dma_start3A_1363 : memref<1x50x32xf32, #tpu.memory_space<hbm>> -> memref<50x32xf32, #tpu.memory_space<hbm>>
    %dma_start3A_1365 = arith.constant 1400 : i32
    %dma_start3A_1366 = arith.constant 0 : i32
    %dma_start3A_1367 = tpu.memref_slice %arg6[%rem3A_770, %dma_start3A_1365, %dma_start3A_1366] : memref<2x1600x32xf32, #tpu.memory_space<vmem>> -> memref<1x50x32xf32, #tpu.memory_space<vmem>>
    %dma_start3A_1368 = tpu.memref_squeeze %dma_start3A_1367 : memref<1x50x32xf32, #tpu.memory_space<vmem>> -> memref<50x32xf32, #tpu.memory_space<vmem>>
    tpu.enqueue_dma source(%dma_start3A_1368 : memref<50x32xf32, #tpu.memory_space<vmem>>) target(%dma_start3A_1364 : memref<50x32xf32, #tpu.memory_space<hbm>>) target_semaphore(%dma_start3A_1360 : memref<!tpu.dma_semaphore, #tpu.memory_space<semaphore_mem>>)
    %add3A_1369 = arith.constant 29 : i32
    %add3A_1370 = arith.addi %add3A_788, %add3A_1369 : i32
    %dma_start3A_1371 = arith.constant 1450 : i32
    %dma_start3A_1372 = arith.constant 0 : i32
    %dma_start3A_1373 = tpu.memref_slice %arg6[%rem3A_770, %dma_start3A_1371, %dma_start3A_1372] : memref<2x1600x32xf32, #tpu.memory_space<vmem>> -> memref<1x50x32xf32, #tpu.memory_space<vmem>>
    %dma_start3A_1374 = tpu.memref_squeeze %dma_start3A_1373 : memref<1x50x32xf32, #tpu.memory_space<vmem>> -> memref<50x32xf32, #tpu.memory_space<vmem>>
    %dma_start3A_1375 = arith.constant 0 : i32
    %dma_start3A_1376 = arith.constant 0 : i32
    %dma_start3A_1377 = tpu.memref_slice %arg4[%add3A_1370, %dma_start3A_1375, %dma_start3A_1376] : memref<16384x50x32xf32, #tpu.memory_space<hbm>> -> memref<1x50x32xf32, #tpu.memory_space<hbm>>
    %dma_start3A_1378 = tpu.memref_squeeze %dma_start3A_1377 : memref<1x50x32xf32, #tpu.memory_space<hbm>> -> memref<50x32xf32, #tpu.memory_space<hbm>>
    %dma_start3A_1379 = tpu.memref_slice %arg9[%rem3A_770] : memref<2x!tpu.dma_semaphore, #tpu.memory_space<semaphore_mem>> -> memref<1x!tpu.dma_semaphore, #tpu.memory_space<semaphore_mem>>
    %dma_start3A_1380 = tpu.memref_squeeze %dma_start3A_1379 : memref<1x!tpu.dma_semaphore, #tpu.memory_space<semaphore_mem>> -> memref<!tpu.dma_semaphore, #tpu.memory_space<semaphore_mem>>
    %dma_start3A_1381 = arith.constant 0 : i32
    %dma_start3A_1382 = arith.constant 0 : i32
    %dma_start3A_1383 = tpu.memref_slice %arg4[%add3A_1370, %dma_start3A_1381, %dma_start3A_1382] : memref<16384x50x32xf32, #tpu.memory_space<hbm>> -> memref<1x50x32xf32, #tpu.memory_space<hbm>>
    %dma_start3A_1384 = tpu.memref_squeeze %dma_start3A_1383 : memref<1x50x32xf32, #tpu.memory_space<hbm>> -> memref<50x32xf32, #tpu.memory_space<hbm>>
    %dma_start3A_1385 = arith.constant 1450 : i32
    %dma_start3A_1386 = arith.constant 0 : i32
    %dma_start3A_1387 = tpu.memref_slice %arg6[%rem3A_770, %dma_start3A_1385, %dma_start3A_1386] : memref<2x1600x32xf32, #tpu.memory_space<vmem>> -> memref<1x50x32xf32, #tpu.memory_space<vmem>>
    %dma_start3A_1388 = tpu.memref_squeeze %dma_start3A_1387 : memref<1x50x32xf32, #tpu.memory_space<vmem>> -> memref<50x32xf32, #tpu.memory_space<vmem>>
    tpu.enqueue_dma source(%dma_start3A_1388 : memref<50x32xf32, #tpu.memory_space<vmem>>) target(%dma_start3A_1384 : memref<50x32xf32, #tpu.memory_space<hbm>>) target_semaphore(%dma_start3A_1380 : memref<!tpu.dma_semaphore, #tpu.memory_space<semaphore_mem>>)
    %add3A_1389 = arith.constant 30 : i32
    %add3A_1390 = arith.addi %add3A_788, %add3A_1389 : i32
    %dma_start3A_1391 = arith.constant 1500 : i32
    %dma_start3A_1392 = arith.constant 0 : i32
    %dma_start3A_1393 = tpu.memref_slice %arg6[%rem3A_770, %dma_start3A_1391, %dma_start3A_1392] : memref<2x1600x32xf32, #tpu.memory_space<vmem>> -> memref<1x50x32xf32, #tpu.memory_space<vmem>>
    %dma_start3A_1394 = tpu.memref_squeeze %dma_start3A_1393 : memref<1x50x32xf32, #tpu.memory_space<vmem>> -> memref<50x32xf32, #tpu.memory_space<vmem>>
    %dma_start3A_1395 = arith.constant 0 : i32
    %dma_start3A_1396 = arith.constant 0 : i32
    %dma_start3A_1397 = tpu.memref_slice %arg4[%add3A_1390, %dma_start3A_1395, %dma_start3A_1396] : memref<16384x50x32xf32, #tpu.memory_space<hbm>> -> memref<1x50x32xf32, #tpu.memory_space<hbm>>
    %dma_start3A_1398 = tpu.memref_squeeze %dma_start3A_1397 : memref<1x50x32xf32, #tpu.memory_space<hbm>> -> memref<50x32xf32, #tpu.memory_space<hbm>>
    %dma_start3A_1399 = tpu.memref_slice %arg9[%rem3A_770] : memref<2x!tpu.dma_semaphore, #tpu.memory_space<semaphore_mem>> -> memref<1x!tpu.dma_semaphore, #tpu.memory_space<semaphore_mem>>
    %dma_start3A_1400 = tpu.memref_squeeze %dma_start3A_1399 : memref<1x!tpu.dma_semaphore, #tpu.memory_space<semaphore_mem>> -> memref<!tpu.dma_semaphore, #tpu.memory_space<semaphore_mem>>
    %dma_start3A_1401 = arith.constant 0 : i32
    %dma_start3A_1402 = arith.constant 0 : i32
    %dma_start3A_1403 = tpu.memref_slice %arg4[%add3A_1390, %dma_start3A_1401, %dma_start3A_1402] : memref<16384x50x32xf32, #tpu.memory_space<hbm>> -> memref<1x50x32xf32, #tpu.memory_space<hbm>>
    %dma_start3A_1404 = tpu.memref_squeeze %dma_start3A_1403 : memref<1x50x32xf32, #tpu.memory_space<hbm>> -> memref<50x32xf32, #tpu.memory_space<hbm>>
    %dma_start3A_1405 = arith.constant 1500 : i32
    %dma_start3A_1406 = arith.constant 0 : i32
    %dma_start3A_1407 = tpu.memref_slice %arg6[%rem3A_770, %dma_start3A_1405, %dma_start3A_1406] : memref<2x1600x32xf32, #tpu.memory_space<vmem>> -> memref<1x50x32xf32, #tpu.memory_space<vmem>>
    %dma_start3A_1408 = tpu.memref_squeeze %dma_start3A_1407 : memref<1x50x32xf32, #tpu.memory_space<vmem>> -> memref<50x32xf32, #tpu.memory_space<vmem>>
    tpu.enqueue_dma source(%dma_start3A_1408 : memref<50x32xf32, #tpu.memory_space<vmem>>) target(%dma_start3A_1404 : memref<50x32xf32, #tpu.memory_space<hbm>>) target_semaphore(%dma_start3A_1400 : memref<!tpu.dma_semaphore, #tpu.memory_space<semaphore_mem>>)
    %add3A_1409 = arith.constant 31 : i32
    %add3A_1410 = arith.addi %add3A_788, %add3A_1409 : i32
    %dma_start3A_1411 = arith.constant 1550 : i32
    %dma_start3A_1412 = arith.constant 0 : i32
    %dma_start3A_1413 = tpu.memref_slice %arg6[%rem3A_770, %dma_start3A_1411, %dma_start3A_1412] : memref<2x1600x32xf32, #tpu.memory_space<vmem>> -> memref<1x50x32xf32, #tpu.memory_space<vmem>>
    %dma_start3A_1414 = tpu.memref_squeeze %dma_start3A_1413 : memref<1x50x32xf32, #tpu.memory_space<vmem>> -> memref<50x32xf32, #tpu.memory_space<vmem>>
    %dma_start3A_1415 = arith.constant 0 : i32
    %dma_start3A_1416 = arith.constant 0 : i32
    %dma_start3A_1417 = tpu.memref_slice %arg4[%add3A_1410, %dma_start3A_1415, %dma_start3A_1416] : memref<16384x50x32xf32, #tpu.memory_space<hbm>> -> memref<1x50x32xf32, #tpu.memory_space<hbm>>
    %dma_start3A_1418 = tpu.memref_squeeze %dma_start3A_1417 : memref<1x50x32xf32, #tpu.memory_space<hbm>> -> memref<50x32xf32, #tpu.memory_space<hbm>>
    %dma_start3A_1419 = tpu.memref_slice %arg9[%rem3A_770] : memref<2x!tpu.dma_semaphore, #tpu.memory_space<semaphore_mem>> -> memref<1x!tpu.dma_semaphore, #tpu.memory_space<semaphore_mem>>
    %dma_start3A_1420 = tpu.memref_squeeze %dma_start3A_1419 : memref<1x!tpu.dma_semaphore, #tpu.memory_space<semaphore_mem>> -> memref<!tpu.dma_semaphore, #tpu.memory_space<semaphore_mem>>
    %dma_start3A_1421 = arith.constant 0 : i32
    %dma_start3A_1422 = arith.constant 0 : i32
    %dma_start3A_1423 = tpu.memref_slice %arg4[%add3A_1410, %dma_start3A_1421, %dma_start3A_1422] : memref<16384x50x32xf32, #tpu.memory_space<hbm>> -> memref<1x50x32xf32, #tpu.memory_space<hbm>>
    %dma_start3A_1424 = tpu.memref_squeeze %dma_start3A_1423 : memref<1x50x32xf32, #tpu.memory_space<hbm>> -> memref<50x32xf32, #tpu.memory_space<hbm>>
    %dma_start3A_1425 = arith.constant 1550 : i32
    %dma_start3A_1426 = arith.constant 0 : i32
    %dma_start3A_1427 = tpu.memref_slice %arg6[%rem3A_770, %dma_start3A_1425, %dma_start3A_1426] : memref<2x1600x32xf32, #tpu.memory_space<vmem>> -> memref<1x50x32xf32, #tpu.memory_space<vmem>>
    %dma_start3A_1428 = tpu.memref_squeeze %dma_start3A_1427 : memref<1x50x32xf32, #tpu.memory_space<vmem>> -> memref<50x32xf32, #tpu.memory_space<vmem>>
    tpu.enqueue_dma source(%dma_start3A_1428 : memref<50x32xf32, #tpu.memory_space<vmem>>) target(%dma_start3A_1424 : memref<50x32xf32, #tpu.memory_space<hbm>>) target_semaphore(%dma_start3A_1420 : memref<!tpu.dma_semaphore, #tpu.memory_space<semaphore_mem>>)
    %dma_wait3A_1429 = arith.constant 0 : i32
    %dma_wait3A_1430 = arith.constant 0 : i32
    %dma_wait3A_1431 = tpu.memref_slice %arg6[%rem3A_770, %dma_wait3A_1429, %dma_wait3A_1430] : memref<2x1600x32xf32, #tpu.memory_space<vmem>> -> memref<1x1600x32xf32, #tpu.memory_space<vmem>>
    %dma_wait3A_1432 = tpu.memref_squeeze %dma_wait3A_1431 : memref<1x1600x32xf32, #tpu.memory_space<vmem>> -> memref<1600x32xf32, #tpu.memory_space<vmem>>
    %dma_wait3A_1433 = arith.constant 0 : i32
    %dma_wait3A_1434 = arith.constant 0 : i32
    %dma_wait3A_1435 = tpu.memref_slice %arg2[%dma_wait3A_1433, %dma_wait3A_1434] : memref<1000000x32xf32, #tpu.memory_space<hbm>> -> memref<1600x32xf32, #tpu.memory_space<hbm>>
    %dma_wait3A_1436 = tpu.memref_slice %arg9[%rem3A_770] : memref<2x!tpu.dma_semaphore, #tpu.memory_space<semaphore_mem>> -> memref<1x!tpu.dma_semaphore, #tpu.memory_space<semaphore_mem>>
    %dma_wait3A_1437 = tpu.memref_squeeze %dma_wait3A_1436 : memref<1x!tpu.dma_semaphore, #tpu.memory_space<semaphore_mem>> -> memref<!tpu.dma_semaphore, #tpu.memory_space<semaphore_mem>>
    %dma_wait3A_1438 = arith.constant 0 : i32
    %dma_wait3A_1439 = arith.constant 0 : i32
    %dma_wait3A_1440 = tpu.memref_slice %arg6[%rem3A_770, %dma_wait3A_1438, %dma_wait3A_1439] : memref<2x1600x32xf32, #tpu.memory_space<vmem>> -> memref<1x1600x32xf32, #tpu.memory_space<vmem>>
    %dma_wait3A_1441 = tpu.memref_squeeze %dma_wait3A_1440 : memref<1x1600x32xf32, #tpu.memory_space<vmem>> -> memref<1600x32xf32, #tpu.memory_space<vmem>>
    %dma_wait3A_1442 = arith.constant 0 : i32
    %dma_wait3A_1443 = arith.constant 0 : i32
    %dma_wait3A_1444 = tpu.memref_slice %arg2[%dma_wait3A_1442, %dma_wait3A_1443] : memref<1000000x32xf32, #tpu.memory_space<hbm>> -> memref<1600x32xf32, #tpu.memory_space<hbm>>
    tpu.wait_dma2 semaphore(%dma_wait3A_1437 : memref<!tpu.dma_semaphore, #tpu.memory_space<semaphore_mem>>) src(%dma_wait3A_1444 : memref<1600x32xf32, #tpu.memory_space<hbm>>) dst(%dma_wait3A_1441 : memref<1600x32xf32, #tpu.memory_space<vmem>>)
    return
  }
}

</mosaic_0001>

<sc_bundles>
// kernel: kernel.3.cloned.1.call-start
scs
__scs_entry_jumppad:
0x0: {  	(pc) =	sbr.rel $0x88, $3  }
0x1: {  	(tag) =	ssettag $0x0;
	lr =	simm.s32 $0x1  }
0x2: {  	[smem:$0x3F9F] =	sst lr;
	_ =	strace $0xD0000000  }
0x3: {  	_ = 	snop  }
0x4: {  	_ = 	snop  }
0x5: {  	_ = 	snop  }
0x6: {  	_ = 	snop  }
0x7: {  	_ = 	snop  }
__scs_overlays_trampoline_lowered:
0x8: {  	[smem:$0x3FAE] =	sst s0  }
0x9: {  	[smem:$0x3FAF] =	sst s1  }
0xa: {  	[smem:$0x3FB0] =	sst s2  }
0xb: {  	[smem:$0x3FB1] =	sst s3  }
0xc: {  	[smem:$0x3FB2] =	sst s4  }
0xd: {  	[smem:$0x3FB3] =	sst s5  }
0xe: {  	[smem:$0x3FB4] =	sst s6  }
0xf: {  	[smem:$0x3FB5] =	sst s7  }
0x10: {  	[smem:$0x3FB6] =	sst s8  }
0x11: {  	[smem:$0x3FB7] =	sst s9;
	s0 =	simm.s32 @!p0 $0x0  }
0x12: {  	s1 =	sld [smem:$0x3F9D];
	s0 =	simm.s32 @p0 $0x1  }
0x13: {  	[smem:$0x3FB8] =	sst s0;
	s0 =	simm.s32 @!p1 $0x0  }
0x14: {  	s2 =	sld [smem:$0x3F9C];
	s0 =	simm.s32 @p1 $0x1  }
0x15: {  	[smem:$0x3FB9] =	sst s0;
	s0 =	simm.s32 @!p2 $0x0  }
0x16: {  	s3 =	sld [smem:$0x3FDB];
	s0 =	simm.s32 @p2 $0x1  }
0x17: {  	s4 =	simm.s32 $0x1BF5;
	[smem:$0x3FBB] =	sst s0  }
0x18: {  	s0 =	sld [smem:$0x3F9E];
	_ =	swait.ge [sflag:s4], $0x0  }
0x19: {  	s7 =	sld [smem:$0x3F9F]  }
0x1a: {  	s8 =	sadd.s32 $0xFFFFE003, lr  }
0x1b: {  	s9 =	sadd.s32 $0xFFFFFEF7, lr;
	s5 =	simm.s32 $0xFFFFFFFF;
	p2 =	slt.u32 s8, $0xFFFFF086  }
0x1c: {  	p1 =	slt.u32 s9, $0xF7A;
	s5 =	simm.s32 @!p2 $0x0  }
0x1d: {  	s5 =	simm.s32 @p1 $0x1;
	p0 =	seq.s32 s7, s2  }
0x1e: {  	s7 =	smul.u32 @!p0 $0xF7A, s2;
	p2 =	seq.s32 @!p0 s5, $0x0  }
0x1f: {  	s9 =	smul.u32 $0xF7A, s1;
	s8 =	simm.s32 @!p0 $0x1BF5;
	p2 =	por !p2, p0  }
0x20: {  	[sflag:s8] =	ssyncset.s32 @!p0 $0xFFFFF086;
	s6 =	sadd.s32 @!p0 s3, s7;
	s7 =	simm.s32 @!p0 $0x108  }
0x21: {  	s3 =	sadd.s32 s3, s9;
	s6 =	sadd.s32 @!p0 $0x88, s6;
	s7 =	simm.s32 @p2 $0x1082  }
0x22: {  	[simem:s7], [sflag:s8] =	dma.local @!p0 [hbm:s6], $0xF7A  }
0x23: {  	s9 =	sor.u32 $0xD0000000, s2;
	s6 =	simm.s32 $0x108;
	_ =	swait.ge @!p0 [sflag:s8], $0x0  }
0x24: {  	s3 =	sadd.s32 $0x88, s3;
	s6 =	simm.s32 @!p1 $0x1082;
	[sflag:s4] =	ssyncset.s32 $0xFFFFF086  }
0x25: {  	[simem:s6], [sflag:s4] =	dma.local [hbm:s3], $0xF7A  }
0x26: {  	[smem:$0x3F9F] =	sst s1;
	(tag) =	ssettag s2;
	_ =	strace s9  }
0x27: {  	s1 =	sld [smem:$0x3FAF]  }
0x28: {  	s2 =	sld [smem:$0x3FB0]  }
0x29: {  	s4 =	sld [smem:$0x3FB2]  }
0x2a: {  	p0 =	seq.s32 s5, $0x0;
	s5 =	sld [smem:$0x3FB3]  }
0x2b: {  	s6 =	sld [smem:$0x3FB4]  }
0x2c: {  	s7 =	sld [smem:$0x3FB5]  }
0x2d: {  	s3 =	simm.s32 $0x108;
	s8 =	sld [smem:$0x3FB6]  }
0x2e: {  	s3 =	simm.s32 @!p0 $0x1082;
	s9 =	sld [smem:$0x3FB7]  }
0x2f: {  	lr =	sadd.s32 s0, s3;
	s0 =	sld [smem:$0x3FAE]  }
0x30: {  	s3 =	sld [smem:$0x3FB1]  }
0x31: {  	[smem:$0x3FBA] =	sst s10  }
0x32: {  	s10 =	sld [smem:$0x3FB8];
	_ =	sdelay $0x3  }
0x33: {  	p0 =	seq.s32 s10, $0x1;
	s10 =	sld [smem:$0x3FBA];
	_ =	sdelay $0x3  }
0x34: {  	[smem:$0x3FBA] =	sst s10  }
0x35: {  	s10 =	sld [smem:$0x3FB9];
	_ =	sdelay $0x3  }
0x36: {  	p1 =	seq.s32 s10, $0x1;
	s10 =	sld [smem:$0x3FBA];
	_ =	sdelay $0x3  }
0x37: {  	[smem:$0x3FBA] =	sst s10  }
0x38: {  	s10 =	sld [smem:$0x3FBB]  }
0x39: {  	_ = 	snop;
	(pc) =	sbr.ind lr, $3  }
0x3a: {  	_ = 	snop  }
0x3b: {  	_ = 	snop  }
0x3c: {  	p2 =	seq.s32 s10, $0x1;
	s10 =	sld [smem:$0x3FBA]  }
0x3d: {  	_ =	shalt  }
0x3e: {  	_ =	shalt  }
0x3f: {  	_ =	shalt  }
0x40: {  	_ =	shalt  }
0x41: {  	_ =	shalt  }
0x42: {  	_ =	shalt  }
0x43: {  	_ =	shalt  }
0x44: {  	_ =	shalt  }
0x45: {  	_ =	shalt  }
0x46: {  	_ =	shalt  }
0x47: {  	_ =	shalt  }
0x48: {  	_ =	shalt  }
0x49: {  	_ =	shalt  }
0x4a: {  	_ =	shalt  }
0x4b: {  	_ =	shalt  }
0x4c: {  	_ =	shalt  }
0x4d: {  	_ =	shalt  }
0x4e: {  	_ =	shalt  }
0x4f: {  	_ =	shalt  }
0x50: {  	_ =	shalt  }
0x51: {  	_ =	shalt  }
0x52: {  	_ =	shalt  }
0x53: {  	_ =	shalt  }
0x54: {  	_ =	shalt  }
0x55: {  	_ =	shalt  }
0x56: {  	_ =	shalt  }
0x57: {  	_ =	shalt  }
0x58: {  	_ =	shalt  }
0x59: {  	_ =	shalt  }
0x5a: {  	_ =	shalt  }
0x5b: {  	_ =	shalt  }
0x5c: {  	_ =	shalt  }
0x5d: {  	_ =	shalt  }
0x5e: {  	_ =	shalt  }
0x5f: {  	_ =	shalt  }
0x60: {  	_ =	shalt  }
0x61: {  	_ =	shalt  }
0x62: {  	_ =	shalt  }
0x63: {  	_ =	shalt  }
0x64: {  	_ =	shalt  }
0x65: {  	_ =	shalt  }
0x66: {  	_ =	shalt  }
0x67: {  	_ =	shalt  }
0x68: {  	_ =	shalt  }
0x69: {  	_ =	shalt  }
0x6a: {  	_ =	shalt  }
0x6b: {  	_ =	shalt  }
0x6c: {  	_ =	shalt  }
0x6d: {  	_ =	shalt  }
0x6e: {  	_ =	shalt  }
0x6f: {  	_ =	shalt  }
0x70: {  	_ =	shalt  }
0x71: {  	_ =	shalt  }
0x72: {  	_ =	shalt  }
0x73: {  	_ =	shalt  }
0x74: {  	_ =	shalt  }
0x75: {  	_ =	shalt  }
0x76: {  	_ =	shalt  }
0x77: {  	_ =	shalt  }
0x78: {  	_ =	shalt  }
0x79: {  	_ =	shalt  }
0x7a: {  	_ =	shalt  }
0x7b: {  	_ =	shalt  }
0x7c: {  	_ =	shalt  }
0x7d: {  	_ =	shalt  }
0x7e: {  	_ =	shalt  }
0x7f: {  	_ =	shalt  }
0x80: {  	_ =	shalt  }
0x81: {  	_ =	shalt  }
0x82: {  	_ =	shalt  }
0x83: {  	_ =	shalt  }
0x84: {  	_ =	shalt  }
0x85: {  	_ =	shalt  }
0x86: {  	_ =	shalt  }
0x87: {  	_ =	shalt  }
.Lfunc_end0:
.L_simem_size_0:
called_computation.1_lowered:
.L_overlay_start_0:
0x88: {  	s2 =	sld [smem:$0x3FD9]  }
0x89: {  	s3 =	sld [smem:$0x3FFE];
	_ =	sdelay $0x1  }
0x8a: {  	s1 =	srdreg.scid  }
0x8b: {  	s0 =	sand.u32 $0x1, s1  }
0x8c: {  	s17 =	sshll.u32 s0, $0xA;
	s2 =	sadd.s32 s3, s2  }
0x8d: {  	s2 =	sadd.s32 s2, s17  }
0x8e: {  	[smem:$0x3FC6] =	sst s2  }
0x8f: {  	_ = 	snop  }
0x90: {  	s2 =	sld [smem:$0x3FD0];
	(tm) =	ssettm $0x1  }
0x91: {  	s18 =	sld [smem:$0x3FFB];
	_ =	sdelay $0x3  }
0x92: {  	_ =	strace s18  }
0x93: {  	s3 =	sld [smem:$0x3FFC];
	_ =	sdelay $0x3  }
0x94: {  	_ =	strace s3  }
0x95: {  	s3 =	sld [smem:$0x3FFD];
	_ =	sdelay $0x3  }
0x96: {  	_ =	strace s3  }
0x97: {  	_ =	strace $0x8FFFFFFF  }
0x98: {  	s19 =	sld [smem:$0x3FDB];
	_ =	sdelay $0x1  }
0x99: {  	s4 =	simm.s32 $_scs_section_size  }
0x9a: {  	s5 =	simm.s32 $_size__tile_overlayer_lowered;
	s6 =	simm.s32 $_tile_overlayer_lowered  }
0x9b: {  	s22 =	simm.s32 $0x1BFF;
	s21 =	sshll.u32 s6, $0x1;
	s3 =	sadd.s32 s4, s19  }
0x9c: {  	s7 =	simm.s32 $0x0;
	s20 =	sshll.u32 s5, $0x1;
	s5 =	sadd.s32 s21, s3  }
0x9d: {  	[timem:s7], [sflag:s22] =	dma.local [hbm:s5], s20  }
0x9e: {  	_ =	swait.ge [sflag:s22], s20  }
0x9f: {  	s4 =	ssub.s32 $0x0, s20;
	[sflag:s22] =	ssyncset.done $0x0  }
0xa0: {  	[sflag:s22] =	ssyncadd.s32 s4;
	_ =	sdelay $0x1  }
0xa1: {  	s23 =	simm.s32 $0x1B8B  }
0xa2: {  	_ =	swait.ge [sflag:s23], $0x1  }
0xa3: {  	[sflag:s23] =	ssyncset.done $0x0  }
0xa4: {  	s25 =	simm.s32 $0x1B8E;
	s24 =	sld [smem:$0x3FFE];
	[sflag:s23] =	ssyncadd.s32 $0xFFFFFFFF  }
0xa5: {  	s26 =	simm.s32 $execute0_lowered;
	[smem:$0x3FD2] =	sst s25  }
0xa6: {  	s5 =	sshll.u32 s26, $0x1;
	_ =	strace $0x80000046;
	[dreg:$0x1] =	wrdreg $0xFFFFFFFF  }
0xa7: {  	s28 =	simm.s32 $_size_execute0_lowered;
	s3 =	sadd.s32 s3, s5;
	[dreg:$0x0] =	wrdreg $0x0  }
0xa8: {  	s5 =	sshll.u32 s28, $0x1;
	[dreg:$0x2] =	wrdreg s3  }
0xa9: {  	[dreg:$0x3] =	wrdreg s5  }
0xaa: {  	[dreg:$0x4] =	wrdreg $0xC0  }
0xab: {  	_ =	task [dreg:s7], $0x5FFFF  }
0xac: {  	[dreg:$0x1] =	wrdreg $0xFFFFFFFF  }
0xad: {  	[dreg:$0x0] =	wrdreg $0x60  }
0xae: {  	[dreg:$0x2] =	wrdreg s24  }
0xaf: {  	[dreg:$0x3] =	wrdreg s2  }
0xb0: {  	[dreg:$0x4] =	wrdreg $0x9  }
0xb1: {  	_ =	task.clear_ibuf [dreg:s7], $0x5FFFF;
	_ =	strace $0x90000046  }
0xb2: {  	s29 =	simm.s32 $0x9;
	_ =	strace $0x80000048  }
0xb3: {  	_ =	swait.ge [sflag:s29], $0x1  }
0xb4: {  	[sflag:s29] =	ssyncadd.s32 $0xFFFFFFFF  }
0xb5: {  	_ =	strace $0x90000048  }
0xb6: {  	_ =	sfence  }
0xb7: {  	s30 =	sld [smem:$0x0];
	_ =	sdelay $0x2  }
0xb8: {  	s31 =	sshll.u32 s1, $0xD;
	s1 =	sshrl.u32 s1, $0x2  }
0xb9: {  	s3 =	sand.u32 $0x4000, s31;
	s1 =	sadd.s32 s1, s30  }
0xba: {  	s0 =	sor.u32 s3, s0;
	s1 =	sshll.u32 s1, $0x11  }
0xbb: {  	s0 =	sor.u32 s1, s0  }
0xbc: {  	s0 =	sadd.s32 $0x8F2B, s0  }
0xbd: {  	[sflag:s0] =	ssyncadd.remote.s32 $0x1  }
0xbe: {  	_ =	sfence.sel $0xFFFF  }
0xbf: {  	[dreg:$0x0] =	wrdreg $0xFFFFFFFF;
	(pc) =	sbr.abs _section_cstart, $3  }
0xc0: {  	[dreg:$0x1] =	wrdreg $0xFFFFFFFF  }
0xc1: {  	_ =	task.clear_ibuf [dreg:s7], $0x2FFFF;
	_ =	strace $0x9FFFFFFF  }
0xc2: {  	(tm) =	ssettm $0x7FFFFFFF  }
0xc3: {  	_ =	shalt  }
tec
execute0_lowered:
.L_overlay_start_1:
0x0: {  	(tag) =	ssettag $0x1  }
0x1: {  	s1 =	srdreg.scid;
	s11 =	stileid.u32  }
0x2: {  	s0 =	rddreg [dreg:$0x0];
	s6 =	sand.u32 $0x1, s1;
	s25 =	sshll.u32 s11, $0x1  }
0x3: {  	s4 =	rddreg [dreg:$0x1];
	s2 =	simm.s32 $0x0;
	s1 =	sor.u32 s6, s25  }
0x4: {  	[smem:$0x7FF] =	sst s2;
	s3 =	smul.u32 $0x6400, s1  }
0x5: {  	s7 =	sadd.s32 $0xA00, s0;
	s5 =	ssub.s32 $0x2, s6;
	s8 =	smul.u32 $0xC80, s1  }
0x6: {  	_ =	strace $0x80000047;
	s9 =	sshrl.u32 s5, $0x1;
	s1 =	smul.u32 $0xC8000, s1  }
0x7: {  	s10 =	sshrl.u32 s3, $0x3;
	s3 =	sadd.s32 $0xF42E00, s0;
	s0 =	ssub.s32 s5, s9  }
0x8: {  	s8 =	sadd.s32 s7, s8;
	s1 =	sshrl.u32 s1, $0x3;
	s26 =	sadd.s32 s7, s10  }
0x9: {  	[smem:$0x7BF] =	sst s8;
	s1 =	sadd.s32 s4, s1;
	s5 =	sadd.s32 $0xC8, s26  }
0xa: {  	s31 =	sadd.s32 $0x15E00, s1;
	[smem:$0x7C0] =	sst s5  }
0xb: {  	s10 =	sadd.s32 $0x15EC8, s1;
	[smem:$0x7C1] =	sst s31  }
0xc: {  	s12 =	sadd.s32 $0x15F90, s1;
	[smem:$0x7C2] =	sst s10  }
0xd: {  	s29 =	sshll.u32 s11, $0xA;
	s13 =	sadd.s32 $0x16058, s1;
	[smem:$0x7C3] =	sst s12  }
0xe: {  	s16 =	smul.u32 $0x190000, s11;
	s14 =	sadd.s32 $0x16120, s1;
	[smem:$0x7C4] =	sst s13  }
0xf: {  	s11 =	smul.u32 $0x32000, s11;
	s15 =	sadd.s32 $0x161E8, s1;
	[smem:$0x7C5] =	sst s14  }
0x10: {  	s30 =	sshll.u32 s6, $0x9;
	s17 =	sadd.s32 $0x162B0, s1;
	[smem:$0x7C6] =	sst s15  }
0x11: {  	s19 =	smul.u32 $0xC8000, s6;
	s18 =	sadd.s32 $0x16378, s1;
	[smem:$0x7C7] =	sst s17  }
0x12: {  	s6 =	smul.u32 $0x19000, s6;
	s20 =	sadd.s32 $0x16440, s1;
	[smem:$0x7C8] =	sst s18  }
0x13: {  	s21 =	sadd.s32 $0x16508, s1;
	s5 =	sor.u32 s30, s29;
	[smem:$0x7C9] =	sst s20  }
0x14: {  	s22 =	sadd.s32 $0x165D0, s1;
	[smem:$0x7CA] =	sst s21;
	s5 =	smul.u32 $0x19, s5  }
0x15: {  	s24 =	sadd.s32 $0x16698, s1;
	s26 =	sadd.s32 s11, s4;
	[smem:$0x7CB] =	sst s22  }
0x16: {  	[smem:$0x7CC] =	sst s24;
	s6 =	sadd.s32 s6, s26;
	s23 =	sadd.s32 $0x640, s5  }
0x17: {  	[dreg:$0x3] =	wrdreg s6;
	s5 =	sadd.s32 s19, s16;
	s25 =	sshrl.u32 s23, $0x2  }
0x18: {  	s29 =	sadd.s32 $0xC1C0, s5;
	s31 =	sadd.s32 $0xBB80, s5;
	s12 =	sadd.s32 $0xB540, s5  }
0x19: {  	s14 =	sadd.s32 $0xAF00, s5;
	s15 =	sadd.s32 $0xA8C0, s5;
	s19 =	sadd.s32 $0xA280, s5  }
0x1a: {  	s21 =	sadd.s32 $0x9C40, s5;
	s22 =	sadd.s32 $0x9600, s5;
	s26 =	sadd.s32 $0x8FC0, s5  }
0x1b: {  	s28 =	sadd.s32 s25, s7;
	s30 =	sshrl.u32 s29, $0x3;
	s10 =	sshrl.u32 s31, $0x3  }
0x1c: {  	s13 =	sshrl.u32 s12, $0x3;
	s7 =	sshrl.u32 s14, $0x3;
	s17 =	sshrl.u32 s15, $0x3  }
0x1d: {  	s20 =	sshrl.u32 s19, $0x3;
	s24 =	sshrl.u32 s22, $0x3;
	s29 =	sshrl.u32 s26, $0x3  }
0x1e: {  	s31 =	sadd.s32 $0x8340, s5;
	s12 =	sor.u32 $0x7D00, s5;
	s14 =	sor.u32 $0x76C0, s5  }
0x1f: {  	s15 =	sor.u32 $0x7080, s5;
	s19 =	sor.u32 $0x6A40, s5;
	s9 =	sadd.s32 s30, s4  }
0x20: {  	s22 =	sor.u32 $0x5DC0, s5;
	s11 =	sadd.s32 s10, s4;
	[dreg:$0x4] =	wrdreg s9  }
0x21: {  	s6 =	sadd.s32 s13, s4;
	s16 =	sadd.s32 s7, s4;
	[dreg:$0x5] =	wrdreg s11  }
0x22: {  	s18 =	sadd.s32 s17, s4;
	s7 =	sshrl.u32 s21, $0x3;
	[dreg:$0x6] =	wrdreg s6  }
0x23: {  	s25 =	sadd.s32 s24, s4;
	s30 =	sadd.s32 $0x8980, s5;
	[dreg:$0x7] =	wrdreg s16  }
0x24: {  	s10 =	sshrl.u32 s31, $0x3;
	s13 =	sshrl.u32 s12, $0x3;
	[dreg:$0x8] =	wrdreg s18  }
0x25: {  	s17 =	sshrl.u32 s15, $0x3;
	s6 =	sadd.s32 s20, s4;
	[dreg:$0xb] =	wrdreg s25  }
0x26: {  	s24 =	sshrl.u32 s22, $0x3;
	s23 =	sadd.s32 s7, s4;
	[dreg:$0x9] =	wrdreg s6  }
0x27: {  	s31 =	sor.u32 $0x4B00, s5;
	s11 =	sadd.s32 s10, s4;
	[dreg:$0xa] =	wrdreg s23  }
0x28: {  	s7 =	sshrl.u32 s30, $0x3;
	s18 =	sadd.s32 s17, s4;
	[dreg:$0xe] =	wrdreg s11  }
0x29: {  	s25 =	sadd.s32 s24, s4;
	s10 =	sor.u32 $0x44C0, s5;
	[dreg:$0x11] =	wrdreg s18  }
0x2a: {  	s17 =	sor.u32 $0x3200, s5;
	s6 =	sadd.s32 s29, s4;
	[dreg:$0x14] =	wrdreg s25  }
0x2b: {  	s24 =	sor.u32 $0x1F40, s5;
	s9 =	sadd.s32 s7, s4;
	[dreg:$0xc] =	wrdreg s6  }
0x2c: {  	s11 =	sshrl.u32 s10, $0x3;
	s10 =	sadd.s32 $0x168F0, s1;
	[dreg:$0xd] =	wrdreg s9  }
0x2d: {  	s18 =	sshrl.u32 s17, $0x3;
	s17 =	sadd.s32 $0x16E68, s1;
	[smem:$0x7D0] =	sst s10  }
0x2e: {  	s25 =	sshrl.u32 s24, $0x3;
	s24 =	sadd.s32 $0x173E0, s1;
	[smem:$0x7D8] =	sst s17  }
0x2f: {  	s7 =	sshrl.u32 s14, $0x3;
	s6 =	sadd.s32 s13, s4;
	[smem:$0x7DF] =	sst s24  }
0x30: {  	s8 =	sshrl.u32 s31, $0x3;
	s16 =	sadd.s32 s7, s4;
	[dreg:$0xf] =	wrdreg s6  }
0x31: {  	s31 =	sor.u32 $0x12C0, s5;
	s9 =	sadd.s32 s8, s4;
	[dreg:$0x10] =	wrdreg s16  }
0x32: {  	s8 =	sshrl.u32 s31, $0x3;
	s31 =	sadd.s32 $0x177C8, s1;
	[dreg:$0x17] =	wrdreg s9  }
0x33: {  	s26 =	sor.u32 $0x5780, s5;
	s10 =	sadd.s32 $0x17C78, s1;
	[smem:$0x7E4] =	sst s31  }
0x34: {  	s21 =	sor.u32 $0x6400, s5;
	s17 =	sadd.s32 $0x181F0, s1;
	[smem:$0x7EA] =	sst s10  }
0x35: {  	s20 =	sshrl.u32 s19, $0x3;
	s24 =	sadd.s32 $0x18768, s1;
	[smem:$0x7F1] =	sst s17  }
0x36: {  	s7 =	sshrl.u32 s21, $0x3;
	s6 =	sadd.s32 s20, s4;
	[smem:$0x7F8] =	sst s24  }
0x37: {  	s30 =	sor.u32 $0x5140, s5;
	s23 =	sadd.s32 s7, s4;
	[dreg:$0x12] =	wrdreg s6  }
0x38: {  	s13 =	sor.u32 $0x3840, s5;
	s9 =	sadd.s32 $0x16828, s1;
	[dreg:$0x13] =	wrdreg s23  }
0x39: {  	s15 =	sshrl.u32 s13, $0x3;
	s13 =	sadd.s32 $0x16B48, s1;
	[smem:$0x7CE] =	sst s9  }
0x3a: {  	s29 =	sshrl.u32 s26, $0x3;
	s31 =	sadd.s32 $0x18B50, s1;
	[smem:$0x7D4] =	sst s13  }
0x3b: {  	s7 =	sshrl.u32 s30, $0x3;
	s6 =	sadd.s32 s29, s4;
	[smem:$0x7FD] =	sst s31  }
0x3c: {  	s7 =	sadd.s32 s7, s4;
	[dreg:$0x15] =	wrdreg s6  }
0x3d: {  	s16 =	sadd.s32 s15, s4;
	[dreg:$0x16] =	wrdreg s7  }
0x3e: {  	s29 =	sadd.s32 $0x16760, s1;
	[dreg:$0x1a] =	wrdreg s16  }
0x3f: {  	s20 =	sor.u32 $0x2580, s5;
	s15 =	sadd.s32 $0x16CD8, s1;
	[smem:$0x7CD] =	sst s29  }
0x40: {  	s22 =	sshrl.u32 s20, $0x3;
	s20 =	sadd.s32 $0x170C0, s1;
	[smem:$0x7D6] =	sst s15  }
0x41: {  	s9 =	sadd.s32 $0x17BB0, s1;
	[smem:$0x7DB] =	sst s20  }
0x42: {  	s13 =	sadd.s32 $0x17ED0, s1;
	[smem:$0x7E9] =	sst s9  }
0x43: {  	s6 =	sadd.s32 s11, s4;
	[smem:$0x7ED] =	sst s13  }
0x44: {  	s23 =	sadd.s32 s22, s4;
	[dreg:$0x18] =	wrdreg s6  }
0x45: {  	s12 =	sor.u32 $0x3E80, s5;
	s11 =	sadd.s32 $0x169B8, s1;
	[dreg:$0x1d] =	wrdreg s23  }
0x46: {  	s7 =	sshrl.u32 s12, $0x3;
	s12 =	sadd.s32 $0x16A80, s1;
	[smem:$0x7D1] =	sst s11  }
0x47: {  	s16 =	sadd.s32 $0x16DA0, s1;
	[smem:$0x7D3] =	sst s12  }
0x48: {  	s22 =	sadd.s32 $0x17250, s1;
	[smem:$0x7D7] =	sst s16  }
0x49: {  	s29 =	sadd.s32 $0x17638, s1;
	[smem:$0x7DD] =	sst s22  }
0x4a: {  	s15 =	sadd.s32 $0x18060, s1;
	[smem:$0x7E2] =	sst s29  }
0x4b: {  	s20 =	sadd.s32 $0x18448, s1;
	[smem:$0x7EF] =	sst s15  }
0x4c: {  	s14 =	sadd.s32 s7, s4;
	[smem:$0x7F4] =	sst s20  }
0x4d: {  	s6 =	sadd.s32 s18, s4;
	[dreg:$0x19] =	wrdreg s14  }
0x4e: {  	s19 =	sor.u32 $0x2BC0, s5;
	s18 =	sadd.s32 $0x16F30, s1;
	[dreg:$0x1b] =	wrdreg s6  }
0x4f: {  	s7 =	sshrl.u32 s19, $0x3;
	s19 =	sadd.s32 $0x16FF8, s1;
	[smem:$0x7D9] =	sst s18  }
0x50: {  	s23 =	sadd.s32 $0x17318, s1;
	[smem:$0x7DA] =	sst s19  }
0x51: {  	s11 =	sadd.s32 $0x17D40, s1;
	[smem:$0x7DE] =	sst s23  }
0x52: {  	s12 =	sadd.s32 $0x17E08, s1;
	[smem:$0x7EB] =	sst s11  }
0x53: {  	s16 =	sadd.s32 $0x18128, s1;
	[smem:$0x7EC] =	sst s12  }
0x54: {  	s22 =	sadd.s32 $0x185D8, s1;
	[smem:$0x7F0] =	sst s16  }
0x55: {  	s29 =	sadd.s32 $0x189C0, s1;
	[smem:$0x7F6] =	sst s22  }
0x56: {  	s21 =	sadd.s32 s7, s4;
	[smem:$0x7FB] =	sst s29  }
0x57: {  	s6 =	sadd.s32 s25, s4;
	[dreg:$0x1c] =	wrdreg s21  }
0x58: {  	s14 =	sadd.s32 $0x16C10, s1;
	[dreg:$0x1e] =	wrdreg s6  }
0x59: {  	s26 =	sor.u32 $0x1900, s5;
	s25 =	sadd.s32 $0x174A8, s1;
	[smem:$0x7D5] =	sst s14  }
0x5a: {  	s7 =	sshrl.u32 s26, $0x3;
	s26 =	sadd.s32 $0x17570, s1;
	[smem:$0x7E0] =	sst s25  }
0x5b: {  	s18 =	sadd.s32 $0x182B8, s1;
	[smem:$0x7E1] =	sst s26  }
0x5c: {  	s5 =	sor.u32 $0xC80, s5;
	s19 =	sadd.s32 $0x18380, s1;
	[smem:$0x7F2] =	sst s18  }
0x5d: {  	s10 =	sadd.s32 $0x18CE0, s1;
	s23 =	sadd.s32 $0x186A0, s1;
	[smem:$0x7F3] =	sst s19  }
0x5e: {  	s24 =	simm.s32 $0x6;
	s30 =	sadd.s32 s7, s4;
	[smem:$0x7F7] =	sst s23  }
0x5f: {  	s5 =	sshrl.u32 s5, $0x3;
	s6 =	sadd.s32 s8, s4;
	[dreg:$0x1f] =	wrdreg s30  }
0x60: {  	s9 =	sadd.s32 $0x18C18, s1;
	s4 =	sadd.s32 s5, s4;
	[smem:$0x7CF] =	sst s6  }
0x61: {  	s13 =	sadd.s32 $0x18F38, s1;
	s21 =	sadd.s32 $0x17188, s1;
	[smem:$0x7D2] =	sst s4  }
0x62: {  	s15 =	simm.s32 $0x1;
	s5 =	sadd.s32 $0x17890, s1;
	[smem:$0x7DC] =	sst s21  }
0x63: {  	s11 =	sadd.s32 $0x18DA8, s1;
	s7 =	sadd.s32 $0x17A20, s1;
	[smem:$0x7E5] =	sst s5  }
0x64: {  	s12 =	sadd.s32 $0x18E70, s1;
	s8 =	sadd.s32 $0x17AE8, s1;
	[smem:$0x7E7] =	sst s7  }
0x65: {  	s16 =	simm.s32 $0x640;
	s14 =	sadd.s32 $0x17F98, s1;
	[smem:$0x7E8] =	sst s8  }
0x66: {  	s22 =	simm.s32 $0x5;
	s25 =	sadd.s32 $0x18830, s1;
	[smem:$0x7EE] =	sst s14  }
0x67: {  	s26 =	sadd.s32 $0x188F8, s1;
	s19 =	simm.s32 $0x2;
	[smem:$0x7F9] =	sst s25  }
0x68: {  	s23 =	simm.s32 $0x4;
	s30 =	sadd.s32 $0x17700, s1;
	[smem:$0x7FA] =	sst s26  }
0x69: {  	s6 =	sadd.s32 $0x17958, s1;
	s21 =	sadd.s32 $0x18510, s1;
	[smem:$0x7E3] =	sst s30  }
0x6a: {  	s14 =	smax.u32 s0, $0x1;
	s4 =	simm.s32 $0xD480;
	[smem:$0x7E6] =	sst s6  }
0x6b: {  	s25 =	simm.s32 $0x0;
	[smem:$0x7F5] =	sst s21;
	s30 =	sadd.s32 $0x18A88, s1  }
0x6c: {  	s1 =	simm.s32 $0xC80;
	s21 =	simm.s32 $0x3;
	[smem:$0x7FC] =	sst s30  }
.LBB2_1:
0x6d: {  	s0 =	sld [smem:$0x7BF];
	_ =	sdelay $0x2  }
0x6e: {  	[tilespmem:s2], [sflag:$0x1] =	stream.linear.gather [hbm4b:s0+s2], $0x640, $0x38;
	[tilespmem:$0x19C80] =	vst v63  }
0x6f: {  	_ =	swait.ge [sflag:s15], $0x640  }
0x70: {  	[sflag:s15] =	ssyncset.done $0x0  }
0x71: {  	[sflag:s15] =	ssyncadd.s32 $0xFFFFF9C0  }
0x72: {  	[tilespmem:s1], [sflag:$0x3] =	stream.indirect.gather [hbm4b:s3+s16], $0x20, s2, s16, $0xb8;
	[tilespmem:$0x19C80] =	vst v63  }
0x73: {  	s1 =	sld [smem:$0x7C0];
	_ =	sdelay $0x2  }
0x74: {  	[tilespmem:s16], [sflag:$0x2] =	stream.linear.gather [hbm4b:s1+s2], $0x640, $0x38;
	[tilespmem:$0x19C80] =	vst v63  }
0x75: {  	_ =	swait.ge [sflag:s19], $0x640  }
0x76: {  	s1 =	sand.u32 $0x1, s2;
	[sflag:s19] =	ssyncset.done $0x0  }
0x77: {  	s26 =	sadd.s32 $0x3, s1;
	[sflag:s19] =	ssyncadd.s32 $0xFFFFF9C0  }
0x78: {  	[tilespmem:s4], [sflag:$0x4] =	stream.indirect.gather [hbm4b:s3+s16], $0x20, s16, s16, $0xb8;
	[tilespmem:$0x19C80] =	vst v63  }
0x79: {  	s4 =	smul.u32 $0x32000, s1;
	_ =	swait.ge [sflag:s26], $0xC800  }
0x7a: {  	s30 =	sadd.s32 $0x5, s1;
	s5 =	rddreg [dreg:$0x3]  }
0x7b: {  	s4 =	sshrl.u32 s4, $0x2;
	[sflag:s26] =	ssyncset.done $0x0;
	s17 =	sld [smem:$0x7D2]  }
0x7c: {  	s0 =	sadd.s32 $0xC80, s4;
	[sflag:s26] =	ssyncadd.s32 $0xFFFF3800;
	s5 =	sadd.s32 $0x0, s5  }
0x7d: {  	[hbm4b:s5+s2] =	stream.linear.scatter [tilespmem:s0], [sflag:s30], $0x640, $0x38;
	[tilespmem:$0x19C80] =	vst v63  }
0x7e: {  	s29 =	sld [smem:$0x7CF];
	s18 =	sadd.s32 $0x12C0, s4;
	s5 =	sadd.s32 $0xC8, s5  }
0x7f: {  	[hbm4b:s5+s2] =	stream.linear.scatter [tilespmem:s18], [sflag:s30], $0x640, $0x38;
	[tilespmem:$0x19C80] =	vst v63  }
0x80: {  	s7 =	sadd.s32 $0x1900, s4;
	s6 =	sadd.s32 $0x0, s17  }
0x81: {  	[hbm4b:s6+s2] =	stream.linear.scatter [tilespmem:s7], [sflag:s30], $0x640, $0x38;
	[tilespmem:$0x19C80] =	vst v63  }
0x82: {  	s8 =	rddreg [dreg:$0x1f];
	s20 =	sadd.s32 $0x1F40, s4;
	s17 =	sadd.s32 $0x0, s29  }
0x83: {  	[hbm4b:s17+s2] =	stream.linear.scatter [tilespmem:s20], [sflag:s30], $0x640, $0x38;
	[tilespmem:$0x19C80] =	vst v63  }
0x84: {  	s29 =	rddreg [dreg:$0x1e];
	s6 =	sadd.s32 $0x0, s8;
	s7 =	sadd.s32 $0x2580, s4  }
0x85: {  	[hbm4b:s6+s2] =	stream.linear.scatter [tilespmem:s7], [sflag:s30], $0x640, $0x38;
	[tilespmem:$0x19C80] =	vst v63  }
0x86: {  	s8 =	rddreg [dreg:$0x1d];
	s17 =	sadd.s32 $0x0, s29;
	s20 =	sadd.s32 $0x2BC0, s4  }
0x87: {  	[hbm4b:s17+s2] =	stream.linear.scatter [tilespmem:s20], [sflag:s30], $0x640, $0x38;
	[tilespmem:$0x19C80] =	vst v63  }
0x88: {  	s29 =	rddreg [dreg:$0x1c];
	s6 =	sadd.s32 $0x0, s8;
	s7 =	sadd.s32 $0x3200, s4  }
0x89: {  	[hbm4b:s6+s2] =	stream.linear.scatter [tilespmem:s7], [sflag:s30], $0x640, $0x38;
	[tilespmem:$0x19C80] =	vst v63  }
0x8a: {  	s8 =	rddreg [dreg:$0x1b];
	s17 =	sadd.s32 $0x0, s29;
	s20 =	sadd.s32 $0x3840, s4  }
0x8b: {  	[hbm4b:s17+s2] =	stream.linear.scatter [tilespmem:s20], [sflag:s30], $0x640, $0x38;
	[tilespmem:$0x19C80] =	vst v63  }
0x8c: {  	s29 =	rddreg [dreg:$0x1a];
	s6 =	sadd.s32 $0x0, s8;
	s7 =	sadd.s32 $0x3E80, s4  }
0x8d: {  	[hbm4b:s6+s2] =	stream.linear.scatter [tilespmem:s7], [sflag:s30], $0x640, $0x38;
	[tilespmem:$0x19C80] =	vst v63  }
0x8e: {  	s8 =	rddreg [dreg:$0x19];
	s17 =	sadd.s32 $0x0, s29;
	s20 =	sadd.s32 $0x44C0, s4  }
0x8f: {  	[hbm4b:s17+s2] =	stream.linear.scatter [tilespmem:s20], [sflag:s30], $0x640, $0x38;
	[tilespmem:$0x19C80] =	vst v63  }
0x90: {  	s29 =	rddreg [dreg:$0x18];
	s6 =	sadd.s32 $0x0, s8;
	s7 =	sadd.s32 $0x4B00, s4  }
0x91: {  	[hbm4b:s6+s2] =	stream.linear.scatter [tilespmem:s7], [sflag:s30], $0x640, $0x38;
	[tilespmem:$0x19C80] =	vst v63  }
0x92: {  	s8 =	rddreg [dreg:$0x17];
	s17 =	sadd.s32 $0x0, s29;
	s20 =	sadd.s32 $0x5140, s4  }
0x93: {  	[hbm4b:s17+s2] =	stream.linear.scatter [tilespmem:s20], [sflag:s30], $0x640, $0x38;
	[tilespmem:$0x19C80] =	vst v63  }
0x94: {  	s29 =	rddreg [dreg:$0x16];
	s6 =	sadd.s32 $0x0, s8;
	s7 =	sadd.s32 $0x5780, s4  }
0x95: {  	[hbm4b:s6+s2] =	stream.linear.scatter [tilespmem:s7], [sflag:s30], $0x640, $0x38;
	[tilespmem:$0x19C80] =	vst v63  }
0x96: {  	s8 =	rddreg [dreg:$0x15];
	s17 =	sadd.s32 $0x0, s29;
	s20 =	sadd.s32 $0x5DC0, s4  }
0x97: {  	[hbm4b:s17+s2] =	stream.linear.scatter [tilespmem:s20], [sflag:s30], $0x640, $0x38;
	[tilespmem:$0x19C80] =	vst v63  }
0x98: {  	s29 =	rddreg [dreg:$0x14];
	s6 =	sadd.s32 $0x0, s8;
	s7 =	sadd.s32 $0x6400, s4  }
0x99: {  	[hbm4b:s6+s2] =	stream.linear.scatter [tilespmem:s7], [sflag:s30], $0x640, $0x38;
	[tilespmem:$0x19C80] =	vst v63  }
0x9a: {  	s8 =	rddreg [dreg:$0x13];
	s17 =	sadd.s32 $0x0, s29;
	s20 =	sadd.s32 $0x6A40, s4  }
0x9b: {  	[hbm4b:s17+s2] =	stream.linear.scatter [tilespmem:s20], [sflag:s30], $0x640, $0x38;
	[tilespmem:$0x19C80] =	vst v63  }
0x9c: {  	s29 =	rddreg [dreg:$0x12];
	s6 =	sadd.s32 $0x0, s8;
	s7 =	sadd.s32 $0x7080, s4  }
0x9d: {  	[hbm4b:s6+s2] =	stream.linear.scatter [tilespmem:s7], [sflag:s30], $0x640, $0x38;
	[tilespmem:$0x19C80] =	vst v63  }
0x9e: {  	s8 =	rddreg [dreg:$0x11];
	s17 =	sadd.s32 $0x0, s29;
	s20 =	sadd.s32 $0x76C0, s4  }
0x9f: {  	[hbm4b:s17+s2] =	stream.linear.scatter [tilespmem:s20], [sflag:s30], $0x640, $0x38;
	[tilespmem:$0x19C80] =	vst v63  }
0xa0: {  	s29 =	rddreg [dreg:$0x10];
	s6 =	sadd.s32 $0x0, s8;
	s7 =	sadd.s32 $0x7D00, s4  }
0xa1: {  	[hbm4b:s6+s2] =	stream.linear.scatter [tilespmem:s7], [sflag:s30], $0x640, $0x38;
	[tilespmem:$0x19C80] =	vst v63  }
0xa2: {  	s8 =	rddreg [dreg:$0xf];
	s17 =	sadd.s32 $0x0, s29;
	s20 =	sadd.s32 $0x8340, s4  }
0xa3: {  	[hbm4b:s17+s2] =	stream.linear.scatter [tilespmem:s20], [sflag:s30], $0x640, $0x38;
	[tilespmem:$0x19C80] =	vst v63  }
0xa4: {  	s29 =	rddreg [dreg:$0xe];
	s6 =	sadd.s32 $0x0, s8;
	s7 =	sadd.s32 $0x8980, s4  }
0xa5: {  	[hbm4b:s6+s2] =	stream.linear.scatter [tilespmem:s7], [sflag:s30], $0x640, $0x38;
	[tilespmem:$0x19C80] =	vst v63  }
0xa6: {  	s8 =	rddreg [dreg:$0xd];
	s17 =	sadd.s32 $0x0, s29;
	s20 =	sadd.s32 $0x8FC0, s4  }
0xa7: {  	[hbm4b:s17+s2] =	stream.linear.scatter [tilespmem:s20], [sflag:s30], $0x640, $0x38;
	[tilespmem:$0x19C80] =	vst v63  }
0xa8: {  	s29 =	rddreg [dreg:$0xc];
	s6 =	sadd.s32 $0x0, s8;
	s7 =	sadd.s32 $0x9600, s4  }
0xa9: {  	[hbm4b:s6+s2] =	stream.linear.scatter [tilespmem:s7], [sflag:s30], $0x640, $0x38;
	[tilespmem:$0x19C80] =	vst v63  }
0xaa: {  	s8 =	rddreg [dreg:$0xb];
	s17 =	sadd.s32 $0x0, s29;
	s20 =	sadd.s32 $0x9C40, s4  }
0xab: {  	[hbm4b:s17+s2] =	stream.linear.scatter [tilespmem:s20], [sflag:s30], $0x640, $0x38;
	[tilespmem:$0x19C80] =	vst v63  }
0xac: {  	s29 =	rddreg [dreg:$0xa];
	s6 =	sadd.s32 $0x0, s8;
	s7 =	sadd.s32 $0xA280, s4  }
0xad: {  	[hbm4b:s6+s2] =	stream.linear.scatter [tilespmem:s7], [sflag:s30], $0x640, $0x38;
	[tilespmem:$0x19C80] =	vst v63  }
0xae: {  	s8 =	rddreg [dreg:$0x9];
	s17 =	sadd.s32 $0x0, s29;
	s20 =	sadd.s32 $0xA8C0, s4  }
0xaf: {  	[hbm4b:s17+s2] =	stream.linear.scatter [tilespmem:s20], [sflag:s30], $0x640, $0x38;
	[tilespmem:$0x19C80] =	vst v63  }
0xb0: {  	s29 =	rddreg [dreg:$0x8];
	s6 =	sadd.s32 $0x0, s8;
	s7 =	sadd.s32 $0xAF00, s4  }
0xb1: {  	[hbm4b:s6+s2] =	stream.linear.scatter [tilespmem:s7], [sflag:s30], $0x640, $0x38;
	[tilespmem:$0x19C80] =	vst v63  }
0xb2: {  	s8 =	rddreg [dreg:$0x7];
	s17 =	sadd.s32 $0x0, s29;
	s20 =	sadd.s32 $0xB540, s4  }
0xb3: {  	[hbm4b:s17+s2] =	stream.linear.scatter [tilespmem:s20], [sflag:s30], $0x640, $0x38;
	[tilespmem:$0x19C80] =	vst v63  }
0xb4: {  	s29 =	rddreg [dreg:$0x6];
	s6 =	sadd.s32 $0x0, s8;
	s7 =	sadd.s32 $0xBB80, s4  }
0xb5: {  	[hbm4b:s6+s2] =	stream.linear.scatter [tilespmem:s7], [sflag:s30], $0x640, $0x38;
	[tilespmem:$0x19C80] =	vst v63  }
0xb6: {  	s8 =	rddreg [dreg:$0x5];
	s20 =	sadd.s32 $0x0, s29;
	s6 =	sadd.s32 $0xC1C0, s4  }
0xb7: {  	[hbm4b:s20+s2] =	stream.linear.scatter [tilespmem:s6], [sflag:s30], $0x640, $0x38;
	[tilespmem:$0x19C80] =	vst v63  }
0xb8: {  	s29 =	rddreg [dreg:$0x4];
	s7 =	sadd.s32 $0x0, s8;
	s8 =	sadd.s32 $0xC800, s4  }
0xb9: {  	[hbm4b:s7+s2] =	stream.linear.scatter [tilespmem:s8], [sflag:s30], $0x640, $0x38;
	[tilespmem:$0x19C80] =	vst v63  }
0xba: {  	s18 =	sadd.s32 $0x0, s29;
	s4 =	sadd.s32 $0xCE40, s4;
	s20 =	smul.u32 $0x1900, s1  }
0xbb: {  	[hbm4b:s18+s2] =	stream.linear.scatter [tilespmem:s4], [sflag:s30], $0x640, $0x38;
	[tilespmem:$0x19C80] =	vst v63  }
0xbc: {  	s1 =	sadd.s32 $0x1, s1;
	s17 =	sshrl.u32 s20, $0x2  }
0xbd: {  	[tilespmem:s17], [sflag:s1] =	stream.linear.gather [hbm4b:s28+s2], $0x640, $0x38;
	[tilespmem:$0x19C80] =	vst v63  }
0xbe: {  	_ =	swait.ge [sflag:s1], $0x640  }
0xbf: {  	[sflag:s1] =	ssyncset.done $0x0  }
0xc0: {  	s29 =	simm.s32 $0x1900;
	[sflag:s1] =	ssyncadd.s32 $0xFFFFF9C0  }
0xc1: {  	s4 =	simm.s32 $0x3200;
	s1 =	simm.s32 $0x1;
	_ =	swait.ge [sflag:s30], $0xC800  }
0xc2: {  	s18 =	smov.u32 s28;
	s31 =	sand.u32 $0x1, s1;
	[sflag:s30] =	ssyncset.done $0x0  }
.LBB2_2:
0xc3: {  	s6 =	sadd.s32 $0x3, s31;
	[sflag:s30] =	ssyncadd.s32 $0xFFFF3800  }
0xc4: {  	[tilespmem:s0], [sflag:s26] =	stream.indirect.gather [hbm4b:s3+s16], $0x20, s17, s16, $0xb8;
	[tilespmem:$0x19C80] =	vst v63  }
0xc5: {  	s20 =	smul.u32 $0x32000, s31;
	_ =	swait.ge [sflag:s6], $0xC800  }
0xc6: {  	s30 =	sadd.s32 $0x5, s31;
	s26 =	smov.u32 s6;
	s7 =	rddreg [dreg:$0x3]  }
0xc7: {  	s17 =	sshrl.u32 s20, $0x2;
	[sflag:s26] =	ssyncset.done $0x0;
	s6 =	sld [smem:$0x7D2]  }
0xc8: {  	s0 =	sadd.s32 $0xC80, s17;
	[sflag:s26] =	ssyncadd.s32 $0xFFFF3800;
	s7 =	sadd.s32 s29, s7  }
0xc9: {  	[hbm4b:s7+s2] =	stream.linear.scatter [tilespmem:s0], [sflag:s30], $0x640, $0x38;
	[tilespmem:$0x19C80] =	vst v63  }
0xca: {  	s8 =	sadd.s32 $0x12C0, s17;
	s20 =	sld [smem:$0x7CF];
	s7 =	sadd.s32 $0xC8, s7  }
0xcb: {  	[hbm4b:s7+s2] =	stream.linear.scatter [tilespmem:s8], [sflag:s30], $0x640, $0x38;
	[tilespmem:$0x19C80] =	vst v63  }
0xcc: {  	s18 =	sadd.s32 $0xC8, s18;
	s6 =	sadd.s32 s29, s6;
	s7 =	sadd.s32 $0x1900, s17  }
0xcd: {  	[hbm4b:s6+s2] =	stream.linear.scatter [tilespmem:s7], [sflag:s30], $0x640, $0x38;
	[tilespmem:$0x19C80] =	vst v63  }
0xce: {  	s8 =	rddreg [dreg:$0x1f];
	s6 =	sadd.s32 s29, s20;
	s7 =	sadd.s32 $0x1F40, s17  }
0xcf: {  	[hbm4b:s6+s2] =	stream.linear.scatter [tilespmem:s7], [sflag:s30], $0x640, $0x38;
	[tilespmem:$0x19C80] =	vst v63  }
0xd0: {  	s20 =	rddreg [dreg:$0x1e];
	s6 =	sadd.s32 s29, s8;
	s7 =	sadd.s32 $0x2580, s17  }
0xd1: {  	[hbm4b:s6+s2] =	stream.linear.scatter [tilespmem:s7], [sflag:s30], $0x640, $0x38;
	[tilespmem:$0x19C80] =	vst v63  }
0xd2: {  	s8 =	rddreg [dreg:$0x1d];
	s6 =	sadd.s32 s29, s20;
	s7 =	sadd.s32 $0x2BC0, s17  }
0xd3: {  	[hbm4b:s6+s2] =	stream.linear.scatter [tilespmem:s7], [sflag:s30], $0x640, $0x38;
	[tilespmem:$0x19C80] =	vst v63  }
0xd4: {  	s20 =	rddreg [dreg:$0x1c];
	s6 =	sadd.s32 s29, s8;
	s7 =	sadd.s32 $0x3200, s17  }
0xd5: {  	[hbm4b:s6+s2] =	stream.linear.scatter [tilespmem:s7], [sflag:s30], $0x640, $0x38;
	[tilespmem:$0x19C80] =	vst v63  }
0xd6: {  	s8 =	rddreg [dreg:$0x1b];
	s6 =	sadd.s32 s29, s20;
	s7 =	sadd.s32 $0x3840, s17  }
0xd7: {  	[hbm4b:s6+s2] =	stream.linear.scatter [tilespmem:s7], [sflag:s30], $0x640, $0x38;
	[tilespmem:$0x19C80] =	vst v63  }
0xd8: {  	s20 =	rddreg [dreg:$0x1a];
	s6 =	sadd.s32 s29, s8;
	s7 =	sadd.s32 $0x3E80, s17  }
0xd9: {  	[hbm4b:s6+s2] =	stream.linear.scatter [tilespmem:s7], [sflag:s30], $0x640, $0x38;
	[tilespmem:$0x19C80] =	vst v63  }
0xda: {  	s8 =	rddreg [dreg:$0x19];
	s6 =	sadd.s32 s29, s20;
	s7 =	sadd.s32 $0x44C0, s17  }
0xdb: {  	[hbm4b:s6+s2] =	stream.linear.scatter [tilespmem:s7], [sflag:s30], $0x640, $0x38;
	[tilespmem:$0x19C80] =	vst v63  }
0xdc: {  	s20 =	rddreg [dreg:$0x18];
	s6 =	sadd.s32 s29, s8;
	s7 =	sadd.s32 $0x4B00, s17  }
0xdd: {  	[hbm4b:s6+s2] =	stream.linear.scatter [tilespmem:s7], [sflag:s30], $0x640, $0x38;
	[tilespmem:$0x19C80] =	vst v63  }
0xde: {  	s8 =	rddreg [dreg:$0x17];
	s6 =	sadd.s32 s29, s20;
	s7 =	sadd.s32 $0x5140, s17  }
0xdf: {  	[hbm4b:s6+s2] =	stream.linear.scatter [tilespmem:s7], [sflag:s30], $0x640, $0x38;
	[tilespmem:$0x19C80] =	vst v63  }
0xe0: {  	s20 =	rddreg [dreg:$0x16];
	s6 =	sadd.s32 s29, s8;
	s7 =	sadd.s32 $0x5780, s17  }
0xe1: {  	[hbm4b:s6+s2] =	stream.linear.scatter [tilespmem:s7], [sflag:s30], $0x640, $0x38;
	[tilespmem:$0x19C80] =	vst v63  }
0xe2: {  	s8 =	rddreg [dreg:$0x15];
	s6 =	sadd.s32 s29, s20;
	s7 =	sadd.s32 $0x5DC0, s17  }
0xe3: {  	[hbm4b:s6+s2] =	stream.linear.scatter [tilespmem:s7], [sflag:s30], $0x640, $0x38;
	[tilespmem:$0x19C80] =	vst v63  }
0xe4: {  	s20 =	rddreg [dreg:$0x14];
	s6 =	sadd.s32 s29, s8;
	s7 =	sadd.s32 $0x6400, s17  }
0xe5: {  	[hbm4b:s6+s2] =	stream.linear.scatter [tilespmem:s7], [sflag:s30], $0x640, $0x38;
	[tilespmem:$0x19C80] =	vst v63  }
0xe6: {  	s8 =	rddreg [dreg:$0x13];
	s6 =	sadd.s32 s29, s20;
	s7 =	sadd.s32 $0x6A40, s17  }
0xe7: {  	[hbm4b:s6+s2] =	stream.linear.scatter [tilespmem:s7], [sflag:s30], $0x640, $0x38;
	[tilespmem:$0x19C80] =	vst v63  }
0xe8: {  	s20 =	rddreg [dreg:$0x12];
	s6 =	sadd.s32 s29, s8;
	s7 =	sadd.s32 $0x7080, s17  }
0xe9: {  	[hbm4b:s6+s2] =	stream.linear.scatter [tilespmem:s7], [sflag:s30], $0x640, $0x38;
	[tilespmem:$0x19C80] =	vst v63  }
0xea: {  	s8 =	rddreg [dreg:$0x11];
	s6 =	sadd.s32 s29, s20;
	s7 =	sadd.s32 $0x76C0, s17  }
0xeb: {  	[hbm4b:s6+s2] =	stream.linear.scatter [tilespmem:s7], [sflag:s30], $0x640, $0x38;
	[tilespmem:$0x19C80] =	vst v63  }
0xec: {  	s20 =	rddreg [dreg:$0x10];
	s6 =	sadd.s32 s29, s8;
	s7 =	sadd.s32 $0x7D00, s17  }
0xed: {  	[hbm4b:s6+s2] =	stream.linear.scatter [tilespmem:s7], [sflag:s30], $0x640, $0x38;
	[tilespmem:$0x19C80] =	vst v63  }
0xee: {  	s8 =	rddreg [dreg:$0xf];
	s6 =	sadd.s32 s29, s20;
	s7 =	sadd.s32 $0x8340, s17  }
0xef: {  	[hbm4b:s6+s2] =	stream.linear.scatter [tilespmem:s7], [sflag:s30], $0x640, $0x38;
	[tilespmem:$0x19C80] =	vst v63  }
0xf0: {  	s20 =	rddreg [dreg:$0xe];
	s6 =	sadd.s32 s29, s8;
	s7 =	sadd.s32 $0x8980, s17  }
0xf1: {  	[hbm4b:s6+s2] =	stream.linear.scatter [tilespmem:s7], [sflag:s30], $0x640, $0x38;
	[tilespmem:$0x19C80] =	vst v63  }
0xf2: {  	s8 =	rddreg [dreg:$0xd];
	s6 =	sadd.s32 s29, s20;
	s7 =	sadd.s32 $0x8FC0, s17  }
0xf3: {  	[hbm4b:s6+s2] =	stream.linear.scatter [tilespmem:s7], [sflag:s30], $0x640, $0x38;
	[tilespmem:$0x19C80] =	vst v63  }
0xf4: {  	s20 =	rddreg [dreg:$0xc];
	s6 =	sadd.s32 s29, s8;
	s7 =	sadd.s32 $0x9600, s17  }
0xf5: {  	[hbm4b:s6+s2] =	stream.linear.scatter [tilespmem:s7], [sflag:s30], $0x640, $0x38;
	[tilespmem:$0x19C80] =	vst v63  }
0xf6: {  	s8 =	rddreg [dreg:$0xb];
	s6 =	sadd.s32 s29, s20;
	s7 =	sadd.s32 $0x9C40, s17  }
0xf7: {  	[hbm4b:s6+s2] =	stream.linear.scatter [tilespmem:s7], [sflag:s30], $0x640, $0x38;
	[tilespmem:$0x19C80] =	vst v63  }
0xf8: {  	s20 =	rddreg [dreg:$0xa];
	s6 =	sadd.s32 s29, s8;
	s7 =	sadd.s32 $0xA280, s17  }
0xf9: {  	[hbm4b:s6+s2] =	stream.linear.scatter [tilespmem:s7], [sflag:s30], $0x640, $0x38;
	[tilespmem:$0x19C80] =	vst v63  }
0xfa: {  	s8 =	rddreg [dreg:$0x9];
	s6 =	sadd.s32 s29, s20;
	s7 =	sadd.s32 $0xA8C0, s17  }
0xfb: {  	[hbm4b:s6+s2] =	stream.linear.scatter [tilespmem:s7], [sflag:s30], $0x640, $0x38;
	[tilespmem:$0x19C80] =	vst v63  }
0xfc: {  	s20 =	rddreg [dreg:$0x8];
	s6 =	sadd.s32 s29, s8;
	s7 =	sadd.s32 $0xAF00, s17  }
0xfd: {  	[hbm4b:s6+s2] =	stream.linear.scatter [tilespmem:s7], [sflag:s30], $0x640, $0x38;
	[tilespmem:$0x19C80] =	vst v63  }
0xfe: {  	s8 =	rddreg [dreg:$0x7];
	s6 =	sadd.s32 s29, s20;
	s7 =	sadd.s32 $0xB540, s17  }
0xff: {  	[hbm4b:s6+s2] =	stream.linear.scatter [tilespmem:s7], [sflag:s30], $0x640, $0x38;
	[tilespmem:$0x19C80] =	vst v63  }
0x100: {  	s20 =	rddreg [dreg:$0x6];
	s6 =	sadd.s32 s29, s8;
	s7 =	sadd.s32 $0xBB80, s17  }
0x101: {  	[hbm4b:s6+s2] =	stream.linear.scatter [tilespmem:s7], [sflag:s30], $0x640, $0x38;
	[tilespmem:$0x19C80] =	vst v63  }
0x102: {  	s8 =	rddreg [dreg:$0x5];
	s6 =	sadd.s32 s29, s20;
	s7 =	sadd.s32 $0xC1C0, s17  }
0x103: {  	[hbm4b:s6+s2] =	stream.linear.scatter [tilespmem:s7], [sflag:s30], $0x640, $0x38;
	[tilespmem:$0x19C80] =	vst v63  }
0x104: {  	s20 =	rddreg [dreg:$0x4];
	s7 =	sadd.s32 s29, s8;
	s8 =	sadd.s32 $0xC800, s17  }
0x105: {  	[hbm4b:s7+s2] =	stream.linear.scatter [tilespmem:s8], [sflag:s30], $0x640, $0x38;
	[tilespmem:$0x19C80] =	vst v63  }
0x106: {  	s7 =	sadd.s32 s29, s20;
	s8 =	sadd.s32 $0xCE40, s17;
	s17 =	smul.u32 $0x1900, s31  }
0x107: {  	[hbm4b:s7+s2] =	stream.linear.scatter [tilespmem:s8], [sflag:s30], $0x640, $0x38;
	[tilespmem:$0x19C80] =	vst v63  }
0x108: {  	p0 =	sne.s32 s4, $0x14500;
	s20 =	sadd.s32 $0x1, s31;
	s17 =	sshrl.u32 s17, $0x2  }
0x109: {  	[tilespmem:s17], [sflag:s20] =	stream.linear.gather [hbm4b:s18+s2], $0x640, $0x38;
	[tilespmem:$0x19C80] =	vst v63  }
.Ltmp0:
0x10a: {  	_ =	swait.ge [sflag:s20], $0x640;
	(pc) =	sbr.rel @p0 .LBB2_2-.Ltmp0, $4  }
0x10b: {  	[sflag:s20] =	ssyncset.done $0x0  }
0x10c: {  	s5 =	smov.u32 s4;
	[sflag:s20] =	ssyncadd.s32 $0xFFFFF9C0  }
0x10d: {  	s4 =	sadd.s32 $0x1900, s4;
	s1 =	sadd.s32 $0x1, s1;
	_ =	swait.ge [sflag:s30], $0xC800  }
0x10e: {  	s29 =	smov.u32 s5;
	s31 =	sand.u32 $0x1, s1;
	[sflag:s30] =	ssyncset.done $0x0  }
0x10f: {  	s1 =	sadd.s32 $0x3, s31;
	[sflag:s30] =	ssyncadd.s32 $0xFFFF3800;
	s4 =	smul.u32 $0x32000, s31  }
0x110: {  	[tilespmem:s0], [sflag:s26] =	stream.indirect.gather [hbm4b:s3+s16], $0x20, s17, s16, $0xb8;
	[tilespmem:$0x19C80] =	vst v63  }
0x111: {  	s0 =	sadd.s32 $0x5, s31;
	_ =	swait.ge [sflag:s1], $0xC800;
	s5 =	sshrl.u32 s4, $0x2  }
0x112: {  	s6 =	rddreg [dreg:$0x3];
	[sflag:s1] =	ssyncset.done $0x0;
	s4 =	sadd.s32 $0xC80, s5  }
0x113: {  	s7 =	sld [smem:$0x7D2];
	[sflag:s1] =	ssyncadd.s32 $0xFFFF3800;
	s6 =	sadd.s32 s29, s6  }
0x114: {  	[hbm4b:s6+s2] =	stream.linear.scatter [tilespmem:s4], [sflag:s0], $0x640, $0x38;
	[tilespmem:$0x19C80] =	vst v63  }
0x115: {  	s8 =	sadd.s32 $0x12C0, s5;
	s17 =	sld [smem:$0x7CF];
	s6 =	sadd.s32 $0xC8, s6  }
0x116: {  	[hbm4b:s6+s2] =	stream.linear.scatter [tilespmem:s8], [sflag:s0], $0x640, $0x38;
	[tilespmem:$0x19C80] =	vst v63  }
0x117: {  	s20 =	sadd.s32 $0x1900, s5;
	s7 =	sadd.s32 s29, s7  }
0x118: {  	[hbm4b:s7+s2] =	stream.linear.scatter [tilespmem:s20], [sflag:s0], $0x640, $0x38;
	[tilespmem:$0x19C80] =	vst v63  }
0x119: {  	s26 =	rddreg [dreg:$0x1f];
	s30 =	sadd.s32 $0x1F40, s5;
	s6 =	sadd.s32 s29, s17  }
0x11a: {  	[hbm4b:s6+s2] =	stream.linear.scatter [tilespmem:s30], [sflag:s0], $0x640, $0x38;
	[tilespmem:$0x19C80] =	vst v63  }
0x11b: {  	s17 =	rddreg [dreg:$0x1e];
	s7 =	sadd.s32 s29, s26;
	s20 =	sadd.s32 $0x2580, s5  }
0x11c: {  	[hbm4b:s7+s2] =	stream.linear.scatter [tilespmem:s20], [sflag:s0], $0x640, $0x38;
	[tilespmem:$0x19C80] =	vst v63  }
0x11d: {  	s26 =	rddreg [dreg:$0x1d];
	s6 =	sadd.s32 s29, s17;
	s30 =	sadd.s32 $0x2BC0, s5  }
0x11e: {  	[hbm4b:s6+s2] =	stream.linear.scatter [tilespmem:s30], [sflag:s0], $0x640, $0x38;
	[tilespmem:$0x19C80] =	vst v63  }
0x11f: {  	s17 =	rddreg [dreg:$0x1c];
	s7 =	sadd.s32 s29, s26;
	s20 =	sadd.s32 $0x3200, s5  }
0x120: {  	[hbm4b:s7+s2] =	stream.linear.scatter [tilespmem:s20], [sflag:s0], $0x640, $0x38;
	[tilespmem:$0x19C80] =	vst v63  }
0x121: {  	s26 =	rddreg [dreg:$0x1b];
	s6 =	sadd.s32 s29, s17;
	s30 =	sadd.s32 $0x3840, s5  }
0x122: {  	[hbm4b:s6+s2] =	stream.linear.scatter [tilespmem:s30], [sflag:s0], $0x640, $0x38;
	[tilespmem:$0x19C80] =	vst v63  }
0x123: {  	s17 =	rddreg [dreg:$0x1a];
	s7 =	sadd.s32 s29, s26;
	s20 =	sadd.s32 $0x3E80, s5  }
0x124: {  	[hbm4b:s7+s2] =	stream.linear.scatter [tilespmem:s20], [sflag:s0], $0x640, $0x38;
	[tilespmem:$0x19C80] =	vst v63  }
0x125: {  	s26 =	rddreg [dreg:$0x19];
	s6 =	sadd.s32 s29, s17;
	s30 =	sadd.s32 $0x44C0, s5  }
0x126: {  	[hbm4b:s6+s2] =	stream.linear.scatter [tilespmem:s30], [sflag:s0], $0x640, $0x38;
	[tilespmem:$0x19C80] =	vst v63  }
0x127: {  	s17 =	rddreg [dreg:$0x18];
	s7 =	sadd.s32 s29, s26;
	s20 =	sadd.s32 $0x4B00, s5  }
0x128: {  	[hbm4b:s7+s2] =	stream.linear.scatter [tilespmem:s20], [sflag:s0], $0x640, $0x38;
	[tilespmem:$0x19C80] =	vst v63  }
0x129: {  	s26 =	rddreg [dreg:$0x17];
	s6 =	sadd.s32 s29, s17;
	s30 =	sadd.s32 $0x5140, s5  }
0x12a: {  	[hbm4b:s6+s2] =	stream.linear.scatter [tilespmem:s30], [sflag:s0], $0x640, $0x38;
	[tilespmem:$0x19C80] =	vst v63  }
0x12b: {  	s17 =	rddreg [dreg:$0x16];
	s7 =	sadd.s32 s29, s26;
	s20 =	sadd.s32 $0x5780, s5  }
0x12c: {  	[hbm4b:s7+s2] =	stream.linear.scatter [tilespmem:s20], [sflag:s0], $0x640, $0x38;
	[tilespmem:$0x19C80] =	vst v63  }
0x12d: {  	s26 =	rddreg [dreg:$0x15];
	s6 =	sadd.s32 s29, s17;
	s30 =	sadd.s32 $0x5DC0, s5  }
0x12e: {  	[hbm4b:s6+s2] =	stream.linear.scatter [tilespmem:s30], [sflag:s0], $0x640, $0x38;
	[tilespmem:$0x19C80] =	vst v63  }
0x12f: {  	s17 =	rddreg [dreg:$0x14];
	s7 =	sadd.s32 s29, s26;
	s20 =	sadd.s32 $0x6400, s5  }
0x130: {  	[hbm4b:s7+s2] =	stream.linear.scatter [tilespmem:s20], [sflag:s0], $0x640, $0x38;
	[tilespmem:$0x19C80] =	vst v63  }
0x131: {  	s26 =	rddreg [dreg:$0x13];
	s6 =	sadd.s32 s29, s17;
	s30 =	sadd.s32 $0x6A40, s5  }
0x132: {  	[hbm4b:s6+s2] =	stream.linear.scatter [tilespmem:s30], [sflag:s0], $0x640, $0x38;
	[tilespmem:$0x19C80] =	vst v63  }
0x133: {  	s17 =	rddreg [dreg:$0x12];
	s7 =	sadd.s32 s29, s26;
	s20 =	sadd.s32 $0x7080, s5  }
0x134: {  	[hbm4b:s7+s2] =	stream.linear.scatter [tilespmem:s20], [sflag:s0], $0x640, $0x38;
	[tilespmem:$0x19C80] =	vst v63  }
0x135: {  	s26 =	rddreg [dreg:$0x11];
	s6 =	sadd.s32 s29, s17;
	s30 =	sadd.s32 $0x76C0, s5  }
0x136: {  	[hbm4b:s6+s2] =	stream.linear.scatter [tilespmem:s30], [sflag:s0], $0x640, $0x38;
	[tilespmem:$0x19C80] =	vst v63  }
0x137: {  	s17 =	rddreg [dreg:$0x10];
	s7 =	sadd.s32 s29, s26;
	s20 =	sadd.s32 $0x7D00, s5  }
0x138: {  	[hbm4b:s7+s2] =	stream.linear.scatter [tilespmem:s20], [sflag:s0], $0x640, $0x38;
	[tilespmem:$0x19C80] =	vst v63  }
0x139: {  	s26 =	rddreg [dreg:$0xf];
	s6 =	sadd.s32 s29, s17;
	s30 =	sadd.s32 $0x8340, s5  }
0x13a: {  	[hbm4b:s6+s2] =	stream.linear.scatter [tilespmem:s30], [sflag:s0], $0x640, $0x38;
	[tilespmem:$0x19C80] =	vst v63  }
0x13b: {  	s17 =	rddreg [dreg:$0xe];
	s7 =	sadd.s32 s29, s26;
	s20 =	sadd.s32 $0x8980, s5  }
0x13c: {  	[hbm4b:s7+s2] =	stream.linear.scatter [tilespmem:s20], [sflag:s0], $0x640, $0x38;
	[tilespmem:$0x19C80] =	vst v63  }
0x13d: {  	s26 =	rddreg [dreg:$0xd];
	s6 =	sadd.s32 s29, s17;
	s30 =	sadd.s32 $0x8FC0, s5  }
0x13e: {  	[hbm4b:s6+s2] =	stream.linear.scatter [tilespmem:s30], [sflag:s0], $0x640, $0x38;
	[tilespmem:$0x19C80] =	vst v63  }
0x13f: {  	s17 =	rddreg [dreg:$0xc];
	s7 =	sadd.s32 s29, s26;
	s20 =	sadd.s32 $0x9600, s5  }
0x140: {  	[hbm4b:s7+s2] =	stream.linear.scatter [tilespmem:s20], [sflag:s0], $0x640, $0x38;
	[tilespmem:$0x19C80] =	vst v63  }
0x141: {  	s26 =	rddreg [dreg:$0xb];
	s6 =	sadd.s32 s29, s17;
	s30 =	sadd.s32 $0x9C40, s5  }
0x142: {  	[hbm4b:s6+s2] =	stream.linear.scatter [tilespmem:s30], [sflag:s0], $0x640, $0x38;
	[tilespmem:$0x19C80] =	vst v63  }
0x143: {  	s17 =	rddreg [dreg:$0xa];
	s7 =	sadd.s32 s29, s26;
	s20 =	sadd.s32 $0xA280, s5  }
0x144: {  	[hbm4b:s7+s2] =	stream.linear.scatter [tilespmem:s20], [sflag:s0], $0x640, $0x38;
	[tilespmem:$0x19C80] =	vst v63  }
0x145: {  	s26 =	rddreg [dreg:$0x9];
	s6 =	sadd.s32 s29, s17;
	s30 =	sadd.s32 $0xA8C0, s5  }
0x146: {  	[hbm4b:s6+s2] =	stream.linear.scatter [tilespmem:s30], [sflag:s0], $0x640, $0x38;
	[tilespmem:$0x19C80] =	vst v63  }
0x147: {  	s17 =	rddreg [dreg:$0x8];
	s7 =	sadd.s32 s29, s26;
	s20 =	sadd.s32 $0xAF00, s5  }
0x148: {  	[hbm4b:s7+s2] =	stream.linear.scatter [tilespmem:s20], [sflag:s0], $0x640, $0x38;
	[tilespmem:$0x19C80] =	vst v63  }
0x149: {  	s26 =	rddreg [dreg:$0x7];
	s6 =	sadd.s32 s29, s17;
	s30 =	sadd.s32 $0xB540, s5  }
0x14a: {  	[hbm4b:s6+s2] =	stream.linear.scatter [tilespmem:s30], [sflag:s0], $0x640, $0x38;
	[tilespmem:$0x19C80] =	vst v63  }
0x14b: {  	s17 =	rddreg [dreg:$0x6];
	s7 =	sadd.s32 s29, s26;
	s20 =	sadd.s32 $0xBB80, s5  }
0x14c: {  	[hbm4b:s7+s2] =	stream.linear.scatter [tilespmem:s20], [sflag:s0], $0x640, $0x38;
	[tilespmem:$0x19C80] =	vst v63  }
0x14d: {  	s26 =	rddreg [dreg:$0x5];
	s6 =	sadd.s32 s29, s17;
	s30 =	sadd.s32 $0xC1C0, s5  }
0x14e: {  	[hbm4b:s6+s2] =	stream.linear.scatter [tilespmem:s30], [sflag:s0], $0x640, $0x38;
	[tilespmem:$0x19C80] =	vst v63  }
0x14f: {  	s17 =	rddreg [dreg:$0x4];
	s7 =	sadd.s32 s29, s26;
	s20 =	sadd.s32 $0xC800, s5  }
0x150: {  	[hbm4b:s7+s2] =	stream.linear.scatter [tilespmem:s20], [sflag:s0], $0x640, $0x38;
	[tilespmem:$0x19C80] =	vst v63  }
0x151: {  	s5 =	sadd.s32 $0xCE40, s5;
	s26 =	smul.u32 $0x1900, s31;
	s6 =	sadd.s32 s29, s17  }
0x152: {  	[hbm4b:s6+s2] =	stream.linear.scatter [tilespmem:s5], [sflag:s0], $0x640, $0x38;
	[tilespmem:$0x19C80] =	vst v63  }
0x153: {  	s31 =	sadd.s32 $0x1, s31;
	s29 =	sadd.s32 $0xC8, s18;
	s30 =	sshrl.u32 s26, $0x2  }
0x154: {  	[tilespmem:s30], [sflag:s31] =	stream.linear.gather [hbm4b:s29+s2], $0x640, $0x38;
	[tilespmem:$0x19C80] =	vst v63  }
0x155: {  	_ =	swait.ge [sflag:s31], $0x640  }
0x156: {  	[sflag:s31] =	ssyncset.done $0x0  }
0x157: {  	[sflag:s31] =	ssyncadd.s32 $0xFFFFF9C0  }
0x158: {  	_ =	swait.ge [sflag:s0], $0xC800  }
0x159: {  	[sflag:s0] =	ssyncset.done $0x0  }
0x15a: {  	[sflag:s0] =	ssyncadd.s32 $0xFFFF3800  }
0x15b: {  	[tilespmem:s4], [sflag:s1] =	stream.indirect.gather [hbm4b:s3+s16], $0x20, s30, s16, $0xb8;
	[tilespmem:$0x19C80] =	vst v63  }
0x15c: {  	_ =	swait.ge [sflag:s21], $0xC800  }
0x15d: {  	s5 =	sld [smem:$0x7C1]  }
0x15e: {  	[sflag:s21] =	ssyncset.done $0x0  }
0x15f: {  	s1 =	simm.s32 $0xC80;
	s6 =	sld [smem:$0x7C2];
	[sflag:s21] =	ssyncadd.s32 $0xFFFF3800  }
0x160: {  	[hbm4b:s5+s2] =	stream.linear.scatter [tilespmem:s1], [sflag:$0x5], $0x640, $0x38;
	[tilespmem:$0x19C80] =	vst v63  }
0x161: {  	s7 =	simm.s32 $0x12C0;
	s8 =	sld [smem:$0x7C3]  }
0x162: {  	[hbm4b:s6+s2] =	stream.linear.scatter [tilespmem:s7], [sflag:$0x5], $0x640, $0x38;
	[tilespmem:$0x19C80] =	vst v63  }
0x163: {  	s17 =	simm.s32 $0x1900;
	s18 =	sld [smem:$0x7C4]  }
0x164: {  	[hbm4b:s8+s2] =	stream.linear.scatter [tilespmem:s17], [sflag:$0x5], $0x640, $0x38;
	[tilespmem:$0x19C80] =	vst v63  }
0x165: {  	s20 =	simm.s32 $0x1F40;
	s26 =	sld [smem:$0x7C5]  }
0x166: {  	[hbm4b:s18+s2] =	stream.linear.scatter [tilespmem:s20], [sflag:$0x5], $0x640, $0x38;
	[tilespmem:$0x19C80] =	vst v63  }
0x167: {  	s29 =	simm.s32 $0x2580;
	s30 =	sld [smem:$0x7C6]  }
0x168: {  	[hbm4b:s26+s2] =	stream.linear.scatter [tilespmem:s29], [sflag:$0x5], $0x640, $0x38;
	[tilespmem:$0x19C80] =	vst v63  }
0x169: {  	s31 =	simm.s32 $0x2BC0;
	s4 =	sld [smem:$0x7C7]  }
0x16a: {  	[hbm4b:s30+s2] =	stream.linear.scatter [tilespmem:s31], [sflag:$0x5], $0x640, $0x38;
	[tilespmem:$0x19C80] =	vst v63  }
0x16b: {  	s5 =	simm.s32 $0x3200;
	s6 =	sld [smem:$0x7C8]  }
0x16c: {  	[hbm4b:s4+s2] =	stream.linear.scatter [tilespmem:s5], [sflag:$0x5], $0x640, $0x38;
	[tilespmem:$0x19C80] =	vst v63  }
0x16d: {  	s7 =	simm.s32 $0x3840;
	s8 =	sld [smem:$0x7C9]  }
0x16e: {  	[hbm4b:s6+s2] =	stream.linear.scatter [tilespmem:s7], [sflag:$0x5], $0x640, $0x38;
	[tilespmem:$0x19C80] =	vst v63  }
0x16f: {  	s17 =	simm.s32 $0x3E80;
	s18 =	sld [smem:$0x7CA]  }
0x170: {  	[hbm4b:s8+s2] =	stream.linear.scatter [tilespmem:s17], [sflag:$0x5], $0x640, $0x38;
	[tilespmem:$0x19C80] =	vst v63  }
0x171: {  	s20 =	simm.s32 $0x44C0;
	s26 =	sld [smem:$0x7CB]  }
0x172: {  	[hbm4b:s18+s2] =	stream.linear.scatter [tilespmem:s20], [sflag:$0x5], $0x640, $0x38;
	[tilespmem:$0x19C80] =	vst v63  }
0x173: {  	s29 =	simm.s32 $0x4B00;
	s30 =	sld [smem:$0x7CC]  }
0x174: {  	[hbm4b:s26+s2] =	stream.linear.scatter [tilespmem:s29], [sflag:$0x5], $0x640, $0x38;
	[tilespmem:$0x19C80] =	vst v63  }
0x175: {  	s31 =	simm.s32 $0x5140;
	s4 =	sld [smem:$0x7CD]  }
0x176: {  	[hbm4b:s30+s2] =	stream.linear.scatter [tilespmem:s31], [sflag:$0x5], $0x640, $0x38;
	[tilespmem:$0x19C80] =	vst v63  }
0x177: {  	s5 =	simm.s32 $0x5780;
	s6 =	sld [smem:$0x7CE]  }
0x178: {  	[hbm4b:s4+s2] =	stream.linear.scatter [tilespmem:s5], [sflag:$0x5], $0x640, $0x38;
	[tilespmem:$0x19C80] =	vst v63  }
0x179: {  	s7 =	simm.s32 $0x5DC0;
	s8 =	sld [smem:$0x7D0]  }
0x17a: {  	[hbm4b:s6+s2] =	stream.linear.scatter [tilespmem:s7], [sflag:$0x5], $0x640, $0x38;
	[tilespmem:$0x19C80] =	vst v63  }
0x17b: {  	s17 =	simm.s32 $0x6400;
	s18 =	sld [smem:$0x7D1]  }
0x17c: {  	[hbm4b:s8+s2] =	stream.linear.scatter [tilespmem:s17], [sflag:$0x5], $0x640, $0x38;
	[tilespmem:$0x19C80] =	vst v63  }
0x17d: {  	s20 =	simm.s32 $0x6A40;
	s26 =	sld [smem:$0x7D3]  }
0x17e: {  	[hbm4b:s18+s2] =	stream.linear.scatter [tilespmem:s20], [sflag:$0x5], $0x640, $0x38;
	[tilespmem:$0x19C80] =	vst v63  }
0x17f: {  	s29 =	simm.s32 $0x7080;
	s30 =	sld [smem:$0x7D4]  }
0x180: {  	[hbm4b:s26+s2] =	stream.linear.scatter [tilespmem:s29], [sflag:$0x5], $0x640, $0x38;
	[tilespmem:$0x19C80] =	vst v63  }
0x181: {  	s31 =	simm.s32 $0x76C0;
	s4 =	sld [smem:$0x7D5]  }
0x182: {  	[hbm4b:s30+s2] =	stream.linear.scatter [tilespmem:s31], [sflag:$0x5], $0x640, $0x38;
	[tilespmem:$0x19C80] =	vst v63  }
0x183: {  	s5 =	simm.s32 $0x7D00;
	s6 =	sld [smem:$0x7D6]  }
0x184: {  	[hbm4b:s4+s2] =	stream.linear.scatter [tilespmem:s5], [sflag:$0x5], $0x640, $0x38;
	[tilespmem:$0x19C80] =	vst v63  }
0x185: {  	s7 =	simm.s32 $0x8340;
	s8 =	sld [smem:$0x7D7]  }
0x186: {  	[hbm4b:s6+s2] =	stream.linear.scatter [tilespmem:s7], [sflag:$0x5], $0x640, $0x38;
	[tilespmem:$0x19C80] =	vst v63  }
0x187: {  	s17 =	simm.s32 $0x8980;
	s18 =	sld [smem:$0x7D8]  }
0x188: {  	[hbm4b:s8+s2] =	stream.linear.scatter [tilespmem:s17], [sflag:$0x5], $0x640, $0x38;
	[tilespmem:$0x19C80] =	vst v63  }
0x189: {  	s20 =	simm.s32 $0x8FC0;
	s26 =	sld [smem:$0x7D9]  }
0x18a: {  	[hbm4b:s18+s2] =	stream.linear.scatter [tilespmem:s20], [sflag:$0x5], $0x640, $0x38;
	[tilespmem:$0x19C80] =	vst v63  }
0x18b: {  	s29 =	simm.s32 $0x9600;
	s30 =	sld [smem:$0x7DA]  }
0x18c: {  	[hbm4b:s26+s2] =	stream.linear.scatter [tilespmem:s29], [sflag:$0x5], $0x640, $0x38;
	[tilespmem:$0x19C80] =	vst v63  }
0x18d: {  	s31 =	simm.s32 $0x9C40;
	s4 =	sld [smem:$0x7DB]  }
0x18e: {  	[hbm4b:s30+s2] =	stream.linear.scatter [tilespmem:s31], [sflag:$0x5], $0x640, $0x38;
	[tilespmem:$0x19C80] =	vst v63  }
0x18f: {  	s5 =	simm.s32 $0xA280;
	s6 =	sld [smem:$0x7DC]  }
0x190: {  	[hbm4b:s4+s2] =	stream.linear.scatter [tilespmem:s5], [sflag:$0x5], $0x640, $0x38;
	[tilespmem:$0x19C80] =	vst v63  }
0x191: {  	s7 =	simm.s32 $0xA8C0;
	s8 =	sld [smem:$0x7DD]  }
0x192: {  	[hbm4b:s6+s2] =	stream.linear.scatter [tilespmem:s7], [sflag:$0x5], $0x640, $0x38;
	[tilespmem:$0x19C80] =	vst v63  }
0x193: {  	s17 =	simm.s32 $0xAF00;
	s18 =	sld [smem:$0x7DE]  }
0x194: {  	[hbm4b:s8+s2] =	stream.linear.scatter [tilespmem:s17], [sflag:$0x5], $0x640, $0x38;
	[tilespmem:$0x19C80] =	vst v63  }
0x195: {  	s20 =	simm.s32 $0xB540;
	s26 =	sld [smem:$0x7DF]  }
0x196: {  	[hbm4b:s18+s2] =	stream.linear.scatter [tilespmem:s20], [sflag:$0x5], $0x640, $0x38;
	[tilespmem:$0x19C80] =	vst v63  }
0x197: {  	s29 =	simm.s32 $0xBB80;
	s30 =	sld [smem:$0x7E0]  }
0x198: {  	[hbm4b:s26+s2] =	stream.linear.scatter [tilespmem:s29], [sflag:$0x5], $0x640, $0x38;
	[tilespmem:$0x19C80] =	vst v63  }
0x199: {  	s31 =	simm.s32 $0xC1C0;
	s5 =	sld [smem:$0x7E1]  }
0x19a: {  	[hbm4b:s30+s2] =	stream.linear.scatter [tilespmem:s31], [sflag:$0x5], $0x640, $0x38;
	[tilespmem:$0x19C80] =	vst v63  }
0x19b: {  	s6 =	simm.s32 $0xC800;
	s7 =	sld [smem:$0x7E2]  }
0x19c: {  	[hbm4b:s5+s2] =	stream.linear.scatter [tilespmem:s6], [sflag:$0x5], $0x640, $0x38;
	[tilespmem:$0x19C80] =	vst v63  }
0x19d: {  	s8 =	simm.s32 $0xCE40  }
0x19e: {  	[hbm4b:s7+s2] =	stream.linear.scatter [tilespmem:s8], [sflag:$0x5], $0x640, $0x38;
	[tilespmem:$0x19C80] =	vst v63  }
0x19f: {  	_ =	swait.ge [sflag:s22], $0xC800  }
0x1a0: {  	[sflag:s22] =	ssyncset.done $0x0  }
0x1a1: {  	[sflag:s22] =	ssyncadd.s32 $0xFFFF3800  }
0x1a2: {  	_ =	swait.ge [sflag:s23], $0xC800  }
0x1a3: {  	s17 =	sld [smem:$0x7E3]  }
0x1a4: {  	[sflag:s23] =	ssyncset.done $0x0  }
0x1a5: {  	s4 =	simm.s32 $0xD480;
	s18 =	sld [smem:$0x7E4];
	[sflag:s23] =	ssyncadd.s32 $0xFFFF3800  }
0x1a6: {  	[hbm4b:s17+s2] =	stream.linear.scatter [tilespmem:s4], [sflag:$0x6], $0x640, $0x38;
	[tilespmem:$0x19C80] =	vst v63  }
0x1a7: {  	s20 =	simm.s32 $0xDAC0;
	s26 =	sld [smem:$0x7E5]  }
0x1a8: {  	[hbm4b:s18+s2] =	stream.linear.scatter [tilespmem:s20], [sflag:$0x6], $0x640, $0x38;
	[tilespmem:$0x19C80] =	vst v63  }
0x1a9: {  	s29 =	simm.s32 $0xE100;
	s30 =	sld [smem:$0x7E6]  }
0x1aa: {  	[hbm4b:s26+s2] =	stream.linear.scatter [tilespmem:s29], [sflag:$0x6], $0x640, $0x38;
	[tilespmem:$0x19C80] =	vst v63  }
0x1ab: {  	s31 =	simm.s32 $0xE740;
	s6 =	sld [smem:$0x7E7]  }
0x1ac: {  	[hbm4b:s30+s2] =	stream.linear.scatter [tilespmem:s31], [sflag:$0x6], $0x640, $0x38;
	[tilespmem:$0x19C80] =	vst v63  }
0x1ad: {  	s7 =	simm.s32 $0xED80;
	s8 =	sld [smem:$0x7E8]  }
0x1ae: {  	[hbm4b:s6+s2] =	stream.linear.scatter [tilespmem:s7], [sflag:$0x6], $0x640, $0x38;
	[tilespmem:$0x19C80] =	vst v63  }
0x1af: {  	s17 =	simm.s32 $0xF3C0;
	s18 =	sld [smem:$0x7E9]  }
0x1b0: {  	[hbm4b:s8+s2] =	stream.linear.scatter [tilespmem:s17], [sflag:$0x6], $0x640, $0x38;
	[tilespmem:$0x19C80] =	vst v63  }
0x1b1: {  	s20 =	simm.s32 $0xFA00;
	s26 =	sld [smem:$0x7EA]  }
0x1b2: {  	[hbm4b:s18+s2] =	stream.linear.scatter [tilespmem:s20], [sflag:$0x6], $0x640, $0x38;
	[tilespmem:$0x19C80] =	vst v63  }
0x1b3: {  	s29 =	simm.s32 $0x10040;
	s30 =	sld [smem:$0x7EB]  }
0x1b4: {  	[hbm4b:s26+s2] =	stream.linear.scatter [tilespmem:s29], [sflag:$0x6], $0x640, $0x38;
	[tilespmem:$0x19C80] =	vst v63  }
0x1b5: {  	s31 =	simm.s32 $0x10680;
	s6 =	sld [smem:$0x7EC]  }
0x1b6: {  	[hbm4b:s30+s2] =	stream.linear.scatter [tilespmem:s31], [sflag:$0x6], $0x640, $0x38;
	[tilespmem:$0x19C80] =	vst v63  }
0x1b7: {  	s7 =	simm.s32 $0x10CC0;
	s8 =	sld [smem:$0x7ED]  }
0x1b8: {  	[hbm4b:s6+s2] =	stream.linear.scatter [tilespmem:s7], [sflag:$0x6], $0x640, $0x38;
	[tilespmem:$0x19C80] =	vst v63  }
0x1b9: {  	s17 =	simm.s32 $0x11300;
	s18 =	sld [smem:$0x7EE]  }
0x1ba: {  	[hbm4b:s8+s2] =	stream.linear.scatter [tilespmem:s17], [sflag:$0x6], $0x640, $0x38;
	[tilespmem:$0x19C80] =	vst v63  }
0x1bb: {  	s20 =	simm.s32 $0x11940;
	s26 =	sld [smem:$0x7EF]  }
0x1bc: {  	[hbm4b:s18+s2] =	stream.linear.scatter [tilespmem:s20], [sflag:$0x6], $0x640, $0x38;
	[tilespmem:$0x19C80] =	vst v63  }
0x1bd: {  	s29 =	simm.s32 $0x11F80;
	s30 =	sld [smem:$0x7F0]  }
0x1be: {  	[hbm4b:s26+s2] =	stream.linear.scatter [tilespmem:s29], [sflag:$0x6], $0x640, $0x38;
	[tilespmem:$0x19C80] =	vst v63  }
0x1bf: {  	s31 =	simm.s32 $0x125C0;
	s6 =	sld [smem:$0x7F1]  }
0x1c0: {  	[hbm4b:s30+s2] =	stream.linear.scatter [tilespmem:s31], [sflag:$0x6], $0x640, $0x38;
	[tilespmem:$0x19C80] =	vst v63  }
0x1c1: {  	s7 =	simm.s32 $0x12C00;
	s8 =	sld [smem:$0x7F2]  }
0x1c2: {  	[hbm4b:s6+s2] =	stream.linear.scatter [tilespmem:s7], [sflag:$0x6], $0x640, $0x38;
	[tilespmem:$0x19C80] =	vst v63  }
0x1c3: {  	s17 =	simm.s32 $0x13240;
	s18 =	sld [smem:$0x7F3]  }
0x1c4: {  	[hbm4b:s8+s2] =	stream.linear.scatter [tilespmem:s17], [sflag:$0x6], $0x640, $0x38;
	[tilespmem:$0x19C80] =	vst v63  }
0x1c5: {  	s20 =	simm.s32 $0x13880;
	s26 =	sld [smem:$0x7F4]  }
0x1c6: {  	[hbm4b:s18+s2] =	stream.linear.scatter [tilespmem:s20], [sflag:$0x6], $0x640, $0x38;
	[tilespmem:$0x19C80] =	vst v63  }
0x1c7: {  	s29 =	simm.s32 $0x13EC0;
	s30 =	sld [smem:$0x7F5]  }
0x1c8: {  	[hbm4b:s26+s2] =	stream.linear.scatter [tilespmem:s29], [sflag:$0x6], $0x640, $0x38;
	[tilespmem:$0x19C80] =	vst v63  }
0x1c9: {  	s31 =	simm.s32 $0x14500;
	s6 =	sld [smem:$0x7F6]  }
0x1ca: {  	[hbm4b:s30+s2] =	stream.linear.scatter [tilespmem:s31], [sflag:$0x6], $0x640, $0x38;
	[tilespmem:$0x19C80] =	vst v63  }
0x1cb: {  	s7 =	simm.s32 $0x14B40;
	s8 =	sld [smem:$0x7F7]  }
0x1cc: {  	[hbm4b:s6+s2] =	stream.linear.scatter [tilespmem:s7], [sflag:$0x6], $0x640, $0x38;
	[tilespmem:$0x19C80] =	vst v63  }
0x1cd: {  	s17 =	simm.s32 $0x15180;
	s18 =	sld [smem:$0x7F8]  }
0x1ce: {  	[hbm4b:s8+s2] =	stream.linear.scatter [tilespmem:s17], [sflag:$0x6], $0x640, $0x38;
	[tilespmem:$0x19C80] =	vst v63  }
0x1cf: {  	s20 =	simm.s32 $0x157C0;
	s26 =	sld [smem:$0x7F9]  }
0x1d0: {  	[hbm4b:s18+s2] =	stream.linear.scatter [tilespmem:s20], [sflag:$0x6], $0x640, $0x38;
	[tilespmem:$0x19C80] =	vst v63  }
0x1d1: {  	s29 =	simm.s32 $0x15E00;
	s30 =	sld [smem:$0x7FA]  }
0x1d2: {  	[hbm4b:s26+s2] =	stream.linear.scatter [tilespmem:s29], [sflag:$0x6], $0x640, $0x38;
	[tilespmem:$0x19C80] =	vst v63  }
0x1d3: {  	s5 =	sld [smem:$0x7FB];
	s31 =	simm.s32 $0x16440  }
0x1d4: {  	[hbm4b:s30+s2] =	stream.linear.scatter [tilespmem:s31], [sflag:$0x6], $0x640, $0x38;
	[tilespmem:$0x19C80] =	vst v63  }
0x1d5: {  	s6 =	simm.s32 $0x16A80;
	s7 =	sld [smem:$0x7FC]  }
0x1d6: {  	[hbm4b:s5+s2] =	stream.linear.scatter [tilespmem:s6], [sflag:$0x6], $0x640, $0x38;
	[tilespmem:$0x19C80] =	vst v63  }
0x1d7: {  	s8 =	simm.s32 $0x170C0;
	s17 =	sld [smem:$0x7FD]  }
0x1d8: {  	[hbm4b:s7+s2] =	stream.linear.scatter [tilespmem:s8], [sflag:$0x6], $0x640, $0x38;
	[tilespmem:$0x19C80] =	vst v63  }
0x1d9: {  	s18 =	simm.s32 $0x17700  }
0x1da: {  	[hbm4b:s17+s2] =	stream.linear.scatter [tilespmem:s18], [sflag:$0x6], $0x640, $0x38;
	[tilespmem:$0x19C80] =	vst v63  }
0x1db: {  	s20 =	simm.s32 $0x17D40  }
0x1dc: {  	[hbm4b:s9+s2] =	stream.linear.scatter [tilespmem:s20], [sflag:$0x6], $0x640, $0x38;
	[tilespmem:$0x19C80] =	vst v63  }
0x1dd: {  	s26 =	simm.s32 $0x18380  }
0x1de: {  	[hbm4b:s10+s2] =	stream.linear.scatter [tilespmem:s26], [sflag:$0x6], $0x640, $0x38;
	[tilespmem:$0x19C80] =	vst v63  }
0x1df: {  	s25 =	sadd.s32 $0x1, s25;
	s29 =	simm.s32 $0x189C0  }
0x1e0: {  	[hbm4b:s11+s2] =	stream.linear.scatter [tilespmem:s29], [sflag:$0x6], $0x640, $0x38;
	[tilespmem:$0x19C80] =	vst v63  }
0x1e1: {  	p0 =	sne.s32 s25, s14;
	s30 =	simm.s32 $0x19000  }
0x1e2: {  	[hbm4b:s12+s2] =	stream.linear.scatter [tilespmem:s30], [sflag:$0x6], $0x640, $0x38;
	[tilespmem:$0x19C80] =	vst v63  }
.Ltmp1:
0x1e3: {  	s31 =	simm.s32 $0x19640;
	(pc) =	sbr.rel @p0 .LBB2_1-.Ltmp1, $4  }
0x1e4: {  	[hbm4b:s13+s2] =	stream.linear.scatter [tilespmem:s31], [sflag:$0x6], $0x640, $0x38;
	[tilespmem:$0x19C80] =	vst v63  }
0x1e5: {  	_ =	swait.ge [sflag:s24], $0xC800  }
0x1e6: {  	[sflag:s24] =	ssyncset.done $0x0  }
0x1e7: {  	[sflag:s24] =	ssyncadd.s32 $0xFFFF3800  }
0x1e8: {  	_ =	sfence.sel $0x180000  }
0x1e9: {  	[bflag:$0x0] =	sbarrier.arrive $0xFFFF  }
0x1ea: {  	_ =	strace $0x90000047  }
0x1eb: {  	s0 =	stileid.u32;
	[bflag:$0x2] =	sbarrier.arrive $0xFFFF  }
0x1ec: {  	p0 =	sne.s32 s0, $0x0;
	s0 =	rddreg [dreg:$0x2]  }
0x1ed: {  	s0 =	sadd.s32 @!p0 $0x100000, s0  }
0x1ee: {  	[sflag:s0] =	ssyncadd.tile.s32 @!p0 $0x1;
	_ =	shalt  }
.Lfunc_end2:
_tile_overlayer_lowered:
.L_overlay_start_2:
0x1ef: {  	(tag) =	ssettag $0x2  }
0x1f0: {  	s0 =	rddreg [dreg:$0x0];
	s2 =	stileid.u32  }
0x1f1: {  	s1 =	rddreg [dreg:$0x1];
	p0 =	sne.s32 s2, $0x0  }
0x1f2: {  	s3 =	rddreg [dreg:$0x2];
	[bflag:$0x3] =	sbarrier.arrive $0xFFFF;
	s2 =	simm.s32 @!p0 $0x1C07  }
0x1f3: {  	[timem:s3], [sflag:s2] =	dma.local @!p0 [hbm:s0], s1  }
0x1f4: {  	s0 =	simm.s32 @!p0 $0x7  }
0x1f5: {  	_ =	swait.ge @!p0 [sflag:s0], s1  }
0x1f6: {  	s1 =	ssub.s32 @!p0 $0x0, s1;
	[sflag:s0] =	ssyncset.done @!p0 $0x0  }
0x1f7: {  	[sflag:s0] =	ssyncadd.s32 @!p0 s1  }
0x1f8: {  	[bflag:$0x3] =	sbarrier.arrive $0xFFFF  }
0x1f9: {  	_ =	shalt  }

// kernel: sparse-core-data-format-call.cloned.1.call-start
scs
called_computation_lowered:
.L_overlay_start_0:
0x0: {  	s2 =	sld [smem:$0x3FD9]  }
0x1: {  	s3 =	sld [smem:$0x3FFE];
	_ =	sdelay $0x1  }
0x2: {  	s1 =	srdreg.scid  }
0x3: {  	s0 =	sand.u32 $0x1, s1  }
0x4: {  	s18 =	sshll.u32 s0, $0xA;
	s2 =	sadd.s32 s3, s2  }
0x5: {  	s2 =	sadd.s32 s2, s18  }
0x6: {  	[smem:$0x3FC6] =	sst s2  }
0x7: {  	_ = 	snop  }
0x8: {  	s2 =	sld [smem:$0x3FD0];
	(tm) =	ssettm $0x1  }
0x9: {  	s19 =	sld [smem:$0x3FFB];
	_ =	sdelay $0x3  }
0xa: {  	_ =	strace s19  }
0xb: {  	s3 =	sld [smem:$0x3FFC];
	_ =	sdelay $0x3  }
0xc: {  	_ =	strace s3  }
0xd: {  	s3 =	sld [smem:$0x3FFD];
	_ =	sdelay $0x3  }
0xe: {  	_ =	strace s3  }
0xf: {  	_ =	strace $0x8FFFFFFF  }
0x10: {  	s20 =	sld [smem:$0x3FDB];
	_ =	sdelay $0x1  }
0x11: {  	s4 =	simm.s32 $_scs_section_size  }
0x12: {  	s5 =	simm.s32 $_size__tile_overlayer_lowered;
	s6 =	simm.s32 $_tile_overlayer_lowered  }
0x13: {  	s23 =	simm.s32 $0x1BFF;
	s22 =	sshll.u32 s6, $0x1;
	s3 =	sadd.s32 s4, s20  }
0x14: {  	s7 =	simm.s32 $0x0;
	s21 =	sshll.u32 s5, $0x1;
	s5 =	sadd.s32 s22, s3  }
0x15: {  	[timem:s7], [sflag:s23] =	dma.local [hbm:s5], s21  }
0x16: {  	_ =	swait.ge [sflag:s23], s21  }
0x17: {  	s4 =	ssub.s32 $0x0, s21;
	[sflag:s23] =	ssyncset.done $0x0  }
0x18: {  	[sflag:s23] =	ssyncadd.s32 s4;
	_ =	sdelay $0x1  }
0x19: {  	s24 =	simm.s32 $0x1B8B  }
0x1a: {  	_ =	swait.ge [sflag:s24], $0x1  }
0x1b: {  	[sflag:s24] =	ssyncset.done $0x0  }
0x1c: {  	s26 =	simm.s32 $0x1B8E;
	s25 =	sld [smem:$0x3FFE];
	[sflag:s24] =	ssyncadd.s32 $0xFFFFFFFF  }
0x1d: {  	s27 =	simm.s32 $execute0_lowered;
	[smem:$0x3FD2] =	sst s26  }
0x1e: {  	s5 =	sshll.u32 s27, $0x1;
	_ =	strace $0x80000049;
	[dreg:$0x1] =	wrdreg $0xFFFFFFFF  }
0x1f: {  	s28 =	simm.s32 $_size_execute0_lowered;
	s3 =	sadd.s32 s3, s5;
	[dreg:$0x0] =	wrdreg $0x0  }
0x20: {  	s5 =	sshll.u32 s28, $0x1;
	[dreg:$0x2] =	wrdreg s3  }
0x21: {  	[dreg:$0x3] =	wrdreg s5  }
0x22: {  	[dreg:$0x4] =	wrdreg $0xC0  }
0x23: {  	_ =	task [dreg:s7], $0x5FFFF  }
0x24: {  	[dreg:$0x1] =	wrdreg $0xFFFFFFFF  }
0x25: {  	[dreg:$0x0] =	wrdreg $0x60  }
0x26: {  	[dreg:$0x2] =	wrdreg s25  }
0x27: {  	[dreg:$0x3] =	wrdreg s2  }
0x28: {  	[dreg:$0x4] =	wrdreg $0x9  }
0x29: {  	_ =	task.clear_ibuf [dreg:s7], $0x5FFFF;
	_ =	strace $0x90000049  }
0x2a: {  	s29 =	simm.s32 $0x9;
	_ =	strace $0x8000004B  }
0x2b: {  	_ =	swait.ge [sflag:s29], $0x1  }
0x2c: {  	[sflag:s29] =	ssyncadd.s32 $0xFFFFFFFF  }
0x2d: {  	_ =	strace $0x9000004B  }
0x2e: {  	_ =	sfence  }
0x2f: {  	s30 =	sld [smem:$0x0];
	_ =	sdelay $0x2  }
0x30: {  	s31 =	sshll.u32 s1, $0xD;
	s1 =	sshrl.u32 s1, $0x2  }
0x31: {  	s3 =	sand.u32 $0x4000, s31;
	s1 =	sadd.s32 s1, s30  }
0x32: {  	s0 =	sor.u32 s3, s0;
	s1 =	sshll.u32 s1, $0x11  }
0x33: {  	s0 =	sor.u32 s1, s0  }
0x34: {  	s0 =	sadd.s32 $0x8F2B, s0  }
0x35: {  	[sflag:s0] =	ssyncadd.remote.s32 $0x1  }
0x36: {  	_ =	sfence.sel $0xFFFF  }
0x37: {  	[dreg:$0x0] =	wrdreg $0xFFFFFFFF;
	(pc) =	sbr.abs _section_cstart, $3  }
0x38: {  	[dreg:$0x1] =	wrdreg $0xFFFFFFFF  }
0x39: {  	_ =	task.clear_ibuf [dreg:s7], $0x2FFFF;
	_ =	strace $0x9FFFFFFF  }
0x3a: {  	(tm) =	ssettm $0x7FFFFFFF  }
0x3b: {  	_ =	shalt  }
tec
execute0_lowered:
.L_overlay_start_1:
0x0: {  	(tag) =	ssettag $0x1  }
0x1: {  	s0 =	srdreg.scid  }
0x2: {  	s1 =	sshll.u32 s0, $0x4  }
0x3: {  	s0 =	stileid.u32;
	s1 =	sand.u32 $0x10, s1  }
0x4: {  	s1 =	sor.u32 s0, s1  }
0x5: {  	s6 =	rddreg [dreg:$0x0];
	s4 =	simm.s32 $0x1;
	s2 =	sshll.u32 s1, $0x7  }
0x6: {  	s7 =	simm.s32 $0x2;
	s12 =	simm.s32 $0x0;
	s1 =	ssub.s32 $0x4000, s2  }
0x7: {  	s8 =	simm.s32 $0x20000;
	s13 =	simm.s32 $0x0;
	s3 =	sand.u32 $0xF80, s1  }
0x8: {  	s9 =	simm.s32 $0x0;
	s5 =	sshrl.u32 s1, $0xC;
	p0 =	sne.s32 s3, $0x0  }
.Ltmp0:
0x9: {  	s1 =	rddreg [dreg:$0x2];
	s4 =	simm.s32 @!p0 $0x0;
	(pc) =	sbr.rel .LBB1_1-.Ltmp0, $4  }
0xa: {  	s11 =	simm.s32 $0x0;
	s3 =	rddreg [dreg:$0x1];
	s5 =	sadd.s32 s4, s5  }
0xb: {  	_ =	strace $0x8000004A;
	s4 =	simm.s32 $0x1;
	s5 =	smul.u32 $0x32, s5  }
0xc: {  	s6 =	sadd.s32 $0xA00, s6;
	s10 =	smov.u32 s2;
	[sflag:s4] =	ssyncpa.u1 $0x0  }
0xd: {  	p0 =	por $0x0, $0x0;
	[sflag:s7] =	ssyncpa.u1 $0x0;
	s7 =	sor.u32 $0x1, s5  }
.LBB1_4:
0xe: {  	s16 =	sshll.u32 s13, $0x3;
	s17 =	sand.u32 $0x78, s13  }
0xf: {  	s30 =	sand.u32 $0xF800, s13;
	s12 =	sshll.u32 s12, $0x10;
	s16 =	sand.u32 $0x3C00, s16  }
0x10: {  	s31 =	sand.u32 $0x7, s13;
	s16 =	sor.u32 s17, s16;
	s17 =	sadd.s32 s3, s30  }
0x11: {  	s13 =	sshll.u32 s31, $0x12;
	s16 =	sshrl.u32 s16, $0x3;
	s12 =	sadd.s32 s12, s17  }
0x12: {  	[tilespmem:s15+$0x0 ss:$0x81] =	vst.msk $0xffff, v0;
	s13 =	sor.u32 $0x400, s13;
	s12 =	sadd.s32 s16, s12  }
0x13: {  	[hbm4b:s12+s13] =	stream.strided.scatter [tilespmem:s14], [sflag:$0x2], $0x1000, s8, s13, $0x20;
	[tilespmem:$0x4040] =	vst v63  }
.LBB1_5:
0x14: {  	s14 =	sadd.s32 $0x1, s9  }
0x15: {  	s12 =	sadd.s32 $0x1000, s10;
	s16 =	smov.u32 s10;
	p2 =	sgt.s32 s14, $0x31  }
0x16: {  	s16 =	smov.u32 @p2 s12  }
0x17: {  	s14 =	simm.s32 @p2 $0x0;
	p2 =	sgt.s32 s16, $0x3FFF  }
0x18: {  	s16 =	smov.u32 @p2 s2;
	p2 =	sne.s32 s11, s7  }
.Ltmp1:
0x19: {  	p1 =	slt.u32 s11, $0x2;
	(pc) =	sbr.rel @!p2 .LBB1_6-.Ltmp1, $4  }
0x1a: {  	s15 =	simm.s32 @!p1 $0x2  }
0x1b: {  	s13 =	smov.u32 s10;
	p0 =	por !p0, !p0;
	_ =	swait.ge @!p1 [sflag:s15], $0x1000  }
0x1c: {  	s12 =	smov.u32 s9;
	[sflag:s15] =	ssyncset.done @!p1 $0x0;
	s9 =	smov.u32 s14  }
0x1d: {  	s11 =	sadd.s32 $0x1, s11;
	[sflag:s15] =	ssyncadd.s32 @!p1 $0xFFFFF000;
	s10 =	smov.u32 s16  }
.LBB1_1:
0x1e: {  	p1 =	sge.u32 s11, s5  }
0x1f: {  	s14 =	sand.u32 @!p1 $0x1FFFFFF, s9  }
0x20: {  	s15 =	smulhi.u32 @!p1 $0x4924925, s14;
	_ =	sdelay $0x1  }
0x21: {  	s15 =	smul.u32 @!p1 $0x38, s15  }
0x22: {  	s16 =	sxor.u32 @!p1 $0xFFFFFFFF, s11;
	s17 =	smul.u32 @!p1 $0x380, s10  }
0x23: {  	s31 =	sadd.s32 $0xFFFFFFFF, s11;
	s16 =	sshll.u32 @!p1 s16, $0xC;
	s14 =	ssub.s32 @!p1 s14, s15  }
0x24: {  	s15 =	sand.u32 @!p1 $0x1000, s16;
	s16 =	sadd.s32 @!p1 s6, s17;
	s14 =	sshll.u32 @!p1 s14, $0x4  }
0x25: {  	s17 =	simm.s32 @!p1 $0x1C00;
	s14 =	sadd.s32 @!p1 s14, s16;
	s16 =	simm.s32 @!p1 $0x20  }
0x26: {  	[tilespmem:s15], [sflag:$0x1] =	stream.strided.gather @!p1 [hbm4b:s14+s16], $0x1000, s17, s16, $0x38;
	[tilespmem:$0x4040] =	vst v63  }
0x27: {  	p1 =	sge.u32 s31, s5  }
.Ltmp2:
0x28: {  	_ = 	snop;
	(pc) =	sbr.rel @p1 .LBB1_5-.Ltmp2, $1  }
0x29: {  	_ =	sdelay $0x3  }
0x2a: {  	s14 =	simm.s32 $0x1  }
0x2b: {  	_ =	swait.ge [sflag:s4], $0x1000;
	s14 =	simm.s32 @!p0 $0x0  }
0x2c: {  	[sflag:s4] =	ssyncset.done $0x0;
	s15 =	sshll.u32 s14, $0xC  }
0x2d: {  	[sflag:s4] =	ssyncadd.s32 $0xFFFFF000;
	s18 =	sor.u32 $0x10, s15  }
0x2e: {  	s14 =	smul.u32 $0x4080, s14;
	v1 =	vld [tilespmem:s18+$0x0]  }
0x2f: {  	s30 =	sand.u32 $0x1, s11;
	v0 =	vld [tilespmem:s18+$0xFFFFFFF0]  }
0x30: {  	s15 =	smul.u32 $0x4080, s30;
	s14 =	sshrl.u32 s14, $0x2  }
0x31: {  	s16 =	sor.u32 $0x2000, s14  }
0x32: {  	s31 =	sshrl.u32 s15, $0x2;
	s15 =	sadd.s32 $0x0, s16  }
0x33: {  	s17 =	simm.s32 $0x4;
	s18 =	sadd.s32 $0x20, s18;
	s14 =	sor.u32 $0x2000, s31;
	[tilespmem:s15+$0x810 ss:$0x81] =	vst.msk $0xffff, v1  }
.LBB1_3:
0x34: {  	v1 =	vld [tilespmem:s18+$0x0];
	p1 =	sne.s32 s17, $0x1FC;
	[tilespmem:s15+$0x0 ss:$0x81] =	vst.msk $0xffff, v0;
	s15 =	smov.u32 s17;
	s17 =	sadd.s32 $0x4, s17  }
.Ltmp3:
0x35: {  	v0 =	vld [tilespmem:s18+$0xFFFFFFF0];
	(pc) =	sbr.rel @p1 .LBB1_3-.Ltmp3, $4  }
0x36: {  	_ = 	snop  }
0x37: {  	s15 =	sshra.s32 s15, $0x2  }
0x38: {  	s15 =	sadd.s32 s15, s16  }
0x39: {  	s18 =	sadd.s32 $0x20, s18;
	[tilespmem:s15+$0x810 ss:$0x81] =	vst.msk $0xffff, v1  }
.Ltmp4:
0x3a: {  	_ = 	snop;
	(pc) =	sbr.rel .LBB1_4-.Ltmp4, $1  }
0x3b: {  	_ =	sdelay $0x3  }
.LBB1_6:
0x3c: {  	_ =	sfence.sel $0x180000  }
0x3d: {  	s2 =	simm.s32 $0x1;
	[bflag:$0x0] =	sbarrier.arrive $0xFFFF  }
0x3e: {  	s31 =	simm.s32 $0x2;
	[sflag:s2] =	ssyncpa.u1 $0x1  }
0x3f: {  	[sflag:s31] =	ssyncpa.u1 $0x1  }
0x40: {  	p0 =	sne.s32 s0, $0x0;
	_ =	strace $0x9000004A  }
0x41: {  	s0 =	sadd.s32 @!p0 $0x100000, s1;
	[bflag:$0x2] =	sbarrier.arrive $0xFFFF  }
0x42: {  	[sflag:s0] =	ssyncadd.tile.s32 @!p0 $0x1;
	_ =	shalt  }
.Lfunc_end1:
_tile_overlayer_lowered:
.L_overlay_start_2:
0x43: {  	(tag) =	ssettag $0x2  }
0x44: {  	s0 =	rddreg [dreg:$0x0];
	s2 =	stileid.u32  }
0x45: {  	s1 =	rddreg [dreg:$0x1];
	p0 =	sne.s32 s2, $0x0  }
0x46: {  	s3 =	rddreg [dreg:$0x2];
	[bflag:$0x3] =	sbarrier.arrive $0xFFFF;
	s2 =	simm.s32 @!p0 $0x1C01  }
0x47: {  	[timem:s3], [sflag:s2] =	dma.local @!p0 [hbm:s0], s1  }
0x48: {  	s0 =	simm.s32 @!p0 $0x1  }
0x49: {  	_ =	swait.ge @!p0 [sflag:s0], s1  }
0x4a: {  	s1 =	ssub.s32 @!p0 $0x0, s1;
	[sflag:s0] =	ssyncset.done @!p0 $0x0  }
0x4b: {  	[sflag:s0] =	ssyncadd.s32 @!p0 s1  }
0x4c: {  	[bflag:$0x3] =	sbarrier.arrive $0xFFFF  }
0x4d: {  	_ =	shalt  }

</sc_bundles>
